<compile_context>
chip_gen: v7x
topology: tpu7x:2x2x1
jax: 0.10.2.dev20260603
libtpu: 0.0.44.dev20260713+nightly
codegen_flags: <defaults>
</compile_context>

<pallas_src>
import functools

import jax
import jax.numpy as jnp
from jax import lax
from jax.experimental import pallas as pl
from jax.experimental.pallas import tpu as pltpu
from jax.experimental.pallas import tpu_sc as plsc

N_LIG, N_REC, D, H = 10000, 40000, 128, 128
NC, NS = 2, 16
NW = NC * NS
CB = 128
XW = 16
PW_LL = 40
PW_RL = 100
EP_LL = NW * PW_LL * CB
EP_RL = NW * PW_RL * CB
LL0, LL1 = 60, 20
RL0, RL1 = 150, 50
PW_MAX = 150
RPS = 632
ACC_ROWS = RPS * NS

_sc_mesh = plsc.VectorSubcoreMesh(core_axis_name="c", subcore_axis_name="s")
_sc_params = pltpu.CompilerParams(use_tc_tiling_on_sc=False)


def _silu(x):
    return x / (1.0 + jnp.exp(-x))


@functools.partial(
    pl.kernel,
    out_type=(
        jax.ShapeDtypeStruct((EP_LL, D), jnp.float32),
        jax.ShapeDtypeStruct((EP_LL, D), jnp.float32),
        jax.ShapeDtypeStruct((EP_LL, XW), jnp.float32),
        jax.ShapeDtypeStruct((EP_LL, XW), jnp.float32),
        jax.ShapeDtypeStruct((EP_RL, D), jnp.float32),
        jax.ShapeDtypeStruct((EP_RL, D), jnp.float32),
        jax.ShapeDtypeStruct((EP_RL, XW), jnp.float32),
        jax.ShapeDtypeStruct((EP_RL, XW), jnp.float32),
    ),
    mesh=_sc_mesh,
    compiler_params=_sc_params,
    scratch_types=[
        pltpu.VMEM((1, CB), jnp.int32),
        pltpu.VMEM((1, CB), jnp.int32),
        pltpu.VMEM((CB, D), jnp.float32),
        pltpu.VMEM((CB, D), jnp.float32),
        pltpu.VMEM((CB, XW), jnp.float32),
        pltpu.VMEM((CB, XW), jnp.float32),
        pltpu.VMEM_SHARED((N_LIG, D), jnp.float32),
        pltpu.VMEM_SHARED((N_LIG, XW), jnp.float32),
        pltpu.SemaphoreType.DMA,
        pltpu.SemaphoreType.DMA,
        pltpu.SemaphoreType.DMA,
        pltpu.SemaphoreType.DMA,
        pltpu.SemaphoreType.DMA,
        pltpu.SemaphoreType.DMA,
    ],
)
def _gather_kernel(h_lig, h_rec, xl, xr,
                   src_ll, dst_ll, src_rl, dst_rl,
                   hs_ll, hd_ll, xs_ll, xd_ll,
                   hs_rl, hd_rl, xs_rl, xd_rl,
                   idx_a, idx_b, hb_a, hb_b, xb_a, xb_b, sp_h, sp_x,
                   isa, isb, gsa, gsb, wsa, wsb):
    cid = lax.axis_index("c")
    sid = lax.axis_index("s")
    wid = sid * NC + cid

    @pl.when(sid < NS - 1)
    def _():
        pltpu.sync_copy(h_lig.at[pl.ds(sid * 632, 632)],
                        sp_h.at[pl.ds(sid * 632, 632)])
        pltpu.sync_copy(xl.at[pl.ds(sid * 632, 632)],
                        sp_x.at[pl.ds(sid * 632, 632)])

    @pl.when(sid == NS - 1)
    def _():
        pltpu.sync_copy(h_lig.at[pl.ds(9480, 520)],
                        sp_h.at[pl.ds(9480, 520)])
        pltpu.sync_copy(xl.at[pl.ds(9480, 520)],
                        sp_x.at[pl.ds(9480, 520)])

    plsc.subcore_barrier()

    def pass_dir(pw, base, idx2, htab, xtab, h_out, x_out):

        def fire_i(s, idxb, sem):
            pltpu.async_copy(idx2.at[pl.ds(base + s, 1)], idxb, sem)

        def wait_i(idxb, sem):
            pltpu.make_async_copy(idx2.at[pl.ds(0, 1)], idxb, sem).wait()

        def fire_g(idxb, hb, xb, sem):
            pltpu.async_copy(htab.at[idxb.at[0]], hb, sem)
            pltpu.async_copy(xtab.at[idxb.at[0]], xb, sem)

        def wait_g(idxb, hb, xb, sem):
            pltpu.make_async_copy(htab.at[idxb.at[0]], hb, sem).wait()
            pltpu.make_async_copy(xtab.at[idxb.at[0]], xb, sem).wait()

        def fire_w(s, hb, xb, sem):
            pltpu.async_copy(hb, h_out.at[pl.ds((base + s) * CB, CB)], sem)
            pltpu.async_copy(xb, x_out.at[pl.ds((base + s) * CB, CB)], sem)

        def wait_w(hb, xb, sem):
            pltpu.make_async_copy(hb, h_out.at[pl.ds(0, CB)], sem).wait()
            pltpu.make_async_copy(xb, x_out.at[pl.ds(0, CB)], sem).wait()

        fire_i(0, idx_a, isa)
        fire_i(1, idx_b, isb)

        def body(g, carry):
            wait_i(idx_a, isa)

            @pl.when(g > 0)
            def _():
                wait_w(hb_a, xb_a, wsa)

            fire_g(idx_a, hb_a, xb_a, gsa)
            wait_i(idx_b, isb)

            @pl.when(g > 0)
            def _():
                wait_w(hb_b, xb_b, wsb)

            fire_g(idx_b, hb_b, xb_b, gsb)
            wait_g(idx_a, hb_a, xb_a, gsa)
            fire_w(2 * g, hb_a, xb_a, wsa)

            @pl.when(g < pw // 2 - 1)
            def _():
                fire_i(2 * g + 2, idx_a, isa)

            wait_g(idx_b, hb_b, xb_b, gsb)
            fire_w(2 * g + 1, hb_b, xb_b, wsb)

            @pl.when(g < pw // 2 - 1)
            def _():
                fire_i(2 * g + 3, idx_b, isb)

            return carry

        lax.fori_loop(0, pw // 2, body, 0)
        wait_w(hb_a, xb_a, wsa)
        wait_w(hb_b, xb_b, wsb)

    pass_dir(PW_LL, wid * PW_LL, src_ll, sp_h, sp_x, hs_ll, xs_ll)
    pass_dir(PW_LL, wid * PW_LL, dst_ll, sp_h, sp_x, hd_ll, xd_ll)
    pass_dir(PW_RL, wid * PW_RL, dst_rl, sp_h, sp_x, hd_rl, xd_rl)

    @pl.when(cid == 0)
    def _():
        pass_dir(RL0, sid * RL0, src_rl, h_rec, xr, hs_rl, xs_rl)

    @pl.when(cid == 1)
    def _():
        pass_dir(RL1, NS * RL0 + sid * RL1, src_rl, h_rec, xr, hs_rl, xs_rl)


_EB = 2048


_BG = _EB // 8


def _edge_mlp_body(hs_ref, hd_ref, xsg_ref, xdg_ref,
                   w1a, w1b, w1r, b1, w2, b2,
                   v1a, v1b, v1r, c1, w2c, c2,
                   mh_ref, mxg_ref):
    f32 = jnp.float32
    bf16 = jnp.bfloat16
    hs = hs_ref[...].astype(bf16)
    hd = hd_ref[...].astype(bf16)
    diffg = xsg_ref[...] - xdg_ref[...]
    i0 = lax.broadcasted_iota(jnp.int32, (D, D), 0)
    i1 = lax.broadcasted_iota(jnp.int32, (D, D), 1)
    sbd = (i0 // XW == i1 // XW).astype(f32)
    d2g = jnp.dot(diffg * diffg, sbd, preferred_element_type=f32)
    dijg = jnp.sqrt(d2g)
    xng = diffg / (dijg + 1e-9)
    e0 = lax.broadcasted_iota(jnp.int32, (_EB, _BG), 0)
    e1i = lax.broadcasted_iota(jnp.int32, (_EB, _BG), 1)
    lx = (e0 // 8 == e1i).astype(f32)
    t1 = jnp.dot(lx, dijg, preferred_element_type=f32)
    l0 = lax.broadcasted_iota(jnp.int32, (_EB, D), 0)
    l1 = lax.broadcasted_iota(jnp.int32, (_EB, D), 1)
    msk = (l1 == (l0 % 8) * XW).astype(f32)
    dij = jnp.sum(t1 * msk, axis=1, keepdims=True)
    pre = (jnp.dot(hs, w1a[...].astype(bf16), preferred_element_type=f32)
           + jnp.dot(hd, w1b[...].astype(bf16), preferred_element_type=f32)
           + dij * w1r[...] + b1[...])
    e1 = _silu(pre).astype(bf16)
    mh = _silu(jnp.dot(e1, w2[...].astype(bf16), preferred_element_type=f32)
               + b2[...])
    prec = (jnp.dot(hs, v1a[...].astype(bf16), preferred_element_type=f32)
            + jnp.dot(hd, v1b[...].astype(bf16), preferred_element_type=f32)
            + dij * v1r[...] + c1[...])
    e1c = _silu(prec).astype(bf16)
    cc = _silu(jnp.dot(e1c, w2c[...].astype(bf16), preferred_element_type=f32)
               + c2[...])
    c = cc[:, 0:1]
    bb = (l1 // XW == l0 % 8).astype(f32)
    lxt = (lax.broadcasted_iota(jnp.int32, (_BG, _EB), 1) // 8
           == lax.broadcasted_iota(jnp.int32, (_BG, _EB), 0)).astype(f32)
    cg = jnp.dot(lxt, c * bb, preferred_element_type=f32)
    mh_ref[...] = mh
    mxg_ref[...] = cg * xng


def _edge_mlp(ep, hs, hd, xsg, xdg, ws):
    eb = lambda i: (i, 0)
    wb = lambda i: (0, 0)
    return pl.pallas_call(
        _edge_mlp_body,
        grid=(ep // _EB,),
        in_specs=[
            pl.BlockSpec((_EB, D), eb), pl.BlockSpec((_EB, D), eb),
            pl.BlockSpec((_BG, D), eb), pl.BlockSpec((_BG, D), eb),
            pl.BlockSpec((D, H), wb), pl.BlockSpec((D, H), wb),
            pl.BlockSpec((1, H), wb), pl.BlockSpec((1, H), wb),
            pl.BlockSpec((H, H), wb), pl.BlockSpec((1, H), wb),
            pl.BlockSpec((D, H), wb), pl.BlockSpec((D, H), wb),
            pl.BlockSpec((1, H), wb), pl.BlockSpec((1, H), wb),
            pl.BlockSpec((H, XW), wb), pl.BlockSpec((1, XW), wb),
        ],
        out_specs=[
            pl.BlockSpec((_EB, H), eb),
            pl.BlockSpec((_BG, D), eb),
        ],
        out_shape=[
            jax.ShapeDtypeStruct((ep, H), jnp.float32),
            jax.ShapeDtypeStruct((ep // 8, D), jnp.float32),
        ],
    )(hs, hd, xsg, xdg, *ws)


@functools.partial(
    pl.kernel,
    out_type=(
        jax.ShapeDtypeStruct((NC, ACC_ROWS, D), jnp.float32),
        jax.ShapeDtypeStruct((NC, ACC_ROWS, XW), jnp.float32),
    ),
    mesh=_sc_mesh,
    compiler_params=_sc_params,
    scratch_types=[
        pltpu.VMEM((1, CB), jnp.int32),
        pltpu.VMEM((1, CB), jnp.int32),
        pltpu.VMEM((CB, D), jnp.float32),
        pltpu.VMEM((CB, D), jnp.float32),
        pltpu.VMEM((CB, XW), jnp.float32),
        pltpu.VMEM((CB, XW), jnp.float32),
        pltpu.VMEM_SHARED((ACC_ROWS, D), jnp.float32),
        pltpu.VMEM_SHARED((ACC_ROWS, XW), jnp.float32),
        pltpu.SemaphoreType.DMA,
        pltpu.SemaphoreType.DMA,
        pltpu.SemaphoreType.DMA,
        pltpu.SemaphoreType.DMA,
    ],
)
def _scatter_kernel(mh_ll, mx_ll, mh_rl, mx_rl, dsts_ll, dsts_rl, zh, zx,
                    part_h, part_x, idx_a, idx_b, hb_a, hb_b, xb_a, xb_b,
                    acc_h, acc_x, rsa, rsb, ssa, ssb):
    cid = lax.axis_index("c")
    sid = lax.axis_index("s")
    wid = sid * NC + cid
    r0 = sid * RPS
    pltpu.sync_copy(zh.at[pl.ds(r0, RPS)], acc_h.at[pl.ds(r0, RPS)])
    pltpu.sync_copy(zx.at[pl.ds(r0, RPS)], acc_x.at[pl.ds(r0, RPS)])
    plsc.subcore_barrier()

    def run(pw, dst3, mh_hbm, mx_hbm):
        base = wid * pw

        def fire_r(s, hb, xb, idxb, sem):
            pltpu.async_copy(mh_hbm.at[pl.ds((base + s) * CB, CB)], hb, sem)
            pltpu.async_copy(mx_hbm.at[pl.ds((base + s) * CB, CB)], xb, sem)
            pltpu.async_copy(dst3.at[wid, pl.ds(s, 1)], idxb, sem)

        def wait_r(hb, xb, idxb, sem):
            pltpu.make_async_copy(mh_hbm.at[pl.ds(0, CB)], hb, sem).wait()
            pltpu.make_async_copy(mx_hbm.at[pl.ds(0, CB)], xb, sem).wait()
            pltpu.make_async_copy(dst3.at[0, pl.ds(0, 1)], idxb, sem).wait()

        def do_sadd(hb, xb, idxb, sem):
            pltpu.async_copy(hb, acc_h.at[idxb.at[0]], sem, add=True)
            pltpu.async_copy(xb, acc_x.at[idxb.at[0]], sem, add=True)
            pltpu.make_async_copy(hb, acc_h.at[idxb.at[0]], sem).wait()
            pltpu.make_async_copy(xb, acc_x.at[idxb.at[0]], sem).wait()

        fire_r(0, hb_a, xb_a, idx_a, rsa)
        fire_r(1, hb_b, xb_b, idx_b, rsb)

        def body(g, carry):
            wait_r(hb_a, xb_a, idx_a, rsa)
            do_sadd(hb_a, xb_a, idx_a, ssa)

            @pl.when(g < pw // 2 - 1)
            def _():
                fire_r(2 * g + 2, hb_a, xb_a, idx_a, rsa)

            wait_r(hb_b, xb_b, idx_b, rsb)
            do_sadd(hb_b, xb_b, idx_b, ssb)

            @pl.when(g < pw // 2 - 1)
            def _():
                fire_r(2 * g + 3, hb_b, xb_b, idx_b, rsb)

            return carry

        lax.fori_loop(0, pw // 2, body, 0)

    run(PW_LL, dsts_ll, mh_ll, mx_ll)
    run(PW_RL, dsts_rl, mh_rl, mx_rl)
    plsc.subcore_barrier()
    pltpu.sync_copy(acc_h.at[pl.ds(r0, RPS)], part_h.at[cid, pl.ds(r0, RPS)])
    pltpu.sync_copy(acc_x.at[pl.ds(r0, RPS)], part_x.at[cid, pl.ds(r0, RPS)])


_NB = 1000


def _node_body(h_ref, ph0, ph1, xl_ref, px0, px1,
               wn1a, wn1b, bn1, wn2, bn2, ho_ref, xo_ref):
    h = h_ref[...]
    hn = ph0[...] + ph1[...]
    pre = (jnp.dot(h, wn1a[...], preferred_element_type=jnp.float32)
           + jnp.dot(hn, wn1b[...], preferred_element_type=jnp.float32)
           + bn1[...])
    m = jnp.dot(_silu(pre), wn2[...], preferred_element_type=jnp.float32) + bn2[...]
    ho_ref[...] = h + m
    xo_ref[...] = xl_ref[...] + px0[...] + px1[...]


def _node_call(h_lig, ph0, ph1, xl, px0, px1, wn1a, wn1b, bn1, wn2, bn2):
    nb = lambda i: (i, 0)
    wb = lambda i: (0, 0)
    return pl.pallas_call(
        _node_body,
        grid=(N_LIG // _NB,),
        in_specs=[
            pl.BlockSpec((_NB, D), nb), pl.BlockSpec((_NB, D), nb),
            pl.BlockSpec((_NB, D), nb),
            pl.BlockSpec((_NB, XW), nb), pl.BlockSpec((_NB, XW), nb),
            pl.BlockSpec((_NB, XW), nb),
            pl.BlockSpec((D, H), wb), pl.BlockSpec((D, H), wb),
            pl.BlockSpec((1, H), wb), pl.BlockSpec((H, D), wb),
            pl.BlockSpec((1, D), wb),
        ],
        out_specs=[
            pl.BlockSpec((_NB, D), nb),
            pl.BlockSpec((_NB, XW), nb),
        ],
        out_shape=[
            jax.ShapeDtypeStruct((N_LIG, D), jnp.float32),
            jax.ShapeDtypeStruct((N_LIG, XW), jnp.float32),
        ],
    )(h_lig, ph0, ph1, xl, px0, px1, wn1a, wn1b, bn1, wn2, bn2)


def _prep_idx(ei, ep):
    e = ei.shape[1]
    src = jnp.pad(ei[0], (0, ep - e))
    dst_g = jnp.pad(ei[1], (0, ep - e))
    dst_s = jnp.pad(ei[1], (0, ep - e), constant_values=N_LIG)
    return (src.reshape(-1, CB), dst_g.reshape(-1, CB),
            dst_s.reshape(NW, -1, CB))


def kernel(h_lig, h_rec, x_lig, x_rec, edge_index_ll, edge_index_rl,
           W1e_ll, b1e_ll, W2e_ll, b2e_ll, W1c_ll, b1c_ll, W2c_ll, b2c_ll,
           W1e_rl, b1e_rl, W2e_rl, b2e_rl, W1c_rl, b1c_rl, W2c_rl, b2c_rl,
           Wn1, bn1, Wn2, bn2):
    xl = jnp.pad(x_lig, ((0, 0), (0, XW - 3)))
    xr = jnp.pad(x_rec, ((0, 0), (0, XW - 3)))
    src_ll, dstg_ll, dsts_ll = _prep_idx(edge_index_ll, EP_LL)
    src_rl, dstg_rl, dsts_rl = _prep_idx(edge_index_rl, EP_RL)

    (hs_ll, hd_ll, xs_ll, xd_ll,
     hs_rl, hd_rl, xs_rl, xd_rl) = _gather_kernel(
        h_lig, h_rec, xl, xr, src_ll, dstg_ll, src_rl, dstg_rl)

    def ws(W1e, b1e, W2e, b2e, W1c, b1c, W2c, b2c):
        return (W1e[:D], W1e[D:2 * D], W1e[2 * D:], b1e.reshape(1, H),
                W2e, b2e.reshape(1, H),
                W1c[:D], W1c[D:2 * D], W1c[2 * D:], b1c.reshape(1, H),
                jnp.pad(W2c, ((0, 0), (0, XW - 1))),
                jnp.pad(b2c, (0, XW - 1)).reshape(1, XW))

    mh_ll, mxg_ll = _edge_mlp(EP_LL, hs_ll, hd_ll,
                              xs_ll.reshape(-1, D), xd_ll.reshape(-1, D),
                              ws(W1e_ll, b1e_ll, W2e_ll, b2e_ll,
                                 W1c_ll, b1c_ll, W2c_ll, b2c_ll))
    mh_rl, mxg_rl = _edge_mlp(EP_RL, hs_rl, hd_rl,
                              xs_rl.reshape(-1, D), xd_rl.reshape(-1, D),
                              ws(W1e_rl, b1e_rl, W2e_rl, b2e_rl,
                                 W1c_rl, b1c_rl, W2c_rl, b2c_rl))
    mx_ll = mxg_ll.reshape(-1, XW)
    mx_rl = mxg_rl.reshape(-1, XW)

    zh = jnp.zeros((ACC_ROWS, D), jnp.float32)
    zx = jnp.zeros((ACC_ROWS, XW), jnp.float32)
    part_h, part_x = _scatter_kernel(mh_ll, mx_ll, mh_rl, mx_rl,
                                     dsts_ll, dsts_rl, zh, zx)

    h_out, xo = _node_call(h_lig, part_h[0], part_h[1], xl,
                           part_x[0], part_x[1],
                           Wn1[:D], Wn1[D:], bn1.reshape(1, H),
                           Wn2, bn2.reshape(1, D))
    return (h_out, h_rec, xo[:, :3], x_rec)

# --- scband reference (transcript-rebuilt; emitter-appended) ---
"""Pipeline reference for scband-lig-rec-conv-29059748725051 (READ-ONLY COPY).

The authoritative reference and input builder live on the scoring server;
editing this copy changes nothing except your own understanding.
"""

import jax, jax.numpy as jnp
import numpy as np

N_LIG, N_REC, D, H = 10000, 40000, 128, 128
E_LL, E_RL = 160000, 400000
FIN = 2 * D + 1

def silu(x):
    return x * jax.nn.sigmoid(x)

def setup_inputs(seed: int = 0):
    key = jax.random.key(seed)
    ks = jax.random.split(key, 40)
    inp = {}
    inp['h_lig'] = jax.random.normal(ks[0], (N_LIG, D), jnp.float32)
    inp['h_rec'] = jax.random.normal(ks[1], (N_REC, D), jnp.float32)
    inp['x_lig'] = jax.random.normal(ks[2], (N_LIG, 3), jnp.float32)
    inp['x_rec'] = jax.random.normal(ks[3], (N_REC, 3), jnp.float32)
    inp['edge_index_ll'] = jax.random.randint(ks[4], (2, E_LL), 0, N_LIG, jnp.int32)
    inp['edge_index_rl'] = jax.random.randint(ks[5], (2, E_RL), 0, N_LIG, jnp.int32)
    i = 6
    for et in ('ll', 'rl'):
        inp['W1e_' + et] = jax.random.normal(ks[i], (FIN, H), jnp.float32) * 0.05; i += 1
        inp['b1e_' + et] = jnp.zeros((H,), jnp.float32)
        inp['W2e_' + et] = jax.random.normal(ks[i], (H, H), jnp.float32) * 0.05; i += 1
        inp['b2e_' + et] = jnp.zeros((H,), jnp.float32)
        inp['W1c_' + et] = jax.random.normal(ks[i], (FIN, H), jnp.float32) * 0.05; i += 1
        inp['b1c_' + et] = jnp.zeros((H,), jnp.float32)
        inp['W2c_' + et] = jax.random.normal(ks[i], (H, 1), jnp.float32) * 0.05; i += 1
        inp['b2c_' + et] = jnp.zeros((1,), jnp.float32)
    inp['Wn1'] = jax.random.normal(ks[i], (D + H, H), jnp.float32) * 0.05; i += 1
    inp['bn1'] = jnp.zeros((H,), jnp.float32)
    inp['Wn2'] = jax.random.normal(ks[i], (H, D), jnp.float32) * 0.05
    inp['bn2'] = jnp.zeros((D,), jnp.float32)
    return inp

def _mlp2(f, W1, b1, W2, b2, final_act):
    h = silu(f @ W1 + b1)
    h = h @ W2 + b2
    return silu(h) if final_act else h

def _etype_messages(h_src, h_dst, x_src, x_dst, ei, W1e, b1e, W2e, b2e, W1c, b1c, W2c, b2c):
    src, dst = ei[0], ei[1]
    x_diff = x_src[src] - x_dst[dst]
    dij = jnp.linalg.norm(x_diff, axis=1, keepdims=True)
    x_diff = x_diff / (dij + 1e-09)
    f = jnp.concatenate([h_src[src], h_dst[dst], dij], axis=-1)
    msg_h = _mlp2(f, W1e, b1e, W2e, b2e, True)
    msg_x = _mlp2(f, W1c, b1c, W2c, b2c, True) * x_diff
    return msg_h, msg_x, dst

def reference(h_lig, h_rec, x_lig, x_rec, edge_index_ll, edge_index_rl,
              W1e_ll, b1e_ll, W2e_ll, b2e_ll, W1c_ll, b1c_ll, W2c_ll, b2c_ll,
              W1e_rl, b1e_rl, W2e_rl, b2e_rl, W1c_rl, b1c_rl, W2c_rl, b2c_rl,
              Wn1, bn1, Wn2, bn2):
    mh_ll, mx_ll, dst_ll = _etype_messages(h_lig, h_lig, x_lig, x_lig, edge_index_ll,
                                           W1e_ll, b1e_ll, W2e_ll, b2e_ll, W1c_ll, b1c_ll, W2c_ll, b2c_ll)
    mh_rl, mx_rl, dst_rl = _etype_messages(h_rec, h_lig, x_rec, x_lig, edge_index_rl,
                                           W1e_rl, b1e_rl, W2e_rl, b2e_rl, W1c_rl, b1c_rl, W2c_rl, b2c_rl)
    h_neigh = jax.ops.segment_sum(mh_ll, dst_ll, num_segments=N_LIG) + jax.ops.segment_sum(mh_rl, dst_rl, num_segments=N_LIG)
    x_neigh = jax.ops.segment_sum(mx_ll, dst_ll, num_segments=N_LIG) + jax.ops.segment_sum(mx_rl, dst_rl, num_segments=N_LIG)
    node_in = jnp.concatenate([h_lig, h_neigh], axis=-1)
    h_lig_out = h_lig + _mlp2(node_in, Wn1, bn1, Wn2, bn2, False)
    x_lig_out = x_lig + x_neigh
    return (h_lig_out, h_rec, x_lig_out, x_rec)

if __name__ == "__main__":
    import jax
    _d = setup_inputs()
    print(jax.jit(kernel)(*tuple(_d.values())))

</pallas_src>

<mosaic_0001>
#map = affine_map<(d0, d1) -> (0, 0)>
#map1 = affine_map<(d0, d1) -> (0, 0, 0)>
module attributes {stable_mosaic.version = 14 : i64} {
  func.func @_scatter_kernel(%arg0: i32, %arg1: i32, %arg2: memref<163840x128xf32, #tpu.memory_space<hbm>>, %arg3: memref<163840x16xf32, #tpu.memory_space<hbm>>, %arg4: memref<409600x128xf32, #tpu.memory_space<hbm>>, %arg5: memref<409600x16xf32, #tpu.memory_space<hbm>>, %arg6: memref<32x40x128xi32, #tpu.memory_space<hbm>>, %arg7: memref<32x100x128xi32, #tpu.memory_space<hbm>>, %arg8: memref<10112x128xf32, #tpu.memory_space<hbm>>, %arg9: memref<10112x16xf32, #tpu.memory_space<hbm>>, %arg10: memref<2x10112x128xf32, #tpu.memory_space<hbm>>, %arg11: memref<2x10112x16xf32, #tpu.memory_space<hbm>>, %arg12: memref<1x128xi32, #tpu.memory_space<vmem>>, %arg13: memref<1x128xi32, #tpu.memory_space<vmem>>, %arg14: memref<128x128xf32, #tpu.memory_space<vmem>>, %arg15: memref<128x128xf32, #tpu.memory_space<vmem>>, %arg16: memref<128x16xf32, #tpu.memory_space<vmem>>, %arg17: memref<128x16xf32, #tpu.memory_space<vmem>>, %arg18: memref<10112x128xf32, #tpu.memory_space<vmem_shared>>, %arg19: memref<10112x16xf32, #tpu.memory_space<vmem_shared>>, %arg20: memref<!tpu.dma_semaphore, #tpu.memory_space<semaphore_mem>>, %arg21: memref<!tpu.dma_semaphore, #tpu.memory_space<semaphore_mem>>, %arg22: memref<!tpu.dma_semaphore, #tpu.memory_space<semaphore_mem>>, %arg23: memref<!tpu.dma_semaphore, #tpu.memory_space<semaphore_mem>>) attributes {dimension_semantics = [#tpu.dimension_semantics<core_parallel>, #tpu.dimension_semantics<subcore_parallel>], iteration_bounds = array<i64: 2, 16>, scalar_prefetch = 0 : i64, scratch_operands = 12 : i64, tpu.core_type = #tpu.core_type<sc_vector_subcore>, window_params = [{transform_indices = #map}, {transform_indices = #map}, {transform_indices = #map}, {transform_indices = #map}, {transform_indices = #map1}, {transform_indices = #map1}, {transform_indices = #map}, {transform_indices = #map}, {transform_indices = #map1}, {transform_indices = #map1}]} {
    %mul3A = arith.constant 2 : i32
    %mul3A_0 = arith.muli %arg1, %mul3A : i32
    %add3A = arith.addi %mul3A_0, %arg0 : i32
    %mul3A_1 = arith.constant 632 : i32
    %mul3A_2 = arith.muli %arg1, %mul3A_1 : i32
    "tpu.region"() ({
      %run_scoped3A = tpu.sem_alloc : memref<!tpu.dma_semaphore, #tpu.memory_space<semaphore_mem>>
      %dma_start3A_114 = arith.constant 0 : i32
      %dma_start3A_115 = tpu.memref_slice %arg18[%mul3A_2, %dma_start3A_114] : memref<10112x128xf32, #tpu.memory_space<vmem_shared>> -> memref<632x128xf32, #tpu.memory_space<vmem_shared>>
      %dma_start3A_116 = arith.constant 0 : i32
      %dma_start3A_117 = tpu.memref_slice %arg8[%mul3A_2, %dma_start3A_116] : memref<10112x128xf32, #tpu.memory_space<hbm>> -> memref<632x128xf32, #tpu.memory_space<hbm>>
      tpu.enqueue_dma source(%dma_start3A_117 : memref<632x128xf32, #tpu.memory_space<hbm>>) target(%dma_start3A_115 : memref<632x128xf32, #tpu.memory_space<vmem_shared>>) target_semaphore(%run_scoped3A : memref<!tpu.dma_semaphore, #tpu.memory_space<semaphore_mem>>)
      %dma_wait3A = arith.constant 0 : i32
      %dma_wait3A_118 = tpu.memref_slice %arg18[%mul3A_2, %dma_wait3A] : memref<10112x128xf32, #tpu.memory_space<vmem_shared>> -> memref<632x128xf32, #tpu.memory_space<vmem_shared>>
      %dma_wait3A_119 = arith.constant 0 : i32
      %dma_wait3A_120 = tpu.memref_slice %arg8[%mul3A_2, %dma_wait3A_119] : memref<10112x128xf32, #tpu.memory_space<hbm>> -> memref<632x128xf32, #tpu.memory_space<hbm>>
      tpu.wait_dma2 semaphore(%run_scoped3A : memref<!tpu.dma_semaphore, #tpu.memory_space<semaphore_mem>>) src(%dma_wait3A_120 : memref<632x128xf32, #tpu.memory_space<hbm>>) dst(%dma_wait3A_118 : memref<632x128xf32, #tpu.memory_space<vmem_shared>>)
      tpu.yield
    }) : () -> ()
    "tpu.region"() ({
      %run_scoped3A = tpu.sem_alloc : memref<!tpu.dma_semaphore, #tpu.memory_space<semaphore_mem>>
      %dma_start3A_114 = arith.constant 0 : i32
      %dma_start3A_115 = tpu.memref_slice %arg19[%mul3A_2, %dma_start3A_114] : memref<10112x16xf32, #tpu.memory_space<vmem_shared>> -> memref<632x16xf32, #tpu.memory_space<vmem_shared>>
      %dma_start3A_116 = arith.constant 0 : i32
      %dma_start3A_117 = tpu.memref_slice %arg9[%mul3A_2, %dma_start3A_116] : memref<10112x16xf32, #tpu.memory_space<hbm>> -> memref<632x16xf32, #tpu.memory_space<hbm>>
      tpu.enqueue_dma source(%dma_start3A_117 : memref<632x16xf32, #tpu.memory_space<hbm>>) target(%dma_start3A_115 : memref<632x16xf32, #tpu.memory_space<vmem_shared>>) target_semaphore(%run_scoped3A : memref<!tpu.dma_semaphore, #tpu.memory_space<semaphore_mem>>)
      %dma_wait3A = arith.constant 0 : i32
      %dma_wait3A_118 = tpu.memref_slice %arg19[%mul3A_2, %dma_wait3A] : memref<10112x16xf32, #tpu.memory_space<vmem_shared>> -> memref<632x16xf32, #tpu.memory_space<vmem_shared>>
      %dma_wait3A_119 = arith.constant 0 : i32
      %dma_wait3A_120 = tpu.memref_slice %arg9[%mul3A_2, %dma_wait3A_119] : memref<10112x16xf32, #tpu.memory_space<hbm>> -> memref<632x16xf32, #tpu.memory_space<hbm>>
      tpu.wait_dma2 semaphore(%run_scoped3A : memref<!tpu.dma_semaphore, #tpu.memory_space<semaphore_mem>>) src(%dma_wait3A_120 : memref<632x16xf32, #tpu.memory_space<hbm>>) dst(%dma_wait3A_118 : memref<632x16xf32, #tpu.memory_space<vmem_shared>>)
      tpu.yield
    }) : () -> ()
    %barrier3A = arith.constant 0 : index
    tpu.barrier barrier_id(%barrier3A)
    %mul3A_3 = arith.constant 40 : i32
    %mul3A_4 = arith.muli %add3A, %mul3A_3 : i32
    %add3A_5 = arith.constant 0 : i32
    %add3A_6 = arith.addi %mul3A_4, %add3A_5 : i32
    %mul3A_7 = arith.constant 128 : i32
    %mul3A_8 = arith.muli %add3A_6, %mul3A_7 : i32
    %dma_start3A = arith.constant 0 : i32
    %dma_start3A_9 = tpu.memref_slice %arg2[%mul3A_8, %dma_start3A] : memref<163840x128xf32, #tpu.memory_space<hbm>> -> memref<128x128xf32, #tpu.memory_space<hbm>>
    %dma_start3A_10 = arith.constant 0 : i32
    %dma_start3A_11 = tpu.memref_slice %arg2[%mul3A_8, %dma_start3A_10] : memref<163840x128xf32, #tpu.memory_space<hbm>> -> memref<128x128xf32, #tpu.memory_space<hbm>>
    tpu.enqueue_dma source(%dma_start3A_11 : memref<128x128xf32, #tpu.memory_space<hbm>>) target(%arg14 : memref<128x128xf32, #tpu.memory_space<vmem>>) target_semaphore(%arg20 : memref<!tpu.dma_semaphore, #tpu.memory_space<semaphore_mem>>)
    %add3A_12 = arith.constant 0 : i32
    %add3A_13 = arith.addi %mul3A_4, %add3A_12 : i32
    %mul3A_14 = arith.constant 128 : i32
    %mul3A_15 = arith.muli %add3A_13, %mul3A_14 : i32
    %dma_start3A_16 = arith.constant 0 : i32
    %dma_start3A_17 = tpu.memref_slice %arg3[%mul3A_15, %dma_start3A_16] : memref<163840x16xf32, #tpu.memory_space<hbm>> -> memref<128x16xf32, #tpu.memory_space<hbm>>
    %dma_start3A_18 = arith.constant 0 : i32
    %dma_start3A_19 = tpu.memref_slice %arg3[%mul3A_15, %dma_start3A_18] : memref<163840x16xf32, #tpu.memory_space<hbm>> -> memref<128x16xf32, #tpu.memory_space<hbm>>
    tpu.enqueue_dma source(%dma_start3A_19 : memref<128x16xf32, #tpu.memory_space<hbm>>) target(%arg16 : memref<128x16xf32, #tpu.memory_space<vmem>>) target_semaphore(%arg20 : memref<!tpu.dma_semaphore, #tpu.memory_space<semaphore_mem>>)
    %dma_start3A_20 = arith.constant 0 : i32
    %dma_start3A_21 = arith.constant 0 : i32
    %dma_start3A_22 = tpu.memref_slice %arg6[%add3A, %dma_start3A_20, %dma_start3A_21] : memref<32x40x128xi32, #tpu.memory_space<hbm>> -> memref<1x1x128xi32, #tpu.memory_space<hbm>>
    %dma_start3A_23 = tpu.memref_squeeze %dma_start3A_22 : memref<1x1x128xi32, #tpu.memory_space<hbm>> -> memref<1x128xi32, #tpu.memory_space<hbm>>
    %dma_start3A_24 = arith.constant 0 : i32
    %dma_start3A_25 = arith.constant 0 : i32
    %dma_start3A_26 = tpu.memref_slice %arg6[%add3A, %dma_start3A_24, %dma_start3A_25] : memref<32x40x128xi32, #tpu.memory_space<hbm>> -> memref<1x1x128xi32, #tpu.memory_space<hbm>>
    %dma_start3A_27 = tpu.memref_squeeze %dma_start3A_26 : memref<1x1x128xi32, #tpu.memory_space<hbm>> -> memref<1x128xi32, #tpu.memory_space<hbm>>
    tpu.enqueue_dma source(%dma_start3A_27 : memref<1x128xi32, #tpu.memory_space<hbm>>) target(%arg12 : memref<1x128xi32, #tpu.memory_space<vmem>>) target_semaphore(%arg20 : memref<!tpu.dma_semaphore, #tpu.memory_space<semaphore_mem>>)
    %add3A_28 = arith.constant 1 : i32
    %add3A_29 = arith.addi %mul3A_4, %add3A_28 : i32
    %mul3A_30 = arith.constant 128 : i32
    %mul3A_31 = arith.muli %add3A_29, %mul3A_30 : i32
    %dma_start3A_32 = arith.constant 0 : i32
    %dma_start3A_33 = tpu.memref_slice %arg2[%mul3A_31, %dma_start3A_32] : memref<163840x128xf32, #tpu.memory_space<hbm>> -> memref<128x128xf32, #tpu.memory_space<hbm>>
    %dma_start3A_34 = arith.constant 0 : i32
    %dma_start3A_35 = tpu.memref_slice %arg2[%mul3A_31, %dma_start3A_34] : memref<163840x128xf32, #tpu.memory_space<hbm>> -> memref<128x128xf32, #tpu.memory_space<hbm>>
    tpu.enqueue_dma source(%dma_start3A_35 : memref<128x128xf32, #tpu.memory_space<hbm>>) target(%arg15 : memref<128x128xf32, #tpu.memory_space<vmem>>) target_semaphore(%arg21 : memref<!tpu.dma_semaphore, #tpu.memory_space<semaphore_mem>>)
    %add3A_36 = arith.constant 1 : i32
    %add3A_37 = arith.addi %mul3A_4, %add3A_36 : i32
    %mul3A_38 = arith.constant 128 : i32
    %mul3A_39 = arith.muli %add3A_37, %mul3A_38 : i32
    %dma_start3A_40 = arith.constant 0 : i32
    %dma_start3A_41 = tpu.memref_slice %arg3[%mul3A_39, %dma_start3A_40] : memref<163840x16xf32, #tpu.memory_space<hbm>> -> memref<128x16xf32, #tpu.memory_space<hbm>>
    %dma_start3A_42 = arith.constant 0 : i32
    %dma_start3A_43 = tpu.memref_slice %arg3[%mul3A_39, %dma_start3A_42] : memref<163840x16xf32, #tpu.memory_space<hbm>> -> memref<128x16xf32, #tpu.memory_space<hbm>>
    tpu.enqueue_dma source(%dma_start3A_43 : memref<128x16xf32, #tpu.memory_space<hbm>>) target(%arg17 : memref<128x16xf32, #tpu.memory_space<vmem>>) target_semaphore(%arg21 : memref<!tpu.dma_semaphore, #tpu.memory_space<semaphore_mem>>)
    %dma_start3A_44 = arith.constant 1 : i32
    %dma_start3A_45 = arith.constant 0 : i32
    %dma_start3A_46 = tpu.memref_slice %arg6[%add3A, %dma_start3A_44, %dma_start3A_45] : memref<32x40x128xi32, #tpu.memory_space<hbm>> -> memref<1x1x128xi32, #tpu.memory_space<hbm>>
    %dma_start3A_47 = tpu.memref_squeeze %dma_start3A_46 : memref<1x1x128xi32, #tpu.memory_space<hbm>> -> memref<1x128xi32, #tpu.memory_space<hbm>>
    %dma_start3A_48 = arith.constant 1 : i32
    %dma_start3A_49 = arith.constant 0 : i32
    %dma_start3A_50 = tpu.memref_slice %arg6[%add3A, %dma_start3A_48, %dma_start3A_49] : memref<32x40x128xi32, #tpu.memory_space<hbm>> -> memref<1x1x128xi32, #tpu.memory_space<hbm>>
    %dma_start3A_51 = tpu.memref_squeeze %dma_start3A_50 : memref<1x1x128xi32, #tpu.memory_space<hbm>> -> memref<1x128xi32, #tpu.memory_space<hbm>>
    tpu.enqueue_dma source(%dma_start3A_51 : memref<1x128xi32, #tpu.memory_space<hbm>>) target(%arg13 : memref<1x128xi32, #tpu.memory_space<vmem>>) target_semaphore(%arg21 : memref<!tpu.dma_semaphore, #tpu.memory_space<semaphore_mem>>)
    %scan3A = arith.constant 0 : i32
    %scan3A_52 = arith.constant 0 : i32
    %scan3A_53 = arith.constant 20 : i32
    %scan3A_54 = arith.addi %scan3A_52, %scan3A_53 : i32
    %scan3A_55 = arith.constant 1 : i32
    scf.for %scan3A_114 = %scan3A_52 to %scan3A_54 step %scan3A_55  : i32 {
      %dma_wait3A = arith.constant 0 : i32
      %dma_wait3A_115 = arith.constant 0 : i32
      %dma_wait3A_116 = tpu.memref_slice %arg2[%dma_wait3A, %dma_wait3A_115] : memref<163840x128xf32, #tpu.memory_space<hbm>> -> memref<128x128xf32, #tpu.memory_space<hbm>>
      %dma_wait3A_117 = arith.constant 0 : i32
      %dma_wait3A_118 = arith.constant 0 : i32
      %dma_wait3A_119 = tpu.memref_slice %arg2[%dma_wait3A_117, %dma_wait3A_118] : memref<163840x128xf32, #tpu.memory_space<hbm>> -> memref<128x128xf32, #tpu.memory_space<hbm>>
      tpu.wait_dma2 semaphore(%arg20 : memref<!tpu.dma_semaphore, #tpu.memory_space<semaphore_mem>>) src(%dma_wait3A_119 : memref<128x128xf32, #tpu.memory_space<hbm>>) dst(%arg14 : memref<128x128xf32, #tpu.memory_space<vmem>>)
      %dma_wait3A_120 = arith.constant 0 : i32
      %dma_wait3A_121 = arith.constant 0 : i32
      %dma_wait3A_122 = tpu.memref_slice %arg3[%dma_wait3A_120, %dma_wait3A_121] : memref<163840x16xf32, #tpu.memory_space<hbm>> -> memref<128x16xf32, #tpu.memory_space<hbm>>
      %dma_wait3A_123 = arith.constant 0 : i32
      %dma_wait3A_124 = arith.constant 0 : i32
      %dma_wait3A_125 = tpu.memref_slice %arg3[%dma_wait3A_123, %dma_wait3A_124] : memref<163840x16xf32, #tpu.memory_space<hbm>> -> memref<128x16xf32, #tpu.memory_space<hbm>>
      tpu.wait_dma2 semaphore(%arg20 : memref<!tpu.dma_semaphore, #tpu.memory_space<semaphore_mem>>) src(%dma_wait3A_125 : memref<128x16xf32, #tpu.memory_space<hbm>>) dst(%arg16 : memref<128x16xf32, #tpu.memory_space<vmem>>)
      %dma_wait3A_126 = arith.constant 0 : i32
      %dma_wait3A_127 = arith.constant 0 : i32
      %dma_wait3A_128 = arith.constant 0 : i32
      %dma_wait3A_129 = tpu.memref_slice %arg6[%dma_wait3A_126, %dma_wait3A_127, %dma_wait3A_128] : memref<32x40x128xi32, #tpu.memory_space<hbm>> -> memref<1x1x128xi32, #tpu.memory_space<hbm>>
      %dma_wait3A_130 = tpu.memref_squeeze %dma_wait3A_129 : memref<1x1x128xi32, #tpu.memory_space<hbm>> -> memref<1x128xi32, #tpu.memory_space<hbm>>
      %dma_wait3A_131 = arith.constant 0 : i32
      %dma_wait3A_132 = arith.constant 0 : i32
      %dma_wait3A_133 = tpu.memref_slice %arg6[%dma_wait3A_126, %dma_wait3A_131, %dma_wait3A_132] : memref<32x40x128xi32, #tpu.memory_space<hbm>> -> memref<1x1x128xi32, #tpu.memory_space<hbm>>
      %dma_wait3A_134 = tpu.memref_squeeze %dma_wait3A_133 : memref<1x1x128xi32, #tpu.memory_space<hbm>> -> memref<1x128xi32, #tpu.memory_space<hbm>>
      tpu.wait_dma2 semaphore(%arg20 : memref<!tpu.dma_semaphore, #tpu.memory_space<semaphore_mem>>) src(%dma_wait3A_134 : memref<1x128xi32, #tpu.memory_space<hbm>>) dst(%arg12 : memref<1x128xi32, #tpu.memory_space<vmem>>)
      %dma_start3A_135 = arith.constant 0 : i32
      %dma_start3A_136 = arith.constant 0 : i32
      %dma_start3A_137 = tpu.memref_slice %arg12[%dma_start3A_135, %dma_start3A_136] : memref<1x128xi32, #tpu.memory_space<vmem>> -> memref<1x128xi32, #tpu.memory_space<vmem>>
      %dma_start3A_138 = tpu.memref_squeeze %dma_start3A_137 : memref<1x128xi32, #tpu.memory_space<vmem>> -> memref<128xi32, #tpu.memory_space<vmem>>
      %dma_start3A_139 = arith.constant 0 : i32
      %dma_start3A_140 = arith.constant 0 : i32
      %dma_start3A_141 = tpu.memref_slice %arg18[%dma_start3A_139, %dma_start3A_140] : memref<10112x128xf32, #tpu.memory_space<vmem_shared>> -> memref<10112x128xf32, #tpu.memory_space<vmem_shared>>
      tpu.enqueue_indirect_dma source(%arg14 : memref<128x128xf32, #tpu.memory_space<vmem>>) target(%dma_start3A_141 : memref<10112x128xf32, #tpu.memory_space<vmem_shared>>) offsets(%dma_start3A_138 : memref<128xi32, #tpu.memory_space<vmem>>) semaphore(%arg22 : memref<!tpu.dma_semaphore, #tpu.memory_space<semaphore_mem>>) {add = true}
      %dma_start3A_142 = arith.constant 0 : i32
      %dma_start3A_143 = arith.constant 0 : i32
      %dma_start3A_144 = tpu.memref_slice %arg12[%dma_start3A_142, %dma_start3A_143] : memref<1x128xi32, #tpu.memory_space<vmem>> -> memref<1x128xi32, #tpu.memory_space<vmem>>
      %dma_start3A_145 = tpu.memref_squeeze %dma_start3A_144 : memref<1x128xi32, #tpu.memory_space<vmem>> -> memref<128xi32, #tpu.memory_space<vmem>>
      %dma_start3A_146 = arith.constant 0 : i32
      %dma_start3A_147 = arith.constant 0 : i32
      %dma_start3A_148 = tpu.memref_slice %arg19[%dma_start3A_146, %dma_start3A_147] : memref<10112x16xf32, #tpu.memory_space<vmem_shared>> -> memref<10112x16xf32, #tpu.memory_space<vmem_shared>>
      tpu.enqueue_indirect_dma source(%arg16 : memref<128x16xf32, #tpu.memory_space<vmem>>) target(%dma_start3A_148 : memref<10112x16xf32, #tpu.memory_space<vmem_shared>>) offsets(%dma_start3A_145 : memref<128xi32, #tpu.memory_space<vmem>>) semaphore(%arg22 : memref<!tpu.dma_semaphore, #tpu.memory_space<semaphore_mem>>) {add = true}
      %dma_wait3A_149 = arith.constant 0 : i32
      %dma_wait3A_150 = arith.constant 0 : i32
      %dma_wait3A_151 = tpu.memref_slice %arg12[%dma_wait3A_149, %dma_wait3A_150] : memref<1x128xi32, #tpu.memory_space<vmem>> -> memref<1x128xi32, #tpu.memory_space<vmem>>
      %dma_wait3A_152 = tpu.memref_squeeze %dma_wait3A_151 : memref<1x128xi32, #tpu.memory_space<vmem>> -> memref<128xi32, #tpu.memory_space<vmem>>
      %dma_wait3A_153 = arith.constant 0 : i32
      %dma_wait3A_154 = arith.constant 0 : i32
      %dma_wait3A_155 = tpu.memref_slice %arg18[%dma_wait3A_153, %dma_wait3A_154] : memref<10112x128xf32, #tpu.memory_space<vmem_shared>> -> memref<10112x128xf32, #tpu.memory_space<vmem_shared>>
      tpu.wait_indirect_dma semaphore(%arg22 : memref<!tpu.dma_semaphore, #tpu.memory_space<semaphore_mem>>) src(%arg14 : memref<128x128xf32, #tpu.memory_space<vmem>>) dst(%dma_wait3A_155 : memref<10112x128xf32, #tpu.memory_space<vmem_shared>>)
      %dma_wait3A_156 = arith.constant 0 : i32
      %dma_wait3A_157 = arith.constant 0 : i32
      %dma_wait3A_158 = tpu.memref_slice %arg12[%dma_wait3A_156, %dma_wait3A_157] : memref<1x128xi32, #tpu.memory_space<vmem>> -> memref<1x128xi32, #tpu.memory_space<vmem>>
      %dma_wait3A_159 = tpu.memref_squeeze %dma_wait3A_158 : memref<1x128xi32, #tpu.memory_space<vmem>> -> memref<128xi32, #tpu.memory_space<vmem>>
      %dma_wait3A_160 = arith.constant 0 : i32
      %dma_wait3A_161 = arith.constant 0 : i32
      %dma_wait3A_162 = tpu.memref_slice %arg19[%dma_wait3A_160, %dma_wait3A_161] : memref<10112x16xf32, #tpu.memory_space<vmem_shared>> -> memref<10112x16xf32, #tpu.memory_space<vmem_shared>>
      tpu.wait_indirect_dma semaphore(%arg22 : memref<!tpu.dma_semaphore, #tpu.memory_space<semaphore_mem>>) src(%arg16 : memref<128x16xf32, #tpu.memory_space<vmem>>) dst(%dma_wait3A_162 : memref<10112x16xf32, #tpu.memory_space<vmem_shared>>)
      %lt3A = arith.constant 19 : i32
      %lt3A_163 = arith.cmpi slt, %scan3A_114, %lt3A : i32
      %convert_element_type3A = arith.extui %lt3A_163 : i1 to i32
      %cond3A = arith.constant 0 : i32
      %cond3A_164 = arith.cmpi ne, %convert_element_type3A, %cond3A : i32
      scf.if %cond3A_164 {
        %mul3A_219 = arith.constant 2 : i32
        %mul3A_220 = arith.muli %mul3A_219, %scan3A_114 : i32
        %add3A_221 = arith.constant 2 : i32
        %add3A_222 = arith.addi %mul3A_220, %add3A_221 : i32
        %add3A_223 = arith.addi %mul3A_4, %add3A_222 : i32
        %mul3A_224 = arith.constant 128 : i32
        %mul3A_225 = arith.muli %add3A_223, %mul3A_224 : i32
        %dma_start3A_226 = arith.constant 0 : i32
        %dma_start3A_227 = tpu.memref_slice %arg2[%mul3A_225, %dma_start3A_226] : memref<163840x128xf32, #tpu.memory_space<hbm>> -> memref<128x128xf32, #tpu.memory_space<hbm>>
        %dma_start3A_228 = arith.constant 0 : i32
        %dma_start3A_229 = tpu.memref_slice %arg2[%mul3A_225, %dma_start3A_228] : memref<163840x128xf32, #tpu.memory_space<hbm>> -> memref<128x128xf32, #tpu.memory_space<hbm>>
        tpu.enqueue_dma source(%dma_start3A_229 : memref<128x128xf32, #tpu.memory_space<hbm>>) target(%arg14 : memref<128x128xf32, #tpu.memory_space<vmem>>) target_semaphore(%arg20 : memref<!tpu.dma_semaphore, #tpu.memory_space<semaphore_mem>>)
        %add3A_230 = arith.addi %mul3A_4, %add3A_222 : i32
        %mul3A_231 = arith.constant 128 : i32
        %mul3A_232 = arith.muli %add3A_230, %mul3A_231 : i32
        %dma_start3A_233 = arith.constant 0 : i32
        %dma_start3A_234 = tpu.memref_slice %arg3[%mul3A_232, %dma_start3A_233] : memref<163840x16xf32, #tpu.memory_space<hbm>> -> memref<128x16xf32, #tpu.memory_space<hbm>>
        %dma_start3A_235 = arith.constant 0 : i32
        %dma_start3A_236 = tpu.memref_slice %arg3[%mul3A_232, %dma_start3A_235] : memref<163840x16xf32, #tpu.memory_space<hbm>> -> memref<128x16xf32, #tpu.memory_space<hbm>>
        tpu.enqueue_dma source(%dma_start3A_236 : memref<128x16xf32, #tpu.memory_space<hbm>>) target(%arg16 : memref<128x16xf32, #tpu.memory_space<vmem>>) target_semaphore(%arg20 : memref<!tpu.dma_semaphore, #tpu.memory_space<semaphore_mem>>)
        %dma_start3A_237 = arith.constant 0 : i32
        %dma_start3A_238 = tpu.memref_slice %arg6[%add3A, %add3A_222, %dma_start3A_237] : memref<32x40x128xi32, #tpu.memory_space<hbm>> -> memref<1x1x128xi32, #tpu.memory_space<hbm>>
        %dma_start3A_239 = tpu.memref_squeeze %dma_start3A_238 : memref<1x1x128xi32, #tpu.memory_space<hbm>> -> memref<1x128xi32, #tpu.memory_space<hbm>>
        %dma_start3A_240 = arith.constant 0 : i32
        %dma_start3A_241 = tpu.memref_slice %arg6[%add3A, %add3A_222, %dma_start3A_240] : memref<32x40x128xi32, #tpu.memory_space<hbm>> -> memref<1x1x128xi32, #tpu.memory_space<hbm>>
        %dma_start3A_242 = tpu.memref_squeeze %dma_start3A_241 : memref<1x1x128xi32, #tpu.memory_space<hbm>> -> memref<1x128xi32, #tpu.memory_space<hbm>>
        tpu.enqueue_dma source(%dma_start3A_242 : memref<1x128xi32, #tpu.memory_space<hbm>>) target(%arg12 : memref<1x128xi32, #tpu.memory_space<vmem>>) target_semaphore(%arg20 : memref<!tpu.dma_semaphore, #tpu.memory_space<semaphore_mem>>)
      } else {
      }
      %dma_wait3A_165 = arith.constant 0 : i32
      %dma_wait3A_166 = arith.constant 0 : i32
      %dma_wait3A_167 = tpu.memref_slice %arg2[%dma_wait3A_165, %dma_wait3A_166] : memref<163840x128xf32, #tpu.memory_space<hbm>> -> memref<128x128xf32, #tpu.memory_space<hbm>>
      %dma_wait3A_168 = arith.constant 0 : i32
      %dma_wait3A_169 = arith.constant 0 : i32
      %dma_wait3A_170 = tpu.memref_slice %arg2[%dma_wait3A_168, %dma_wait3A_169] : memref<163840x128xf32, #tpu.memory_space<hbm>> -> memref<128x128xf32, #tpu.memory_space<hbm>>
      tpu.wait_dma2 semaphore(%arg21 : memref<!tpu.dma_semaphore, #tpu.memory_space<semaphore_mem>>) src(%dma_wait3A_170 : memref<128x128xf32, #tpu.memory_space<hbm>>) dst(%arg15 : memref<128x128xf32, #tpu.memory_space<vmem>>)
      %dma_wait3A_171 = arith.constant 0 : i32
      %dma_wait3A_172 = arith.constant 0 : i32
      %dma_wait3A_173 = tpu.memref_slice %arg3[%dma_wait3A_171, %dma_wait3A_172] : memref<163840x16xf32, #tpu.memory_space<hbm>> -> memref<128x16xf32, #tpu.memory_space<hbm>>
      %dma_wait3A_174 = arith.constant 0 : i32
      %dma_wait3A_175 = arith.constant 0 : i32
      %dma_wait3A_176 = tpu.memref_slice %arg3[%dma_wait3A_174, %dma_wait3A_175] : memref<163840x16xf32, #tpu.memory_space<hbm>> -> memref<128x16xf32, #tpu.memory_space<hbm>>
      tpu.wait_dma2 semaphore(%arg21 : memref<!tpu.dma_semaphore, #tpu.memory_space<semaphore_mem>>) src(%dma_wait3A_176 : memref<128x16xf32, #tpu.memory_space<hbm>>) dst(%arg17 : memref<128x16xf32, #tpu.memory_space<vmem>>)
      %dma_wait3A_177 = arith.constant 0 : i32
      %dma_wait3A_178 = arith.constant 0 : i32
      %dma_wait3A_179 = arith.constant 0 : i32
      %dma_wait3A_180 = tpu.memref_slice %arg6[%dma_wait3A_177, %dma_wait3A_178, %dma_wait3A_179] : memref<32x40x128xi32, #tpu.memory_space<hbm>> -> memref<1x1x128xi32, #tpu.memory_space<hbm>>
      %dma_wait3A_181 = tpu.memref_squeeze %dma_wait3A_180 : memref<1x1x128xi32, #tpu.memory_space<hbm>> -> memref<1x128xi32, #tpu.memory_space<hbm>>
      %dma_wait3A_182 = arith.constant 0 : i32
      %dma_wait3A_183 = arith.constant 0 : i32
      %dma_wait3A_184 = tpu.memref_slice %arg6[%dma_wait3A_177, %dma_wait3A_182, %dma_wait3A_183] : memref<32x40x128xi32, #tpu.memory_space<hbm>> -> memref<1x1x128xi32, #tpu.memory_space<hbm>>
      %dma_wait3A_185 = tpu.memref_squeeze %dma_wait3A_184 : memref<1x1x128xi32, #tpu.memory_space<hbm>> -> memref<1x128xi32, #tpu.memory_space<hbm>>
      tpu.wait_dma2 semaphore(%arg21 : memref<!tpu.dma_semaphore, #tpu.memory_space<semaphore_mem>>) src(%dma_wait3A_185 : memref<1x128xi32, #tpu.memory_space<hbm>>) dst(%arg13 : memref<1x128xi32, #tpu.memory_space<vmem>>)
      %dma_start3A_186 = arith.constant 0 : i32
      %dma_start3A_187 = arith.constant 0 : i32
      %dma_start3A_188 = tpu.memref_slice %arg13[%dma_start3A_186, %dma_start3A_187] : memref<1x128xi32, #tpu.memory_space<vmem>> -> memref<1x128xi32, #tpu.memory_space<vmem>>
      %dma_start3A_189 = tpu.memref_squeeze %dma_start3A_188 : memref<1x128xi32, #tpu.memory_space<vmem>> -> memref<128xi32, #tpu.memory_space<vmem>>
      %dma_start3A_190 = arith.constant 0 : i32
      %dma_start3A_191 = arith.constant 0 : i32
      %dma_start3A_192 = tpu.memref_slice %arg18[%dma_start3A_190, %dma_start3A_191] : memref<10112x128xf32, #tpu.memory_space<vmem_shared>> -> memref<10112x128xf32, #tpu.memory_space<vmem_shared>>
      tpu.enqueue_indirect_dma source(%arg15 : memref<128x128xf32, #tpu.memory_space<vmem>>) target(%dma_start3A_192 : memref<10112x128xf32, #tpu.memory_space<vmem_shared>>) offsets(%dma_start3A_189 : memref<128xi32, #tpu.memory_space<vmem>>) semaphore(%arg23 : memref<!tpu.dma_semaphore, #tpu.memory_space<semaphore_mem>>) {add = true}
      %dma_start3A_193 = arith.constant 0 : i32
      %dma_start3A_194 = arith.constant 0 : i32
      %dma_start3A_195 = tpu.memref_slice %arg13[%dma_start3A_193, %dma_start3A_194] : memref<1x128xi32, #tpu.memory_space<vmem>> -> memref<1x128xi32, #tpu.memory_space<vmem>>
      %dma_start3A_196 = tpu.memref_squeeze %dma_start3A_195 : memref<1x128xi32, #tpu.memory_space<vmem>> -> memref<128xi32, #tpu.memory_space<vmem>>
      %dma_start3A_197 = arith.constant 0 : i32
      %dma_start3A_198 = arith.constant 0 : i32
      %dma_start3A_199 = tpu.memref_slice %arg19[%dma_start3A_197, %dma_start3A_198] : memref<10112x16xf32, #tpu.memory_space<vmem_shared>> -> memref<10112x16xf32, #tpu.memory_space<vmem_shared>>
      tpu.enqueue_indirect_dma source(%arg17 : memref<128x16xf32, #tpu.memory_space<vmem>>) target(%dma_start3A_199 : memref<10112x16xf32, #tpu.memory_space<vmem_shared>>) offsets(%dma_start3A_196 : memref<128xi32, #tpu.memory_space<vmem>>) semaphore(%arg23 : memref<!tpu.dma_semaphore, #tpu.memory_space<semaphore_mem>>) {add = true}
      %dma_wait3A_200 = arith.constant 0 : i32
      %dma_wait3A_201 = arith.constant 0 : i32
      %dma_wait3A_202 = tpu.memref_slice %arg13[%dma_wait3A_200, %dma_wait3A_201] : memref<1x128xi32, #tpu.memory_space<vmem>> -> memref<1x128xi32, #tpu.memory_space<vmem>>
      %dma_wait3A_203 = tpu.memref_squeeze %dma_wait3A_202 : memref<1x128xi32, #tpu.memory_space<vmem>> -> memref<128xi32, #tpu.memory_space<vmem>>
      %dma_wait3A_204 = arith.constant 0 : i32
      %dma_wait3A_205 = arith.constant 0 : i32
      %dma_wait3A_206 = tpu.memref_slice %arg18[%dma_wait3A_204, %dma_wait3A_205] : memref<10112x128xf32, #tpu.memory_space<vmem_shared>> -> memref<10112x128xf32, #tpu.memory_space<vmem_shared>>
      tpu.wait_indirect_dma semaphore(%arg23 : memref<!tpu.dma_semaphore, #tpu.memory_space<semaphore_mem>>) src(%arg15 : memref<128x128xf32, #tpu.memory_space<vmem>>) dst(%dma_wait3A_206 : memref<10112x128xf32, #tpu.memory_space<vmem_shared>>)
      %dma_wait3A_207 = arith.constant 0 : i32
      %dma_wait3A_208 = arith.constant 0 : i32
      %dma_wait3A_209 = tpu.memref_slice %arg13[%dma_wait3A_207, %dma_wait3A_208] : memref<1x128xi32, #tpu.memory_space<vmem>> -> memref<1x128xi32, #tpu.memory_space<vmem>>
      %dma_wait3A_210 = tpu.memref_squeeze %dma_wait3A_209 : memref<1x128xi32, #tpu.memory_space<vmem>> -> memref<128xi32, #tpu.memory_space<vmem>>
      %dma_wait3A_211 = arith.constant 0 : i32
      %dma_wait3A_212 = arith.constant 0 : i32
      %dma_wait3A_213 = tpu.memref_slice %arg19[%dma_wait3A_211, %dma_wait3A_212] : memref<10112x16xf32, #tpu.memory_space<vmem_shared>> -> memref<10112x16xf32, #tpu.memory_space<vmem_shared>>
      tpu.wait_indirect_dma semaphore(%arg23 : memref<!tpu.dma_semaphore, #tpu.memory_space<semaphore_mem>>) src(%arg17 : memref<128x16xf32, #tpu.memory_space<vmem>>) dst(%dma_wait3A_213 : memref<10112x16xf32, #tpu.memory_space<vmem_shared>>)
      %lt3A_214 = arith.constant 19 : i32
      %lt3A_215 = arith.cmpi slt, %scan3A_114, %lt3A_214 : i32
      %convert_element_type3A_216 = arith.extui %lt3A_215 : i1 to i32
      %cond3A_217 = arith.constant 0 : i32
      %cond3A_218 = arith.cmpi ne, %convert_element_type3A_216, %cond3A_217 : i32
      scf.if %cond3A_218 {
        %mul3A_219 = arith.constant 2 : i32
        %mul3A_220 = arith.muli %mul3A_219, %scan3A_114 : i32
        %add3A_221 = arith.constant 3 : i32
        %add3A_222 = arith.addi %mul3A_220, %add3A_221 : i32
        %add3A_223 = arith.addi %mul3A_4, %add3A_222 : i32
        %mul3A_224 = arith.constant 128 : i32
        %mul3A_225 = arith.muli %add3A_223, %mul3A_224 : i32
        %dma_start3A_226 = arith.constant 0 : i32
        %dma_start3A_227 = tpu.memref_slice %arg2[%mul3A_225, %dma_start3A_226] : memref<163840x128xf32, #tpu.memory_space<hbm>> -> memref<128x128xf32, #tpu.memory_space<hbm>>
        %dma_start3A_228 = arith.constant 0 : i32
        %dma_start3A_229 = tpu.memref_slice %arg2[%mul3A_225, %dma_start3A_228] : memref<163840x128xf32, #tpu.memory_space<hbm>> -> memref<128x128xf32, #tpu.memory_space<hbm>>
        tpu.enqueue_dma source(%dma_start3A_229 : memref<128x128xf32, #tpu.memory_space<hbm>>) target(%arg15 : memref<128x128xf32, #tpu.memory_space<vmem>>) target_semaphore(%arg21 : memref<!tpu.dma_semaphore, #tpu.memory_space<semaphore_mem>>)
        %add3A_230 = arith.addi %mul3A_4, %add3A_222 : i32
        %mul3A_231 = arith.constant 128 : i32
        %mul3A_232 = arith.muli %add3A_230, %mul3A_231 : i32
        %dma_start3A_233 = arith.constant 0 : i32
        %dma_start3A_234 = tpu.memref_slice %arg3[%mul3A_232, %dma_start3A_233] : memref<163840x16xf32, #tpu.memory_space<hbm>> -> memref<128x16xf32, #tpu.memory_space<hbm>>
        %dma_start3A_235 = arith.constant 0 : i32
        %dma_start3A_236 = tpu.memref_slice %arg3[%mul3A_232, %dma_start3A_235] : memref<163840x16xf32, #tpu.memory_space<hbm>> -> memref<128x16xf32, #tpu.memory_space<hbm>>
        tpu.enqueue_dma source(%dma_start3A_236 : memref<128x16xf32, #tpu.memory_space<hbm>>) target(%arg17 : memref<128x16xf32, #tpu.memory_space<vmem>>) target_semaphore(%arg21 : memref<!tpu.dma_semaphore, #tpu.memory_space<semaphore_mem>>)
        %dma_start3A_237 = arith.constant 0 : i32
        %dma_start3A_238 = tpu.memref_slice %arg6[%add3A, %add3A_222, %dma_start3A_237] : memref<32x40x128xi32, #tpu.memory_space<hbm>> -> memref<1x1x128xi32, #tpu.memory_space<hbm>>
        %dma_start3A_239 = tpu.memref_squeeze %dma_start3A_238 : memref<1x1x128xi32, #tpu.memory_space<hbm>> -> memref<1x128xi32, #tpu.memory_space<hbm>>
        %dma_start3A_240 = arith.constant 0 : i32
        %dma_start3A_241 = tpu.memref_slice %arg6[%add3A, %add3A_222, %dma_start3A_240] : memref<32x40x128xi32, #tpu.memory_space<hbm>> -> memref<1x1x128xi32, #tpu.memory_space<hbm>>
        %dma_start3A_242 = tpu.memref_squeeze %dma_start3A_241 : memref<1x1x128xi32, #tpu.memory_space<hbm>> -> memref<1x128xi32, #tpu.memory_space<hbm>>
        tpu.enqueue_dma source(%dma_start3A_242 : memref<1x128xi32, #tpu.memory_space<hbm>>) target(%arg13 : memref<1x128xi32, #tpu.memory_space<vmem>>) target_semaphore(%arg21 : memref<!tpu.dma_semaphore, #tpu.memory_space<semaphore_mem>>)
      } else {
      }
    }
    %scan3A_56 = arith.constant 20 : i32
    %mul3A_57 = arith.constant 100 : i32
    %mul3A_58 = arith.muli %add3A, %mul3A_57 : i32
    %add3A_59 = arith.constant 0 : i32
    %add3A_60 = arith.addi %mul3A_58, %add3A_59 : i32
    %mul3A_61 = arith.constant 128 : i32
    %mul3A_62 = arith.muli %add3A_60, %mul3A_61 : i32
    %dma_start3A_63 = arith.constant 0 : i32
    %dma_start3A_64 = tpu.memref_slice %arg4[%mul3A_62, %dma_start3A_63] : memref<409600x128xf32, #tpu.memory_space<hbm>> -> memref<128x128xf32, #tpu.memory_space<hbm>>
    %dma_start3A_65 = arith.constant 0 : i32
    %dma_start3A_66 = tpu.memref_slice %arg4[%mul3A_62, %dma_start3A_65] : memref<409600x128xf32, #tpu.memory_space<hbm>> -> memref<128x128xf32, #tpu.memory_space<hbm>>
    tpu.enqueue_dma source(%dma_start3A_66 : memref<128x128xf32, #tpu.memory_space<hbm>>) target(%arg14 : memref<128x128xf32, #tpu.memory_space<vmem>>) target_semaphore(%arg20 : memref<!tpu.dma_semaphore, #tpu.memory_space<semaphore_mem>>)
    %add3A_67 = arith.constant 0 : i32
    %add3A_68 = arith.addi %mul3A_58, %add3A_67 : i32
    %mul3A_69 = arith.constant 128 : i32
    %mul3A_70 = arith.muli %add3A_68, %mul3A_69 : i32
    %dma_start3A_71 = arith.constant 0 : i32
    %dma_start3A_72 = tpu.memref_slice %arg5[%mul3A_70, %dma_start3A_71] : memref<409600x16xf32, #tpu.memory_space<hbm>> -> memref<128x16xf32, #tpu.memory_space<hbm>>
    %dma_start3A_73 = arith.constant 0 : i32
    %dma_start3A_74 = tpu.memref_slice %arg5[%mul3A_70, %dma_start3A_73] : memref<409600x16xf32, #tpu.memory_space<hbm>> -> memref<128x16xf32, #tpu.memory_space<hbm>>
    tpu.enqueue_dma source(%dma_start3A_74 : memref<128x16xf32, #tpu.memory_space<hbm>>) target(%arg16 : memref<128x16xf32, #tpu.memory_space<vmem>>) target_semaphore(%arg20 : memref<!tpu.dma_semaphore, #tpu.memory_space<semaphore_mem>>)
    %dma_start3A_75 = arith.constant 0 : i32
    %dma_start3A_76 = arith.constant 0 : i32
    %dma_start3A_77 = tpu.memref_slice %arg7[%add3A, %dma_start3A_75, %dma_start3A_76] : memref<32x100x128xi32, #tpu.memory_space<hbm>> -> memref<1x1x128xi32, #tpu.memory_space<hbm>>
    %dma_start3A_78 = tpu.memref_squeeze %dma_start3A_77 : memref<1x1x128xi32, #tpu.memory_space<hbm>> -> memref<1x128xi32, #tpu.memory_space<hbm>>
    %dma_start3A_79 = arith.constant 0 : i32
    %dma_start3A_80 = arith.constant 0 : i32
    %dma_start3A_81 = tpu.memref_slice %arg7[%add3A, %dma_start3A_79, %dma_start3A_80] : memref<32x100x128xi32, #tpu.memory_space<hbm>> -> memref<1x1x128xi32, #tpu.memory_space<hbm>>
    %dma_start3A_82 = tpu.memref_squeeze %dma_start3A_81 : memref<1x1x128xi32, #tpu.memory_space<hbm>> -> memref<1x128xi32, #tpu.memory_space<hbm>>
    tpu.enqueue_dma source(%dma_start3A_82 : memref<1x128xi32, #tpu.memory_space<hbm>>) target(%arg12 : memref<1x128xi32, #tpu.memory_space<vmem>>) target_semaphore(%arg20 : memref<!tpu.dma_semaphore, #tpu.memory_space<semaphore_mem>>)
    %add3A_83 = arith.constant 1 : i32
    %add3A_84 = arith.addi %mul3A_58, %add3A_83 : i32
    %mul3A_85 = arith.constant 128 : i32
    %mul3A_86 = arith.muli %add3A_84, %mul3A_85 : i32
    %dma_start3A_87 = arith.constant 0 : i32
    %dma_start3A_88 = tpu.memref_slice %arg4[%mul3A_86, %dma_start3A_87] : memref<409600x128xf32, #tpu.memory_space<hbm>> -> memref<128x128xf32, #tpu.memory_space<hbm>>
    %dma_start3A_89 = arith.constant 0 : i32
    %dma_start3A_90 = tpu.memref_slice %arg4[%mul3A_86, %dma_start3A_89] : memref<409600x128xf32, #tpu.memory_space<hbm>> -> memref<128x128xf32, #tpu.memory_space<hbm>>
    tpu.enqueue_dma source(%dma_start3A_90 : memref<128x128xf32, #tpu.memory_space<hbm>>) target(%arg15 : memref<128x128xf32, #tpu.memory_space<vmem>>) target_semaphore(%arg21 : memref<!tpu.dma_semaphore, #tpu.memory_space<semaphore_mem>>)
    %add3A_91 = arith.constant 1 : i32
    %add3A_92 = arith.addi %mul3A_58, %add3A_91 : i32
    %mul3A_93 = arith.constant 128 : i32
    %mul3A_94 = arith.muli %add3A_92, %mul3A_93 : i32
    %dma_start3A_95 = arith.constant 0 : i32
    %dma_start3A_96 = tpu.memref_slice %arg5[%mul3A_94, %dma_start3A_95] : memref<409600x16xf32, #tpu.memory_space<hbm>> -> memref<128x16xf32, #tpu.memory_space<hbm>>
    %dma_start3A_97 = arith.constant 0 : i32
    %dma_start3A_98 = tpu.memref_slice %arg5[%mul3A_94, %dma_start3A_97] : memref<409600x16xf32, #tpu.memory_space<hbm>> -> memref<128x16xf32, #tpu.memory_space<hbm>>
    tpu.enqueue_dma source(%dma_start3A_98 : memref<128x16xf32, #tpu.memory_space<hbm>>) target(%arg17 : memref<128x16xf32, #tpu.memory_space<vmem>>) target_semaphore(%arg21 : memref<!tpu.dma_semaphore, #tpu.memory_space<semaphore_mem>>)
    %dma_start3A_99 = arith.constant 1 : i32
    %dma_start3A_100 = arith.constant 0 : i32
    %dma_start3A_101 = tpu.memref_slice %arg7[%add3A, %dma_start3A_99, %dma_start3A_100] : memref<32x100x128xi32, #tpu.memory_space<hbm>> -> memref<1x1x128xi32, #tpu.memory_space<hbm>>
    %dma_start3A_102 = tpu.memref_squeeze %dma_start3A_101 : memref<1x1x128xi32, #tpu.memory_space<hbm>> -> memref<1x128xi32, #tpu.memory_space<hbm>>
    %dma_start3A_103 = arith.constant 1 : i32
    %dma_start3A_104 = arith.constant 0 : i32
    %dma_start3A_105 = tpu.memref_slice %arg7[%add3A, %dma_start3A_103, %dma_start3A_104] : memref<32x100x128xi32, #tpu.memory_space<hbm>> -> memref<1x1x128xi32, #tpu.memory_space<hbm>>
    %dma_start3A_106 = tpu.memref_squeeze %dma_start3A_105 : memref<1x1x128xi32, #tpu.memory_space<hbm>> -> memref<1x128xi32, #tpu.memory_space<hbm>>
    tpu.enqueue_dma source(%dma_start3A_106 : memref<1x128xi32, #tpu.memory_space<hbm>>) target(%arg13 : memref<1x128xi32, #tpu.memory_space<vmem>>) target_semaphore(%arg21 : memref<!tpu.dma_semaphore, #tpu.memory_space<semaphore_mem>>)
    %scan3A_107 = arith.constant 0 : i32
    %scan3A_108 = arith.constant 0 : i32
    %scan3A_109 = arith.constant 50 : i32
    %scan3A_110 = arith.addi %scan3A_108, %scan3A_109 : i32
    %scan3A_111 = arith.constant 1 : i32
    scf.for %scan3A_114 = %scan3A_108 to %scan3A_110 step %scan3A_111  : i32 {
      %dma_wait3A = arith.constant 0 : i32
      %dma_wait3A_115 = arith.constant 0 : i32
      %dma_wait3A_116 = tpu.memref_slice %arg4[%dma_wait3A, %dma_wait3A_115] : memref<409600x128xf32, #tpu.memory_space<hbm>> -> memref<128x128xf32, #tpu.memory_space<hbm>>
      %dma_wait3A_117 = arith.constant 0 : i32
      %dma_wait3A_118 = arith.constant 0 : i32
      %dma_wait3A_119 = tpu.memref_slice %arg4[%dma_wait3A_117, %dma_wait3A_118] : memref<409600x128xf32, #tpu.memory_space<hbm>> -> memref<128x128xf32, #tpu.memory_space<hbm>>
      tpu.wait_dma2 semaphore(%arg20 : memref<!tpu.dma_semaphore, #tpu.memory_space<semaphore_mem>>) src(%dma_wait3A_119 : memref<128x128xf32, #tpu.memory_space<hbm>>) dst(%arg14 : memref<128x128xf32, #tpu.memory_space<vmem>>)
      %dma_wait3A_120 = arith.constant 0 : i32
      %dma_wait3A_121 = arith.constant 0 : i32
      %dma_wait3A_122 = tpu.memref_slice %arg5[%dma_wait3A_120, %dma_wait3A_121] : memref<409600x16xf32, #tpu.memory_space<hbm>> -> memref<128x16xf32, #tpu.memory_space<hbm>>
      %dma_wait3A_123 = arith.constant 0 : i32
      %dma_wait3A_124 = arith.constant 0 : i32
      %dma_wait3A_125 = tpu.memref_slice %arg5[%dma_wait3A_123, %dma_wait3A_124] : memref<409600x16xf32, #tpu.memory_space<hbm>> -> memref<128x16xf32, #tpu.memory_space<hbm>>
      tpu.wait_dma2 semaphore(%arg20 : memref<!tpu.dma_semaphore, #tpu.memory_space<semaphore_mem>>) src(%dma_wait3A_125 : memref<128x16xf32, #tpu.memory_space<hbm>>) dst(%arg16 : memref<128x16xf32, #tpu.memory_space<vmem>>)
      %dma_wait3A_126 = arith.constant 0 : i32
      %dma_wait3A_127 = arith.constant 0 : i32
      %dma_wait3A_128 = arith.constant 0 : i32
      %dma_wait3A_129 = tpu.memref_slice %arg7[%dma_wait3A_126, %dma_wait3A_127, %dma_wait3A_128] : memref<32x100x128xi32, #tpu.memory_space<hbm>> -> memref<1x1x128xi32, #tpu.memory_space<hbm>>
      %dma_wait3A_130 = tpu.memref_squeeze %dma_wait3A_129 : memref<1x1x128xi32, #tpu.memory_space<hbm>> -> memref<1x128xi32, #tpu.memory_space<hbm>>
      %dma_wait3A_131 = arith.constant 0 : i32
      %dma_wait3A_132 = arith.constant 0 : i32
      %dma_wait3A_133 = tpu.memref_slice %arg7[%dma_wait3A_126, %dma_wait3A_131, %dma_wait3A_132] : memref<32x100x128xi32, #tpu.memory_space<hbm>> -> memref<1x1x128xi32, #tpu.memory_space<hbm>>
      %dma_wait3A_134 = tpu.memref_squeeze %dma_wait3A_133 : memref<1x1x128xi32, #tpu.memory_space<hbm>> -> memref<1x128xi32, #tpu.memory_space<hbm>>
      tpu.wait_dma2 semaphore(%arg20 : memref<!tpu.dma_semaphore, #tpu.memory_space<semaphore_mem>>) src(%dma_wait3A_134 : memref<1x128xi32, #tpu.memory_space<hbm>>) dst(%arg12 : memref<1x128xi32, #tpu.memory_space<vmem>>)
      %dma_start3A_135 = arith.constant 0 : i32
      %dma_start3A_136 = arith.constant 0 : i32
      %dma_start3A_137 = tpu.memref_slice %arg12[%dma_start3A_135, %dma_start3A_136] : memref<1x128xi32, #tpu.memory_space<vmem>> -> memref<1x128xi32, #tpu.memory_space<vmem>>
      %dma_start3A_138 = tpu.memref_squeeze %dma_start3A_137 : memref<1x128xi32, #tpu.memory_space<vmem>> -> memref<128xi32, #tpu.memory_space<vmem>>
      %dma_start3A_139 = arith.constant 0 : i32
      %dma_start3A_140 = arith.constant 0 : i32
      %dma_start3A_141 = tpu.memref_slice %arg18[%dma_start3A_139, %dma_start3A_140] : memref<10112x128xf32, #tpu.memory_space<vmem_shared>> -> memref<10112x128xf32, #tpu.memory_space<vmem_shared>>
      tpu.enqueue_indirect_dma source(%arg14 : memref<128x128xf32, #tpu.memory_space<vmem>>) target(%dma_start3A_141 : memref<10112x128xf32, #tpu.memory_space<vmem_shared>>) offsets(%dma_start3A_138 : memref<128xi32, #tpu.memory_space<vmem>>) semaphore(%arg22 : memref<!tpu.dma_semaphore, #tpu.memory_space<semaphore_mem>>) {add = true}
      %dma_start3A_142 = arith.constant 0 : i32
      %dma_start3A_143 = arith.constant 0 : i32
      %dma_start3A_144 = tpu.memref_slice %arg12[%dma_start3A_142, %dma_start3A_143] : memref<1x128xi32, #tpu.memory_space<vmem>> -> memref<1x128xi32, #tpu.memory_space<vmem>>
      %dma_start3A_145 = tpu.memref_squeeze %dma_start3A_144 : memref<1x128xi32, #tpu.memory_space<vmem>> -> memref<128xi32, #tpu.memory_space<vmem>>
      %dma_start3A_146 = arith.constant 0 : i32
      %dma_start3A_147 = arith.constant 0 : i32
      %dma_start3A_148 = tpu.memref_slice %arg19[%dma_start3A_146, %dma_start3A_147] : memref<10112x16xf32, #tpu.memory_space<vmem_shared>> -> memref<10112x16xf32, #tpu.memory_space<vmem_shared>>
      tpu.enqueue_indirect_dma source(%arg16 : memref<128x16xf32, #tpu.memory_space<vmem>>) target(%dma_start3A_148 : memref<10112x16xf32, #tpu.memory_space<vmem_shared>>) offsets(%dma_start3A_145 : memref<128xi32, #tpu.memory_space<vmem>>) semaphore(%arg22 : memref<!tpu.dma_semaphore, #tpu.memory_space<semaphore_mem>>) {add = true}
      %dma_wait3A_149 = arith.constant 0 : i32
      %dma_wait3A_150 = arith.constant 0 : i32
      %dma_wait3A_151 = tpu.memref_slice %arg12[%dma_wait3A_149, %dma_wait3A_150] : memref<1x128xi32, #tpu.memory_space<vmem>> -> memref<1x128xi32, #tpu.memory_space<vmem>>
      %dma_wait3A_152 = tpu.memref_squeeze %dma_wait3A_151 : memref<1x128xi32, #tpu.memory_space<vmem>> -> memref<128xi32, #tpu.memory_space<vmem>>
      %dma_wait3A_153 = arith.constant 0 : i32
      %dma_wait3A_154 = arith.constant 0 : i32
      %dma_wait3A_155 = tpu.memref_slice %arg18[%dma_wait3A_153, %dma_wait3A_154] : memref<10112x128xf32, #tpu.memory_space<vmem_shared>> -> memref<10112x128xf32, #tpu.memory_space<vmem_shared>>
      tpu.wait_indirect_dma semaphore(%arg22 : memref<!tpu.dma_semaphore, #tpu.memory_space<semaphore_mem>>) src(%arg14 : memref<128x128xf32, #tpu.memory_space<vmem>>) dst(%dma_wait3A_155 : memref<10112x128xf32, #tpu.memory_space<vmem_shared>>)
      %dma_wait3A_156 = arith.constant 0 : i32
      %dma_wait3A_157 = arith.constant 0 : i32
      %dma_wait3A_158 = tpu.memref_slice %arg12[%dma_wait3A_156, %dma_wait3A_157] : memref<1x128xi32, #tpu.memory_space<vmem>> -> memref<1x128xi32, #tpu.memory_space<vmem>>
      %dma_wait3A_159 = tpu.memref_squeeze %dma_wait3A_158 : memref<1x128xi32, #tpu.memory_space<vmem>> -> memref<128xi32, #tpu.memory_space<vmem>>
      %dma_wait3A_160 = arith.constant 0 : i32
      %dma_wait3A_161 = arith.constant 0 : i32
      %dma_wait3A_162 = tpu.memref_slice %arg19[%dma_wait3A_160, %dma_wait3A_161] : memref<10112x16xf32, #tpu.memory_space<vmem_shared>> -> memref<10112x16xf32, #tpu.memory_space<vmem_shared>>
      tpu.wait_indirect_dma semaphore(%arg22 : memref<!tpu.dma_semaphore, #tpu.memory_space<semaphore_mem>>) src(%arg16 : memref<128x16xf32, #tpu.memory_space<vmem>>) dst(%dma_wait3A_162 : memref<10112x16xf32, #tpu.memory_space<vmem_shared>>)
      %lt3A = arith.constant 49 : i32
      %lt3A_163 = arith.cmpi slt, %scan3A_114, %lt3A : i32
      %convert_element_type3A = arith.extui %lt3A_163 : i1 to i32
      %cond3A = arith.constant 0 : i32
      %cond3A_164 = arith.cmpi ne, %convert_element_type3A, %cond3A : i32
      scf.if %cond3A_164 {
        %mul3A_219 = arith.constant 2 : i32
        %mul3A_220 = arith.muli %mul3A_219, %scan3A_114 : i32
        %add3A_221 = arith.constant 2 : i32
        %add3A_222 = arith.addi %mul3A_220, %add3A_221 : i32
        %add3A_223 = arith.addi %mul3A_58, %add3A_222 : i32
        %mul3A_224 = arith.constant 128 : i32
        %mul3A_225 = arith.muli %add3A_223, %mul3A_224 : i32
        %dma_start3A_226 = arith.constant 0 : i32
        %dma_start3A_227 = tpu.memref_slice %arg4[%mul3A_225, %dma_start3A_226] : memref<409600x128xf32, #tpu.memory_space<hbm>> -> memref<128x128xf32, #tpu.memory_space<hbm>>
        %dma_start3A_228 = arith.constant 0 : i32
        %dma_start3A_229 = tpu.memref_slice %arg4[%mul3A_225, %dma_start3A_228] : memref<409600x128xf32, #tpu.memory_space<hbm>> -> memref<128x128xf32, #tpu.memory_space<hbm>>
        tpu.enqueue_dma source(%dma_start3A_229 : memref<128x128xf32, #tpu.memory_space<hbm>>) target(%arg14 : memref<128x128xf32, #tpu.memory_space<vmem>>) target_semaphore(%arg20 : memref<!tpu.dma_semaphore, #tpu.memory_space<semaphore_mem>>)
        %add3A_230 = arith.addi %mul3A_58, %add3A_222 : i32
        %mul3A_231 = arith.constant 128 : i32
        %mul3A_232 = arith.muli %add3A_230, %mul3A_231 : i32
        %dma_start3A_233 = arith.constant 0 : i32
        %dma_start3A_234 = tpu.memref_slice %arg5[%mul3A_232, %dma_start3A_233] : memref<409600x16xf32, #tpu.memory_space<hbm>> -> memref<128x16xf32, #tpu.memory_space<hbm>>
        %dma_start3A_235 = arith.constant 0 : i32
        %dma_start3A_236 = tpu.memref_slice %arg5[%mul3A_232, %dma_start3A_235] : memref<409600x16xf32, #tpu.memory_space<hbm>> -> memref<128x16xf32, #tpu.memory_space<hbm>>
        tpu.enqueue_dma source(%dma_start3A_236 : memref<128x16xf32, #tpu.memory_space<hbm>>) target(%arg16 : memref<128x16xf32, #tpu.memory_space<vmem>>) target_semaphore(%arg20 : memref<!tpu.dma_semaphore, #tpu.memory_space<semaphore_mem>>)
        %dma_start3A_237 = arith.constant 0 : i32
        %dma_start3A_238 = tpu.memref_slice %arg7[%add3A, %add3A_222, %dma_start3A_237] : memref<32x100x128xi32, #tpu.memory_space<hbm>> -> memref<1x1x128xi32, #tpu.memory_space<hbm>>
        %dma_start3A_239 = tpu.memref_squeeze %dma_start3A_238 : memref<1x1x128xi32, #tpu.memory_space<hbm>> -> memref<1x128xi32, #tpu.memory_space<hbm>>
        %dma_start3A_240 = arith.constant 0 : i32
        %dma_start3A_241 = tpu.memref_slice %arg7[%add3A, %add3A_222, %dma_start3A_240] : memref<32x100x128xi32, #tpu.memory_space<hbm>> -> memref<1x1x128xi32, #tpu.memory_space<hbm>>
        %dma_start3A_242 = tpu.memref_squeeze %dma_start3A_241 : memref<1x1x128xi32, #tpu.memory_space<hbm>> -> memref<1x128xi32, #tpu.memory_space<hbm>>
        tpu.enqueue_dma source(%dma_start3A_242 : memref<1x128xi32, #tpu.memory_space<hbm>>) target(%arg12 : memref<1x128xi32, #tpu.memory_space<vmem>>) target_semaphore(%arg20 : memref<!tpu.dma_semaphore, #tpu.memory_space<semaphore_mem>>)
      } else {
      }
      %dma_wait3A_165 = arith.constant 0 : i32
      %dma_wait3A_166 = arith.constant 0 : i32
      %dma_wait3A_167 = tpu.memref_slice %arg4[%dma_wait3A_165, %dma_wait3A_166] : memref<409600x128xf32, #tpu.memory_space<hbm>> -> memref<128x128xf32, #tpu.memory_space<hbm>>
      %dma_wait3A_168 = arith.constant 0 : i32
      %dma_wait3A_169 = arith.constant 0 : i32
      %dma_wait3A_170 = tpu.memref_slice %arg4[%dma_wait3A_168, %dma_wait3A_169] : memref<409600x128xf32, #tpu.memory_space<hbm>> -> memref<128x128xf32, #tpu.memory_space<hbm>>
      tpu.wait_dma2 semaphore(%arg21 : memref<!tpu.dma_semaphore, #tpu.memory_space<semaphore_mem>>) src(%dma_wait3A_170 : memref<128x128xf32, #tpu.memory_space<hbm>>) dst(%arg15 : memref<128x128xf32, #tpu.memory_space<vmem>>)
      %dma_wait3A_171 = arith.constant 0 : i32
      %dma_wait3A_172 = arith.constant 0 : i32
      %dma_wait3A_173 = tpu.memref_slice %arg5[%dma_wait3A_171, %dma_wait3A_172] : memref<409600x16xf32, #tpu.memory_space<hbm>> -> memref<128x16xf32, #tpu.memory_space<hbm>>
      %dma_wait3A_174 = arith.constant 0 : i32
      %dma_wait3A_175 = arith.constant 0 : i32
      %dma_wait3A_176 = tpu.memref_slice %arg5[%dma_wait3A_174, %dma_wait3A_175] : memref<409600x16xf32, #tpu.memory_space<hbm>> -> memref<128x16xf32, #tpu.memory_space<hbm>>
      tpu.wait_dma2 semaphore(%arg21 : memref<!tpu.dma_semaphore, #tpu.memory_space<semaphore_mem>>) src(%dma_wait3A_176 : memref<128x16xf32, #tpu.memory_space<hbm>>) dst(%arg17 : memref<128x16xf32, #tpu.memory_space<vmem>>)
      %dma_wait3A_177 = arith.constant 0 : i32
      %dma_wait3A_178 = arith.constant 0 : i32
      %dma_wait3A_179 = arith.constant 0 : i32
      %dma_wait3A_180 = tpu.memref_slice %arg7[%dma_wait3A_177, %dma_wait3A_178, %dma_wait3A_179] : memref<32x100x128xi32, #tpu.memory_space<hbm>> -> memref<1x1x128xi32, #tpu.memory_space<hbm>>
      %dma_wait3A_181 = tpu.memref_squeeze %dma_wait3A_180 : memref<1x1x128xi32, #tpu.memory_space<hbm>> -> memref<1x128xi32, #tpu.memory_space<hbm>>
      %dma_wait3A_182 = arith.constant 0 : i32
      %dma_wait3A_183 = arith.constant 0 : i32
      %dma_wait3A_184 = tpu.memref_slice %arg7[%dma_wait3A_177, %dma_wait3A_182, %dma_wait3A_183] : memref<32x100x128xi32, #tpu.memory_space<hbm>> -> memref<1x1x128xi32, #tpu.memory_space<hbm>>
      %dma_wait3A_185 = tpu.memref_squeeze %dma_wait3A_184 : memref<1x1x128xi32, #tpu.memory_space<hbm>> -> memref<1x128xi32, #tpu.memory_space<hbm>>
      tpu.wait_dma2 semaphore(%arg21 : memref<!tpu.dma_semaphore, #tpu.memory_space<semaphore_mem>>) src(%dma_wait3A_185 : memref<1x128xi32, #tpu.memory_space<hbm>>) dst(%arg13 : memref<1x128xi32, #tpu.memory_space<vmem>>)
      %dma_start3A_186 = arith.constant 0 : i32
      %dma_start3A_187 = arith.constant 0 : i32
      %dma_start3A_188 = tpu.memref_slice %arg13[%dma_start3A_186, %dma_start3A_187] : memref<1x128xi32, #tpu.memory_space<vmem>> -> memref<1x128xi32, #tpu.memory_space<vmem>>
      %dma_start3A_189 = tpu.memref_squeeze %dma_start3A_188 : memref<1x128xi32, #tpu.memory_space<vmem>> -> memref<128xi32, #tpu.memory_space<vmem>>
      %dma_start3A_190 = arith.constant 0 : i32
      %dma_start3A_191 = arith.constant 0 : i32
      %dma_start3A_192 = tpu.memref_slice %arg18[%dma_start3A_190, %dma_start3A_191] : memref<10112x128xf32, #tpu.memory_space<vmem_shared>> -> memref<10112x128xf32, #tpu.memory_space<vmem_shared>>
      tpu.enqueue_indirect_dma source(%arg15 : memref<128x128xf32, #tpu.memory_space<vmem>>) target(%dma_start3A_192 : memref<10112x128xf32, #tpu.memory_space<vmem_shared>>) offsets(%dma_start3A_189 : memref<128xi32, #tpu.memory_space<vmem>>) semaphore(%arg23 : memref<!tpu.dma_semaphore, #tpu.memory_space<semaphore_mem>>) {add = true}
      %dma_start3A_193 = arith.constant 0 : i32
      %dma_start3A_194 = arith.constant 0 : i32
      %dma_start3A_195 = tpu.memref_slice %arg13[%dma_start3A_193, %dma_start3A_194] : memref<1x128xi32, #tpu.memory_space<vmem>> -> memref<1x128xi32, #tpu.memory_space<vmem>>
      %dma_start3A_196 = tpu.memref_squeeze %dma_start3A_195 : memref<1x128xi32, #tpu.memory_space<vmem>> -> memref<128xi32, #tpu.memory_space<vmem>>
      %dma_start3A_197 = arith.constant 0 : i32
      %dma_start3A_198 = arith.constant 0 : i32
      %dma_start3A_199 = tpu.memref_slice %arg19[%dma_start3A_197, %dma_start3A_198] : memref<10112x16xf32, #tpu.memory_space<vmem_shared>> -> memref<10112x16xf32, #tpu.memory_space<vmem_shared>>
      tpu.enqueue_indirect_dma source(%arg17 : memref<128x16xf32, #tpu.memory_space<vmem>>) target(%dma_start3A_199 : memref<10112x16xf32, #tpu.memory_space<vmem_shared>>) offsets(%dma_start3A_196 : memref<128xi32, #tpu.memory_space<vmem>>) semaphore(%arg23 : memref<!tpu.dma_semaphore, #tpu.memory_space<semaphore_mem>>) {add = true}
      %dma_wait3A_200 = arith.constant 0 : i32
      %dma_wait3A_201 = arith.constant 0 : i32
      %dma_wait3A_202 = tpu.memref_slice %arg13[%dma_wait3A_200, %dma_wait3A_201] : memref<1x128xi32, #tpu.memory_space<vmem>> -> memref<1x128xi32, #tpu.memory_space<vmem>>
      %dma_wait3A_203 = tpu.memref_squeeze %dma_wait3A_202 : memref<1x128xi32, #tpu.memory_space<vmem>> -> memref<128xi32, #tpu.memory_space<vmem>>
      %dma_wait3A_204 = arith.constant 0 : i32
      %dma_wait3A_205 = arith.constant 0 : i32
      %dma_wait3A_206 = tpu.memref_slice %arg18[%dma_wait3A_204, %dma_wait3A_205] : memref<10112x128xf32, #tpu.memory_space<vmem_shared>> -> memref<10112x128xf32, #tpu.memory_space<vmem_shared>>
      tpu.wait_indirect_dma semaphore(%arg23 : memref<!tpu.dma_semaphore, #tpu.memory_space<semaphore_mem>>) src(%arg15 : memref<128x128xf32, #tpu.memory_space<vmem>>) dst(%dma_wait3A_206 : memref<10112x128xf32, #tpu.memory_space<vmem_shared>>)
      %dma_wait3A_207 = arith.constant 0 : i32
      %dma_wait3A_208 = arith.constant 0 : i32
      %dma_wait3A_209 = tpu.memref_slice %arg13[%dma_wait3A_207, %dma_wait3A_208] : memref<1x128xi32, #tpu.memory_space<vmem>> -> memref<1x128xi32, #tpu.memory_space<vmem>>
      %dma_wait3A_210 = tpu.memref_squeeze %dma_wait3A_209 : memref<1x128xi32, #tpu.memory_space<vmem>> -> memref<128xi32, #tpu.memory_space<vmem>>
      %dma_wait3A_211 = arith.constant 0 : i32
      %dma_wait3A_212 = arith.constant 0 : i32
      %dma_wait3A_213 = tpu.memref_slice %arg19[%dma_wait3A_211, %dma_wait3A_212] : memref<10112x16xf32, #tpu.memory_space<vmem_shared>> -> memref<10112x16xf32, #tpu.memory_space<vmem_shared>>
      tpu.wait_indirect_dma semaphore(%arg23 : memref<!tpu.dma_semaphore, #tpu.memory_space<semaphore_mem>>) src(%arg17 : memref<128x16xf32, #tpu.memory_space<vmem>>) dst(%dma_wait3A_213 : memref<10112x16xf32, #tpu.memory_space<vmem_shared>>)
      %lt3A_214 = arith.constant 49 : i32
      %lt3A_215 = arith.cmpi slt, %scan3A_114, %lt3A_214 : i32
      %convert_element_type3A_216 = arith.extui %lt3A_215 : i1 to i32
      %cond3A_217 = arith.constant 0 : i32
      %cond3A_218 = arith.cmpi ne, %convert_element_type3A_216, %cond3A_217 : i32
      scf.if %cond3A_218 {
        %mul3A_219 = arith.constant 2 : i32
        %mul3A_220 = arith.muli %mul3A_219, %scan3A_114 : i32
        %add3A_221 = arith.constant 3 : i32
        %add3A_222 = arith.addi %mul3A_220, %add3A_221 : i32
        %add3A_223 = arith.addi %mul3A_58, %add3A_222 : i32
        %mul3A_224 = arith.constant 128 : i32
        %mul3A_225 = arith.muli %add3A_223, %mul3A_224 : i32
        %dma_start3A_226 = arith.constant 0 : i32
        %dma_start3A_227 = tpu.memref_slice %arg4[%mul3A_225, %dma_start3A_226] : memref<409600x128xf32, #tpu.memory_space<hbm>> -> memref<128x128xf32, #tpu.memory_space<hbm>>
        %dma_start3A_228 = arith.constant 0 : i32
        %dma_start3A_229 = tpu.memref_slice %arg4[%mul3A_225, %dma_start3A_228] : memref<409600x128xf32, #tpu.memory_space<hbm>> -> memref<128x128xf32, #tpu.memory_space<hbm>>
        tpu.enqueue_dma source(%dma_start3A_229 : memref<128x128xf32, #tpu.memory_space<hbm>>) target(%arg15 : memref<128x128xf32, #tpu.memory_space<vmem>>) target_semaphore(%arg21 : memref<!tpu.dma_semaphore, #tpu.memory_space<semaphore_mem>>)
        %add3A_230 = arith.addi %mul3A_58, %add3A_222 : i32
        %mul3A_231 = arith.constant 128 : i32
        %mul3A_232 = arith.muli %add3A_230, %mul3A_231 : i32
        %dma_start3A_233 = arith.constant 0 : i32
        %dma_start3A_234 = tpu.memref_slice %arg5[%mul3A_232, %dma_start3A_233] : memref<409600x16xf32, #tpu.memory_space<hbm>> -> memref<128x16xf32, #tpu.memory_space<hbm>>
        %dma_start3A_235 = arith.constant 0 : i32
        %dma_start3A_236 = tpu.memref_slice %arg5[%mul3A_232, %dma_start3A_235] : memref<409600x16xf32, #tpu.memory_space<hbm>> -> memref<128x16xf32, #tpu.memory_space<hbm>>
        tpu.enqueue_dma source(%dma_start3A_236 : memref<128x16xf32, #tpu.memory_space<hbm>>) target(%arg17 : memref<128x16xf32, #tpu.memory_space<vmem>>) target_semaphore(%arg21 : memref<!tpu.dma_semaphore, #tpu.memory_space<semaphore_mem>>)
        %dma_start3A_237 = arith.constant 0 : i32
        %dma_start3A_238 = tpu.memref_slice %arg7[%add3A, %add3A_222, %dma_start3A_237] : memref<32x100x128xi32, #tpu.memory_space<hbm>> -> memref<1x1x128xi32, #tpu.memory_space<hbm>>
        %dma_start3A_239 = tpu.memref_squeeze %dma_start3A_238 : memref<1x1x128xi32, #tpu.memory_space<hbm>> -> memref<1x128xi32, #tpu.memory_space<hbm>>
        %dma_start3A_240 = arith.constant 0 : i32
        %dma_start3A_241 = tpu.memref_slice %arg7[%add3A, %add3A_222, %dma_start3A_240] : memref<32x100x128xi32, #tpu.memory_space<hbm>> -> memref<1x1x128xi32, #tpu.memory_space<hbm>>
        %dma_start3A_242 = tpu.memref_squeeze %dma_start3A_241 : memref<1x1x128xi32, #tpu.memory_space<hbm>> -> memref<1x128xi32, #tpu.memory_space<hbm>>
        tpu.enqueue_dma source(%dma_start3A_242 : memref<1x128xi32, #tpu.memory_space<hbm>>) target(%arg13 : memref<1x128xi32, #tpu.memory_space<vmem>>) target_semaphore(%arg21 : memref<!tpu.dma_semaphore, #tpu.memory_space<semaphore_mem>>)
      } else {
      }
    }
    %scan3A_112 = arith.constant 50 : i32
    %barrier3A_113 = arith.constant 0 : index
    tpu.barrier barrier_id(%barrier3A_113)
    "tpu.region"() ({
      %run_scoped3A = tpu.sem_alloc : memref<!tpu.dma_semaphore, #tpu.memory_space<semaphore_mem>>
      %dma_start3A_114 = arith.constant 0 : i32
      %dma_start3A_115 = tpu.memref_slice %arg10[%arg0, %mul3A_2, %dma_start3A_114] : memref<2x10112x128xf32, #tpu.memory_space<hbm>> -> memref<1x632x128xf32, #tpu.memory_space<hbm>>
      %dma_start3A_116 = tpu.memref_squeeze %dma_start3A_115 : memref<1x632x128xf32, #tpu.memory_space<hbm>> -> memref<632x128xf32, #tpu.memory_space<hbm>>
      %dma_start3A_117 = arith.constant 0 : i32
      %dma_start3A_118 = tpu.memref_slice %arg18[%mul3A_2, %dma_start3A_117] : memref<10112x128xf32, #tpu.memory_space<vmem_shared>> -> memref<632x128xf32, #tpu.memory_space<vmem_shared>>
      tpu.enqueue_dma source(%dma_start3A_118 : memref<632x128xf32, #tpu.memory_space<vmem_shared>>) target(%dma_start3A_116 : memref<632x128xf32, #tpu.memory_space<hbm>>) target_semaphore(%run_scoped3A : memref<!tpu.dma_semaphore, #tpu.memory_space<semaphore_mem>>)
      %dma_wait3A = arith.constant 0 : i32
      %dma_wait3A_119 = tpu.memref_slice %arg10[%arg0, %mul3A_2, %dma_wait3A] : memref<2x10112x128xf32, #tpu.memory_space<hbm>> -> memref<1x632x128xf32, #tpu.memory_space<hbm>>
      %dma_wait3A_120 = tpu.memref_squeeze %dma_wait3A_119 : memref<1x632x128xf32, #tpu.memory_space<hbm>> -> memref<632x128xf32, #tpu.memory_space<hbm>>
      %dma_wait3A_121 = arith.constant 0 : i32
      %dma_wait3A_122 = tpu.memref_slice %arg18[%mul3A_2, %dma_wait3A_121] : memref<10112x128xf32, #tpu.memory_space<vmem_shared>> -> memref<632x128xf32, #tpu.memory_space<vmem_shared>>
      tpu.wait_dma2 semaphore(%run_scoped3A : memref<!tpu.dma_semaphore, #tpu.memory_space<semaphore_mem>>) src(%dma_wait3A_122 : memref<632x128xf32, #tpu.memory_space<vmem_shared>>) dst(%dma_wait3A_120 : memref<632x128xf32, #tpu.memory_space<hbm>>)
      tpu.yield
    }) : () -> ()
    "tpu.region"() ({
      %run_scoped3A = tpu.sem_alloc : memref<!tpu.dma_semaphore, #tpu.memory_space<semaphore_mem>>
      %dma_start3A_114 = arith.constant 0 : i32
      %dma_start3A_115 = tpu.memref_slice %arg11[%arg0, %mul3A_2, %dma_start3A_114] : memref<2x10112x16xf32, #tpu.memory_space<hbm>> -> memref<1x632x16xf32, #tpu.memory_space<hbm>>
      %dma_start3A_116 = tpu.memref_squeeze %dma_start3A_115 : memref<1x632x16xf32, #tpu.memory_space<hbm>> -> memref<632x16xf32, #tpu.memory_space<hbm>>
      %dma_start3A_117 = arith.constant 0 : i32
      %dma_start3A_118 = tpu.memref_slice %arg19[%mul3A_2, %dma_start3A_117] : memref<10112x16xf32, #tpu.memory_space<vmem_shared>> -> memref<632x16xf32, #tpu.memory_space<vmem_shared>>
      tpu.enqueue_dma source(%dma_start3A_118 : memref<632x16xf32, #tpu.memory_space<vmem_shared>>) target(%dma_start3A_116 : memref<632x16xf32, #tpu.memory_space<hbm>>) target_semaphore(%run_scoped3A : memref<!tpu.dma_semaphore, #tpu.memory_space<semaphore_mem>>)
      %dma_wait3A = arith.constant 0 : i32
      %dma_wait3A_119 = tpu.memref_slice %arg11[%arg0, %mul3A_2, %dma_wait3A] : memref<2x10112x16xf32, #tpu.memory_space<hbm>> -> memref<1x632x16xf32, #tpu.memory_space<hbm>>
      %dma_wait3A_120 = tpu.memref_squeeze %dma_wait3A_119 : memref<1x632x16xf32, #tpu.memory_space<hbm>> -> memref<632x16xf32, #tpu.memory_space<hbm>>
      %dma_wait3A_121 = arith.constant 0 : i32
      %dma_wait3A_122 = tpu.memref_slice %arg19[%mul3A_2, %dma_wait3A_121] : memref<10112x16xf32, #tpu.memory_space<vmem_shared>> -> memref<632x16xf32, #tpu.memory_space<vmem_shared>>
      tpu.wait_dma2 semaphore(%run_scoped3A : memref<!tpu.dma_semaphore, #tpu.memory_space<semaphore_mem>>) src(%dma_wait3A_122 : memref<632x16xf32, #tpu.memory_space<vmem_shared>>) dst(%dma_wait3A_120 : memref<632x16xf32, #tpu.memory_space<hbm>>)
      tpu.yield
    }) : () -> ()
    return
  }
}

#map = affine_map<(d0, d1) -> (0, 0)>
module attributes {stable_mosaic.version = 14 : i64} {
  func.func @_gather_kernel(%arg0: i32, %arg1: i32, %arg2: memref<10000x128xf32, #tpu.memory_space<hbm>>, %arg3: memref<40000x128xf32, #tpu.memory_space<hbm>>, %arg4: memref<10000x16xf32, #tpu.memory_space<hbm>>, %arg5: memref<40000x16xf32, #tpu.memory_space<hbm>>, %arg6: memref<1280x128xi32, #tpu.memory_space<hbm>>, %arg7: memref<1280x128xi32, #tpu.memory_space<hbm>>, %arg8: memref<3200x128xi32, #tpu.memory_space<hbm>>, %arg9: memref<3200x128xi32, #tpu.memory_space<hbm>>, %arg10: memref<163840x128xf32, #tpu.memory_space<hbm>>, %arg11: memref<163840x128xf32, #tpu.memory_space<hbm>>, %arg12: memref<163840x16xf32, #tpu.memory_space<hbm>>, %arg13: memref<163840x16xf32, #tpu.memory_space<hbm>>, %arg14: memref<409600x128xf32, #tpu.memory_space<hbm>>, %arg15: memref<409600x128xf32, #tpu.memory_space<hbm>>, %arg16: memref<409600x16xf32, #tpu.memory_space<hbm>>, %arg17: memref<409600x16xf32, #tpu.memory_space<hbm>>, %arg18: memref<1x128xi32, #tpu.memory_space<vmem>>, %arg19: memref<1x128xi32, #tpu.memory_space<vmem>>, %arg20: memref<128x128xf32, #tpu.memory_space<vmem>>, %arg21: memref<128x128xf32, #tpu.memory_space<vmem>>, %arg22: memref<128x16xf32, #tpu.memory_space<vmem>>, %arg23: memref<128x16xf32, #tpu.memory_space<vmem>>, %arg24: memref<10000x128xf32, #tpu.memory_space<vmem_shared>>, %arg25: memref<10000x16xf32, #tpu.memory_space<vmem_shared>>, %arg26: memref<!tpu.dma_semaphore, #tpu.memory_space<semaphore_mem>>, %arg27: memref<!tpu.dma_semaphore, #tpu.memory_space<semaphore_mem>>, %arg28: memref<!tpu.dma_semaphore, #tpu.memory_space<semaphore_mem>>, %arg29: memref<!tpu.dma_semaphore, #tpu.memory_space<semaphore_mem>>, %arg30: memref<!tpu.dma_semaphore, #tpu.memory_space<semaphore_mem>>, %arg31: memref<!tpu.dma_semaphore, #tpu.memory_space<semaphore_mem>>) attributes {dimension_semantics = [#tpu.dimension_semantics<core_parallel>, #tpu.dimension_semantics<subcore_parallel>], iteration_bounds = array<i64: 2, 16>, scalar_prefetch = 0 : i64, scratch_operands = 14 : i64, tpu.core_type = #tpu.core_type<sc_vector_subcore>, window_params = [{transform_indices = #map}, {transform_indices = #map}, {transform_indices = #map}, {transform_indices = #map}, {transform_indices = #map}, {transform_indices = #map}, {transform_indices = #map}, {transform_indices = #map}, {transform_indices = #map}, {transform_indices = #map}, {transform_indices = #map}, {transform_indices = #map}, {transform_indices = #map}, {transform_indices = #map}, {transform_indices = #map}, {transform_indices = #map}]} {
    %mul3A = arith.constant 2 : i32
    %mul3A_0 = arith.muli %arg1, %mul3A : i32
    %add3A = arith.addi %mul3A_0, %arg0 : i32
    %lt3A = arith.constant 15 : i32
    %lt3A_1 = arith.cmpi slt, %arg1, %lt3A : i32
    %convert_element_type3A = arith.extui %lt3A_1 : i1 to i32
    %cond3A = arith.constant 0 : i32
    %cond3A_2 = arith.cmpi ne, %convert_element_type3A, %cond3A : i32
    scf.if %cond3A_2 {
      %mul3A_146 = arith.constant 632 : i32
      %mul3A_147 = arith.muli %arg1, %mul3A_146 : i32
      %mul3A_148 = arith.constant 632 : i32
      %mul3A_149 = arith.muli %arg1, %mul3A_148 : i32
      "tpu.region"() ({
        %run_scoped3A = tpu.sem_alloc : memref<!tpu.dma_semaphore, #tpu.memory_space<semaphore_mem>>
        %dma_start3A_154 = arith.constant 0 : i32
        %dma_start3A_155 = tpu.memref_slice %arg24[%mul3A_149, %dma_start3A_154] : memref<10000x128xf32, #tpu.memory_space<vmem_shared>> -> memref<632x128xf32, #tpu.memory_space<vmem_shared>>
        %dma_start3A_156 = arith.constant 0 : i32
        %dma_start3A_157 = tpu.memref_slice %arg2[%mul3A_147, %dma_start3A_156] : memref<10000x128xf32, #tpu.memory_space<hbm>> -> memref<632x128xf32, #tpu.memory_space<hbm>>
        tpu.enqueue_dma source(%dma_start3A_157 : memref<632x128xf32, #tpu.memory_space<hbm>>) target(%dma_start3A_155 : memref<632x128xf32, #tpu.memory_space<vmem_shared>>) target_semaphore(%run_scoped3A : memref<!tpu.dma_semaphore, #tpu.memory_space<semaphore_mem>>)
        %dma_wait3A_158 = arith.constant 0 : i32
        %dma_wait3A_159 = tpu.memref_slice %arg24[%mul3A_149, %dma_wait3A_158] : memref<10000x128xf32, #tpu.memory_space<vmem_shared>> -> memref<632x128xf32, #tpu.memory_space<vmem_shared>>
        %dma_wait3A_160 = arith.constant 0 : i32
        %dma_wait3A_161 = tpu.memref_slice %arg2[%mul3A_147, %dma_wait3A_160] : memref<10000x128xf32, #tpu.memory_space<hbm>> -> memref<632x128xf32, #tpu.memory_space<hbm>>
        tpu.wait_dma2 semaphore(%run_scoped3A : memref<!tpu.dma_semaphore, #tpu.memory_space<semaphore_mem>>) src(%dma_wait3A_161 : memref<632x128xf32, #tpu.memory_space<hbm>>) dst(%dma_wait3A_159 : memref<632x128xf32, #tpu.memory_space<vmem_shared>>)
        tpu.yield
      }) : () -> ()
      %mul3A_150 = arith.constant 632 : i32
      %mul3A_151 = arith.muli %arg1, %mul3A_150 : i32
      %mul3A_152 = arith.constant 632 : i32
      %mul3A_153 = arith.muli %arg1, %mul3A_152 : i32
      "tpu.region"() ({
        %run_scoped3A = tpu.sem_alloc : memref<!tpu.dma_semaphore, #tpu.memory_space<semaphore_mem>>
        %dma_start3A_154 = arith.constant 0 : i32
        %dma_start3A_155 = tpu.memref_slice %arg25[%mul3A_153, %dma_start3A_154] : memref<10000x16xf32, #tpu.memory_space<vmem_shared>> -> memref<632x16xf32, #tpu.memory_space<vmem_shared>>
        %dma_start3A_156 = arith.constant 0 : i32
        %dma_start3A_157 = tpu.memref_slice %arg4[%mul3A_151, %dma_start3A_156] : memref<10000x16xf32, #tpu.memory_space<hbm>> -> memref<632x16xf32, #tpu.memory_space<hbm>>
        tpu.enqueue_dma source(%dma_start3A_157 : memref<632x16xf32, #tpu.memory_space<hbm>>) target(%dma_start3A_155 : memref<632x16xf32, #tpu.memory_space<vmem_shared>>) target_semaphore(%run_scoped3A : memref<!tpu.dma_semaphore, #tpu.memory_space<semaphore_mem>>)
        %dma_wait3A_158 = arith.constant 0 : i32
        %dma_wait3A_159 = tpu.memref_slice %arg25[%mul3A_153, %dma_wait3A_158] : memref<10000x16xf32, #tpu.memory_space<vmem_shared>> -> memref<632x16xf32, #tpu.memory_space<vmem_shared>>
        %dma_wait3A_160 = arith.constant 0 : i32
        %dma_wait3A_161 = tpu.memref_slice %arg4[%mul3A_151, %dma_wait3A_160] : memref<10000x16xf32, #tpu.memory_space<hbm>> -> memref<632x16xf32, #tpu.memory_space<hbm>>
        tpu.wait_dma2 semaphore(%run_scoped3A : memref<!tpu.dma_semaphore, #tpu.memory_space<semaphore_mem>>) src(%dma_wait3A_161 : memref<632x16xf32, #tpu.memory_space<hbm>>) dst(%dma_wait3A_159 : memref<632x16xf32, #tpu.memory_space<vmem_shared>>)
        tpu.yield
      }) : () -> ()
    } else {
    }
    %eq3A = arith.constant 15 : i32
    %eq3A_3 = arith.cmpi eq, %arg1, %eq3A : i32
    %convert_element_type3A_4 = arith.extui %eq3A_3 : i1 to i32
    %cond3A_5 = arith.constant 0 : i32
    %cond3A_6 = arith.cmpi ne, %convert_element_type3A_4, %cond3A_5 : i32
    scf.if %cond3A_6 {
      "tpu.region"() ({
        %run_scoped3A = tpu.sem_alloc : memref<!tpu.dma_semaphore, #tpu.memory_space<semaphore_mem>>
        %dma_start3A_146 = arith.constant 9480 : i32
        %dma_start3A_147 = arith.constant 0 : i32
        %dma_start3A_148 = tpu.memref_slice %arg24[%dma_start3A_146, %dma_start3A_147] : memref<10000x128xf32, #tpu.memory_space<vmem_shared>> -> memref<520x128xf32, #tpu.memory_space<vmem_shared>>
        %dma_start3A_149 = arith.constant 9480 : i32
        %dma_start3A_150 = arith.constant 0 : i32
        %dma_start3A_151 = tpu.memref_slice %arg2[%dma_start3A_149, %dma_start3A_150] : memref<10000x128xf32, #tpu.memory_space<hbm>> -> memref<520x128xf32, #tpu.memory_space<hbm>>
        tpu.enqueue_dma source(%dma_start3A_151 : memref<520x128xf32, #tpu.memory_space<hbm>>) target(%dma_start3A_148 : memref<520x128xf32, #tpu.memory_space<vmem_shared>>) target_semaphore(%run_scoped3A : memref<!tpu.dma_semaphore, #tpu.memory_space<semaphore_mem>>)
        %dma_wait3A_152 = arith.constant 9480 : i32
        %dma_wait3A_153 = arith.constant 0 : i32
        %dma_wait3A_154 = tpu.memref_slice %arg24[%dma_wait3A_152, %dma_wait3A_153] : memref<10000x128xf32, #tpu.memory_space<vmem_shared>> -> memref<520x128xf32, #tpu.memory_space<vmem_shared>>
        %dma_wait3A_155 = arith.constant 9480 : i32
        %dma_wait3A_156 = arith.constant 0 : i32
        %dma_wait3A_157 = tpu.memref_slice %arg2[%dma_wait3A_155, %dma_wait3A_156] : memref<10000x128xf32, #tpu.memory_space<hbm>> -> memref<520x128xf32, #tpu.memory_space<hbm>>
        tpu.wait_dma2 semaphore(%run_scoped3A : memref<!tpu.dma_semaphore, #tpu.memory_space<semaphore_mem>>) src(%dma_wait3A_157 : memref<520x128xf32, #tpu.memory_space<hbm>>) dst(%dma_wait3A_154 : memref<520x128xf32, #tpu.memory_space<vmem_shared>>)
        tpu.yield
      }) : () -> ()
      "tpu.region"() ({
        %run_scoped3A = tpu.sem_alloc : memref<!tpu.dma_semaphore, #tpu.memory_space<semaphore_mem>>
        %dma_start3A_146 = arith.constant 9480 : i32
        %dma_start3A_147 = arith.constant 0 : i32
        %dma_start3A_148 = tpu.memref_slice %arg25[%dma_start3A_146, %dma_start3A_147] : memref<10000x16xf32, #tpu.memory_space<vmem_shared>> -> memref<520x16xf32, #tpu.memory_space<vmem_shared>>
        %dma_start3A_149 = arith.constant 9480 : i32
        %dma_start3A_150 = arith.constant 0 : i32
        %dma_start3A_151 = tpu.memref_slice %arg4[%dma_start3A_149, %dma_start3A_150] : memref<10000x16xf32, #tpu.memory_space<hbm>> -> memref<520x16xf32, #tpu.memory_space<hbm>>
        tpu.enqueue_dma source(%dma_start3A_151 : memref<520x16xf32, #tpu.memory_space<hbm>>) target(%dma_start3A_148 : memref<520x16xf32, #tpu.memory_space<vmem_shared>>) target_semaphore(%run_scoped3A : memref<!tpu.dma_semaphore, #tpu.memory_space<semaphore_mem>>)
        %dma_wait3A_152 = arith.constant 9480 : i32
        %dma_wait3A_153 = arith.constant 0 : i32
        %dma_wait3A_154 = tpu.memref_slice %arg25[%dma_wait3A_152, %dma_wait3A_153] : memref<10000x16xf32, #tpu.memory_space<vmem_shared>> -> memref<520x16xf32, #tpu.memory_space<vmem_shared>>
        %dma_wait3A_155 = arith.constant 9480 : i32
        %dma_wait3A_156 = arith.constant 0 : i32
        %dma_wait3A_157 = tpu.memref_slice %arg4[%dma_wait3A_155, %dma_wait3A_156] : memref<10000x16xf32, #tpu.memory_space<hbm>> -> memref<520x16xf32, #tpu.memory_space<hbm>>
        tpu.wait_dma2 semaphore(%run_scoped3A : memref<!tpu.dma_semaphore, #tpu.memory_space<semaphore_mem>>) src(%dma_wait3A_157 : memref<520x16xf32, #tpu.memory_space<hbm>>) dst(%dma_wait3A_154 : memref<520x16xf32, #tpu.memory_space<vmem_shared>>)
        tpu.yield
      }) : () -> ()
    } else {
    }
    %barrier3A = arith.constant 0 : index
    tpu.barrier barrier_id(%barrier3A)
    %mul3A_7 = arith.constant 40 : i32
    %mul3A_8 = arith.muli %add3A, %mul3A_7 : i32
    %add3A_9 = arith.constant 0 : i32
    %add3A_10 = arith.addi %mul3A_8, %add3A_9 : i32
    %dma_start3A = arith.constant 0 : i32
    %dma_start3A_11 = tpu.memref_slice %arg6[%add3A_10, %dma_start3A] : memref<1280x128xi32, #tpu.memory_space<hbm>> -> memref<1x128xi32, #tpu.memory_space<hbm>>
    %dma_start3A_12 = arith.constant 0 : i32
    %dma_start3A_13 = tpu.memref_slice %arg6[%add3A_10, %dma_start3A_12] : memref<1280x128xi32, #tpu.memory_space<hbm>> -> memref<1x128xi32, #tpu.memory_space<hbm>>
    tpu.enqueue_dma source(%dma_start3A_13 : memref<1x128xi32, #tpu.memory_space<hbm>>) target(%arg18 : memref<1x128xi32, #tpu.memory_space<vmem>>) target_semaphore(%arg26 : memref<!tpu.dma_semaphore, #tpu.memory_space<semaphore_mem>>)
    %add3A_14 = arith.constant 1 : i32
    %add3A_15 = arith.addi %mul3A_8, %add3A_14 : i32
    %dma_start3A_16 = arith.constant 0 : i32
    %dma_start3A_17 = tpu.memref_slice %arg6[%add3A_15, %dma_start3A_16] : memref<1280x128xi32, #tpu.memory_space<hbm>> -> memref<1x128xi32, #tpu.memory_space<hbm>>
    %dma_start3A_18 = arith.constant 0 : i32
    %dma_start3A_19 = tpu.memref_slice %arg6[%add3A_15, %dma_start3A_18] : memref<1280x128xi32, #tpu.memory_space<hbm>> -> memref<1x128xi32, #tpu.memory_space<hbm>>
    tpu.enqueue_dma source(%dma_start3A_19 : memref<1x128xi32, #tpu.memory_space<hbm>>) target(%arg19 : memref<1x128xi32, #tpu.memory_space<vmem>>) target_semaphore(%arg27 : memref<!tpu.dma_semaphore, #tpu.memory_space<semaphore_mem>>)
    %scan3A = arith.constant 0 : i32
    %scan3A_20 = arith.constant 0 : i32
    %scan3A_21 = arith.constant 20 : i32
    %scan3A_22 = arith.addi %scan3A_20, %scan3A_21 : i32
    %scan3A_23 = arith.constant 1 : i32
    scf.for %scan3A_146 = %scan3A_20 to %scan3A_22 step %scan3A_23  : i32 {
      %dma_wait3A_147 = arith.constant 0 : i32
      %dma_wait3A_148 = arith.constant 0 : i32
      %dma_wait3A_149 = tpu.memref_slice %arg6[%dma_wait3A_147, %dma_wait3A_148] : memref<1280x128xi32, #tpu.memory_space<hbm>> -> memref<1x128xi32, #tpu.memory_space<hbm>>
      %dma_wait3A_150 = arith.constant 0 : i32
      %dma_wait3A_151 = arith.constant 0 : i32
      %dma_wait3A_152 = tpu.memref_slice %arg6[%dma_wait3A_150, %dma_wait3A_151] : memref<1280x128xi32, #tpu.memory_space<hbm>> -> memref<1x128xi32, #tpu.memory_space<hbm>>
      tpu.wait_dma2 semaphore(%arg26 : memref<!tpu.dma_semaphore, #tpu.memory_space<semaphore_mem>>) src(%dma_wait3A_152 : memref<1x128xi32, #tpu.memory_space<hbm>>) dst(%arg18 : memref<1x128xi32, #tpu.memory_space<vmem>>)
      %gt3A = arith.constant 0 : i32
      %gt3A_153 = arith.cmpi sgt, %scan3A_146, %gt3A : i32
      %convert_element_type3A_154 = arith.extui %gt3A_153 : i1 to i32
      %cond3A_155 = arith.constant 0 : i32
      %cond3A_156 = arith.cmpi ne, %convert_element_type3A_154, %cond3A_155 : i32
      scf.if %cond3A_156 {
        %dma_wait3A_268 = arith.constant 0 : i32
        %dma_wait3A_269 = arith.constant 0 : i32
        %dma_wait3A_270 = tpu.memref_slice %arg10[%dma_wait3A_268, %dma_wait3A_269] : memref<163840x128xf32, #tpu.memory_space<hbm>> -> memref<128x128xf32, #tpu.memory_space<hbm>>
        %dma_wait3A_271 = arith.constant 0 : i32
        %dma_wait3A_272 = arith.constant 0 : i32
        %dma_wait3A_273 = tpu.memref_slice %arg10[%dma_wait3A_271, %dma_wait3A_272] : memref<163840x128xf32, #tpu.memory_space<hbm>> -> memref<128x128xf32, #tpu.memory_space<hbm>>
        tpu.wait_dma2 semaphore(%arg30 : memref<!tpu.dma_semaphore, #tpu.memory_space<semaphore_mem>>) src(%arg20 : memref<128x128xf32, #tpu.memory_space<vmem>>) dst(%dma_wait3A_273 : memref<128x128xf32, #tpu.memory_space<hbm>>)
        %dma_wait3A_274 = arith.constant 0 : i32
        %dma_wait3A_275 = arith.constant 0 : i32
        %dma_wait3A_276 = tpu.memref_slice %arg12[%dma_wait3A_274, %dma_wait3A_275] : memref<163840x16xf32, #tpu.memory_space<hbm>> -> memref<128x16xf32, #tpu.memory_space<hbm>>
        %dma_wait3A_277 = arith.constant 0 : i32
        %dma_wait3A_278 = arith.constant 0 : i32
        %dma_wait3A_279 = tpu.memref_slice %arg12[%dma_wait3A_277, %dma_wait3A_278] : memref<163840x16xf32, #tpu.memory_space<hbm>> -> memref<128x16xf32, #tpu.memory_space<hbm>>
        tpu.wait_dma2 semaphore(%arg30 : memref<!tpu.dma_semaphore, #tpu.memory_space<semaphore_mem>>) src(%arg22 : memref<128x16xf32, #tpu.memory_space<vmem>>) dst(%dma_wait3A_279 : memref<128x16xf32, #tpu.memory_space<hbm>>)
      } else {
      }
      %dma_start3A_157 = arith.constant 0 : i32
      %dma_start3A_158 = arith.constant 0 : i32
      %dma_start3A_159 = tpu.memref_slice %arg18[%dma_start3A_157, %dma_start3A_158] : memref<1x128xi32, #tpu.memory_space<vmem>> -> memref<1x128xi32, #tpu.memory_space<vmem>>
      %dma_start3A_160 = tpu.memref_squeeze %dma_start3A_159 : memref<1x128xi32, #tpu.memory_space<vmem>> -> memref<128xi32, #tpu.memory_space<vmem>>
      %dma_start3A_161 = arith.constant 0 : i32
      %dma_start3A_162 = arith.constant 0 : i32
      %dma_start3A_163 = tpu.memref_slice %arg24[%dma_start3A_161, %dma_start3A_162] : memref<10000x128xf32, #tpu.memory_space<vmem_shared>> -> memref<10000x128xf32, #tpu.memory_space<vmem_shared>>
      tpu.enqueue_indirect_dma source(%dma_start3A_163 : memref<10000x128xf32, #tpu.memory_space<vmem_shared>>) target(%arg20 : memref<128x128xf32, #tpu.memory_space<vmem>>) offsets(%dma_start3A_160 : memref<128xi32, #tpu.memory_space<vmem>>) semaphore(%arg28 : memref<!tpu.dma_semaphore, #tpu.memory_space<semaphore_mem>>)
      %dma_start3A_164 = arith.constant 0 : i32
      %dma_start3A_165 = arith.constant 0 : i32
      %dma_start3A_166 = tpu.memref_slice %arg18[%dma_start3A_164, %dma_start3A_165] : memref<1x128xi32, #tpu.memory_space<vmem>> -> memref<1x128xi32, #tpu.memory_space<vmem>>
      %dma_start3A_167 = tpu.memref_squeeze %dma_start3A_166 : memref<1x128xi32, #tpu.memory_space<vmem>> -> memref<128xi32, #tpu.memory_space<vmem>>
      %dma_start3A_168 = arith.constant 0 : i32
      %dma_start3A_169 = arith.constant 0 : i32
      %dma_start3A_170 = tpu.memref_slice %arg25[%dma_start3A_168, %dma_start3A_169] : memref<10000x16xf32, #tpu.memory_space<vmem_shared>> -> memref<10000x16xf32, #tpu.memory_space<vmem_shared>>
      tpu.enqueue_indirect_dma source(%dma_start3A_170 : memref<10000x16xf32, #tpu.memory_space<vmem_shared>>) target(%arg22 : memref<128x16xf32, #tpu.memory_space<vmem>>) offsets(%dma_start3A_167 : memref<128xi32, #tpu.memory_space<vmem>>) semaphore(%arg28 : memref<!tpu.dma_semaphore, #tpu.memory_space<semaphore_mem>>)
      %dma_wait3A_171 = arith.constant 0 : i32
      %dma_wait3A_172 = arith.constant 0 : i32
      %dma_wait3A_173 = tpu.memref_slice %arg6[%dma_wait3A_171, %dma_wait3A_172] : memref<1280x128xi32, #tpu.memory_space<hbm>> -> memref<1x128xi32, #tpu.memory_space<hbm>>
      %dma_wait3A_174 = arith.constant 0 : i32
      %dma_wait3A_175 = arith.constant 0 : i32
      %dma_wait3A_176 = tpu.memref_slice %arg6[%dma_wait3A_174, %dma_wait3A_175] : memref<1280x128xi32, #tpu.memory_space<hbm>> -> memref<1x128xi32, #tpu.memory_space<hbm>>
      tpu.wait_dma2 semaphore(%arg27 : memref<!tpu.dma_semaphore, #tpu.memory_space<semaphore_mem>>) src(%dma_wait3A_176 : memref<1x128xi32, #tpu.memory_space<hbm>>) dst(%arg19 : memref<1x128xi32, #tpu.memory_space<vmem>>)
      %gt3A_177 = arith.constant 0 : i32
      %gt3A_178 = arith.cmpi sgt, %scan3A_146, %gt3A_177 : i32
      %convert_element_type3A_179 = arith.extui %gt3A_178 : i1 to i32
      %cond3A_180 = arith.constant 0 : i32
      %cond3A_181 = arith.cmpi ne, %convert_element_type3A_179, %cond3A_180 : i32
      scf.if %cond3A_181 {
        %dma_wait3A_268 = arith.constant 0 : i32
        %dma_wait3A_269 = arith.constant 0 : i32
        %dma_wait3A_270 = tpu.memref_slice %arg10[%dma_wait3A_268, %dma_wait3A_269] : memref<163840x128xf32, #tpu.memory_space<hbm>> -> memref<128x128xf32, #tpu.memory_space<hbm>>
        %dma_wait3A_271 = arith.constant 0 : i32
        %dma_wait3A_272 = arith.constant 0 : i32
        %dma_wait3A_273 = tpu.memref_slice %arg10[%dma_wait3A_271, %dma_wait3A_272] : memref<163840x128xf32, #tpu.memory_space<hbm>> -> memref<128x128xf32, #tpu.memory_space<hbm>>
        tpu.wait_dma2 semaphore(%arg31 : memref<!tpu.dma_semaphore, #tpu.memory_space<semaphore_mem>>) src(%arg21 : memref<128x128xf32, #tpu.memory_space<vmem>>) dst(%dma_wait3A_273 : memref<128x128xf32, #tpu.memory_space<hbm>>)
        %dma_wait3A_274 = arith.constant 0 : i32
        %dma_wait3A_275 = arith.constant 0 : i32
        %dma_wait3A_276 = tpu.memref_slice %arg12[%dma_wait3A_274, %dma_wait3A_275] : memref<163840x16xf32, #tpu.memory_space<hbm>> -> memref<128x16xf32, #tpu.memory_space<hbm>>
        %dma_wait3A_277 = arith.constant 0 : i32
        %dma_wait3A_278 = arith.constant 0 : i32
        %dma_wait3A_279 = tpu.memref_slice %arg12[%dma_wait3A_277, %dma_wait3A_278] : memref<163840x16xf32, #tpu.memory_space<hbm>> -> memref<128x16xf32, #tpu.memory_space<hbm>>
        tpu.wait_dma2 semaphore(%arg31 : memref<!tpu.dma_semaphore, #tpu.memory_space<semaphore_mem>>) src(%arg23 : memref<128x16xf32, #tpu.memory_space<vmem>>) dst(%dma_wait3A_279 : memref<128x16xf32, #tpu.memory_space<hbm>>)
      } else {
      }
      %dma_start3A_182 = arith.constant 0 : i32
      %dma_start3A_183 = arith.constant 0 : i32
      %dma_start3A_184 = tpu.memref_slice %arg19[%dma_start3A_182, %dma_start3A_183] : memref<1x128xi32, #tpu.memory_space<vmem>> -> memref<1x128xi32, #tpu.memory_space<vmem>>
      %dma_start3A_185 = tpu.memref_squeeze %dma_start3A_184 : memref<1x128xi32, #tpu.memory_space<vmem>> -> memref<128xi32, #tpu.memory_space<vmem>>
      %dma_start3A_186 = arith.constant 0 : i32
      %dma_start3A_187 = arith.constant 0 : i32
      %dma_start3A_188 = tpu.memref_slice %arg24[%dma_start3A_186, %dma_start3A_187] : memref<10000x128xf32, #tpu.memory_space<vmem_shared>> -> memref<10000x128xf32, #tpu.memory_space<vmem_shared>>
      tpu.enqueue_indirect_dma source(%dma_start3A_188 : memref<10000x128xf32, #tpu.memory_space<vmem_shared>>) target(%arg21 : memref<128x128xf32, #tpu.memory_space<vmem>>) offsets(%dma_start3A_185 : memref<128xi32, #tpu.memory_space<vmem>>) semaphore(%arg29 : memref<!tpu.dma_semaphore, #tpu.memory_space<semaphore_mem>>)
      %dma_start3A_189 = arith.constant 0 : i32
      %dma_start3A_190 = arith.constant 0 : i32
      %dma_start3A_191 = tpu.memref_slice %arg19[%dma_start3A_189, %dma_start3A_190] : memref<1x128xi32, #tpu.memory_space<vmem>> -> memref<1x128xi32, #tpu.memory_space<vmem>>
      %dma_start3A_192 = tpu.memref_squeeze %dma_start3A_191 : memref<1x128xi32, #tpu.memory_space<vmem>> -> memref<128xi32, #tpu.memory_space<vmem>>
      %dma_start3A_193 = arith.constant 0 : i32
      %dma_start3A_194 = arith.constant 0 : i32
      %dma_start3A_195 = tpu.memref_slice %arg25[%dma_start3A_193, %dma_start3A_194] : memref<10000x16xf32, #tpu.memory_space<vmem_shared>> -> memref<10000x16xf32, #tpu.memory_space<vmem_shared>>
      tpu.enqueue_indirect_dma source(%dma_start3A_195 : memref<10000x16xf32, #tpu.memory_space<vmem_shared>>) target(%arg23 : memref<128x16xf32, #tpu.memory_space<vmem>>) offsets(%dma_start3A_192 : memref<128xi32, #tpu.memory_space<vmem>>) semaphore(%arg29 : memref<!tpu.dma_semaphore, #tpu.memory_space<semaphore_mem>>)
      %dma_wait3A_196 = arith.constant 0 : i32
      %dma_wait3A_197 = arith.constant 0 : i32
      %dma_wait3A_198 = tpu.memref_slice %arg18[%dma_wait3A_196, %dma_wait3A_197] : memref<1x128xi32, #tpu.memory_space<vmem>> -> memref<1x128xi32, #tpu.memory_space<vmem>>
      %dma_wait3A_199 = tpu.memref_squeeze %dma_wait3A_198 : memref<1x128xi32, #tpu.memory_space<vmem>> -> memref<128xi32, #tpu.memory_space<vmem>>
      %dma_wait3A_200 = arith.constant 0 : i32
      %dma_wait3A_201 = arith.constant 0 : i32
      %dma_wait3A_202 = tpu.memref_slice %arg24[%dma_wait3A_200, %dma_wait3A_201] : memref<10000x128xf32, #tpu.memory_space<vmem_shared>> -> memref<10000x128xf32, #tpu.memory_space<vmem_shared>>
      tpu.wait_indirect_dma semaphore(%arg28 : memref<!tpu.dma_semaphore, #tpu.memory_space<semaphore_mem>>) src(%dma_wait3A_202 : memref<10000x128xf32, #tpu.memory_space<vmem_shared>>) dst(%arg20 : memref<128x128xf32, #tpu.memory_space<vmem>>)
      %dma_wait3A_203 = arith.constant 0 : i32
      %dma_wait3A_204 = arith.constant 0 : i32
      %dma_wait3A_205 = tpu.memref_slice %arg18[%dma_wait3A_203, %dma_wait3A_204] : memref<1x128xi32, #tpu.memory_space<vmem>> -> memref<1x128xi32, #tpu.memory_space<vmem>>
      %dma_wait3A_206 = tpu.memref_squeeze %dma_wait3A_205 : memref<1x128xi32, #tpu.memory_space<vmem>> -> memref<128xi32, #tpu.memory_space<vmem>>
      %dma_wait3A_207 = arith.constant 0 : i32
      %dma_wait3A_208 = arith.constant 0 : i32
      %dma_wait3A_209 = tpu.memref_slice %arg25[%dma_wait3A_207, %dma_wait3A_208] : memref<10000x16xf32, #tpu.memory_space<vmem_shared>> -> memref<10000x16xf32, #tpu.memory_space<vmem_shared>>
      tpu.wait_indirect_dma semaphore(%arg28 : memref<!tpu.dma_semaphore, #tpu.memory_space<semaphore_mem>>) src(%dma_wait3A_209 : memref<10000x16xf32, #tpu.memory_space<vmem_shared>>) dst(%arg22 : memref<128x16xf32, #tpu.memory_space<vmem>>)
      %mul3A_210 = arith.constant 2 : i32
      %mul3A_211 = arith.muli %mul3A_210, %scan3A_146 : i32
      %add3A_212 = arith.addi %mul3A_8, %mul3A_211 : i32
      %mul3A_213 = arith.constant 128 : i32
      %mul3A_214 = arith.muli %add3A_212, %mul3A_213 : i32
      %dma_start3A_215 = arith.constant 0 : i32
      %dma_start3A_216 = tpu.memref_slice %arg10[%mul3A_214, %dma_start3A_215] : memref<163840x128xf32, #tpu.memory_space<hbm>> -> memref<128x128xf32, #tpu.memory_space<hbm>>
      %dma_start3A_217 = arith.constant 0 : i32
      %dma_start3A_218 = tpu.memref_slice %arg10[%mul3A_214, %dma_start3A_217] : memref<163840x128xf32, #tpu.memory_space<hbm>> -> memref<128x128xf32, #tpu.memory_space<hbm>>
      tpu.enqueue_dma source(%arg20 : memref<128x128xf32, #tpu.memory_space<vmem>>) target(%dma_start3A_218 : memref<128x128xf32, #tpu.memory_space<hbm>>) target_semaphore(%arg30 : memref<!tpu.dma_semaphore, #tpu.memory_space<semaphore_mem>>)
      %add3A_219 = arith.addi %mul3A_8, %mul3A_211 : i32
      %mul3A_220 = arith.constant 128 : i32
      %mul3A_221 = arith.muli %add3A_219, %mul3A_220 : i32
      %dma_start3A_222 = arith.constant 0 : i32
      %dma_start3A_223 = tpu.memref_slice %arg12[%mul3A_221, %dma_start3A_222] : memref<163840x16xf32, #tpu.memory_space<hbm>> -> memref<128x16xf32, #tpu.memory_space<hbm>>
      %dma_start3A_224 = arith.constant 0 : i32
      %dma_start3A_225 = tpu.memref_slice %arg12[%mul3A_221, %dma_start3A_224] : memref<163840x16xf32, #tpu.memory_space<hbm>> -> memref<128x16xf32, #tpu.memory_space<hbm>>
      tpu.enqueue_dma source(%arg22 : memref<128x16xf32, #tpu.memory_space<vmem>>) target(%dma_start3A_225 : memref<128x16xf32, #tpu.memory_space<hbm>>) target_semaphore(%arg30 : memref<!tpu.dma_semaphore, #tpu.memory_space<semaphore_mem>>)
      %lt3A_226 = arith.constant 19 : i32
      %lt3A_227 = arith.cmpi slt, %scan3A_146, %lt3A_226 : i32
      %convert_element_type3A_228 = arith.extui %lt3A_227 : i1 to i32
      %cond3A_229 = arith.constant 0 : i32
      %cond3A_230 = arith.cmpi ne, %convert_element_type3A_228, %cond3A_229 : i32
      scf.if %cond3A_230 {
        %mul3A_268 = arith.constant 2 : i32
        %mul3A_269 = arith.muli %mul3A_268, %scan3A_146 : i32
        %add3A_270 = arith.constant 2 : i32
        %add3A_271 = arith.addi %mul3A_269, %add3A_270 : i32
        %add3A_272 = arith.addi %mul3A_8, %add3A_271 : i32
        %dma_start3A_273 = arith.constant 0 : i32
        %dma_start3A_274 = tpu.memref_slice %arg6[%add3A_272, %dma_start3A_273] : memref<1280x128xi32, #tpu.memory_space<hbm>> -> memref<1x128xi32, #tpu.memory_space<hbm>>
        %dma_start3A_275 = arith.constant 0 : i32
        %dma_start3A_276 = tpu.memref_slice %arg6[%add3A_272, %dma_start3A_275] : memref<1280x128xi32, #tpu.memory_space<hbm>> -> memref<1x128xi32, #tpu.memory_space<hbm>>
        tpu.enqueue_dma source(%dma_start3A_276 : memref<1x128xi32, #tpu.memory_space<hbm>>) target(%arg18 : memref<1x128xi32, #tpu.memory_space<vmem>>) target_semaphore(%arg26 : memref<!tpu.dma_semaphore, #tpu.memory_space<semaphore_mem>>)
      } else {
      }
      %dma_wait3A_231 = arith.constant 0 : i32
      %dma_wait3A_232 = arith.constant 0 : i32
      %dma_wait3A_233 = tpu.memref_slice %arg19[%dma_wait3A_231, %dma_wait3A_232] : memref<1x128xi32, #tpu.memory_space<vmem>> -> memref<1x128xi32, #tpu.memory_space<vmem>>
      %dma_wait3A_234 = tpu.memref_squeeze %dma_wait3A_233 : memref<1x128xi32, #tpu.memory_space<vmem>> -> memref<128xi32, #tpu.memory_space<vmem>>
      %dma_wait3A_235 = arith.constant 0 : i32
      %dma_wait3A_236 = arith.constant 0 : i32
      %dma_wait3A_237 = tpu.memref_slice %arg24[%dma_wait3A_235, %dma_wait3A_236] : memref<10000x128xf32, #tpu.memory_space<vmem_shared>> -> memref<10000x128xf32, #tpu.memory_space<vmem_shared>>
      tpu.wait_indirect_dma semaphore(%arg29 : memref<!tpu.dma_semaphore, #tpu.memory_space<semaphore_mem>>) src(%dma_wait3A_237 : memref<10000x128xf32, #tpu.memory_space<vmem_shared>>) dst(%arg21 : memref<128x128xf32, #tpu.memory_space<vmem>>)
      %dma_wait3A_238 = arith.constant 0 : i32
      %dma_wait3A_239 = arith.constant 0 : i32
      %dma_wait3A_240 = tpu.memref_slice %arg19[%dma_wait3A_238, %dma_wait3A_239] : memref<1x128xi32, #tpu.memory_space<vmem>> -> memref<1x128xi32, #tpu.memory_space<vmem>>
      %dma_wait3A_241 = tpu.memref_squeeze %dma_wait3A_240 : memref<1x128xi32, #tpu.memory_space<vmem>> -> memref<128xi32, #tpu.memory_space<vmem>>
      %dma_wait3A_242 = arith.constant 0 : i32
      %dma_wait3A_243 = arith.constant 0 : i32
      %dma_wait3A_244 = tpu.memref_slice %arg25[%dma_wait3A_242, %dma_wait3A_243] : memref<10000x16xf32, #tpu.memory_space<vmem_shared>> -> memref<10000x16xf32, #tpu.memory_space<vmem_shared>>
      tpu.wait_indirect_dma semaphore(%arg29 : memref<!tpu.dma_semaphore, #tpu.memory_space<semaphore_mem>>) src(%dma_wait3A_244 : memref<10000x16xf32, #tpu.memory_space<vmem_shared>>) dst(%arg23 : memref<128x16xf32, #tpu.memory_space<vmem>>)
      %mul3A_245 = arith.constant 2 : i32
      %mul3A_246 = arith.muli %mul3A_245, %scan3A_146 : i32
      %add3A_247 = arith.constant 1 : i32
      %add3A_248 = arith.addi %mul3A_246, %add3A_247 : i32
      %add3A_249 = arith.addi %mul3A_8, %add3A_248 : i32
      %mul3A_250 = arith.constant 128 : i32
      %mul3A_251 = arith.muli %add3A_249, %mul3A_250 : i32
      %dma_start3A_252 = arith.constant 0 : i32
      %dma_start3A_253 = tpu.memref_slice %arg10[%mul3A_251, %dma_start3A_252] : memref<163840x128xf32, #tpu.memory_space<hbm>> -> memref<128x128xf32, #tpu.memory_space<hbm>>
      %dma_start3A_254 = arith.constant 0 : i32
      %dma_start3A_255 = tpu.memref_slice %arg10[%mul3A_251, %dma_start3A_254] : memref<163840x128xf32, #tpu.memory_space<hbm>> -> memref<128x128xf32, #tpu.memory_space<hbm>>
      tpu.enqueue_dma source(%arg21 : memref<128x128xf32, #tpu.memory_space<vmem>>) target(%dma_start3A_255 : memref<128x128xf32, #tpu.memory_space<hbm>>) target_semaphore(%arg31 : memref<!tpu.dma_semaphore, #tpu.memory_space<semaphore_mem>>)
      %add3A_256 = arith.addi %mul3A_8, %add3A_248 : i32
      %mul3A_257 = arith.constant 128 : i32
      %mul3A_258 = arith.muli %add3A_256, %mul3A_257 : i32
      %dma_start3A_259 = arith.constant 0 : i32
      %dma_start3A_260 = tpu.memref_slice %arg12[%mul3A_258, %dma_start3A_259] : memref<163840x16xf32, #tpu.memory_space<hbm>> -> memref<128x16xf32, #tpu.memory_space<hbm>>
      %dma_start3A_261 = arith.constant 0 : i32
      %dma_start3A_262 = tpu.memref_slice %arg12[%mul3A_258, %dma_start3A_261] : memref<163840x16xf32, #tpu.memory_space<hbm>> -> memref<128x16xf32, #tpu.memory_space<hbm>>
      tpu.enqueue_dma source(%arg23 : memref<128x16xf32, #tpu.memory_space<vmem>>) target(%dma_start3A_262 : memref<128x16xf32, #tpu.memory_space<hbm>>) target_semaphore(%arg31 : memref<!tpu.dma_semaphore, #tpu.memory_space<semaphore_mem>>)
      %lt3A_263 = arith.constant 19 : i32
      %lt3A_264 = arith.cmpi slt, %scan3A_146, %lt3A_263 : i32
      %convert_element_type3A_265 = arith.extui %lt3A_264 : i1 to i32
      %cond3A_266 = arith.constant 0 : i32
      %cond3A_267 = arith.cmpi ne, %convert_element_type3A_265, %cond3A_266 : i32
      scf.if %cond3A_267 {
        %mul3A_268 = arith.constant 2 : i32
        %mul3A_269 = arith.muli %mul3A_268, %scan3A_146 : i32
        %add3A_270 = arith.constant 3 : i32
        %add3A_271 = arith.addi %mul3A_269, %add3A_270 : i32
        %add3A_272 = arith.addi %mul3A_8, %add3A_271 : i32
        %dma_start3A_273 = arith.constant 0 : i32
        %dma_start3A_274 = tpu.memref_slice %arg6[%add3A_272, %dma_start3A_273] : memref<1280x128xi32, #tpu.memory_space<hbm>> -> memref<1x128xi32, #tpu.memory_space<hbm>>
        %dma_start3A_275 = arith.constant 0 : i32
        %dma_start3A_276 = tpu.memref_slice %arg6[%add3A_272, %dma_start3A_275] : memref<1280x128xi32, #tpu.memory_space<hbm>> -> memref<1x128xi32, #tpu.memory_space<hbm>>
        tpu.enqueue_dma source(%dma_start3A_276 : memref<1x128xi32, #tpu.memory_space<hbm>>) target(%arg19 : memref<1x128xi32, #tpu.memory_space<vmem>>) target_semaphore(%arg27 : memref<!tpu.dma_semaphore, #tpu.memory_space<semaphore_mem>>)
      } else {
      }
    }
    %scan3A_24 = arith.constant 20 : i32
    %dma_wait3A = arith.constant 0 : i32
    %dma_wait3A_25 = arith.constant 0 : i32
    %dma_wait3A_26 = tpu.memref_slice %arg10[%dma_wait3A, %dma_wait3A_25] : memref<163840x128xf32, #tpu.memory_space<hbm>> -> memref<128x128xf32, #tpu.memory_space<hbm>>
    %dma_wait3A_27 = arith.constant 0 : i32
    %dma_wait3A_28 = arith.constant 0 : i32
    %dma_wait3A_29 = tpu.memref_slice %arg10[%dma_wait3A_27, %dma_wait3A_28] : memref<163840x128xf32, #tpu.memory_space<hbm>> -> memref<128x128xf32, #tpu.memory_space<hbm>>
    tpu.wait_dma2 semaphore(%arg30 : memref<!tpu.dma_semaphore, #tpu.memory_space<semaphore_mem>>) src(%arg20 : memref<128x128xf32, #tpu.memory_space<vmem>>) dst(%dma_wait3A_29 : memref<128x128xf32, #tpu.memory_space<hbm>>)
    %dma_wait3A_30 = arith.constant 0 : i32
    %dma_wait3A_31 = arith.constant 0 : i32
    %dma_wait3A_32 = tpu.memref_slice %arg12[%dma_wait3A_30, %dma_wait3A_31] : memref<163840x16xf32, #tpu.memory_space<hbm>> -> memref<128x16xf32, #tpu.memory_space<hbm>>
    %dma_wait3A_33 = arith.constant 0 : i32
    %dma_wait3A_34 = arith.constant 0 : i32
    %dma_wait3A_35 = tpu.memref_slice %arg12[%dma_wait3A_33, %dma_wait3A_34] : memref<163840x16xf32, #tpu.memory_space<hbm>> -> memref<128x16xf32, #tpu.memory_space<hbm>>
    tpu.wait_dma2 semaphore(%arg30 : memref<!tpu.dma_semaphore, #tpu.memory_space<semaphore_mem>>) src(%arg22 : memref<128x16xf32, #tpu.memory_space<vmem>>) dst(%dma_wait3A_35 : memref<128x16xf32, #tpu.memory_space<hbm>>)
    %dma_wait3A_36 = arith.constant 0 : i32
    %dma_wait3A_37 = arith.constant 0 : i32
    %dma_wait3A_38 = tpu.memref_slice %arg10[%dma_wait3A_36, %dma_wait3A_37] : memref<163840x128xf32, #tpu.memory_space<hbm>> -> memref<128x128xf32, #tpu.memory_space<hbm>>
    %dma_wait3A_39 = arith.constant 0 : i32
    %dma_wait3A_40 = arith.constant 0 : i32
    %dma_wait3A_41 = tpu.memref_slice %arg10[%dma_wait3A_39, %dma_wait3A_40] : memref<163840x128xf32, #tpu.memory_space<hbm>> -> memref<128x128xf32, #tpu.memory_space<hbm>>
    tpu.wait_dma2 semaphore(%arg31 : memref<!tpu.dma_semaphore, #tpu.memory_space<semaphore_mem>>) src(%arg21 : memref<128x128xf32, #tpu.memory_space<vmem>>) dst(%dma_wait3A_41 : memref<128x128xf32, #tpu.memory_space<hbm>>)
    %dma_wait3A_42 = arith.constant 0 : i32
    %dma_wait3A_43 = arith.constant 0 : i32
    %dma_wait3A_44 = tpu.memref_slice %arg12[%dma_wait3A_42, %dma_wait3A_43] : memref<163840x16xf32, #tpu.memory_space<hbm>> -> memref<128x16xf32, #tpu.memory_space<hbm>>
    %dma_wait3A_45 = arith.constant 0 : i32
    %dma_wait3A_46 = arith.constant 0 : i32
    %dma_wait3A_47 = tpu.memref_slice %arg12[%dma_wait3A_45, %dma_wait3A_46] : memref<163840x16xf32, #tpu.memory_space<hbm>> -> memref<128x16xf32, #tpu.memory_space<hbm>>
    tpu.wait_dma2 semaphore(%arg31 : memref<!tpu.dma_semaphore, #tpu.memory_space<semaphore_mem>>) src(%arg23 : memref<128x16xf32, #tpu.memory_space<vmem>>) dst(%dma_wait3A_47 : memref<128x16xf32, #tpu.memory_space<hbm>>)
    %mul3A_48 = arith.constant 40 : i32
    %mul3A_49 = arith.muli %add3A, %mul3A_48 : i32
    %add3A_50 = arith.constant 0 : i32
    %add3A_51 = arith.addi %mul3A_49, %add3A_50 : i32
    %dma_start3A_52 = arith.constant 0 : i32
    %dma_start3A_53 = tpu.memref_slice %arg7[%add3A_51, %dma_start3A_52] : memref<1280x128xi32, #tpu.memory_space<hbm>> -> memref<1x128xi32, #tpu.memory_space<hbm>>
    %dma_start3A_54 = arith.constant 0 : i32
    %dma_start3A_55 = tpu.memref_slice %arg7[%add3A_51, %dma_start3A_54] : memref<1280x128xi32, #tpu.memory_space<hbm>> -> memref<1x128xi32, #tpu.memory_space<hbm>>
    tpu.enqueue_dma source(%dma_start3A_55 : memref<1x128xi32, #tpu.memory_space<hbm>>) target(%arg18 : memref<1x128xi32, #tpu.memory_space<vmem>>) target_semaphore(%arg26 : memref<!tpu.dma_semaphore, #tpu.memory_space<semaphore_mem>>)
    %add3A_56 = arith.constant 1 : i32
    %add3A_57 = arith.addi %mul3A_49, %add3A_56 : i32
    %dma_start3A_58 = arith.constant 0 : i32
    %dma_start3A_59 = tpu.memref_slice %arg7[%add3A_57, %dma_start3A_58] : memref<1280x128xi32, #tpu.memory_space<hbm>> -> memref<1x128xi32, #tpu.memory_space<hbm>>
    %dma_start3A_60 = arith.constant 0 : i32
    %dma_start3A_61 = tpu.memref_slice %arg7[%add3A_57, %dma_start3A_60] : memref<1280x128xi32, #tpu.memory_space<hbm>> -> memref<1x128xi32, #tpu.memory_space<hbm>>
    tpu.enqueue_dma source(%dma_start3A_61 : memref<1x128xi32, #tpu.memory_space<hbm>>) target(%arg19 : memref<1x128xi32, #tpu.memory_space<vmem>>) target_semaphore(%arg27 : memref<!tpu.dma_semaphore, #tpu.memory_space<semaphore_mem>>)
    %scan3A_62 = arith.constant 0 : i32
    %scan3A_63 = arith.constant 0 : i32
    %scan3A_64 = arith.constant 20 : i32
    %scan3A_65 = arith.addi %scan3A_63, %scan3A_64 : i32
    %scan3A_66 = arith.constant 1 : i32
    scf.for %scan3A_146 = %scan3A_63 to %scan3A_65 step %scan3A_66  : i32 {
      %dma_wait3A_147 = arith.constant 0 : i32
      %dma_wait3A_148 = arith.constant 0 : i32
      %dma_wait3A_149 = tpu.memref_slice %arg7[%dma_wait3A_147, %dma_wait3A_148] : memref<1280x128xi32, #tpu.memory_space<hbm>> -> memref<1x128xi32, #tpu.memory_space<hbm>>
      %dma_wait3A_150 = arith.constant 0 : i32
      %dma_wait3A_151 = arith.constant 0 : i32
      %dma_wait3A_152 = tpu.memref_slice %arg7[%dma_wait3A_150, %dma_wait3A_151] : memref<1280x128xi32, #tpu.memory_space<hbm>> -> memref<1x128xi32, #tpu.memory_space<hbm>>
      tpu.wait_dma2 semaphore(%arg26 : memref<!tpu.dma_semaphore, #tpu.memory_space<semaphore_mem>>) src(%dma_wait3A_152 : memref<1x128xi32, #tpu.memory_space<hbm>>) dst(%arg18 : memref<1x128xi32, #tpu.memory_space<vmem>>)
      %gt3A = arith.constant 0 : i32
      %gt3A_153 = arith.cmpi sgt, %scan3A_146, %gt3A : i32
      %convert_element_type3A_154 = arith.extui %gt3A_153 : i1 to i32
      %cond3A_155 = arith.constant 0 : i32
      %cond3A_156 = arith.cmpi ne, %convert_element_type3A_154, %cond3A_155 : i32
      scf.if %cond3A_156 {
        %dma_wait3A_268 = arith.constant 0 : i32
        %dma_wait3A_269 = arith.constant 0 : i32
        %dma_wait3A_270 = tpu.memref_slice %arg11[%dma_wait3A_268, %dma_wait3A_269] : memref<163840x128xf32, #tpu.memory_space<hbm>> -> memref<128x128xf32, #tpu.memory_space<hbm>>
        %dma_wait3A_271 = arith.constant 0 : i32
        %dma_wait3A_272 = arith.constant 0 : i32
        %dma_wait3A_273 = tpu.memref_slice %arg11[%dma_wait3A_271, %dma_wait3A_272] : memref<163840x128xf32, #tpu.memory_space<hbm>> -> memref<128x128xf32, #tpu.memory_space<hbm>>
        tpu.wait_dma2 semaphore(%arg30 : memref<!tpu.dma_semaphore, #tpu.memory_space<semaphore_mem>>) src(%arg20 : memref<128x128xf32, #tpu.memory_space<vmem>>) dst(%dma_wait3A_273 : memref<128x128xf32, #tpu.memory_space<hbm>>)
        %dma_wait3A_274 = arith.constant 0 : i32
        %dma_wait3A_275 = arith.constant 0 : i32
        %dma_wait3A_276 = tpu.memref_slice %arg13[%dma_wait3A_274, %dma_wait3A_275] : memref<163840x16xf32, #tpu.memory_space<hbm>> -> memref<128x16xf32, #tpu.memory_space<hbm>>
        %dma_wait3A_277 = arith.constant 0 : i32
        %dma_wait3A_278 = arith.constant 0 : i32
        %dma_wait3A_279 = tpu.memref_slice %arg13[%dma_wait3A_277, %dma_wait3A_278] : memref<163840x16xf32, #tpu.memory_space<hbm>> -> memref<128x16xf32, #tpu.memory_space<hbm>>
        tpu.wait_dma2 semaphore(%arg30 : memref<!tpu.dma_semaphore, #tpu.memory_space<semaphore_mem>>) src(%arg22 : memref<128x16xf32, #tpu.memory_space<vmem>>) dst(%dma_wait3A_279 : memref<128x16xf32, #tpu.memory_space<hbm>>)
      } else {
      }
      %dma_start3A_157 = arith.constant 0 : i32
      %dma_start3A_158 = arith.constant 0 : i32
      %dma_start3A_159 = tpu.memref_slice %arg18[%dma_start3A_157, %dma_start3A_158] : memref<1x128xi32, #tpu.memory_space<vmem>> -> memref<1x128xi32, #tpu.memory_space<vmem>>
      %dma_start3A_160 = tpu.memref_squeeze %dma_start3A_159 : memref<1x128xi32, #tpu.memory_space<vmem>> -> memref<128xi32, #tpu.memory_space<vmem>>
      %dma_start3A_161 = arith.constant 0 : i32
      %dma_start3A_162 = arith.constant 0 : i32
      %dma_start3A_163 = tpu.memref_slice %arg24[%dma_start3A_161, %dma_start3A_162] : memref<10000x128xf32, #tpu.memory_space<vmem_shared>> -> memref<10000x128xf32, #tpu.memory_space<vmem_shared>>
      tpu.enqueue_indirect_dma source(%dma_start3A_163 : memref<10000x128xf32, #tpu.memory_space<vmem_shared>>) target(%arg20 : memref<128x128xf32, #tpu.memory_space<vmem>>) offsets(%dma_start3A_160 : memref<128xi32, #tpu.memory_space<vmem>>) semaphore(%arg28 : memref<!tpu.dma_semaphore, #tpu.memory_space<semaphore_mem>>)
      %dma_start3A_164 = arith.constant 0 : i32
      %dma_start3A_165 = arith.constant 0 : i32
      %dma_start3A_166 = tpu.memref_slice %arg18[%dma_start3A_164, %dma_start3A_165] : memref<1x128xi32, #tpu.memory_space<vmem>> -> memref<1x128xi32, #tpu.memory_space<vmem>>
      %dma_start3A_167 = tpu.memref_squeeze %dma_start3A_166 : memref<1x128xi32, #tpu.memory_space<vmem>> -> memref<128xi32, #tpu.memory_space<vmem>>
      %dma_start3A_168 = arith.constant 0 : i32
      %dma_start3A_169 = arith.constant 0 : i32
      %dma_start3A_170 = tpu.memref_slice %arg25[%dma_start3A_168, %dma_start3A_169] : memref<10000x16xf32, #tpu.memory_space<vmem_shared>> -> memref<10000x16xf32, #tpu.memory_space<vmem_shared>>
      tpu.enqueue_indirect_dma source(%dma_start3A_170 : memref<10000x16xf32, #tpu.memory_space<vmem_shared>>) target(%arg22 : memref<128x16xf32, #tpu.memory_space<vmem>>) offsets(%dma_start3A_167 : memref<128xi32, #tpu.memory_space<vmem>>) semaphore(%arg28 : memref<!tpu.dma_semaphore, #tpu.memory_space<semaphore_mem>>)
      %dma_wait3A_171 = arith.constant 0 : i32
      %dma_wait3A_172 = arith.constant 0 : i32
      %dma_wait3A_173 = tpu.memref_slice %arg7[%dma_wait3A_171, %dma_wait3A_172] : memref<1280x128xi32, #tpu.memory_space<hbm>> -> memref<1x128xi32, #tpu.memory_space<hbm>>
      %dma_wait3A_174 = arith.constant 0 : i32
      %dma_wait3A_175 = arith.constant 0 : i32
      %dma_wait3A_176 = tpu.memref_slice %arg7[%dma_wait3A_174, %dma_wait3A_175] : memref<1280x128xi32, #tpu.memory_space<hbm>> -> memref<1x128xi32, #tpu.memory_space<hbm>>
      tpu.wait_dma2 semaphore(%arg27 : memref<!tpu.dma_semaphore, #tpu.memory_space<semaphore_mem>>) src(%dma_wait3A_176 : memref<1x128xi32, #tpu.memory_space<hbm>>) dst(%arg19 : memref<1x128xi32, #tpu.memory_space<vmem>>)
      %gt3A_177 = arith.constant 0 : i32
      %gt3A_178 = arith.cmpi sgt, %scan3A_146, %gt3A_177 : i32
      %convert_element_type3A_179 = arith.extui %gt3A_178 : i1 to i32
      %cond3A_180 = arith.constant 0 : i32
      %cond3A_181 = arith.cmpi ne, %convert_element_type3A_179, %cond3A_180 : i32
      scf.if %cond3A_181 {
        %dma_wait3A_268 = arith.constant 0 : i32
        %dma_wait3A_269 = arith.constant 0 : i32
        %dma_wait3A_270 = tpu.memref_slice %arg11[%dma_wait3A_268, %dma_wait3A_269] : memref<163840x128xf32, #tpu.memory_space<hbm>> -> memref<128x128xf32, #tpu.memory_space<hbm>>
        %dma_wait3A_271 = arith.constant 0 : i32
        %dma_wait3A_272 = arith.constant 0 : i32
        %dma_wait3A_273 = tpu.memref_slice %arg11[%dma_wait3A_271, %dma_wait3A_272] : memref<163840x128xf32, #tpu.memory_space<hbm>> -> memref<128x128xf32, #tpu.memory_space<hbm>>
        tpu.wait_dma2 semaphore(%arg31 : memref<!tpu.dma_semaphore, #tpu.memory_space<semaphore_mem>>) src(%arg21 : memref<128x128xf32, #tpu.memory_space<vmem>>) dst(%dma_wait3A_273 : memref<128x128xf32, #tpu.memory_space<hbm>>)
        %dma_wait3A_274 = arith.constant 0 : i32
        %dma_wait3A_275 = arith.constant 0 : i32
        %dma_wait3A_276 = tpu.memref_slice %arg13[%dma_wait3A_274, %dma_wait3A_275] : memref<163840x16xf32, #tpu.memory_space<hbm>> -> memref<128x16xf32, #tpu.memory_space<hbm>>
        %dma_wait3A_277 = arith.constant 0 : i32
        %dma_wait3A_278 = arith.constant 0 : i32
        %dma_wait3A_279 = tpu.memref_slice %arg13[%dma_wait3A_277, %dma_wait3A_278] : memref<163840x16xf32, #tpu.memory_space<hbm>> -> memref<128x16xf32, #tpu.memory_space<hbm>>
        tpu.wait_dma2 semaphore(%arg31 : memref<!tpu.dma_semaphore, #tpu.memory_space<semaphore_mem>>) src(%arg23 : memref<128x16xf32, #tpu.memory_space<vmem>>) dst(%dma_wait3A_279 : memref<128x16xf32, #tpu.memory_space<hbm>>)
      } else {
      }
      %dma_start3A_182 = arith.constant 0 : i32
      %dma_start3A_183 = arith.constant 0 : i32
      %dma_start3A_184 = tpu.memref_slice %arg19[%dma_start3A_182, %dma_start3A_183] : memref<1x128xi32, #tpu.memory_space<vmem>> -> memref<1x128xi32, #tpu.memory_space<vmem>>
      %dma_start3A_185 = tpu.memref_squeeze %dma_start3A_184 : memref<1x128xi32, #tpu.memory_space<vmem>> -> memref<128xi32, #tpu.memory_space<vmem>>
      %dma_start3A_186 = arith.constant 0 : i32
      %dma_start3A_187 = arith.constant 0 : i32
      %dma_start3A_188 = tpu.memref_slice %arg24[%dma_start3A_186, %dma_start3A_187] : memref<10000x128xf32, #tpu.memory_space<vmem_shared>> -> memref<10000x128xf32, #tpu.memory_space<vmem_shared>>
      tpu.enqueue_indirect_dma source(%dma_start3A_188 : memref<10000x128xf32, #tpu.memory_space<vmem_shared>>) target(%arg21 : memref<128x128xf32, #tpu.memory_space<vmem>>) offsets(%dma_start3A_185 : memref<128xi32, #tpu.memory_space<vmem>>) semaphore(%arg29 : memref<!tpu.dma_semaphore, #tpu.memory_space<semaphore_mem>>)
      %dma_start3A_189 = arith.constant 0 : i32
      %dma_start3A_190 = arith.constant 0 : i32
      %dma_start3A_191 = tpu.memref_slice %arg19[%dma_start3A_189, %dma_start3A_190] : memref<1x128xi32, #tpu.memory_space<vmem>> -> memref<1x128xi32, #tpu.memory_space<vmem>>
      %dma_start3A_192 = tpu.memref_squeeze %dma_start3A_191 : memref<1x128xi32, #tpu.memory_space<vmem>> -> memref<128xi32, #tpu.memory_space<vmem>>
      %dma_start3A_193 = arith.constant 0 : i32
      %dma_start3A_194 = arith.constant 0 : i32
      %dma_start3A_195 = tpu.memref_slice %arg25[%dma_start3A_193, %dma_start3A_194] : memref<10000x16xf32, #tpu.memory_space<vmem_shared>> -> memref<10000x16xf32, #tpu.memory_space<vmem_shared>>
      tpu.enqueue_indirect_dma source(%dma_start3A_195 : memref<10000x16xf32, #tpu.memory_space<vmem_shared>>) target(%arg23 : memref<128x16xf32, #tpu.memory_space<vmem>>) offsets(%dma_start3A_192 : memref<128xi32, #tpu.memory_space<vmem>>) semaphore(%arg29 : memref<!tpu.dma_semaphore, #tpu.memory_space<semaphore_mem>>)
      %dma_wait3A_196 = arith.constant 0 : i32
      %dma_wait3A_197 = arith.constant 0 : i32
      %dma_wait3A_198 = tpu.memref_slice %arg18[%dma_wait3A_196, %dma_wait3A_197] : memref<1x128xi32, #tpu.memory_space<vmem>> -> memref<1x128xi32, #tpu.memory_space<vmem>>
      %dma_wait3A_199 = tpu.memref_squeeze %dma_wait3A_198 : memref<1x128xi32, #tpu.memory_space<vmem>> -> memref<128xi32, #tpu.memory_space<vmem>>
      %dma_wait3A_200 = arith.constant 0 : i32
      %dma_wait3A_201 = arith.constant 0 : i32
      %dma_wait3A_202 = tpu.memref_slice %arg24[%dma_wait3A_200, %dma_wait3A_201] : memref<10000x128xf32, #tpu.memory_space<vmem_shared>> -> memref<10000x128xf32, #tpu.memory_space<vmem_shared>>
      tpu.wait_indirect_dma semaphore(%arg28 : memref<!tpu.dma_semaphore, #tpu.memory_space<semaphore_mem>>) src(%dma_wait3A_202 : memref<10000x128xf32, #tpu.memory_space<vmem_shared>>) dst(%arg20 : memref<128x128xf32, #tpu.memory_space<vmem>>)
      %dma_wait3A_203 = arith.constant 0 : i32
      %dma_wait3A_204 = arith.constant 0 : i32
      %dma_wait3A_205 = tpu.memref_slice %arg18[%dma_wait3A_203, %dma_wait3A_204] : memref<1x128xi32, #tpu.memory_space<vmem>> -> memref<1x128xi32, #tpu.memory_space<vmem>>
      %dma_wait3A_206 = tpu.memref_squeeze %dma_wait3A_205 : memref<1x128xi32, #tpu.memory_space<vmem>> -> memref<128xi32, #tpu.memory_space<vmem>>
      %dma_wait3A_207 = arith.constant 0 : i32
      %dma_wait3A_208 = arith.constant 0 : i32
      %dma_wait3A_209 = tpu.memref_slice %arg25[%dma_wait3A_207, %dma_wait3A_208] : memref<10000x16xf32, #tpu.memory_space<vmem_shared>> -> memref<10000x16xf32, #tpu.memory_space<vmem_shared>>
      tpu.wait_indirect_dma semaphore(%arg28 : memref<!tpu.dma_semaphore, #tpu.memory_space<semaphore_mem>>) src(%dma_wait3A_209 : memref<10000x16xf32, #tpu.memory_space<vmem_shared>>) dst(%arg22 : memref<128x16xf32, #tpu.memory_space<vmem>>)
      %mul3A_210 = arith.constant 2 : i32
      %mul3A_211 = arith.muli %mul3A_210, %scan3A_146 : i32
      %add3A_212 = arith.addi %mul3A_49, %mul3A_211 : i32
      %mul3A_213 = arith.constant 128 : i32
      %mul3A_214 = arith.muli %add3A_212, %mul3A_213 : i32
      %dma_start3A_215 = arith.constant 0 : i32
      %dma_start3A_216 = tpu.memref_slice %arg11[%mul3A_214, %dma_start3A_215] : memref<163840x128xf32, #tpu.memory_space<hbm>> -> memref<128x128xf32, #tpu.memory_space<hbm>>
      %dma_start3A_217 = arith.constant 0 : i32
      %dma_start3A_218 = tpu.memref_slice %arg11[%mul3A_214, %dma_start3A_217] : memref<163840x128xf32, #tpu.memory_space<hbm>> -> memref<128x128xf32, #tpu.memory_space<hbm>>
      tpu.enqueue_dma source(%arg20 : memref<128x128xf32, #tpu.memory_space<vmem>>) target(%dma_start3A_218 : memref<128x128xf32, #tpu.memory_space<hbm>>) target_semaphore(%arg30 : memref<!tpu.dma_semaphore, #tpu.memory_space<semaphore_mem>>)
      %add3A_219 = arith.addi %mul3A_49, %mul3A_211 : i32
      %mul3A_220 = arith.constant 128 : i32
      %mul3A_221 = arith.muli %add3A_219, %mul3A_220 : i32
      %dma_start3A_222 = arith.constant 0 : i32
      %dma_start3A_223 = tpu.memref_slice %arg13[%mul3A_221, %dma_start3A_222] : memref<163840x16xf32, #tpu.memory_space<hbm>> -> memref<128x16xf32, #tpu.memory_space<hbm>>
      %dma_start3A_224 = arith.constant 0 : i32
      %dma_start3A_225 = tpu.memref_slice %arg13[%mul3A_221, %dma_start3A_224] : memref<163840x16xf32, #tpu.memory_space<hbm>> -> memref<128x16xf32, #tpu.memory_space<hbm>>
      tpu.enqueue_dma source(%arg22 : memref<128x16xf32, #tpu.memory_space<vmem>>) target(%dma_start3A_225 : memref<128x16xf32, #tpu.memory_space<hbm>>) target_semaphore(%arg30 : memref<!tpu.dma_semaphore, #tpu.memory_space<semaphore_mem>>)
      %lt3A_226 = arith.constant 19 : i32
      %lt3A_227 = arith.cmpi slt, %scan3A_146, %lt3A_226 : i32
      %convert_element_type3A_228 = arith.extui %lt3A_227 : i1 to i32
      %cond3A_229 = arith.constant 0 : i32
      %cond3A_230 = arith.cmpi ne, %convert_element_type3A_228, %cond3A_229 : i32
      scf.if %cond3A_230 {
        %mul3A_268 = arith.constant 2 : i32
        %mul3A_269 = arith.muli %mul3A_268, %scan3A_146 : i32
        %add3A_270 = arith.constant 2 : i32
        %add3A_271 = arith.addi %mul3A_269, %add3A_270 : i32
        %add3A_272 = arith.addi %mul3A_49, %add3A_271 : i32
        %dma_start3A_273 = arith.constant 0 : i32
        %dma_start3A_274 = tpu.memref_slice %arg7[%add3A_272, %dma_start3A_273] : memref<1280x128xi32, #tpu.memory_space<hbm>> -> memref<1x128xi32, #tpu.memory_space<hbm>>
        %dma_start3A_275 = arith.constant 0 : i32
        %dma_start3A_276 = tpu.memref_slice %arg7[%add3A_272, %dma_start3A_275] : memref<1280x128xi32, #tpu.memory_space<hbm>> -> memref<1x128xi32, #tpu.memory_space<hbm>>
        tpu.enqueue_dma source(%dma_start3A_276 : memref<1x128xi32, #tpu.memory_space<hbm>>) target(%arg18 : memref<1x128xi32, #tpu.memory_space<vmem>>) target_semaphore(%arg26 : memref<!tpu.dma_semaphore, #tpu.memory_space<semaphore_mem>>)
      } else {
      }
      %dma_wait3A_231 = arith.constant 0 : i32
      %dma_wait3A_232 = arith.constant 0 : i32
      %dma_wait3A_233 = tpu.memref_slice %arg19[%dma_wait3A_231, %dma_wait3A_232] : memref<1x128xi32, #tpu.memory_space<vmem>> -> memref<1x128xi32, #tpu.memory_space<vmem>>
      %dma_wait3A_234 = tpu.memref_squeeze %dma_wait3A_233 : memref<1x128xi32, #tpu.memory_space<vmem>> -> memref<128xi32, #tpu.memory_space<vmem>>
      %dma_wait3A_235 = arith.constant 0 : i32
      %dma_wait3A_236 = arith.constant 0 : i32
      %dma_wait3A_237 = tpu.memref_slice %arg24[%dma_wait3A_235, %dma_wait3A_236] : memref<10000x128xf32, #tpu.memory_space<vmem_shared>> -> memref<10000x128xf32, #tpu.memory_space<vmem_shared>>
      tpu.wait_indirect_dma semaphore(%arg29 : memref<!tpu.dma_semaphore, #tpu.memory_space<semaphore_mem>>) src(%dma_wait3A_237 : memref<10000x128xf32, #tpu.memory_space<vmem_shared>>) dst(%arg21 : memref<128x128xf32, #tpu.memory_space<vmem>>)
      %dma_wait3A_238 = arith.constant 0 : i32
      %dma_wait3A_239 = arith.constant 0 : i32
      %dma_wait3A_240 = tpu.memref_slice %arg19[%dma_wait3A_238, %dma_wait3A_239] : memref<1x128xi32, #tpu.memory_space<vmem>> -> memref<1x128xi32, #tpu.memory_space<vmem>>
      %dma_wait3A_241 = tpu.memref_squeeze %dma_wait3A_240 : memref<1x128xi32, #tpu.memory_space<vmem>> -> memref<128xi32, #tpu.memory_space<vmem>>
      %dma_wait3A_242 = arith.constant 0 : i32
      %dma_wait3A_243 = arith.constant 0 : i32
      %dma_wait3A_244 = tpu.memref_slice %arg25[%dma_wait3A_242, %dma_wait3A_243] : memref<10000x16xf32, #tpu.memory_space<vmem_shared>> -> memref<10000x16xf32, #tpu.memory_space<vmem_shared>>
      tpu.wait_indirect_dma semaphore(%arg29 : memref<!tpu.dma_semaphore, #tpu.memory_space<semaphore_mem>>) src(%dma_wait3A_244 : memref<10000x16xf32, #tpu.memory_space<vmem_shared>>) dst(%arg23 : memref<128x16xf32, #tpu.memory_space<vmem>>)
      %mul3A_245 = arith.constant 2 : i32
      %mul3A_246 = arith.muli %mul3A_245, %scan3A_146 : i32
      %add3A_247 = arith.constant 1 : i32
      %add3A_248 = arith.addi %mul3A_246, %add3A_247 : i32
      %add3A_249 = arith.addi %mul3A_49, %add3A_248 : i32
      %mul3A_250 = arith.constant 128 : i32
      %mul3A_251 = arith.muli %add3A_249, %mul3A_250 : i32
      %dma_start3A_252 = arith.constant 0 : i32
      %dma_start3A_253 = tpu.memref_slice %arg11[%mul3A_251, %dma_start3A_252] : memref<163840x128xf32, #tpu.memory_space<hbm>> -> memref<128x128xf32, #tpu.memory_space<hbm>>
      %dma_start3A_254 = arith.constant 0 : i32
      %dma_start3A_255 = tpu.memref_slice %arg11[%mul3A_251, %dma_start3A_254] : memref<163840x128xf32, #tpu.memory_space<hbm>> -> memref<128x128xf32, #tpu.memory_space<hbm>>
      tpu.enqueue_dma source(%arg21 : memref<128x128xf32, #tpu.memory_space<vmem>>) target(%dma_start3A_255 : memref<128x128xf32, #tpu.memory_space<hbm>>) target_semaphore(%arg31 : memref<!tpu.dma_semaphore, #tpu.memory_space<semaphore_mem>>)
      %add3A_256 = arith.addi %mul3A_49, %add3A_248 : i32
      %mul3A_257 = arith.constant 128 : i32
      %mul3A_258 = arith.muli %add3A_256, %mul3A_257 : i32
      %dma_start3A_259 = arith.constant 0 : i32
      %dma_start3A_260 = tpu.memref_slice %arg13[%mul3A_258, %dma_start3A_259] : memref<163840x16xf32, #tpu.memory_space<hbm>> -> memref<128x16xf32, #tpu.memory_space<hbm>>
      %dma_start3A_261 = arith.constant 0 : i32
      %dma_start3A_262 = tpu.memref_slice %arg13[%mul3A_258, %dma_start3A_261] : memref<163840x16xf32, #tpu.memory_space<hbm>> -> memref<128x16xf32, #tpu.memory_space<hbm>>
      tpu.enqueue_dma source(%arg23 : memref<128x16xf32, #tpu.memory_space<vmem>>) target(%dma_start3A_262 : memref<128x16xf32, #tpu.memory_space<hbm>>) target_semaphore(%arg31 : memref<!tpu.dma_semaphore, #tpu.memory_space<semaphore_mem>>)
      %lt3A_263 = arith.constant 19 : i32
      %lt3A_264 = arith.cmpi slt, %scan3A_146, %lt3A_263 : i32
      %convert_element_type3A_265 = arith.extui %lt3A_264 : i1 to i32
      %cond3A_266 = arith.constant 0 : i32
      %cond3A_267 = arith.cmpi ne, %convert_element_type3A_265, %cond3A_266 : i32
      scf.if %cond3A_267 {
        %mul3A_268 = arith.constant 2 : i32
        %mul3A_269 = arith.muli %mul3A_268, %scan3A_146 : i32
        %add3A_270 = arith.constant 3 : i32
        %add3A_271 = arith.addi %mul3A_269, %add3A_270 : i32
        %add3A_272 = arith.addi %mul3A_49, %add3A_271 : i32
        %dma_start3A_273 = arith.constant 0 : i32
        %dma_start3A_274 = tpu.memref_slice %arg7[%add3A_272, %dma_start3A_273] : memref<1280x128xi32, #tpu.memory_space<hbm>> -> memref<1x128xi32, #tpu.memory_space<hbm>>
        %dma_start3A_275 = arith.constant 0 : i32
        %dma_start3A_276 = tpu.memref_slice %arg7[%add3A_272, %dma_start3A_275] : memref<1280x128xi32, #tpu.memory_space<hbm>> -> memref<1x128xi32, #tpu.memory_space<hbm>>
        tpu.enqueue_dma source(%dma_start3A_276 : memref<1x128xi32, #tpu.memory_space<hbm>>) target(%arg19 : memref<1x128xi32, #tpu.memory_space<vmem>>) target_semaphore(%arg27 : memref<!tpu.dma_semaphore, #tpu.memory_space<semaphore_mem>>)
      } else {
      }
    }
    %scan3A_67 = arith.constant 20 : i32
    %dma_wait3A_68 = arith.constant 0 : i32
    %dma_wait3A_69 = arith.constant 0 : i32
    %dma_wait3A_70 = tpu.memref_slice %arg11[%dma_wait3A_68, %dma_wait3A_69] : memref<163840x128xf32, #tpu.memory_space<hbm>> -> memref<128x128xf32, #tpu.memory_space<hbm>>
    %dma_wait3A_71 = arith.constant 0 : i32
    %dma_wait3A_72 = arith.constant 0 : i32
    %dma_wait3A_73 = tpu.memref_slice %arg11[%dma_wait3A_71, %dma_wait3A_72] : memref<163840x128xf32, #tpu.memory_space<hbm>> -> memref<128x128xf32, #tpu.memory_space<hbm>>
    tpu.wait_dma2 semaphore(%arg30 : memref<!tpu.dma_semaphore, #tpu.memory_space<semaphore_mem>>) src(%arg20 : memref<128x128xf32, #tpu.memory_space<vmem>>) dst(%dma_wait3A_73 : memref<128x128xf32, #tpu.memory_space<hbm>>)
    %dma_wait3A_74 = arith.constant 0 : i32
    %dma_wait3A_75 = arith.constant 0 : i32
    %dma_wait3A_76 = tpu.memref_slice %arg13[%dma_wait3A_74, %dma_wait3A_75] : memref<163840x16xf32, #tpu.memory_space<hbm>> -> memref<128x16xf32, #tpu.memory_space<hbm>>
    %dma_wait3A_77 = arith.constant 0 : i32
    %dma_wait3A_78 = arith.constant 0 : i32
    %dma_wait3A_79 = tpu.memref_slice %arg13[%dma_wait3A_77, %dma_wait3A_78] : memref<163840x16xf32, #tpu.memory_space<hbm>> -> memref<128x16xf32, #tpu.memory_space<hbm>>
    tpu.wait_dma2 semaphore(%arg30 : memref<!tpu.dma_semaphore, #tpu.memory_space<semaphore_mem>>) src(%arg22 : memref<128x16xf32, #tpu.memory_space<vmem>>) dst(%dma_wait3A_79 : memref<128x16xf32, #tpu.memory_space<hbm>>)
    %dma_wait3A_80 = arith.constant 0 : i32
    %dma_wait3A_81 = arith.constant 0 : i32
    %dma_wait3A_82 = tpu.memref_slice %arg11[%dma_wait3A_80, %dma_wait3A_81] : memref<163840x128xf32, #tpu.memory_space<hbm>> -> memref<128x128xf32, #tpu.memory_space<hbm>>
    %dma_wait3A_83 = arith.constant 0 : i32
    %dma_wait3A_84 = arith.constant 0 : i32
    %dma_wait3A_85 = tpu.memref_slice %arg11[%dma_wait3A_83, %dma_wait3A_84] : memref<163840x128xf32, #tpu.memory_space<hbm>> -> memref<128x128xf32, #tpu.memory_space<hbm>>
    tpu.wait_dma2 semaphore(%arg31 : memref<!tpu.dma_semaphore, #tpu.memory_space<semaphore_mem>>) src(%arg21 : memref<128x128xf32, #tpu.memory_space<vmem>>) dst(%dma_wait3A_85 : memref<128x128xf32, #tpu.memory_space<hbm>>)
    %dma_wait3A_86 = arith.constant 0 : i32
    %dma_wait3A_87 = arith.constant 0 : i32
    %dma_wait3A_88 = tpu.memref_slice %arg13[%dma_wait3A_86, %dma_wait3A_87] : memref<163840x16xf32, #tpu.memory_space<hbm>> -> memref<128x16xf32, #tpu.memory_space<hbm>>
    %dma_wait3A_89 = arith.constant 0 : i32
    %dma_wait3A_90 = arith.constant 0 : i32
    %dma_wait3A_91 = tpu.memref_slice %arg13[%dma_wait3A_89, %dma_wait3A_90] : memref<163840x16xf32, #tpu.memory_space<hbm>> -> memref<128x16xf32, #tpu.memory_space<hbm>>
    tpu.wait_dma2 semaphore(%arg31 : memref<!tpu.dma_semaphore, #tpu.memory_space<semaphore_mem>>) src(%arg23 : memref<128x16xf32, #tpu.memory_space<vmem>>) dst(%dma_wait3A_91 : memref<128x16xf32, #tpu.memory_space<hbm>>)
    %mul3A_92 = arith.constant 100 : i32
    %mul3A_93 = arith.muli %add3A, %mul3A_92 : i32
    %add3A_94 = arith.constant 0 : i32
    %add3A_95 = arith.addi %mul3A_93, %add3A_94 : i32
    %dma_start3A_96 = arith.constant 0 : i32
    %dma_start3A_97 = tpu.memref_slice %arg9[%add3A_95, %dma_start3A_96] : memref<3200x128xi32, #tpu.memory_space<hbm>> -> memref<1x128xi32, #tpu.memory_space<hbm>>
    %dma_start3A_98 = arith.constant 0 : i32
    %dma_start3A_99 = tpu.memref_slice %arg9[%add3A_95, %dma_start3A_98] : memref<3200x128xi32, #tpu.memory_space<hbm>> -> memref<1x128xi32, #tpu.memory_space<hbm>>
    tpu.enqueue_dma source(%dma_start3A_99 : memref<1x128xi32, #tpu.memory_space<hbm>>) target(%arg18 : memref<1x128xi32, #tpu.memory_space<vmem>>) target_semaphore(%arg26 : memref<!tpu.dma_semaphore, #tpu.memory_space<semaphore_mem>>)
    %add3A_100 = arith.constant 1 : i32
    %add3A_101 = arith.addi %mul3A_93, %add3A_100 : i32
    %dma_start3A_102 = arith.constant 0 : i32
    %dma_start3A_103 = tpu.memref_slice %arg9[%add3A_101, %dma_start3A_102] : memref<3200x128xi32, #tpu.memory_space<hbm>> -> memref<1x128xi32, #tpu.memory_space<hbm>>
    %dma_start3A_104 = arith.constant 0 : i32
    %dma_start3A_105 = tpu.memref_slice %arg9[%add3A_101, %dma_start3A_104] : memref<3200x128xi32, #tpu.memory_space<hbm>> -> memref<1x128xi32, #tpu.memory_space<hbm>>
    tpu.enqueue_dma source(%dma_start3A_105 : memref<1x128xi32, #tpu.memory_space<hbm>>) target(%arg19 : memref<1x128xi32, #tpu.memory_space<vmem>>) target_semaphore(%arg27 : memref<!tpu.dma_semaphore, #tpu.memory_space<semaphore_mem>>)
    %scan3A_106 = arith.constant 0 : i32
    %scan3A_107 = arith.constant 0 : i32
    %scan3A_108 = arith.constant 50 : i32
    %scan3A_109 = arith.addi %scan3A_107, %scan3A_108 : i32
    %scan3A_110 = arith.constant 1 : i32
    scf.for %scan3A_146 = %scan3A_107 to %scan3A_109 step %scan3A_110  : i32 {
      %dma_wait3A_147 = arith.constant 0 : i32
      %dma_wait3A_148 = arith.constant 0 : i32
      %dma_wait3A_149 = tpu.memref_slice %arg9[%dma_wait3A_147, %dma_wait3A_148] : memref<3200x128xi32, #tpu.memory_space<hbm>> -> memref<1x128xi32, #tpu.memory_space<hbm>>
      %dma_wait3A_150 = arith.constant 0 : i32
      %dma_wait3A_151 = arith.constant 0 : i32
      %dma_wait3A_152 = tpu.memref_slice %arg9[%dma_wait3A_150, %dma_wait3A_151] : memref<3200x128xi32, #tpu.memory_space<hbm>> -> memref<1x128xi32, #tpu.memory_space<hbm>>
      tpu.wait_dma2 semaphore(%arg26 : memref<!tpu.dma_semaphore, #tpu.memory_space<semaphore_mem>>) src(%dma_wait3A_152 : memref<1x128xi32, #tpu.memory_space<hbm>>) dst(%arg18 : memref<1x128xi32, #tpu.memory_space<vmem>>)
      %gt3A = arith.constant 0 : i32
      %gt3A_153 = arith.cmpi sgt, %scan3A_146, %gt3A : i32
      %convert_element_type3A_154 = arith.extui %gt3A_153 : i1 to i32
      %cond3A_155 = arith.constant 0 : i32
      %cond3A_156 = arith.cmpi ne, %convert_element_type3A_154, %cond3A_155 : i32
      scf.if %cond3A_156 {
        %dma_wait3A_268 = arith.constant 0 : i32
        %dma_wait3A_269 = arith.constant 0 : i32
        %dma_wait3A_270 = tpu.memref_slice %arg15[%dma_wait3A_268, %dma_wait3A_269] : memref<409600x128xf32, #tpu.memory_space<hbm>> -> memref<128x128xf32, #tpu.memory_space<hbm>>
        %dma_wait3A_271 = arith.constant 0 : i32
        %dma_wait3A_272 = arith.constant 0 : i32
        %dma_wait3A_273 = tpu.memref_slice %arg15[%dma_wait3A_271, %dma_wait3A_272] : memref<409600x128xf32, #tpu.memory_space<hbm>> -> memref<128x128xf32, #tpu.memory_space<hbm>>
        tpu.wait_dma2 semaphore(%arg30 : memref<!tpu.dma_semaphore, #tpu.memory_space<semaphore_mem>>) src(%arg20 : memref<128x128xf32, #tpu.memory_space<vmem>>) dst(%dma_wait3A_273 : memref<128x128xf32, #tpu.memory_space<hbm>>)
        %dma_wait3A_274 = arith.constant 0 : i32
        %dma_wait3A_275 = arith.constant 0 : i32
        %dma_wait3A_276 = tpu.memref_slice %arg17[%dma_wait3A_274, %dma_wait3A_275] : memref<409600x16xf32, #tpu.memory_space<hbm>> -> memref<128x16xf32, #tpu.memory_space<hbm>>
        %dma_wait3A_277 = arith.constant 0 : i32
        %dma_wait3A_278 = arith.constant 0 : i32
        %dma_wait3A_279 = tpu.memref_slice %arg17[%dma_wait3A_277, %dma_wait3A_278] : memref<409600x16xf32, #tpu.memory_space<hbm>> -> memref<128x16xf32, #tpu.memory_space<hbm>>
        tpu.wait_dma2 semaphore(%arg30 : memref<!tpu.dma_semaphore, #tpu.memory_space<semaphore_mem>>) src(%arg22 : memref<128x16xf32, #tpu.memory_space<vmem>>) dst(%dma_wait3A_279 : memref<128x16xf32, #tpu.memory_space<hbm>>)
      } else {
      }
      %dma_start3A_157 = arith.constant 0 : i32
      %dma_start3A_158 = arith.constant 0 : i32
      %dma_start3A_159 = tpu.memref_slice %arg18[%dma_start3A_157, %dma_start3A_158] : memref<1x128xi32, #tpu.memory_space<vmem>> -> memref<1x128xi32, #tpu.memory_space<vmem>>
      %dma_start3A_160 = tpu.memref_squeeze %dma_start3A_159 : memref<1x128xi32, #tpu.memory_space<vmem>> -> memref<128xi32, #tpu.memory_space<vmem>>
      %dma_start3A_161 = arith.constant 0 : i32
      %dma_start3A_162 = arith.constant 0 : i32
      %dma_start3A_163 = tpu.memref_slice %arg24[%dma_start3A_161, %dma_start3A_162] : memref<10000x128xf32, #tpu.memory_space<vmem_shared>> -> memref<10000x128xf32, #tpu.memory_space<vmem_shared>>
      tpu.enqueue_indirect_dma source(%dma_start3A_163 : memref<10000x128xf32, #tpu.memory_space<vmem_shared>>) target(%arg20 : memref<128x128xf32, #tpu.memory_space<vmem>>) offsets(%dma_start3A_160 : memref<128xi32, #tpu.memory_space<vmem>>) semaphore(%arg28 : memref<!tpu.dma_semaphore, #tpu.memory_space<semaphore_mem>>)
      %dma_start3A_164 = arith.constant 0 : i32
      %dma_start3A_165 = arith.constant 0 : i32
      %dma_start3A_166 = tpu.memref_slice %arg18[%dma_start3A_164, %dma_start3A_165] : memref<1x128xi32, #tpu.memory_space<vmem>> -> memref<1x128xi32, #tpu.memory_space<vmem>>
      %dma_start3A_167 = tpu.memref_squeeze %dma_start3A_166 : memref<1x128xi32, #tpu.memory_space<vmem>> -> memref<128xi32, #tpu.memory_space<vmem>>
      %dma_start3A_168 = arith.constant 0 : i32
      %dma_start3A_169 = arith.constant 0 : i32
      %dma_start3A_170 = tpu.memref_slice %arg25[%dma_start3A_168, %dma_start3A_169] : memref<10000x16xf32, #tpu.memory_space<vmem_shared>> -> memref<10000x16xf32, #tpu.memory_space<vmem_shared>>
      tpu.enqueue_indirect_dma source(%dma_start3A_170 : memref<10000x16xf32, #tpu.memory_space<vmem_shared>>) target(%arg22 : memref<128x16xf32, #tpu.memory_space<vmem>>) offsets(%dma_start3A_167 : memref<128xi32, #tpu.memory_space<vmem>>) semaphore(%arg28 : memref<!tpu.dma_semaphore, #tpu.memory_space<semaphore_mem>>)
      %dma_wait3A_171 = arith.constant 0 : i32
      %dma_wait3A_172 = arith.constant 0 : i32
      %dma_wait3A_173 = tpu.memref_slice %arg9[%dma_wait3A_171, %dma_wait3A_172] : memref<3200x128xi32, #tpu.memory_space<hbm>> -> memref<1x128xi32, #tpu.memory_space<hbm>>
      %dma_wait3A_174 = arith.constant 0 : i32
      %dma_wait3A_175 = arith.constant 0 : i32
      %dma_wait3A_176 = tpu.memref_slice %arg9[%dma_wait3A_174, %dma_wait3A_175] : memref<3200x128xi32, #tpu.memory_space<hbm>> -> memref<1x128xi32, #tpu.memory_space<hbm>>
      tpu.wait_dma2 semaphore(%arg27 : memref<!tpu.dma_semaphore, #tpu.memory_space<semaphore_mem>>) src(%dma_wait3A_176 : memref<1x128xi32, #tpu.memory_space<hbm>>) dst(%arg19 : memref<1x128xi32, #tpu.memory_space<vmem>>)
      %gt3A_177 = arith.constant 0 : i32
      %gt3A_178 = arith.cmpi sgt, %scan3A_146, %gt3A_177 : i32
      %convert_element_type3A_179 = arith.extui %gt3A_178 : i1 to i32
      %cond3A_180 = arith.constant 0 : i32
      %cond3A_181 = arith.cmpi ne, %convert_element_type3A_179, %cond3A_180 : i32
      scf.if %cond3A_181 {
        %dma_wait3A_268 = arith.constant 0 : i32
        %dma_wait3A_269 = arith.constant 0 : i32
        %dma_wait3A_270 = tpu.memref_slice %arg15[%dma_wait3A_268, %dma_wait3A_269] : memref<409600x128xf32, #tpu.memory_space<hbm>> -> memref<128x128xf32, #tpu.memory_space<hbm>>
        %dma_wait3A_271 = arith.constant 0 : i32
        %dma_wait3A_272 = arith.constant 0 : i32
        %dma_wait3A_273 = tpu.memref_slice %arg15[%dma_wait3A_271, %dma_wait3A_272] : memref<409600x128xf32, #tpu.memory_space<hbm>> -> memref<128x128xf32, #tpu.memory_space<hbm>>
        tpu.wait_dma2 semaphore(%arg31 : memref<!tpu.dma_semaphore, #tpu.memory_space<semaphore_mem>>) src(%arg21 : memref<128x128xf32, #tpu.memory_space<vmem>>) dst(%dma_wait3A_273 : memref<128x128xf32, #tpu.memory_space<hbm>>)
        %dma_wait3A_274 = arith.constant 0 : i32
        %dma_wait3A_275 = arith.constant 0 : i32
        %dma_wait3A_276 = tpu.memref_slice %arg17[%dma_wait3A_274, %dma_wait3A_275] : memref<409600x16xf32, #tpu.memory_space<hbm>> -> memref<128x16xf32, #tpu.memory_space<hbm>>
        %dma_wait3A_277 = arith.constant 0 : i32
        %dma_wait3A_278 = arith.constant 0 : i32
        %dma_wait3A_279 = tpu.memref_slice %arg17[%dma_wait3A_277, %dma_wait3A_278] : memref<409600x16xf32, #tpu.memory_space<hbm>> -> memref<128x16xf32, #tpu.memory_space<hbm>>
        tpu.wait_dma2 semaphore(%arg31 : memref<!tpu.dma_semaphore, #tpu.memory_space<semaphore_mem>>) src(%arg23 : memref<128x16xf32, #tpu.memory_space<vmem>>) dst(%dma_wait3A_279 : memref<128x16xf32, #tpu.memory_space<hbm>>)
      } else {
      }
      %dma_start3A_182 = arith.constant 0 : i32
      %dma_start3A_183 = arith.constant 0 : i32
      %dma_start3A_184 = tpu.memref_slice %arg19[%dma_start3A_182, %dma_start3A_183] : memref<1x128xi32, #tpu.memory_space<vmem>> -> memref<1x128xi32, #tpu.memory_space<vmem>>
      %dma_start3A_185 = tpu.memref_squeeze %dma_start3A_184 : memref<1x128xi32, #tpu.memory_space<vmem>> -> memref<128xi32, #tpu.memory_space<vmem>>
      %dma_start3A_186 = arith.constant 0 : i32
      %dma_start3A_187 = arith.constant 0 : i32
      %dma_start3A_188 = tpu.memref_slice %arg24[%dma_start3A_186, %dma_start3A_187] : memref<10000x128xf32, #tpu.memory_space<vmem_shared>> -> memref<10000x128xf32, #tpu.memory_space<vmem_shared>>
      tpu.enqueue_indirect_dma source(%dma_start3A_188 : memref<10000x128xf32, #tpu.memory_space<vmem_shared>>) target(%arg21 : memref<128x128xf32, #tpu.memory_space<vmem>>) offsets(%dma_start3A_185 : memref<128xi32, #tpu.memory_space<vmem>>) semaphore(%arg29 : memref<!tpu.dma_semaphore, #tpu.memory_space<semaphore_mem>>)
      %dma_start3A_189 = arith.constant 0 : i32
      %dma_start3A_190 = arith.constant 0 : i32
      %dma_start3A_191 = tpu.memref_slice %arg19[%dma_start3A_189, %dma_start3A_190] : memref<1x128xi32, #tpu.memory_space<vmem>> -> memref<1x128xi32, #tpu.memory_space<vmem>>
      %dma_start3A_192 = tpu.memref_squeeze %dma_start3A_191 : memref<1x128xi32, #tpu.memory_space<vmem>> -> memref<128xi32, #tpu.memory_space<vmem>>
      %dma_start3A_193 = arith.constant 0 : i32
      %dma_start3A_194 = arith.constant 0 : i32
      %dma_start3A_195 = tpu.memref_slice %arg25[%dma_start3A_193, %dma_start3A_194] : memref<10000x16xf32, #tpu.memory_space<vmem_shared>> -> memref<10000x16xf32, #tpu.memory_space<vmem_shared>>
      tpu.enqueue_indirect_dma source(%dma_start3A_195 : memref<10000x16xf32, #tpu.memory_space<vmem_shared>>) target(%arg23 : memref<128x16xf32, #tpu.memory_space<vmem>>) offsets(%dma_start3A_192 : memref<128xi32, #tpu.memory_space<vmem>>) semaphore(%arg29 : memref<!tpu.dma_semaphore, #tpu.memory_space<semaphore_mem>>)
      %dma_wait3A_196 = arith.constant 0 : i32
      %dma_wait3A_197 = arith.constant 0 : i32
      %dma_wait3A_198 = tpu.memref_slice %arg18[%dma_wait3A_196, %dma_wait3A_197] : memref<1x128xi32, #tpu.memory_space<vmem>> -> memref<1x128xi32, #tpu.memory_space<vmem>>
      %dma_wait3A_199 = tpu.memref_squeeze %dma_wait3A_198 : memref<1x128xi32, #tpu.memory_space<vmem>> -> memref<128xi32, #tpu.memory_space<vmem>>
      %dma_wait3A_200 = arith.constant 0 : i32
      %dma_wait3A_201 = arith.constant 0 : i32
      %dma_wait3A_202 = tpu.memref_slice %arg24[%dma_wait3A_200, %dma_wait3A_201] : memref<10000x128xf32, #tpu.memory_space<vmem_shared>> -> memref<10000x128xf32, #tpu.memory_space<vmem_shared>>
      tpu.wait_indirect_dma semaphore(%arg28 : memref<!tpu.dma_semaphore, #tpu.memory_space<semaphore_mem>>) src(%dma_wait3A_202 : memref<10000x128xf32, #tpu.memory_space<vmem_shared>>) dst(%arg20 : memref<128x128xf32, #tpu.memory_space<vmem>>)
      %dma_wait3A_203 = arith.constant 0 : i32
      %dma_wait3A_204 = arith.constant 0 : i32
      %dma_wait3A_205 = tpu.memref_slice %arg18[%dma_wait3A_203, %dma_wait3A_204] : memref<1x128xi32, #tpu.memory_space<vmem>> -> memref<1x128xi32, #tpu.memory_space<vmem>>
      %dma_wait3A_206 = tpu.memref_squeeze %dma_wait3A_205 : memref<1x128xi32, #tpu.memory_space<vmem>> -> memref<128xi32, #tpu.memory_space<vmem>>
      %dma_wait3A_207 = arith.constant 0 : i32
      %dma_wait3A_208 = arith.constant 0 : i32
      %dma_wait3A_209 = tpu.memref_slice %arg25[%dma_wait3A_207, %dma_wait3A_208] : memref<10000x16xf32, #tpu.memory_space<vmem_shared>> -> memref<10000x16xf32, #tpu.memory_space<vmem_shared>>
      tpu.wait_indirect_dma semaphore(%arg28 : memref<!tpu.dma_semaphore, #tpu.memory_space<semaphore_mem>>) src(%dma_wait3A_209 : memref<10000x16xf32, #tpu.memory_space<vmem_shared>>) dst(%arg22 : memref<128x16xf32, #tpu.memory_space<vmem>>)
      %mul3A_210 = arith.constant 2 : i32
      %mul3A_211 = arith.muli %mul3A_210, %scan3A_146 : i32
      %add3A_212 = arith.addi %mul3A_93, %mul3A_211 : i32
      %mul3A_213 = arith.constant 128 : i32
      %mul3A_214 = arith.muli %add3A_212, %mul3A_213 : i32
      %dma_start3A_215 = arith.constant 0 : i32
      %dma_start3A_216 = tpu.memref_slice %arg15[%mul3A_214, %dma_start3A_215] : memref<409600x128xf32, #tpu.memory_space<hbm>> -> memref<128x128xf32, #tpu.memory_space<hbm>>
      %dma_start3A_217 = arith.constant 0 : i32
      %dma_start3A_218 = tpu.memref_slice %arg15[%mul3A_214, %dma_start3A_217] : memref<409600x128xf32, #tpu.memory_space<hbm>> -> memref<128x128xf32, #tpu.memory_space<hbm>>
      tpu.enqueue_dma source(%arg20 : memref<128x128xf32, #tpu.memory_space<vmem>>) target(%dma_start3A_218 : memref<128x128xf32, #tpu.memory_space<hbm>>) target_semaphore(%arg30 : memref<!tpu.dma_semaphore, #tpu.memory_space<semaphore_mem>>)
      %add3A_219 = arith.addi %mul3A_93, %mul3A_211 : i32
      %mul3A_220 = arith.constant 128 : i32
      %mul3A_221 = arith.muli %add3A_219, %mul3A_220 : i32
      %dma_start3A_222 = arith.constant 0 : i32
      %dma_start3A_223 = tpu.memref_slice %arg17[%mul3A_221, %dma_start3A_222] : memref<409600x16xf32, #tpu.memory_space<hbm>> -> memref<128x16xf32, #tpu.memory_space<hbm>>
      %dma_start3A_224 = arith.constant 0 : i32
      %dma_start3A_225 = tpu.memref_slice %arg17[%mul3A_221, %dma_start3A_224] : memref<409600x16xf32, #tpu.memory_space<hbm>> -> memref<128x16xf32, #tpu.memory_space<hbm>>
      tpu.enqueue_dma source(%arg22 : memref<128x16xf32, #tpu.memory_space<vmem>>) target(%dma_start3A_225 : memref<128x16xf32, #tpu.memory_space<hbm>>) target_semaphore(%arg30 : memref<!tpu.dma_semaphore, #tpu.memory_space<semaphore_mem>>)
      %lt3A_226 = arith.constant 49 : i32
      %lt3A_227 = arith.cmpi slt, %scan3A_146, %lt3A_226 : i32
      %convert_element_type3A_228 = arith.extui %lt3A_227 : i1 to i32
      %cond3A_229 = arith.constant 0 : i32
      %cond3A_230 = arith.cmpi ne, %convert_element_type3A_228, %cond3A_229 : i32
      scf.if %cond3A_230 {
        %mul3A_268 = arith.constant 2 : i32
        %mul3A_269 = arith.muli %mul3A_268, %scan3A_146 : i32
        %add3A_270 = arith.constant 2 : i32
        %add3A_271 = arith.addi %mul3A_269, %add3A_270 : i32
        %add3A_272 = arith.addi %mul3A_93, %add3A_271 : i32
        %dma_start3A_273 = arith.constant 0 : i32
        %dma_start3A_274 = tpu.memref_slice %arg9[%add3A_272, %dma_start3A_273] : memref<3200x128xi32, #tpu.memory_space<hbm>> -> memref<1x128xi32, #tpu.memory_space<hbm>>
        %dma_start3A_275 = arith.constant 0 : i32
        %dma_start3A_276 = tpu.memref_slice %arg9[%add3A_272, %dma_start3A_275] : memref<3200x128xi32, #tpu.memory_space<hbm>> -> memref<1x128xi32, #tpu.memory_space<hbm>>
        tpu.enqueue_dma source(%dma_start3A_276 : memref<1x128xi32, #tpu.memory_space<hbm>>) target(%arg18 : memref<1x128xi32, #tpu.memory_space<vmem>>) target_semaphore(%arg26 : memref<!tpu.dma_semaphore, #tpu.memory_space<semaphore_mem>>)
      } else {
      }
      %dma_wait3A_231 = arith.constant 0 : i32
      %dma_wait3A_232 = arith.constant 0 : i32
      %dma_wait3A_233 = tpu.memref_slice %arg19[%dma_wait3A_231, %dma_wait3A_232] : memref<1x128xi32, #tpu.memory_space<vmem>> -> memref<1x128xi32, #tpu.memory_space<vmem>>
      %dma_wait3A_234 = tpu.memref_squeeze %dma_wait3A_233 : memref<1x128xi32, #tpu.memory_space<vmem>> -> memref<128xi32, #tpu.memory_space<vmem>>
      %dma_wait3A_235 = arith.constant 0 : i32
      %dma_wait3A_236 = arith.constant 0 : i32
      %dma_wait3A_237 = tpu.memref_slice %arg24[%dma_wait3A_235, %dma_wait3A_236] : memref<10000x128xf32, #tpu.memory_space<vmem_shared>> -> memref<10000x128xf32, #tpu.memory_space<vmem_shared>>
      tpu.wait_indirect_dma semaphore(%arg29 : memref<!tpu.dma_semaphore, #tpu.memory_space<semaphore_mem>>) src(%dma_wait3A_237 : memref<10000x128xf32, #tpu.memory_space<vmem_shared>>) dst(%arg21 : memref<128x128xf32, #tpu.memory_space<vmem>>)
      %dma_wait3A_238 = arith.constant 0 : i32
      %dma_wait3A_239 = arith.constant 0 : i32
      %dma_wait3A_240 = tpu.memref_slice %arg19[%dma_wait3A_238, %dma_wait3A_239] : memref<1x128xi32, #tpu.memory_space<vmem>> -> memref<1x128xi32, #tpu.memory_space<vmem>>
      %dma_wait3A_241 = tpu.memref_squeeze %dma_wait3A_240 : memref<1x128xi32, #tpu.memory_space<vmem>> -> memref<128xi32, #tpu.memory_space<vmem>>
      %dma_wait3A_242 = arith.constant 0 : i32
      %dma_wait3A_243 = arith.constant 0 : i32
      %dma_wait3A_244 = tpu.memref_slice %arg25[%dma_wait3A_242, %dma_wait3A_243] : memref<10000x16xf32, #tpu.memory_space<vmem_shared>> -> memref<10000x16xf32, #tpu.memory_space<vmem_shared>>
      tpu.wait_indirect_dma semaphore(%arg29 : memref<!tpu.dma_semaphore, #tpu.memory_space<semaphore_mem>>) src(%dma_wait3A_244 : memref<10000x16xf32, #tpu.memory_space<vmem_shared>>) dst(%arg23 : memref<128x16xf32, #tpu.memory_space<vmem>>)
      %mul3A_245 = arith.constant 2 : i32
      %mul3A_246 = arith.muli %mul3A_245, %scan3A_146 : i32
      %add3A_247 = arith.constant 1 : i32
      %add3A_248 = arith.addi %mul3A_246, %add3A_247 : i32
      %add3A_249 = arith.addi %mul3A_93, %add3A_248 : i32
      %mul3A_250 = arith.constant 128 : i32
      %mul3A_251 = arith.muli %add3A_249, %mul3A_250 : i32
      %dma_start3A_252 = arith.constant 0 : i32
      %dma_start3A_253 = tpu.memref_slice %arg15[%mul3A_251, %dma_start3A_252] : memref<409600x128xf32, #tpu.memory_space<hbm>> -> memref<128x128xf32, #tpu.memory_space<hbm>>
      %dma_start3A_254 = arith.constant 0 : i32
      %dma_start3A_255 = tpu.memref_slice %arg15[%mul3A_251, %dma_start3A_254] : memref<409600x128xf32, #tpu.memory_space<hbm>> -> memref<128x128xf32, #tpu.memory_space<hbm>>
      tpu.enqueue_dma source(%arg21 : memref<128x128xf32, #tpu.memory_space<vmem>>) target(%dma_start3A_255 : memref<128x128xf32, #tpu.memory_space<hbm>>) target_semaphore(%arg31 : memref<!tpu.dma_semaphore, #tpu.memory_space<semaphore_mem>>)
      %add3A_256 = arith.addi %mul3A_93, %add3A_248 : i32
      %mul3A_257 = arith.constant 128 : i32
      %mul3A_258 = arith.muli %add3A_256, %mul3A_257 : i32
      %dma_start3A_259 = arith.constant 0 : i32
      %dma_start3A_260 = tpu.memref_slice %arg17[%mul3A_258, %dma_start3A_259] : memref<409600x16xf32, #tpu.memory_space<hbm>> -> memref<128x16xf32, #tpu.memory_space<hbm>>
      %dma_start3A_261 = arith.constant 0 : i32
      %dma_start3A_262 = tpu.memref_slice %arg17[%mul3A_258, %dma_start3A_261] : memref<409600x16xf32, #tpu.memory_space<hbm>> -> memref<128x16xf32, #tpu.memory_space<hbm>>
      tpu.enqueue_dma source(%arg23 : memref<128x16xf32, #tpu.memory_space<vmem>>) target(%dma_start3A_262 : memref<128x16xf32, #tpu.memory_space<hbm>>) target_semaphore(%arg31 : memref<!tpu.dma_semaphore, #tpu.memory_space<semaphore_mem>>)
      %lt3A_263 = arith.constant 49 : i32
      %lt3A_264 = arith.cmpi slt, %scan3A_146, %lt3A_263 : i32
      %convert_element_type3A_265 = arith.extui %lt3A_264 : i1 to i32
      %cond3A_266 = arith.constant 0 : i32
      %cond3A_267 = arith.cmpi ne, %convert_element_type3A_265, %cond3A_266 : i32
      scf.if %cond3A_267 {
        %mul3A_268 = arith.constant 2 : i32
        %mul3A_269 = arith.muli %mul3A_268, %scan3A_146 : i32
        %add3A_270 = arith.constant 3 : i32
        %add3A_271 = arith.addi %mul3A_269, %add3A_270 : i32
        %add3A_272 = arith.addi %mul3A_93, %add3A_271 : i32
        %dma_start3A_273 = arith.constant 0 : i32
        %dma_start3A_274 = tpu.memref_slice %arg9[%add3A_272, %dma_start3A_273] : memref<3200x128xi32, #tpu.memory_space<hbm>> -> memref<1x128xi32, #tpu.memory_space<hbm>>
        %dma_start3A_275 = arith.constant 0 : i32
        %dma_start3A_276 = tpu.memref_slice %arg9[%add3A_272, %dma_start3A_275] : memref<3200x128xi32, #tpu.memory_space<hbm>> -> memref<1x128xi32, #tpu.memory_space<hbm>>
        tpu.enqueue_dma source(%dma_start3A_276 : memref<1x128xi32, #tpu.memory_space<hbm>>) target(%arg19 : memref<1x128xi32, #tpu.memory_space<vmem>>) target_semaphore(%arg27 : memref<!tpu.dma_semaphore, #tpu.memory_space<semaphore_mem>>)
      } else {
      }
    }
    %scan3A_111 = arith.constant 50 : i32
    %dma_wait3A_112 = arith.constant 0 : i32
    %dma_wait3A_113 = arith.constant 0 : i32
    %dma_wait3A_114 = tpu.memref_slice %arg15[%dma_wait3A_112, %dma_wait3A_113] : memref<409600x128xf32, #tpu.memory_space<hbm>> -> memref<128x128xf32, #tpu.memory_space<hbm>>
    %dma_wait3A_115 = arith.constant 0 : i32
    %dma_wait3A_116 = arith.constant 0 : i32
    %dma_wait3A_117 = tpu.memref_slice %arg15[%dma_wait3A_115, %dma_wait3A_116] : memref<409600x128xf32, #tpu.memory_space<hbm>> -> memref<128x128xf32, #tpu.memory_space<hbm>>
    tpu.wait_dma2 semaphore(%arg30 : memref<!tpu.dma_semaphore, #tpu.memory_space<semaphore_mem>>) src(%arg20 : memref<128x128xf32, #tpu.memory_space<vmem>>) dst(%dma_wait3A_117 : memref<128x128xf32, #tpu.memory_space<hbm>>)
    %dma_wait3A_118 = arith.constant 0 : i32
    %dma_wait3A_119 = arith.constant 0 : i32
    %dma_wait3A_120 = tpu.memref_slice %arg17[%dma_wait3A_118, %dma_wait3A_119] : memref<409600x16xf32, #tpu.memory_space<hbm>> -> memref<128x16xf32, #tpu.memory_space<hbm>>
    %dma_wait3A_121 = arith.constant 0 : i32
    %dma_wait3A_122 = arith.constant 0 : i32
    %dma_wait3A_123 = tpu.memref_slice %arg17[%dma_wait3A_121, %dma_wait3A_122] : memref<409600x16xf32, #tpu.memory_space<hbm>> -> memref<128x16xf32, #tpu.memory_space<hbm>>
    tpu.wait_dma2 semaphore(%arg30 : memref<!tpu.dma_semaphore, #tpu.memory_space<semaphore_mem>>) src(%arg22 : memref<128x16xf32, #tpu.memory_space<vmem>>) dst(%dma_wait3A_123 : memref<128x16xf32, #tpu.memory_space<hbm>>)
    %dma_wait3A_124 = arith.constant 0 : i32
    %dma_wait3A_125 = arith.constant 0 : i32
    %dma_wait3A_126 = tpu.memref_slice %arg15[%dma_wait3A_124, %dma_wait3A_125] : memref<409600x128xf32, #tpu.memory_space<hbm>> -> memref<128x128xf32, #tpu.memory_space<hbm>>
    %dma_wait3A_127 = arith.constant 0 : i32
    %dma_wait3A_128 = arith.constant 0 : i32
    %dma_wait3A_129 = tpu.memref_slice %arg15[%dma_wait3A_127, %dma_wait3A_128] : memref<409600x128xf32, #tpu.memory_space<hbm>> -> memref<128x128xf32, #tpu.memory_space<hbm>>
    tpu.wait_dma2 semaphore(%arg31 : memref<!tpu.dma_semaphore, #tpu.memory_space<semaphore_mem>>) src(%arg21 : memref<128x128xf32, #tpu.memory_space<vmem>>) dst(%dma_wait3A_129 : memref<128x128xf32, #tpu.memory_space<hbm>>)
    %dma_wait3A_130 = arith.constant 0 : i32
    %dma_wait3A_131 = arith.constant 0 : i32
    %dma_wait3A_132 = tpu.memref_slice %arg17[%dma_wait3A_130, %dma_wait3A_131] : memref<409600x16xf32, #tpu.memory_space<hbm>> -> memref<128x16xf32, #tpu.memory_space<hbm>>
    %dma_wait3A_133 = arith.constant 0 : i32
    %dma_wait3A_134 = arith.constant 0 : i32
    %dma_wait3A_135 = tpu.memref_slice %arg17[%dma_wait3A_133, %dma_wait3A_134] : memref<409600x16xf32, #tpu.memory_space<hbm>> -> memref<128x16xf32, #tpu.memory_space<hbm>>
    tpu.wait_dma2 semaphore(%arg31 : memref<!tpu.dma_semaphore, #tpu.memory_space<semaphore_mem>>) src(%arg23 : memref<128x16xf32, #tpu.memory_space<vmem>>) dst(%dma_wait3A_135 : memref<128x16xf32, #tpu.memory_space<hbm>>)
    %eq3A_136 = arith.constant 0 : i32
    %eq3A_137 = arith.cmpi eq, %arg0, %eq3A_136 : i32
    %convert_element_type3A_138 = arith.extui %eq3A_137 : i1 to i32
    %cond3A_139 = arith.constant 0 : i32
    %cond3A_140 = arith.cmpi ne, %convert_element_type3A_138, %cond3A_139 : i32
    scf.if %cond3A_140 {
      %mul3A_146 = arith.constant 150 : i32
      %mul3A_147 = arith.muli %arg1, %mul3A_146 : i32
      %add3A_148 = arith.constant 0 : i32
      %add3A_149 = arith.addi %mul3A_147, %add3A_148 : i32
      %dma_start3A_150 = arith.constant 0 : i32
      %dma_start3A_151 = tpu.memref_slice %arg8[%add3A_149, %dma_start3A_150] : memref<3200x128xi32, #tpu.memory_space<hbm>> -> memref<1x128xi32, #tpu.memory_space<hbm>>
      %dma_start3A_152 = arith.constant 0 : i32
      %dma_start3A_153 = tpu.memref_slice %arg8[%add3A_149, %dma_start3A_152] : memref<3200x128xi32, #tpu.memory_space<hbm>> -> memref<1x128xi32, #tpu.memory_space<hbm>>
      tpu.enqueue_dma source(%dma_start3A_153 : memref<1x128xi32, #tpu.memory_space<hbm>>) target(%arg18 : memref<1x128xi32, #tpu.memory_space<vmem>>) target_semaphore(%arg26 : memref<!tpu.dma_semaphore, #tpu.memory_space<semaphore_mem>>)
      %add3A_154 = arith.constant 1 : i32
      %add3A_155 = arith.addi %mul3A_147, %add3A_154 : i32
      %dma_start3A_156 = arith.constant 0 : i32
      %dma_start3A_157 = tpu.memref_slice %arg8[%add3A_155, %dma_start3A_156] : memref<3200x128xi32, #tpu.memory_space<hbm>> -> memref<1x128xi32, #tpu.memory_space<hbm>>
      %dma_start3A_158 = arith.constant 0 : i32
      %dma_start3A_159 = tpu.memref_slice %arg8[%add3A_155, %dma_start3A_158] : memref<3200x128xi32, #tpu.memory_space<hbm>> -> memref<1x128xi32, #tpu.memory_space<hbm>>
      tpu.enqueue_dma source(%dma_start3A_159 : memref<1x128xi32, #tpu.memory_space<hbm>>) target(%arg19 : memref<1x128xi32, #tpu.memory_space<vmem>>) target_semaphore(%arg27 : memref<!tpu.dma_semaphore, #tpu.memory_space<semaphore_mem>>)
      %scan3A_160 = arith.constant 0 : i32
      %scan3A_161 = arith.constant 0 : i32
      %scan3A_162 = arith.constant 75 : i32
      %scan3A_163 = arith.addi %scan3A_161, %scan3A_162 : i32
      %scan3A_164 = arith.constant 1 : i32
      scf.for %scan3A_190 = %scan3A_161 to %scan3A_163 step %scan3A_164  : i32 {
        %dma_wait3A_191 = arith.constant 0 : i32
        %dma_wait3A_192 = arith.constant 0 : i32
        %dma_wait3A_193 = tpu.memref_slice %arg8[%dma_wait3A_191, %dma_wait3A_192] : memref<3200x128xi32, #tpu.memory_space<hbm>> -> memref<1x128xi32, #tpu.memory_space<hbm>>
        %dma_wait3A_194 = arith.constant 0 : i32
        %dma_wait3A_195 = arith.constant 0 : i32
        %dma_wait3A_196 = tpu.memref_slice %arg8[%dma_wait3A_194, %dma_wait3A_195] : memref<3200x128xi32, #tpu.memory_space<hbm>> -> memref<1x128xi32, #tpu.memory_space<hbm>>
        tpu.wait_dma2 semaphore(%arg26 : memref<!tpu.dma_semaphore, #tpu.memory_space<semaphore_mem>>) src(%dma_wait3A_196 : memref<1x128xi32, #tpu.memory_space<hbm>>) dst(%arg18 : memref<1x128xi32, #tpu.memory_space<vmem>>)
        %gt3A = arith.constant 0 : i32
        %gt3A_197 = arith.cmpi sgt, %scan3A_190, %gt3A : i32
        %convert_element_type3A_198 = arith.extui %gt3A_197 : i1 to i32
        %cond3A_199 = arith.constant 0 : i32
        %cond3A_200 = arith.cmpi ne, %convert_element_type3A_198, %cond3A_199 : i32
        scf.if %cond3A_200 {
          %dma_wait3A_312 = arith.constant 0 : i32
          %dma_wait3A_313 = arith.constant 0 : i32
          %dma_wait3A_314 = tpu.memref_slice %arg14[%dma_wait3A_312, %dma_wait3A_313] : memref<409600x128xf32, #tpu.memory_space<hbm>> -> memref<128x128xf32, #tpu.memory_space<hbm>>
          %dma_wait3A_315 = arith.constant 0 : i32
          %dma_wait3A_316 = arith.constant 0 : i32
          %dma_wait3A_317 = tpu.memref_slice %arg14[%dma_wait3A_315, %dma_wait3A_316] : memref<409600x128xf32, #tpu.memory_space<hbm>> -> memref<128x128xf32, #tpu.memory_space<hbm>>
          tpu.wait_dma2 semaphore(%arg30 : memref<!tpu.dma_semaphore, #tpu.memory_space<semaphore_mem>>) src(%arg20 : memref<128x128xf32, #tpu.memory_space<vmem>>) dst(%dma_wait3A_317 : memref<128x128xf32, #tpu.memory_space<hbm>>)
          %dma_wait3A_318 = arith.constant 0 : i32
          %dma_wait3A_319 = arith.constant 0 : i32
          %dma_wait3A_320 = tpu.memref_slice %arg16[%dma_wait3A_318, %dma_wait3A_319] : memref<409600x16xf32, #tpu.memory_space<hbm>> -> memref<128x16xf32, #tpu.memory_space<hbm>>
          %dma_wait3A_321 = arith.constant 0 : i32
          %dma_wait3A_322 = arith.constant 0 : i32
          %dma_wait3A_323 = tpu.memref_slice %arg16[%dma_wait3A_321, %dma_wait3A_322] : memref<409600x16xf32, #tpu.memory_space<hbm>> -> memref<128x16xf32, #tpu.memory_space<hbm>>
          tpu.wait_dma2 semaphore(%arg30 : memref<!tpu.dma_semaphore, #tpu.memory_space<semaphore_mem>>) src(%arg22 : memref<128x16xf32, #tpu.memory_space<vmem>>) dst(%dma_wait3A_323 : memref<128x16xf32, #tpu.memory_space<hbm>>)
        } else {
        }
        %dma_start3A_201 = arith.constant 0 : i32
        %dma_start3A_202 = arith.constant 0 : i32
        %dma_start3A_203 = tpu.memref_slice %arg18[%dma_start3A_201, %dma_start3A_202] : memref<1x128xi32, #tpu.memory_space<vmem>> -> memref<1x128xi32, #tpu.memory_space<vmem>>
        %dma_start3A_204 = tpu.memref_squeeze %dma_start3A_203 : memref<1x128xi32, #tpu.memory_space<vmem>> -> memref<128xi32, #tpu.memory_space<vmem>>
        %dma_start3A_205 = arith.constant 0 : i32
        %dma_start3A_206 = arith.constant 0 : i32
        %dma_start3A_207 = tpu.memref_slice %arg3[%dma_start3A_205, %dma_start3A_206] : memref<40000x128xf32, #tpu.memory_space<hbm>> -> memref<40000x128xf32, #tpu.memory_space<hbm>>
        tpu.enqueue_indirect_dma source(%dma_start3A_207 : memref<40000x128xf32, #tpu.memory_space<hbm>>) target(%arg20 : memref<128x128xf32, #tpu.memory_space<vmem>>) offsets(%dma_start3A_204 : memref<128xi32, #tpu.memory_space<vmem>>) semaphore(%arg28 : memref<!tpu.dma_semaphore, #tpu.memory_space<semaphore_mem>>)
        %dma_start3A_208 = arith.constant 0 : i32
        %dma_start3A_209 = arith.constant 0 : i32
        %dma_start3A_210 = tpu.memref_slice %arg18[%dma_start3A_208, %dma_start3A_209] : memref<1x128xi32, #tpu.memory_space<vmem>> -> memref<1x128xi32, #tpu.memory_space<vmem>>
        %dma_start3A_211 = tpu.memref_squeeze %dma_start3A_210 : memref<1x128xi32, #tpu.memory_space<vmem>> -> memref<128xi32, #tpu.memory_space<vmem>>
        %dma_start3A_212 = arith.constant 0 : i32
        %dma_start3A_213 = arith.constant 0 : i32
        %dma_start3A_214 = tpu.memref_slice %arg5[%dma_start3A_212, %dma_start3A_213] : memref<40000x16xf32, #tpu.memory_space<hbm>> -> memref<40000x16xf32, #tpu.memory_space<hbm>>
        tpu.enqueue_indirect_dma source(%dma_start3A_214 : memref<40000x16xf32, #tpu.memory_space<hbm>>) target(%arg22 : memref<128x16xf32, #tpu.memory_space<vmem>>) offsets(%dma_start3A_211 : memref<128xi32, #tpu.memory_space<vmem>>) semaphore(%arg28 : memref<!tpu.dma_semaphore, #tpu.memory_space<semaphore_mem>>)
        %dma_wait3A_215 = arith.constant 0 : i32
        %dma_wait3A_216 = arith.constant 0 : i32
        %dma_wait3A_217 = tpu.memref_slice %arg8[%dma_wait3A_215, %dma_wait3A_216] : memref<3200x128xi32, #tpu.memory_space<hbm>> -> memref<1x128xi32, #tpu.memory_space<hbm>>
        %dma_wait3A_218 = arith.constant 0 : i32
        %dma_wait3A_219 = arith.constant 0 : i32
        %dma_wait3A_220 = tpu.memref_slice %arg8[%dma_wait3A_218, %dma_wait3A_219] : memref<3200x128xi32, #tpu.memory_space<hbm>> -> memref<1x128xi32, #tpu.memory_space<hbm>>
        tpu.wait_dma2 semaphore(%arg27 : memref<!tpu.dma_semaphore, #tpu.memory_space<semaphore_mem>>) src(%dma_wait3A_220 : memref<1x128xi32, #tpu.memory_space<hbm>>) dst(%arg19 : memref<1x128xi32, #tpu.memory_space<vmem>>)
        %gt3A_221 = arith.constant 0 : i32
        %gt3A_222 = arith.cmpi sgt, %scan3A_190, %gt3A_221 : i32
        %convert_element_type3A_223 = arith.extui %gt3A_222 : i1 to i32
        %cond3A_224 = arith.constant 0 : i32
        %cond3A_225 = arith.cmpi ne, %convert_element_type3A_223, %cond3A_224 : i32
        scf.if %cond3A_225 {
          %dma_wait3A_312 = arith.constant 0 : i32
          %dma_wait3A_313 = arith.constant 0 : i32
          %dma_wait3A_314 = tpu.memref_slice %arg14[%dma_wait3A_312, %dma_wait3A_313] : memref<409600x128xf32, #tpu.memory_space<hbm>> -> memref<128x128xf32, #tpu.memory_space<hbm>>
          %dma_wait3A_315 = arith.constant 0 : i32
          %dma_wait3A_316 = arith.constant 0 : i32
          %dma_wait3A_317 = tpu.memref_slice %arg14[%dma_wait3A_315, %dma_wait3A_316] : memref<409600x128xf32, #tpu.memory_space<hbm>> -> memref<128x128xf32, #tpu.memory_space<hbm>>
          tpu.wait_dma2 semaphore(%arg31 : memref<!tpu.dma_semaphore, #tpu.memory_space<semaphore_mem>>) src(%arg21 : memref<128x128xf32, #tpu.memory_space<vmem>>) dst(%dma_wait3A_317 : memref<128x128xf32, #tpu.memory_space<hbm>>)
          %dma_wait3A_318 = arith.constant 0 : i32
          %dma_wait3A_319 = arith.constant 0 : i32
          %dma_wait3A_320 = tpu.memref_slice %arg16[%dma_wait3A_318, %dma_wait3A_319] : memref<409600x16xf32, #tpu.memory_space<hbm>> -> memref<128x16xf32, #tpu.memory_space<hbm>>
          %dma_wait3A_321 = arith.constant 0 : i32
          %dma_wait3A_322 = arith.constant 0 : i32
          %dma_wait3A_323 = tpu.memref_slice %arg16[%dma_wait3A_321, %dma_wait3A_322] : memref<409600x16xf32, #tpu.memory_space<hbm>> -> memref<128x16xf32, #tpu.memory_space<hbm>>
          tpu.wait_dma2 semaphore(%arg31 : memref<!tpu.dma_semaphore, #tpu.memory_space<semaphore_mem>>) src(%arg23 : memref<128x16xf32, #tpu.memory_space<vmem>>) dst(%dma_wait3A_323 : memref<128x16xf32, #tpu.memory_space<hbm>>)
        } else {
        }
        %dma_start3A_226 = arith.constant 0 : i32
        %dma_start3A_227 = arith.constant 0 : i32
        %dma_start3A_228 = tpu.memref_slice %arg19[%dma_start3A_226, %dma_start3A_227] : memref<1x128xi32, #tpu.memory_space<vmem>> -> memref<1x128xi32, #tpu.memory_space<vmem>>
        %dma_start3A_229 = tpu.memref_squeeze %dma_start3A_228 : memref<1x128xi32, #tpu.memory_space<vmem>> -> memref<128xi32, #tpu.memory_space<vmem>>
        %dma_start3A_230 = arith.constant 0 : i32
        %dma_start3A_231 = arith.constant 0 : i32
        %dma_start3A_232 = tpu.memref_slice %arg3[%dma_start3A_230, %dma_start3A_231] : memref<40000x128xf32, #tpu.memory_space<hbm>> -> memref<40000x128xf32, #tpu.memory_space<hbm>>
        tpu.enqueue_indirect_dma source(%dma_start3A_232 : memref<40000x128xf32, #tpu.memory_space<hbm>>) target(%arg21 : memref<128x128xf32, #tpu.memory_space<vmem>>) offsets(%dma_start3A_229 : memref<128xi32, #tpu.memory_space<vmem>>) semaphore(%arg29 : memref<!tpu.dma_semaphore, #tpu.memory_space<semaphore_mem>>)
        %dma_start3A_233 = arith.constant 0 : i32
        %dma_start3A_234 = arith.constant 0 : i32
        %dma_start3A_235 = tpu.memref_slice %arg19[%dma_start3A_233, %dma_start3A_234] : memref<1x128xi32, #tpu.memory_space<vmem>> -> memref<1x128xi32, #tpu.memory_space<vmem>>
        %dma_start3A_236 = tpu.memref_squeeze %dma_start3A_235 : memref<1x128xi32, #tpu.memory_space<vmem>> -> memref<128xi32, #tpu.memory_space<vmem>>
        %dma_start3A_237 = arith.constant 0 : i32
        %dma_start3A_238 = arith.constant 0 : i32
        %dma_start3A_239 = tpu.memref_slice %arg5[%dma_start3A_237, %dma_start3A_238] : memref<40000x16xf32, #tpu.memory_space<hbm>> -> memref<40000x16xf32, #tpu.memory_space<hbm>>
        tpu.enqueue_indirect_dma source(%dma_start3A_239 : memref<40000x16xf32, #tpu.memory_space<hbm>>) target(%arg23 : memref<128x16xf32, #tpu.memory_space<vmem>>) offsets(%dma_start3A_236 : memref<128xi32, #tpu.memory_space<vmem>>) semaphore(%arg29 : memref<!tpu.dma_semaphore, #tpu.memory_space<semaphore_mem>>)
        %dma_wait3A_240 = arith.constant 0 : i32
        %dma_wait3A_241 = arith.constant 0 : i32
        %dma_wait3A_242 = tpu.memref_slice %arg18[%dma_wait3A_240, %dma_wait3A_241] : memref<1x128xi32, #tpu.memory_space<vmem>> -> memref<1x128xi32, #tpu.memory_space<vmem>>
        %dma_wait3A_243 = tpu.memref_squeeze %dma_wait3A_242 : memref<1x128xi32, #tpu.memory_space<vmem>> -> memref<128xi32, #tpu.memory_space<vmem>>
        %dma_wait3A_244 = arith.constant 0 : i32
        %dma_wait3A_245 = arith.constant 0 : i32
        %dma_wait3A_246 = tpu.memref_slice %arg3[%dma_wait3A_244, %dma_wait3A_245] : memref<40000x128xf32, #tpu.memory_space<hbm>> -> memref<40000x128xf32, #tpu.memory_space<hbm>>
        tpu.wait_indirect_dma semaphore(%arg28 : memref<!tpu.dma_semaphore, #tpu.memory_space<semaphore_mem>>) src(%dma_wait3A_246 : memref<40000x128xf32, #tpu.memory_space<hbm>>) dst(%arg20 : memref<128x128xf32, #tpu.memory_space<vmem>>)
        %dma_wait3A_247 = arith.constant 0 : i32
        %dma_wait3A_248 = arith.constant 0 : i32
        %dma_wait3A_249 = tpu.memref_slice %arg18[%dma_wait3A_247, %dma_wait3A_248] : memref<1x128xi32, #tpu.memory_space<vmem>> -> memref<1x128xi32, #tpu.memory_space<vmem>>
        %dma_wait3A_250 = tpu.memref_squeeze %dma_wait3A_249 : memref<1x128xi32, #tpu.memory_space<vmem>> -> memref<128xi32, #tpu.memory_space<vmem>>
        %dma_wait3A_251 = arith.constant 0 : i32
        %dma_wait3A_252 = arith.constant 0 : i32
        %dma_wait3A_253 = tpu.memref_slice %arg5[%dma_wait3A_251, %dma_wait3A_252] : memref<40000x16xf32, #tpu.memory_space<hbm>> -> memref<40000x16xf32, #tpu.memory_space<hbm>>
        tpu.wait_indirect_dma semaphore(%arg28 : memref<!tpu.dma_semaphore, #tpu.memory_space<semaphore_mem>>) src(%dma_wait3A_253 : memref<40000x16xf32, #tpu.memory_space<hbm>>) dst(%arg22 : memref<128x16xf32, #tpu.memory_space<vmem>>)
        %mul3A_254 = arith.constant 2 : i32
        %mul3A_255 = arith.muli %mul3A_254, %scan3A_190 : i32
        %add3A_256 = arith.addi %mul3A_147, %mul3A_255 : i32
        %mul3A_257 = arith.constant 128 : i32
        %mul3A_258 = arith.muli %add3A_256, %mul3A_257 : i32
        %dma_start3A_259 = arith.constant 0 : i32
        %dma_start3A_260 = tpu.memref_slice %arg14[%mul3A_258, %dma_start3A_259] : memref<409600x128xf32, #tpu.memory_space<hbm>> -> memref<128x128xf32, #tpu.memory_space<hbm>>
        %dma_start3A_261 = arith.constant 0 : i32
        %dma_start3A_262 = tpu.memref_slice %arg14[%mul3A_258, %dma_start3A_261] : memref<409600x128xf32, #tpu.memory_space<hbm>> -> memref<128x128xf32, #tpu.memory_space<hbm>>
        tpu.enqueue_dma source(%arg20 : memref<128x128xf32, #tpu.memory_space<vmem>>) target(%dma_start3A_262 : memref<128x128xf32, #tpu.memory_space<hbm>>) target_semaphore(%arg30 : memref<!tpu.dma_semaphore, #tpu.memory_space<semaphore_mem>>)
        %add3A_263 = arith.addi %mul3A_147, %mul3A_255 : i32
        %mul3A_264 = arith.constant 128 : i32
        %mul3A_265 = arith.muli %add3A_263, %mul3A_264 : i32
        %dma_start3A_266 = arith.constant 0 : i32
        %dma_start3A_267 = tpu.memref_slice %arg16[%mul3A_265, %dma_start3A_266] : memref<409600x16xf32, #tpu.memory_space<hbm>> -> memref<128x16xf32, #tpu.memory_space<hbm>>
        %dma_start3A_268 = arith.constant 0 : i32
        %dma_start3A_269 = tpu.memref_slice %arg16[%mul3A_265, %dma_start3A_268] : memref<409600x16xf32, #tpu.memory_space<hbm>> -> memref<128x16xf32, #tpu.memory_space<hbm>>
        tpu.enqueue_dma source(%arg22 : memref<128x16xf32, #tpu.memory_space<vmem>>) target(%dma_start3A_269 : memref<128x16xf32, #tpu.memory_space<hbm>>) target_semaphore(%arg30 : memref<!tpu.dma_semaphore, #tpu.memory_space<semaphore_mem>>)
        %lt3A_270 = arith.constant 74 : i32
        %lt3A_271 = arith.cmpi slt, %scan3A_190, %lt3A_270 : i32
        %convert_element_type3A_272 = arith.extui %lt3A_271 : i1 to i32
        %cond3A_273 = arith.constant 0 : i32
        %cond3A_274 = arith.cmpi ne, %convert_element_type3A_272, %cond3A_273 : i32
        scf.if %cond3A_274 {
          %mul3A_312 = arith.constant 2 : i32
          %mul3A_313 = arith.muli %mul3A_312, %scan3A_190 : i32
          %add3A_314 = arith.constant 2 : i32
          %add3A_315 = arith.addi %mul3A_313, %add3A_314 : i32
          %add3A_316 = arith.addi %mul3A_147, %add3A_315 : i32
          %dma_start3A_317 = arith.constant 0 : i32
          %dma_start3A_318 = tpu.memref_slice %arg8[%add3A_316, %dma_start3A_317] : memref<3200x128xi32, #tpu.memory_space<hbm>> -> memref<1x128xi32, #tpu.memory_space<hbm>>
          %dma_start3A_319 = arith.constant 0 : i32
          %dma_start3A_320 = tpu.memref_slice %arg8[%add3A_316, %dma_start3A_319] : memref<3200x128xi32, #tpu.memory_space<hbm>> -> memref<1x128xi32, #tpu.memory_space<hbm>>
          tpu.enqueue_dma source(%dma_start3A_320 : memref<1x128xi32, #tpu.memory_space<hbm>>) target(%arg18 : memref<1x128xi32, #tpu.memory_space<vmem>>) target_semaphore(%arg26 : memref<!tpu.dma_semaphore, #tpu.memory_space<semaphore_mem>>)
        } else {
        }
        %dma_wait3A_275 = arith.constant 0 : i32
        %dma_wait3A_276 = arith.constant 0 : i32
        %dma_wait3A_277 = tpu.memref_slice %arg19[%dma_wait3A_275, %dma_wait3A_276] : memref<1x128xi32, #tpu.memory_space<vmem>> -> memref<1x128xi32, #tpu.memory_space<vmem>>
        %dma_wait3A_278 = tpu.memref_squeeze %dma_wait3A_277 : memref<1x128xi32, #tpu.memory_space<vmem>> -> memref<128xi32, #tpu.memory_space<vmem>>
        %dma_wait3A_279 = arith.constant 0 : i32
        %dma_wait3A_280 = arith.constant 0 : i32
        %dma_wait3A_281 = tpu.memref_slice %arg3[%dma_wait3A_279, %dma_wait3A_280] : memref<40000x128xf32, #tpu.memory_space<hbm>> -> memref<40000x128xf32, #tpu.memory_space<hbm>>
        tpu.wait_indirect_dma semaphore(%arg29 : memref<!tpu.dma_semaphore, #tpu.memory_space<semaphore_mem>>) src(%dma_wait3A_281 : memref<40000x128xf32, #tpu.memory_space<hbm>>) dst(%arg21 : memref<128x128xf32, #tpu.memory_space<vmem>>)
        %dma_wait3A_282 = arith.constant 0 : i32
        %dma_wait3A_283 = arith.constant 0 : i32
        %dma_wait3A_284 = tpu.memref_slice %arg19[%dma_wait3A_282, %dma_wait3A_283] : memref<1x128xi32, #tpu.memory_space<vmem>> -> memref<1x128xi32, #tpu.memory_space<vmem>>
        %dma_wait3A_285 = tpu.memref_squeeze %dma_wait3A_284 : memref<1x128xi32, #tpu.memory_space<vmem>> -> memref<128xi32, #tpu.memory_space<vmem>>
        %dma_wait3A_286 = arith.constant 0 : i32
        %dma_wait3A_287 = arith.constant 0 : i32
        %dma_wait3A_288 = tpu.memref_slice %arg5[%dma_wait3A_286, %dma_wait3A_287] : memref<40000x16xf32, #tpu.memory_space<hbm>> -> memref<40000x16xf32, #tpu.memory_space<hbm>>
        tpu.wait_indirect_dma semaphore(%arg29 : memref<!tpu.dma_semaphore, #tpu.memory_space<semaphore_mem>>) src(%dma_wait3A_288 : memref<40000x16xf32, #tpu.memory_space<hbm>>) dst(%arg23 : memref<128x16xf32, #tpu.memory_space<vmem>>)
        %mul3A_289 = arith.constant 2 : i32
        %mul3A_290 = arith.muli %mul3A_289, %scan3A_190 : i32
        %add3A_291 = arith.constant 1 : i32
        %add3A_292 = arith.addi %mul3A_290, %add3A_291 : i32
        %add3A_293 = arith.addi %mul3A_147, %add3A_292 : i32
        %mul3A_294 = arith.constant 128 : i32
        %mul3A_295 = arith.muli %add3A_293, %mul3A_294 : i32
        %dma_start3A_296 = arith.constant 0 : i32
        %dma_start3A_297 = tpu.memref_slice %arg14[%mul3A_295, %dma_start3A_296] : memref<409600x128xf32, #tpu.memory_space<hbm>> -> memref<128x128xf32, #tpu.memory_space<hbm>>
        %dma_start3A_298 = arith.constant 0 : i32
        %dma_start3A_299 = tpu.memref_slice %arg14[%mul3A_295, %dma_start3A_298] : memref<409600x128xf32, #tpu.memory_space<hbm>> -> memref<128x128xf32, #tpu.memory_space<hbm>>
        tpu.enqueue_dma source(%arg21 : memref<128x128xf32, #tpu.memory_space<vmem>>) target(%dma_start3A_299 : memref<128x128xf32, #tpu.memory_space<hbm>>) target_semaphore(%arg31 : memref<!tpu.dma_semaphore, #tpu.memory_space<semaphore_mem>>)
        %add3A_300 = arith.addi %mul3A_147, %add3A_292 : i32
        %mul3A_301 = arith.constant 128 : i32
        %mul3A_302 = arith.muli %add3A_300, %mul3A_301 : i32
        %dma_start3A_303 = arith.constant 0 : i32
        %dma_start3A_304 = tpu.memref_slice %arg16[%mul3A_302, %dma_start3A_303] : memref<409600x16xf32, #tpu.memory_space<hbm>> -> memref<128x16xf32, #tpu.memory_space<hbm>>
        %dma_start3A_305 = arith.constant 0 : i32
        %dma_start3A_306 = tpu.memref_slice %arg16[%mul3A_302, %dma_start3A_305] : memref<409600x16xf32, #tpu.memory_space<hbm>> -> memref<128x16xf32, #tpu.memory_space<hbm>>
        tpu.enqueue_dma source(%arg23 : memref<128x16xf32, #tpu.memory_space<vmem>>) target(%dma_start3A_306 : memref<128x16xf32, #tpu.memory_space<hbm>>) target_semaphore(%arg31 : memref<!tpu.dma_semaphore, #tpu.memory_space<semaphore_mem>>)
        %lt3A_307 = arith.constant 74 : i32
        %lt3A_308 = arith.cmpi slt, %scan3A_190, %lt3A_307 : i32
        %convert_element_type3A_309 = arith.extui %lt3A_308 : i1 to i32
        %cond3A_310 = arith.constant 0 : i32
        %cond3A_311 = arith.cmpi ne, %convert_element_type3A_309, %cond3A_310 : i32
        scf.if %cond3A_311 {
          %mul3A_312 = arith.constant 2 : i32
          %mul3A_313 = arith.muli %mul3A_312, %scan3A_190 : i32
          %add3A_314 = arith.constant 3 : i32
          %add3A_315 = arith.addi %mul3A_313, %add3A_314 : i32
          %add3A_316 = arith.addi %mul3A_147, %add3A_315 : i32
          %dma_start3A_317 = arith.constant 0 : i32
          %dma_start3A_318 = tpu.memref_slice %arg8[%add3A_316, %dma_start3A_317] : memref<3200x128xi32, #tpu.memory_space<hbm>> -> memref<1x128xi32, #tpu.memory_space<hbm>>
          %dma_start3A_319 = arith.constant 0 : i32
          %dma_start3A_320 = tpu.memref_slice %arg8[%add3A_316, %dma_start3A_319] : memref<3200x128xi32, #tpu.memory_space<hbm>> -> memref<1x128xi32, #tpu.memory_space<hbm>>
          tpu.enqueue_dma source(%dma_start3A_320 : memref<1x128xi32, #tpu.memory_space<hbm>>) target(%arg19 : memref<1x128xi32, #tpu.memory_space<vmem>>) target_semaphore(%arg27 : memref<!tpu.dma_semaphore, #tpu.memory_space<semaphore_mem>>)
        } else {
        }
      }
      %scan3A_165 = arith.constant 75 : i32
      %dma_wait3A_166 = arith.constant 0 : i32
      %dma_wait3A_167 = arith.constant 0 : i32
      %dma_wait3A_168 = tpu.memref_slice %arg14[%dma_wait3A_166, %dma_wait3A_167] : memref<409600x128xf32, #tpu.memory_space<hbm>> -> memref<128x128xf32, #tpu.memory_space<hbm>>
      %dma_wait3A_169 = arith.constant 0 : i32
      %dma_wait3A_170 = arith.constant 0 : i32
      %dma_wait3A_171 = tpu.memref_slice %arg14[%dma_wait3A_169, %dma_wait3A_170] : memref<409600x128xf32, #tpu.memory_space<hbm>> -> memref<128x128xf32, #tpu.memory_space<hbm>>
      tpu.wait_dma2 semaphore(%arg30 : memref<!tpu.dma_semaphore, #tpu.memory_space<semaphore_mem>>) src(%arg20 : memref<128x128xf32, #tpu.memory_space<vmem>>) dst(%dma_wait3A_171 : memref<128x128xf32, #tpu.memory_space<hbm>>)
      %dma_wait3A_172 = arith.constant 0 : i32
      %dma_wait3A_173 = arith.constant 0 : i32
      %dma_wait3A_174 = tpu.memref_slice %arg16[%dma_wait3A_172, %dma_wait3A_173] : memref<409600x16xf32, #tpu.memory_space<hbm>> -> memref<128x16xf32, #tpu.memory_space<hbm>>
      %dma_wait3A_175 = arith.constant 0 : i32
      %dma_wait3A_176 = arith.constant 0 : i32
      %dma_wait3A_177 = tpu.memref_slice %arg16[%dma_wait3A_175, %dma_wait3A_176] : memref<409600x16xf32, #tpu.memory_space<hbm>> -> memref<128x16xf32, #tpu.memory_space<hbm>>
      tpu.wait_dma2 semaphore(%arg30 : memref<!tpu.dma_semaphore, #tpu.memory_space<semaphore_mem>>) src(%arg22 : memref<128x16xf32, #tpu.memory_space<vmem>>) dst(%dma_wait3A_177 : memref<128x16xf32, #tpu.memory_space<hbm>>)
      %dma_wait3A_178 = arith.constant 0 : i32
      %dma_wait3A_179 = arith.constant 0 : i32
      %dma_wait3A_180 = tpu.memref_slice %arg14[%dma_wait3A_178, %dma_wait3A_179] : memref<409600x128xf32, #tpu.memory_space<hbm>> -> memref<128x128xf32, #tpu.memory_space<hbm>>
      %dma_wait3A_181 = arith.constant 0 : i32
      %dma_wait3A_182 = arith.constant 0 : i32
      %dma_wait3A_183 = tpu.memref_slice %arg14[%dma_wait3A_181, %dma_wait3A_182] : memref<409600x128xf32, #tpu.memory_space<hbm>> -> memref<128x128xf32, #tpu.memory_space<hbm>>
      tpu.wait_dma2 semaphore(%arg31 : memref<!tpu.dma_semaphore, #tpu.memory_space<semaphore_mem>>) src(%arg21 : memref<128x128xf32, #tpu.memory_space<vmem>>) dst(%dma_wait3A_183 : memref<128x128xf32, #tpu.memory_space<hbm>>)
      %dma_wait3A_184 = arith.constant 0 : i32
      %dma_wait3A_185 = arith.constant 0 : i32
      %dma_wait3A_186 = tpu.memref_slice %arg16[%dma_wait3A_184, %dma_wait3A_185] : memref<409600x16xf32, #tpu.memory_space<hbm>> -> memref<128x16xf32, #tpu.memory_space<hbm>>
      %dma_wait3A_187 = arith.constant 0 : i32
      %dma_wait3A_188 = arith.constant 0 : i32
      %dma_wait3A_189 = tpu.memref_slice %arg16[%dma_wait3A_187, %dma_wait3A_188] : memref<409600x16xf32, #tpu.memory_space<hbm>> -> memref<128x16xf32, #tpu.memory_space<hbm>>
      tpu.wait_dma2 semaphore(%arg31 : memref<!tpu.dma_semaphore, #tpu.memory_space<semaphore_mem>>) src(%arg23 : memref<128x16xf32, #tpu.memory_space<vmem>>) dst(%dma_wait3A_189 : memref<128x16xf32, #tpu.memory_space<hbm>>)
    } else {
    }
    %eq3A_141 = arith.constant 1 : i32
    %eq3A_142 = arith.cmpi eq, %arg0, %eq3A_141 : i32
    %convert_element_type3A_143 = arith.extui %eq3A_142 : i1 to i32
    %cond3A_144 = arith.constant 0 : i32
    %cond3A_145 = arith.cmpi ne, %convert_element_type3A_143, %cond3A_144 : i32
    scf.if %cond3A_145 {
      %mul3A_146 = arith.constant 50 : i32
      %mul3A_147 = arith.muli %arg1, %mul3A_146 : i32
      %add3A_148 = arith.constant 2400 : i32
      %add3A_149 = arith.addi %add3A_148, %mul3A_147 : i32
      %add3A_150 = arith.constant 0 : i32
      %add3A_151 = arith.addi %add3A_149, %add3A_150 : i32
      %dma_start3A_152 = arith.constant 0 : i32
      %dma_start3A_153 = tpu.memref_slice %arg8[%add3A_151, %dma_start3A_152] : memref<3200x128xi32, #tpu.memory_space<hbm>> -> memref<1x128xi32, #tpu.memory_space<hbm>>
      %dma_start3A_154 = arith.constant 0 : i32
      %dma_start3A_155 = tpu.memref_slice %arg8[%add3A_151, %dma_start3A_154] : memref<3200x128xi32, #tpu.memory_space<hbm>> -> memref<1x128xi32, #tpu.memory_space<hbm>>
      tpu.enqueue_dma source(%dma_start3A_155 : memref<1x128xi32, #tpu.memory_space<hbm>>) target(%arg18 : memref<1x128xi32, #tpu.memory_space<vmem>>) target_semaphore(%arg26 : memref<!tpu.dma_semaphore, #tpu.memory_space<semaphore_mem>>)
      %add3A_156 = arith.constant 1 : i32
      %add3A_157 = arith.addi %add3A_149, %add3A_156 : i32
      %dma_start3A_158 = arith.constant 0 : i32
      %dma_start3A_159 = tpu.memref_slice %arg8[%add3A_157, %dma_start3A_158] : memref<3200x128xi32, #tpu.memory_space<hbm>> -> memref<1x128xi32, #tpu.memory_space<hbm>>
      %dma_start3A_160 = arith.constant 0 : i32
      %dma_start3A_161 = tpu.memref_slice %arg8[%add3A_157, %dma_start3A_160] : memref<3200x128xi32, #tpu.memory_space<hbm>> -> memref<1x128xi32, #tpu.memory_space<hbm>>
      tpu.enqueue_dma source(%dma_start3A_161 : memref<1x128xi32, #tpu.memory_space<hbm>>) target(%arg19 : memref<1x128xi32, #tpu.memory_space<vmem>>) target_semaphore(%arg27 : memref<!tpu.dma_semaphore, #tpu.memory_space<semaphore_mem>>)
      %scan3A_162 = arith.constant 0 : i32
      %scan3A_163 = arith.constant 0 : i32
      %scan3A_164 = arith.constant 25 : i32
      %scan3A_165 = arith.addi %scan3A_163, %scan3A_164 : i32
      %scan3A_166 = arith.constant 1 : i32
      scf.for %scan3A_192 = %scan3A_163 to %scan3A_165 step %scan3A_166  : i32 {
        %dma_wait3A_193 = arith.constant 0 : i32
        %dma_wait3A_194 = arith.constant 0 : i32
        %dma_wait3A_195 = tpu.memref_slice %arg8[%dma_wait3A_193, %dma_wait3A_194] : memref<3200x128xi32, #tpu.memory_space<hbm>> -> memref<1x128xi32, #tpu.memory_space<hbm>>
        %dma_wait3A_196 = arith.constant 0 : i32
        %dma_wait3A_197 = arith.constant 0 : i32
        %dma_wait3A_198 = tpu.memref_slice %arg8[%dma_wait3A_196, %dma_wait3A_197] : memref<3200x128xi32, #tpu.memory_space<hbm>> -> memref<1x128xi32, #tpu.memory_space<hbm>>
        tpu.wait_dma2 semaphore(%arg26 : memref<!tpu.dma_semaphore, #tpu.memory_space<semaphore_mem>>) src(%dma_wait3A_198 : memref<1x128xi32, #tpu.memory_space<hbm>>) dst(%arg18 : memref<1x128xi32, #tpu.memory_space<vmem>>)
        %gt3A = arith.constant 0 : i32
        %gt3A_199 = arith.cmpi sgt, %scan3A_192, %gt3A : i32
        %convert_element_type3A_200 = arith.extui %gt3A_199 : i1 to i32
        %cond3A_201 = arith.constant 0 : i32
        %cond3A_202 = arith.cmpi ne, %convert_element_type3A_200, %cond3A_201 : i32
        scf.if %cond3A_202 {
          %dma_wait3A_314 = arith.constant 0 : i32
          %dma_wait3A_315 = arith.constant 0 : i32
          %dma_wait3A_316 = tpu.memref_slice %arg14[%dma_wait3A_314, %dma_wait3A_315] : memref<409600x128xf32, #tpu.memory_space<hbm>> -> memref<128x128xf32, #tpu.memory_space<hbm>>
          %dma_wait3A_317 = arith.constant 0 : i32
          %dma_wait3A_318 = arith.constant 0 : i32
          %dma_wait3A_319 = tpu.memref_slice %arg14[%dma_wait3A_317, %dma_wait3A_318] : memref<409600x128xf32, #tpu.memory_space<hbm>> -> memref<128x128xf32, #tpu.memory_space<hbm>>
          tpu.wait_dma2 semaphore(%arg30 : memref<!tpu.dma_semaphore, #tpu.memory_space<semaphore_mem>>) src(%arg20 : memref<128x128xf32, #tpu.memory_space<vmem>>) dst(%dma_wait3A_319 : memref<128x128xf32, #tpu.memory_space<hbm>>)
          %dma_wait3A_320 = arith.constant 0 : i32
          %dma_wait3A_321 = arith.constant 0 : i32
          %dma_wait3A_322 = tpu.memref_slice %arg16[%dma_wait3A_320, %dma_wait3A_321] : memref<409600x16xf32, #tpu.memory_space<hbm>> -> memref<128x16xf32, #tpu.memory_space<hbm>>
          %dma_wait3A_323 = arith.constant 0 : i32
          %dma_wait3A_324 = arith.constant 0 : i32
          %dma_wait3A_325 = tpu.memref_slice %arg16[%dma_wait3A_323, %dma_wait3A_324] : memref<409600x16xf32, #tpu.memory_space<hbm>> -> memref<128x16xf32, #tpu.memory_space<hbm>>
          tpu.wait_dma2 semaphore(%arg30 : memref<!tpu.dma_semaphore, #tpu.memory_space<semaphore_mem>>) src(%arg22 : memref<128x16xf32, #tpu.memory_space<vmem>>) dst(%dma_wait3A_325 : memref<128x16xf32, #tpu.memory_space<hbm>>)
        } else {
        }
        %dma_start3A_203 = arith.constant 0 : i32
        %dma_start3A_204 = arith.constant 0 : i32
        %dma_start3A_205 = tpu.memref_slice %arg18[%dma_start3A_203, %dma_start3A_204] : memref<1x128xi32, #tpu.memory_space<vmem>> -> memref<1x128xi32, #tpu.memory_space<vmem>>
        %dma_start3A_206 = tpu.memref_squeeze %dma_start3A_205 : memref<1x128xi32, #tpu.memory_space<vmem>> -> memref<128xi32, #tpu.memory_space<vmem>>
        %dma_start3A_207 = arith.constant 0 : i32
        %dma_start3A_208 = arith.constant 0 : i32
        %dma_start3A_209 = tpu.memref_slice %arg3[%dma_start3A_207, %dma_start3A_208] : memref<40000x128xf32, #tpu.memory_space<hbm>> -> memref<40000x128xf32, #tpu.memory_space<hbm>>
        tpu.enqueue_indirect_dma source(%dma_start3A_209 : memref<40000x128xf32, #tpu.memory_space<hbm>>) target(%arg20 : memref<128x128xf32, #tpu.memory_space<vmem>>) offsets(%dma_start3A_206 : memref<128xi32, #tpu.memory_space<vmem>>) semaphore(%arg28 : memref<!tpu.dma_semaphore, #tpu.memory_space<semaphore_mem>>)
        %dma_start3A_210 = arith.constant 0 : i32
        %dma_start3A_211 = arith.constant 0 : i32
        %dma_start3A_212 = tpu.memref_slice %arg18[%dma_start3A_210, %dma_start3A_211] : memref<1x128xi32, #tpu.memory_space<vmem>> -> memref<1x128xi32, #tpu.memory_space<vmem>>
        %dma_start3A_213 = tpu.memref_squeeze %dma_start3A_212 : memref<1x128xi32, #tpu.memory_space<vmem>> -> memref<128xi32, #tpu.memory_space<vmem>>
        %dma_start3A_214 = arith.constant 0 : i32
        %dma_start3A_215 = arith.constant 0 : i32
        %dma_start3A_216 = tpu.memref_slice %arg5[%dma_start3A_214, %dma_start3A_215] : memref<40000x16xf32, #tpu.memory_space<hbm>> -> memref<40000x16xf32, #tpu.memory_space<hbm>>
        tpu.enqueue_indirect_dma source(%dma_start3A_216 : memref<40000x16xf32, #tpu.memory_space<hbm>>) target(%arg22 : memref<128x16xf32, #tpu.memory_space<vmem>>) offsets(%dma_start3A_213 : memref<128xi32, #tpu.memory_space<vmem>>) semaphore(%arg28 : memref<!tpu.dma_semaphore, #tpu.memory_space<semaphore_mem>>)
        %dma_wait3A_217 = arith.constant 0 : i32
        %dma_wait3A_218 = arith.constant 0 : i32
        %dma_wait3A_219 = tpu.memref_slice %arg8[%dma_wait3A_217, %dma_wait3A_218] : memref<3200x128xi32, #tpu.memory_space<hbm>> -> memref<1x128xi32, #tpu.memory_space<hbm>>
        %dma_wait3A_220 = arith.constant 0 : i32
        %dma_wait3A_221 = arith.constant 0 : i32
        %dma_wait3A_222 = tpu.memref_slice %arg8[%dma_wait3A_220, %dma_wait3A_221] : memref<3200x128xi32, #tpu.memory_space<hbm>> -> memref<1x128xi32, #tpu.memory_space<hbm>>
        tpu.wait_dma2 semaphore(%arg27 : memref<!tpu.dma_semaphore, #tpu.memory_space<semaphore_mem>>) src(%dma_wait3A_222 : memref<1x128xi32, #tpu.memory_space<hbm>>) dst(%arg19 : memref<1x128xi32, #tpu.memory_space<vmem>>)
        %gt3A_223 = arith.constant 0 : i32
        %gt3A_224 = arith.cmpi sgt, %scan3A_192, %gt3A_223 : i32
        %convert_element_type3A_225 = arith.extui %gt3A_224 : i1 to i32
        %cond3A_226 = arith.constant 0 : i32
        %cond3A_227 = arith.cmpi ne, %convert_element_type3A_225, %cond3A_226 : i32
        scf.if %cond3A_227 {
          %dma_wait3A_314 = arith.constant 0 : i32
          %dma_wait3A_315 = arith.constant 0 : i32
          %dma_wait3A_316 = tpu.memref_slice %arg14[%dma_wait3A_314, %dma_wait3A_315] : memref<409600x128xf32, #tpu.memory_space<hbm>> -> memref<128x128xf32, #tpu.memory_space<hbm>>
          %dma_wait3A_317 = arith.constant 0 : i32
          %dma_wait3A_318 = arith.constant 0 : i32
          %dma_wait3A_319 = tpu.memref_slice %arg14[%dma_wait3A_317, %dma_wait3A_318] : memref<409600x128xf32, #tpu.memory_space<hbm>> -> memref<128x128xf32, #tpu.memory_space<hbm>>
          tpu.wait_dma2 semaphore(%arg31 : memref<!tpu.dma_semaphore, #tpu.memory_space<semaphore_mem>>) src(%arg21 : memref<128x128xf32, #tpu.memory_space<vmem>>) dst(%dma_wait3A_319 : memref<128x128xf32, #tpu.memory_space<hbm>>)
          %dma_wait3A_320 = arith.constant 0 : i32
          %dma_wait3A_321 = arith.constant 0 : i32
          %dma_wait3A_322 = tpu.memref_slice %arg16[%dma_wait3A_320, %dma_wait3A_321] : memref<409600x16xf32, #tpu.memory_space<hbm>> -> memref<128x16xf32, #tpu.memory_space<hbm>>
          %dma_wait3A_323 = arith.constant 0 : i32
          %dma_wait3A_324 = arith.constant 0 : i32
          %dma_wait3A_325 = tpu.memref_slice %arg16[%dma_wait3A_323, %dma_wait3A_324] : memref<409600x16xf32, #tpu.memory_space<hbm>> -> memref<128x16xf32, #tpu.memory_space<hbm>>
          tpu.wait_dma2 semaphore(%arg31 : memref<!tpu.dma_semaphore, #tpu.memory_space<semaphore_mem>>) src(%arg23 : memref<128x16xf32, #tpu.memory_space<vmem>>) dst(%dma_wait3A_325 : memref<128x16xf32, #tpu.memory_space<hbm>>)
        } else {
        }
        %dma_start3A_228 = arith.constant 0 : i32
        %dma_start3A_229 = arith.constant 0 : i32
        %dma_start3A_230 = tpu.memref_slice %arg19[%dma_start3A_228, %dma_start3A_229] : memref<1x128xi32, #tpu.memory_space<vmem>> -> memref<1x128xi32, #tpu.memory_space<vmem>>
        %dma_start3A_231 = tpu.memref_squeeze %dma_start3A_230 : memref<1x128xi32, #tpu.memory_space<vmem>> -> memref<128xi32, #tpu.memory_space<vmem>>
        %dma_start3A_232 = arith.constant 0 : i32
        %dma_start3A_233 = arith.constant 0 : i32
        %dma_start3A_234 = tpu.memref_slice %arg3[%dma_start3A_232, %dma_start3A_233] : memref<40000x128xf32, #tpu.memory_space<hbm>> -> memref<40000x128xf32, #tpu.memory_space<hbm>>
        tpu.enqueue_indirect_dma source(%dma_start3A_234 : memref<40000x128xf32, #tpu.memory_space<hbm>>) target(%arg21 : memref<128x128xf32, #tpu.memory_space<vmem>>) offsets(%dma_start3A_231 : memref<128xi32, #tpu.memory_space<vmem>>) semaphore(%arg29 : memref<!tpu.dma_semaphore, #tpu.memory_space<semaphore_mem>>)
        %dma_start3A_235 = arith.constant 0 : i32
        %dma_start3A_236 = arith.constant 0 : i32
        %dma_start3A_237 = tpu.memref_slice %arg19[%dma_start3A_235, %dma_start3A_236] : memref<1x128xi32, #tpu.memory_space<vmem>> -> memref<1x128xi32, #tpu.memory_space<vmem>>
        %dma_start3A_238 = tpu.memref_squeeze %dma_start3A_237 : memref<1x128xi32, #tpu.memory_space<vmem>> -> memref<128xi32, #tpu.memory_space<vmem>>
        %dma_start3A_239 = arith.constant 0 : i32
        %dma_start3A_240 = arith.constant 0 : i32
        %dma_start3A_241 = tpu.memref_slice %arg5[%dma_start3A_239, %dma_start3A_240] : memref<40000x16xf32, #tpu.memory_space<hbm>> -> memref<40000x16xf32, #tpu.memory_space<hbm>>
        tpu.enqueue_indirect_dma source(%dma_start3A_241 : memref<40000x16xf32, #tpu.memory_space<hbm>>) target(%arg23 : memref<128x16xf32, #tpu.memory_space<vmem>>) offsets(%dma_start3A_238 : memref<128xi32, #tpu.memory_space<vmem>>) semaphore(%arg29 : memref<!tpu.dma_semaphore, #tpu.memory_space<semaphore_mem>>)
        %dma_wait3A_242 = arith.constant 0 : i32
        %dma_wait3A_243 = arith.constant 0 : i32
        %dma_wait3A_244 = tpu.memref_slice %arg18[%dma_wait3A_242, %dma_wait3A_243] : memref<1x128xi32, #tpu.memory_space<vmem>> -> memref<1x128xi32, #tpu.memory_space<vmem>>
        %dma_wait3A_245 = tpu.memref_squeeze %dma_wait3A_244 : memref<1x128xi32, #tpu.memory_space<vmem>> -> memref<128xi32, #tpu.memory_space<vmem>>
        %dma_wait3A_246 = arith.constant 0 : i32
        %dma_wait3A_247 = arith.constant 0 : i32
        %dma_wait3A_248 = tpu.memref_slice %arg3[%dma_wait3A_246, %dma_wait3A_247] : memref<40000x128xf32, #tpu.memory_space<hbm>> -> memref<40000x128xf32, #tpu.memory_space<hbm>>
        tpu.wait_indirect_dma semaphore(%arg28 : memref<!tpu.dma_semaphore, #tpu.memory_space<semaphore_mem>>) src(%dma_wait3A_248 : memref<40000x128xf32, #tpu.memory_space<hbm>>) dst(%arg20 : memref<128x128xf32, #tpu.memory_space<vmem>>)
        %dma_wait3A_249 = arith.constant 0 : i32
        %dma_wait3A_250 = arith.constant 0 : i32
        %dma_wait3A_251 = tpu.memref_slice %arg18[%dma_wait3A_249, %dma_wait3A_250] : memref<1x128xi32, #tpu.memory_space<vmem>> -> memref<1x128xi32, #tpu.memory_space<vmem>>
        %dma_wait3A_252 = tpu.memref_squeeze %dma_wait3A_251 : memref<1x128xi32, #tpu.memory_space<vmem>> -> memref<128xi32, #tpu.memory_space<vmem>>
        %dma_wait3A_253 = arith.constant 0 : i32
        %dma_wait3A_254 = arith.constant 0 : i32
        %dma_wait3A_255 = tpu.memref_slice %arg5[%dma_wait3A_253, %dma_wait3A_254] : memref<40000x16xf32, #tpu.memory_space<hbm>> -> memref<40000x16xf32, #tpu.memory_space<hbm>>
        tpu.wait_indirect_dma semaphore(%arg28 : memref<!tpu.dma_semaphore, #tpu.memory_space<semaphore_mem>>) src(%dma_wait3A_255 : memref<40000x16xf32, #tpu.memory_space<hbm>>) dst(%arg22 : memref<128x16xf32, #tpu.memory_space<vmem>>)
        %mul3A_256 = arith.constant 2 : i32
        %mul3A_257 = arith.muli %mul3A_256, %scan3A_192 : i32
        %add3A_258 = arith.addi %add3A_149, %mul3A_257 : i32
        %mul3A_259 = arith.constant 128 : i32
        %mul3A_260 = arith.muli %add3A_258, %mul3A_259 : i32
        %dma_start3A_261 = arith.constant 0 : i32
        %dma_start3A_262 = tpu.memref_slice %arg14[%mul3A_260, %dma_start3A_261] : memref<409600x128xf32, #tpu.memory_space<hbm>> -> memref<128x128xf32, #tpu.memory_space<hbm>>
        %dma_start3A_263 = arith.constant 0 : i32
        %dma_start3A_264 = tpu.memref_slice %arg14[%mul3A_260, %dma_start3A_263] : memref<409600x128xf32, #tpu.memory_space<hbm>> -> memref<128x128xf32, #tpu.memory_space<hbm>>
        tpu.enqueue_dma source(%arg20 : memref<128x128xf32, #tpu.memory_space<vmem>>) target(%dma_start3A_264 : memref<128x128xf32, #tpu.memory_space<hbm>>) target_semaphore(%arg30 : memref<!tpu.dma_semaphore, #tpu.memory_space<semaphore_mem>>)
        %add3A_265 = arith.addi %add3A_149, %mul3A_257 : i32
        %mul3A_266 = arith.constant 128 : i32
        %mul3A_267 = arith.muli %add3A_265, %mul3A_266 : i32
        %dma_start3A_268 = arith.constant 0 : i32
        %dma_start3A_269 = tpu.memref_slice %arg16[%mul3A_267, %dma_start3A_268] : memref<409600x16xf32, #tpu.memory_space<hbm>> -> memref<128x16xf32, #tpu.memory_space<hbm>>
        %dma_start3A_270 = arith.constant 0 : i32
        %dma_start3A_271 = tpu.memref_slice %arg16[%mul3A_267, %dma_start3A_270] : memref<409600x16xf32, #tpu.memory_space<hbm>> -> memref<128x16xf32, #tpu.memory_space<hbm>>
        tpu.enqueue_dma source(%arg22 : memref<128x16xf32, #tpu.memory_space<vmem>>) target(%dma_start3A_271 : memref<128x16xf32, #tpu.memory_space<hbm>>) target_semaphore(%arg30 : memref<!tpu.dma_semaphore, #tpu.memory_space<semaphore_mem>>)
        %lt3A_272 = arith.constant 24 : i32
        %lt3A_273 = arith.cmpi slt, %scan3A_192, %lt3A_272 : i32
        %convert_element_type3A_274 = arith.extui %lt3A_273 : i1 to i32
        %cond3A_275 = arith.constant 0 : i32
        %cond3A_276 = arith.cmpi ne, %convert_element_type3A_274, %cond3A_275 : i32
        scf.if %cond3A_276 {
          %mul3A_314 = arith.constant 2 : i32
          %mul3A_315 = arith.muli %mul3A_314, %scan3A_192 : i32
          %add3A_316 = arith.constant 2 : i32
          %add3A_317 = arith.addi %mul3A_315, %add3A_316 : i32
          %add3A_318 = arith.addi %add3A_149, %add3A_317 : i32
          %dma_start3A_319 = arith.constant 0 : i32
          %dma_start3A_320 = tpu.memref_slice %arg8[%add3A_318, %dma_start3A_319] : memref<3200x128xi32, #tpu.memory_space<hbm>> -> memref<1x128xi32, #tpu.memory_space<hbm>>
          %dma_start3A_321 = arith.constant 0 : i32
          %dma_start3A_322 = tpu.memref_slice %arg8[%add3A_318, %dma_start3A_321] : memref<3200x128xi32, #tpu.memory_space<hbm>> -> memref<1x128xi32, #tpu.memory_space<hbm>>
          tpu.enqueue_dma source(%dma_start3A_322 : memref<1x128xi32, #tpu.memory_space<hbm>>) target(%arg18 : memref<1x128xi32, #tpu.memory_space<vmem>>) target_semaphore(%arg26 : memref<!tpu.dma_semaphore, #tpu.memory_space<semaphore_mem>>)
        } else {
        }
        %dma_wait3A_277 = arith.constant 0 : i32
        %dma_wait3A_278 = arith.constant 0 : i32
        %dma_wait3A_279 = tpu.memref_slice %arg19[%dma_wait3A_277, %dma_wait3A_278] : memref<1x128xi32, #tpu.memory_space<vmem>> -> memref<1x128xi32, #tpu.memory_space<vmem>>
        %dma_wait3A_280 = tpu.memref_squeeze %dma_wait3A_279 : memref<1x128xi32, #tpu.memory_space<vmem>> -> memref<128xi32, #tpu.memory_space<vmem>>
        %dma_wait3A_281 = arith.constant 0 : i32
        %dma_wait3A_282 = arith.constant 0 : i32
        %dma_wait3A_283 = tpu.memref_slice %arg3[%dma_wait3A_281, %dma_wait3A_282] : memref<40000x128xf32, #tpu.memory_space<hbm>> -> memref<40000x128xf32, #tpu.memory_space<hbm>>
        tpu.wait_indirect_dma semaphore(%arg29 : memref<!tpu.dma_semaphore, #tpu.memory_space<semaphore_mem>>) src(%dma_wait3A_283 : memref<40000x128xf32, #tpu.memory_space<hbm>>) dst(%arg21 : memref<128x128xf32, #tpu.memory_space<vmem>>)
        %dma_wait3A_284 = arith.constant 0 : i32
        %dma_wait3A_285 = arith.constant 0 : i32
        %dma_wait3A_286 = tpu.memref_slice %arg19[%dma_wait3A_284, %dma_wait3A_285] : memref<1x128xi32, #tpu.memory_space<vmem>> -> memref<1x128xi32, #tpu.memory_space<vmem>>
        %dma_wait3A_287 = tpu.memref_squeeze %dma_wait3A_286 : memref<1x128xi32, #tpu.memory_space<vmem>> -> memref<128xi32, #tpu.memory_space<vmem>>
        %dma_wait3A_288 = arith.constant 0 : i32
        %dma_wait3A_289 = arith.constant 0 : i32
        %dma_wait3A_290 = tpu.memref_slice %arg5[%dma_wait3A_288, %dma_wait3A_289] : memref<40000x16xf32, #tpu.memory_space<hbm>> -> memref<40000x16xf32, #tpu.memory_space<hbm>>
        tpu.wait_indirect_dma semaphore(%arg29 : memref<!tpu.dma_semaphore, #tpu.memory_space<semaphore_mem>>) src(%dma_wait3A_290 : memref<40000x16xf32, #tpu.memory_space<hbm>>) dst(%arg23 : memref<128x16xf32, #tpu.memory_space<vmem>>)
        %mul3A_291 = arith.constant 2 : i32
        %mul3A_292 = arith.muli %mul3A_291, %scan3A_192 : i32
        %add3A_293 = arith.constant 1 : i32
        %add3A_294 = arith.addi %mul3A_292, %add3A_293 : i32
        %add3A_295 = arith.addi %add3A_149, %add3A_294 : i32
        %mul3A_296 = arith.constant 128 : i32
        %mul3A_297 = arith.muli %add3A_295, %mul3A_296 : i32
        %dma_start3A_298 = arith.constant 0 : i32
        %dma_start3A_299 = tpu.memref_slice %arg14[%mul3A_297, %dma_start3A_298] : memref<409600x128xf32, #tpu.memory_space<hbm>> -> memref<128x128xf32, #tpu.memory_space<hbm>>
        %dma_start3A_300 = arith.constant 0 : i32
        %dma_start3A_301 = tpu.memref_slice %arg14[%mul3A_297, %dma_start3A_300] : memref<409600x128xf32, #tpu.memory_space<hbm>> -> memref<128x128xf32, #tpu.memory_space<hbm>>
        tpu.enqueue_dma source(%arg21 : memref<128x128xf32, #tpu.memory_space<vmem>>) target(%dma_start3A_301 : memref<128x128xf32, #tpu.memory_space<hbm>>) target_semaphore(%arg31 : memref<!tpu.dma_semaphore, #tpu.memory_space<semaphore_mem>>)
        %add3A_302 = arith.addi %add3A_149, %add3A_294 : i32
        %mul3A_303 = arith.constant 128 : i32
        %mul3A_304 = arith.muli %add3A_302, %mul3A_303 : i32
        %dma_start3A_305 = arith.constant 0 : i32
        %dma_start3A_306 = tpu.memref_slice %arg16[%mul3A_304, %dma_start3A_305] : memref<409600x16xf32, #tpu.memory_space<hbm>> -> memref<128x16xf32, #tpu.memory_space<hbm>>
        %dma_start3A_307 = arith.constant 0 : i32
        %dma_start3A_308 = tpu.memref_slice %arg16[%mul3A_304, %dma_start3A_307] : memref<409600x16xf32, #tpu.memory_space<hbm>> -> memref<128x16xf32, #tpu.memory_space<hbm>>
        tpu.enqueue_dma source(%arg23 : memref<128x16xf32, #tpu.memory_space<vmem>>) target(%dma_start3A_308 : memref<128x16xf32, #tpu.memory_space<hbm>>) target_semaphore(%arg31 : memref<!tpu.dma_semaphore, #tpu.memory_space<semaphore_mem>>)
        %lt3A_309 = arith.constant 24 : i32
        %lt3A_310 = arith.cmpi slt, %scan3A_192, %lt3A_309 : i32
        %convert_element_type3A_311 = arith.extui %lt3A_310 : i1 to i32
        %cond3A_312 = arith.constant 0 : i32
        %cond3A_313 = arith.cmpi ne, %convert_element_type3A_311, %cond3A_312 : i32
        scf.if %cond3A_313 {
          %mul3A_314 = arith.constant 2 : i32
          %mul3A_315 = arith.muli %mul3A_314, %scan3A_192 : i32
          %add3A_316 = arith.constant 3 : i32
          %add3A_317 = arith.addi %mul3A_315, %add3A_316 : i32
          %add3A_318 = arith.addi %add3A_149, %add3A_317 : i32
          %dma_start3A_319 = arith.constant 0 : i32
          %dma_start3A_320 = tpu.memref_slice %arg8[%add3A_318, %dma_start3A_319] : memref<3200x128xi32, #tpu.memory_space<hbm>> -> memref<1x128xi32, #tpu.memory_space<hbm>>
          %dma_start3A_321 = arith.constant 0 : i32
          %dma_start3A_322 = tpu.memref_slice %arg8[%add3A_318, %dma_start3A_321] : memref<3200x128xi32, #tpu.memory_space<hbm>> -> memref<1x128xi32, #tpu.memory_space<hbm>>
          tpu.enqueue_dma source(%dma_start3A_322 : memref<1x128xi32, #tpu.memory_space<hbm>>) target(%arg19 : memref<1x128xi32, #tpu.memory_space<vmem>>) target_semaphore(%arg27 : memref<!tpu.dma_semaphore, #tpu.memory_space<semaphore_mem>>)
        } else {
        }
      }
      %scan3A_167 = arith.constant 25 : i32
      %dma_wait3A_168 = arith.constant 0 : i32
      %dma_wait3A_169 = arith.constant 0 : i32
      %dma_wait3A_170 = tpu.memref_slice %arg14[%dma_wait3A_168, %dma_wait3A_169] : memref<409600x128xf32, #tpu.memory_space<hbm>> -> memref<128x128xf32, #tpu.memory_space<hbm>>
      %dma_wait3A_171 = arith.constant 0 : i32
      %dma_wait3A_172 = arith.constant 0 : i32
      %dma_wait3A_173 = tpu.memref_slice %arg14[%dma_wait3A_171, %dma_wait3A_172] : memref<409600x128xf32, #tpu.memory_space<hbm>> -> memref<128x128xf32, #tpu.memory_space<hbm>>
      tpu.wait_dma2 semaphore(%arg30 : memref<!tpu.dma_semaphore, #tpu.memory_space<semaphore_mem>>) src(%arg20 : memref<128x128xf32, #tpu.memory_space<vmem>>) dst(%dma_wait3A_173 : memref<128x128xf32, #tpu.memory_space<hbm>>)
      %dma_wait3A_174 = arith.constant 0 : i32
      %dma_wait3A_175 = arith.constant 0 : i32
      %dma_wait3A_176 = tpu.memref_slice %arg16[%dma_wait3A_174, %dma_wait3A_175] : memref<409600x16xf32, #tpu.memory_space<hbm>> -> memref<128x16xf32, #tpu.memory_space<hbm>>
      %dma_wait3A_177 = arith.constant 0 : i32
      %dma_wait3A_178 = arith.constant 0 : i32
      %dma_wait3A_179 = tpu.memref_slice %arg16[%dma_wait3A_177, %dma_wait3A_178] : memref<409600x16xf32, #tpu.memory_space<hbm>> -> memref<128x16xf32, #tpu.memory_space<hbm>>
      tpu.wait_dma2 semaphore(%arg30 : memref<!tpu.dma_semaphore, #tpu.memory_space<semaphore_mem>>) src(%arg22 : memref<128x16xf32, #tpu.memory_space<vmem>>) dst(%dma_wait3A_179 : memref<128x16xf32, #tpu.memory_space<hbm>>)
      %dma_wait3A_180 = arith.constant 0 : i32
      %dma_wait3A_181 = arith.constant 0 : i32
      %dma_wait3A_182 = tpu.memref_slice %arg14[%dma_wait3A_180, %dma_wait3A_181] : memref<409600x128xf32, #tpu.memory_space<hbm>> -> memref<128x128xf32, #tpu.memory_space<hbm>>
      %dma_wait3A_183 = arith.constant 0 : i32
      %dma_wait3A_184 = arith.constant 0 : i32
      %dma_wait3A_185 = tpu.memref_slice %arg14[%dma_wait3A_183, %dma_wait3A_184] : memref<409600x128xf32, #tpu.memory_space<hbm>> -> memref<128x128xf32, #tpu.memory_space<hbm>>
      tpu.wait_dma2 semaphore(%arg31 : memref<!tpu.dma_semaphore, #tpu.memory_space<semaphore_mem>>) src(%arg21 : memref<128x128xf32, #tpu.memory_space<vmem>>) dst(%dma_wait3A_185 : memref<128x128xf32, #tpu.memory_space<hbm>>)
      %dma_wait3A_186 = arith.constant 0 : i32
      %dma_wait3A_187 = arith.constant 0 : i32
      %dma_wait3A_188 = tpu.memref_slice %arg16[%dma_wait3A_186, %dma_wait3A_187] : memref<409600x16xf32, #tpu.memory_space<hbm>> -> memref<128x16xf32, #tpu.memory_space<hbm>>
      %dma_wait3A_189 = arith.constant 0 : i32
      %dma_wait3A_190 = arith.constant 0 : i32
      %dma_wait3A_191 = tpu.memref_slice %arg16[%dma_wait3A_189, %dma_wait3A_190] : memref<409600x16xf32, #tpu.memory_space<hbm>> -> memref<128x16xf32, #tpu.memory_space<hbm>>
      tpu.wait_dma2 semaphore(%arg31 : memref<!tpu.dma_semaphore, #tpu.memory_space<semaphore_mem>>) src(%arg23 : memref<128x16xf32, #tpu.memory_space<vmem>>) dst(%dma_wait3A_191 : memref<128x16xf32, #tpu.memory_space<hbm>>)
    } else {
    }
    return
  }
}

module attributes {stable_mosaic.version = 14 : i64} {
  func.func @_edge_mlp_body(%arg0: i32, %arg1: memref<2048x128xf32, #tpu.memory_space<vmem>>, %arg2: memref<2048x128xf32, #tpu.memory_space<vmem>>, %arg3: memref<256x128xf32, #tpu.memory_space<vmem>>, %arg4: memref<256x128xf32, #tpu.memory_space<vmem>>, %arg5: memref<128x128xf32, #tpu.memory_space<vmem>>, %arg6: memref<128x128xf32, #tpu.memory_space<vmem>>, %arg7: memref<1x128xf32, #tpu.memory_space<vmem>>, %arg8: memref<1x128xf32, #tpu.memory_space<vmem>>, %arg9: memref<128x128xf32, #tpu.memory_space<vmem>>, %arg10: memref<1x128xf32, #tpu.memory_space<vmem>>, %arg11: memref<128x128xf32, #tpu.memory_space<vmem>>, %arg12: memref<128x128xf32, #tpu.memory_space<vmem>>, %arg13: memref<1x128xf32, #tpu.memory_space<vmem>>, %arg14: memref<1x128xf32, #tpu.memory_space<vmem>>, %arg15: memref<128x16xf32, #tpu.memory_space<vmem>>, %arg16: memref<1x16xf32, #tpu.memory_space<vmem>>, %arg17: memref<2048x128xf32, #tpu.memory_space<vmem>>, %arg18: memref<256x128xf32, #tpu.memory_space<vmem>>) attributes {dimension_semantics = [#tpu.dimension_semantics<arbitrary>], iteration_bounds = array<i64: 80>, scalar_prefetch = 0 : i64, scratch_operands = 0 : i64, tpu.core_type = #tpu.core_type<tc>, window_params = [{transform_indices = @transform_0, window_bounds = array<i64: 2048, 128>}, {transform_indices = @transform_1, window_bounds = array<i64: 2048, 128>}, {transform_indices = @transform_2, window_bounds = array<i64: 256, 128>}, {transform_indices = @transform_3, window_bounds = array<i64: 256, 128>}, {pipeline_mode = #tpu.pipeline_mode<synchronous>, transform_indices = @transform_4, window_bounds = array<i64: 128, 128>}, {pipeline_mode = #tpu.pipeline_mode<synchronous>, transform_indices = @transform_5, window_bounds = array<i64: 128, 128>}, {pipeline_mode = #tpu.pipeline_mode<synchronous>, transform_indices = @transform_6, window_bounds = array<i64: 1, 128>}, {pipeline_mode = #tpu.pipeline_mode<synchronous>, transform_indices = @transform_7, window_bounds = array<i64: 1, 128>}, {pipeline_mode = #tpu.pipeline_mode<synchronous>, transform_indices = @transform_8, window_bounds = array<i64: 128, 128>}, {pipeline_mode = #tpu.pipeline_mode<synchronous>, transform_indices = @transform_9, window_bounds = array<i64: 1, 128>}, {pipeline_mode = #tpu.pipeline_mode<synchronous>, transform_indices = @transform_10, window_bounds = array<i64: 128, 128>}, {pipeline_mode = #tpu.pipeline_mode<synchronous>, transform_indices = @transform_11, window_bounds = array<i64: 128, 128>}, {pipeline_mode = #tpu.pipeline_mode<synchronous>, transform_indices = @transform_12, window_bounds = array<i64: 1, 128>}, {pipeline_mode = #tpu.pipeline_mode<synchronous>, transform_indices = @transform_13, window_bounds = array<i64: 1, 128>}, {pipeline_mode = #tpu.pipeline_mode<synchronous>, transform_indices = @transform_14, window_bounds = array<i64: 128, 16>}, {pipeline_mode = #tpu.pipeline_mode<synchronous>, transform_indices = @transform_15, window_bounds = array<i64: 1, 16>}, {transform_indices = @transform_16, window_bounds = array<i64: 2048, 128>}, {transform_indices = @transform_17, window_bounds = array<i64: 256, 128>}]} {
    %get3A = arith.constant 0 : index
    %get3A_0 = arith.constant 0 : index
    %get3A_1 = vector.load %arg1[%get3A, %get3A_0] : memref<2048x128xf32, #tpu.memory_space<vmem>>, vector<2048x128xf32>
    %convert_element_type3A = arith.truncf %get3A_1 : vector<2048x128xf32> to vector<2048x128xbf16>
    %get3A_2 = arith.constant 0 : index
    %get3A_3 = arith.constant 0 : index
    %get3A_4 = vector.load %arg2[%get3A_2, %get3A_3] : memref<2048x128xf32, #tpu.memory_space<vmem>>, vector<2048x128xf32>
    %convert_element_type3A_5 = arith.truncf %get3A_4 : vector<2048x128xf32> to vector<2048x128xbf16>
    %get3A_6 = arith.constant 0 : index
    %get3A_7 = arith.constant 0 : index
    %get3A_8 = vector.load %arg3[%get3A_6, %get3A_7] : memref<256x128xf32, #tpu.memory_space<vmem>>, vector<256x128xf32>
    %get3A_9 = arith.constant 0 : index
    %get3A_10 = arith.constant 0 : index
    %get3A_11 = vector.load %arg4[%get3A_9, %get3A_10] : memref<256x128xf32, #tpu.memory_space<vmem>>, vector<256x128xf32>
    %sub3A = arith.subf %get3A_8, %get3A_11 : vector<256x128xf32>
    %iota3A = tpu.iota {dimensions = array<i32: 0>} : vector<128x128xi32>
    %iota3A_12 = tpu.iota {dimensions = array<i32: 1>} : vector<128x128xi32>
    %jit3A = arith.constant 16 : i32
    %div3A = vector.broadcast %jit3A : i32 to vector<128x128xi32>
    %div3A_13 = arith.divsi %iota3A, %div3A : vector<128x128xi32>
    %sign3A = arith.constant 0 : i32
    %sign3A_14 = vector.broadcast %sign3A : i32 to vector<128x128xi32>
    %sign3A_15 = arith.cmpi sgt, %iota3A, %sign3A_14 : vector<128x128xi32>
    %sign3A_16 = arith.extui %sign3A_15 : vector<128x128xi1> to vector<128x128xi32>
    %sign3A_17 = arith.constant 0 : i32
    %sign3A_18 = vector.broadcast %sign3A_17 : i32 to vector<128x128xi32>
    %sign3A_19 = arith.cmpi slt, %iota3A, %sign3A_18 : vector<128x128xi32>
    %sign3A_20 = arith.extui %sign3A_19 : vector<128x128xi1> to vector<128x128xi32>
    %sign3A_21 = arith.subi %sign3A_16, %sign3A_20 : vector<128x128xi32>
    %sign3A_22 = arith.constant 0 : i32
    %sign3A_23 = arith.cmpi sgt, %jit3A, %sign3A_22 : i32
    %sign3A_24 = arith.extui %sign3A_23 : i1 to i32
    %sign3A_25 = arith.constant 0 : i32
    %sign3A_26 = arith.cmpi slt, %jit3A, %sign3A_25 : i32
    %sign3A_27 = arith.extui %sign3A_26 : i1 to i32
    %sign3A_28 = arith.subi %sign3A_24, %sign3A_27 : i32
    %ne3A = vector.broadcast %sign3A_28 : i32 to vector<128x128xi32>
    %ne3A_29 = arith.cmpi ne, %sign3A_21, %ne3A : vector<128x128xi32>
    %rem3A = vector.broadcast %jit3A : i32 to vector<128x128xi32>
    %rem3A_30 = arith.remsi %iota3A, %rem3A : vector<128x128xi32>
    %ne3A_31 = arith.constant 0 : i32
    %ne3A_32 = vector.broadcast %ne3A_31 : i32 to vector<128x128xi32>
    %ne3A_33 = arith.cmpi ne, %rem3A_30, %ne3A_32 : vector<128x128xi32>
    %and3A = arith.andi %ne3A_29, %ne3A_33 : vector<128x128xi1>
    %sub3A_34 = arith.constant 1 : i32
    %sub3A_35 = vector.broadcast %sub3A_34 : i32 to vector<128x128xi32>
    %sub3A_36 = arith.subi %div3A_13, %sub3A_35 : vector<128x128xi32>
    %select_n3A = arith.select %and3A, %sub3A_36, %div3A_13 : vector<128x128xi1>, vector<128x128xi32>
    %jit3A_37 = arith.constant 16 : i32
    %div3A_38 = vector.broadcast %jit3A_37 : i32 to vector<128x128xi32>
    %div3A_39 = arith.divsi %iota3A_12, %div3A_38 : vector<128x128xi32>
    %sign3A_40 = arith.constant 0 : i32
    %sign3A_41 = vector.broadcast %sign3A_40 : i32 to vector<128x128xi32>
    %sign3A_42 = arith.cmpi sgt, %iota3A_12, %sign3A_41 : vector<128x128xi32>
    %sign3A_43 = arith.extui %sign3A_42 : vector<128x128xi1> to vector<128x128xi32>
    %sign3A_44 = arith.constant 0 : i32
    %sign3A_45 = vector.broadcast %sign3A_44 : i32 to vector<128x128xi32>
    %sign3A_46 = arith.cmpi slt, %iota3A_12, %sign3A_45 : vector<128x128xi32>
    %sign3A_47 = arith.extui %sign3A_46 : vector<128x128xi1> to vector<128x128xi32>
    %sign3A_48 = arith.subi %sign3A_43, %sign3A_47 : vector<128x128xi32>
    %sign3A_49 = arith.constant 0 : i32
    %sign3A_50 = arith.cmpi sgt, %jit3A_37, %sign3A_49 : i32
    %sign3A_51 = arith.extui %sign3A_50 : i1 to i32
    %sign3A_52 = arith.constant 0 : i32
    %sign3A_53 = arith.cmpi slt, %jit3A_37, %sign3A_52 : i32
    %sign3A_54 = arith.extui %sign3A_53 : i1 to i32
    %sign3A_55 = arith.subi %sign3A_51, %sign3A_54 : i32
    %ne3A_56 = vector.broadcast %sign3A_55 : i32 to vector<128x128xi32>
    %ne3A_57 = arith.cmpi ne, %sign3A_48, %ne3A_56 : vector<128x128xi32>
    %rem3A_58 = vector.broadcast %jit3A_37 : i32 to vector<128x128xi32>
    %rem3A_59 = arith.remsi %iota3A_12, %rem3A_58 : vector<128x128xi32>
    %ne3A_60 = arith.constant 0 : i32
    %ne3A_61 = vector.broadcast %ne3A_60 : i32 to vector<128x128xi32>
    %ne3A_62 = arith.cmpi ne, %rem3A_59, %ne3A_61 : vector<128x128xi32>
    %and3A_63 = arith.andi %ne3A_57, %ne3A_62 : vector<128x128xi1>
    %sub3A_64 = arith.constant 1 : i32
    %sub3A_65 = vector.broadcast %sub3A_64 : i32 to vector<128x128xi32>
    %sub3A_66 = arith.subi %div3A_39, %sub3A_65 : vector<128x128xi32>
    %select_n3A_67 = arith.select %and3A_63, %sub3A_66, %div3A_39 : vector<128x128xi1>, vector<128x128xi32>
    %eq3A = arith.cmpi eq, %select_n3A, %select_n3A_67 : vector<128x128xi32>
    %convert_element_type3A_68 = arith.extui %eq3A : vector<128x128xi1> to vector<128x128xi32>
    %convert_element_type3A_69 = arith.sitofp %convert_element_type3A_68 : vector<128x128xi32> to vector<128x128xf32>
    %mul3A = arith.mulf %sub3A, %sub3A : vector<256x128xf32>
    %dot_general3A = arith.constant dense<0.000000e+00> : vector<256x128xf32>
    %dot_general3A_70 = tpu.matmul %mul3A, %convert_element_type3A_69, %dot_general3A {dimension_numbers = #tpu.dot_dimension_numbers<[1], [0], [0], [1], [0, 0, 1, 1], [], []>, transpose_lhs_hint = false} : vector<256x128xf32>, vector<128x128xf32>, vector<256x128xf32> -> vector<256x128xf32>
    %sqrt3A = math.sqrt %dot_general3A_70 : vector<256x128xf32>
    %add3A = arith.constant 9.99999971E-10 : f32
    %add3A_71 = vector.broadcast %add3A : f32 to vector<256x128xf32>
    %add3A_72 = arith.addf %sqrt3A, %add3A_71 : vector<256x128xf32>
    %div3A_73 = arith.divf %sub3A, %add3A_72 : vector<256x128xf32>
    %iota3A_74 = tpu.iota {dimensions = array<i32: 0>} : vector<2048x256xi32>
    %iota3A_75 = tpu.iota {dimensions = array<i32: 1>} : vector<2048x256xi32>
    %jit3A_76 = arith.constant 8 : i32
    %div3A_77 = vector.broadcast %jit3A_76 : i32 to vector<2048x256xi32>
    %div3A_78 = arith.divsi %iota3A_74, %div3A_77 : vector<2048x256xi32>
    %sign3A_79 = arith.constant 0 : i32
    %sign3A_80 = vector.broadcast %sign3A_79 : i32 to vector<2048x256xi32>
    %sign3A_81 = arith.cmpi sgt, %iota3A_74, %sign3A_80 : vector<2048x256xi32>
    %sign3A_82 = arith.extui %sign3A_81 : vector<2048x256xi1> to vector<2048x256xi32>
    %sign3A_83 = arith.constant 0 : i32
    %sign3A_84 = vector.broadcast %sign3A_83 : i32 to vector<2048x256xi32>
    %sign3A_85 = arith.cmpi slt, %iota3A_74, %sign3A_84 : vector<2048x256xi32>
    %sign3A_86 = arith.extui %sign3A_85 : vector<2048x256xi1> to vector<2048x256xi32>
    %sign3A_87 = arith.subi %sign3A_82, %sign3A_86 : vector<2048x256xi32>
    %sign3A_88 = arith.constant 0 : i32
    %sign3A_89 = arith.cmpi sgt, %jit3A_76, %sign3A_88 : i32
    %sign3A_90 = arith.extui %sign3A_89 : i1 to i32
    %sign3A_91 = arith.constant 0 : i32
    %sign3A_92 = arith.cmpi slt, %jit3A_76, %sign3A_91 : i32
    %sign3A_93 = arith.extui %sign3A_92 : i1 to i32
    %sign3A_94 = arith.subi %sign3A_90, %sign3A_93 : i32
    %ne3A_95 = vector.broadcast %sign3A_94 : i32 to vector<2048x256xi32>
    %ne3A_96 = arith.cmpi ne, %sign3A_87, %ne3A_95 : vector<2048x256xi32>
    %rem3A_97 = vector.broadcast %jit3A_76 : i32 to vector<2048x256xi32>
    %rem3A_98 = arith.remsi %iota3A_74, %rem3A_97 : vector<2048x256xi32>
    %ne3A_99 = arith.constant 0 : i32
    %ne3A_100 = vector.broadcast %ne3A_99 : i32 to vector<2048x256xi32>
    %ne3A_101 = arith.cmpi ne, %rem3A_98, %ne3A_100 : vector<2048x256xi32>
    %and3A_102 = arith.andi %ne3A_96, %ne3A_101 : vector<2048x256xi1>
    %sub3A_103 = arith.constant 1 : i32
    %sub3A_104 = vector.broadcast %sub3A_103 : i32 to vector<2048x256xi32>
    %sub3A_105 = arith.subi %div3A_78, %sub3A_104 : vector<2048x256xi32>
    %select_n3A_106 = arith.select %and3A_102, %sub3A_105, %div3A_78 : vector<2048x256xi1>, vector<2048x256xi32>
    %eq3A_107 = arith.cmpi eq, %select_n3A_106, %iota3A_75 : vector<2048x256xi32>
    %convert_element_type3A_108 = arith.extui %eq3A_107 : vector<2048x256xi1> to vector<2048x256xi32>
    %convert_element_type3A_109 = arith.sitofp %convert_element_type3A_108 : vector<2048x256xi32> to vector<2048x256xf32>
    %dot_general3A_110 = arith.constant dense<0.000000e+00> : vector<2048x128xf32>
    %dot_general3A_111 = tpu.matmul %convert_element_type3A_109, %sqrt3A, %dot_general3A_110 {dimension_numbers = #tpu.dot_dimension_numbers<[1], [0], [0], [1], [0, 0, 1, 1], [], []>, transpose_lhs_hint = false} : vector<2048x256xf32>, vector<256x128xf32>, vector<2048x128xf32> -> vector<2048x128xf32>
    %iota3A_112 = tpu.iota {dimensions = array<i32: 0>} : vector<2048x128xi32>
    %iota3A_113 = tpu.iota {dimensions = array<i32: 1>} : vector<2048x128xi32>
    %jit3A_114 = arith.constant 8 : i32
    %eq3A_115 = arith.constant 0 : i32
    %eq3A_116 = arith.cmpi eq, %jit3A_114, %eq3A_115 : i32
    %jit3A_117 = arith.constant 1 : i32
    %select_n3A_118 = arith.select %eq3A_116, %jit3A_117, %jit3A_114 : i32
    %rem3A_119 = vector.broadcast %select_n3A_118 : i32 to vector<2048x128xi32>
    %rem3A_120 = arith.remsi %iota3A_112, %rem3A_119 : vector<2048x128xi32>
    %ne3A_121 = arith.constant 0 : i32
    %ne3A_122 = vector.broadcast %ne3A_121 : i32 to vector<2048x128xi32>
    %ne3A_123 = arith.cmpi ne, %rem3A_120, %ne3A_122 : vector<2048x128xi32>
    %lt3A = arith.constant 0 : i32
    %lt3A_124 = vector.broadcast %lt3A : i32 to vector<2048x128xi32>
    %lt3A_125 = arith.cmpi slt, %rem3A_120, %lt3A_124 : vector<2048x128xi32>
    %lt3A_126 = arith.constant 0 : i32
    %lt3A_127 = arith.cmpi slt, %select_n3A_118, %lt3A_126 : i32
    %ne3A_128 = vector.broadcast %lt3A_127 : i1 to vector<2048x128xi1>
    %ne3A_129 = vector.broadcast %ne3A_128 : vector<2048x128xi1> to vector<2048x128xi1>
    %ne3A_130 = arith.xori %lt3A_125, %ne3A_129 : vector<2048x128xi1>
    %and3A_131 = arith.andi %ne3A_130, %ne3A_123 : vector<2048x128xi1>
    %add3A_132 = vector.broadcast %select_n3A_118 : i32 to vector<2048x128xi32>
    %add3A_133 = arith.addi %rem3A_120, %add3A_132 : vector<2048x128xi32>
    %select_n3A_134 = arith.select %and3A_131, %add3A_133, %rem3A_120 : vector<2048x128xi1>, vector<2048x128xi32>
    %mul3A_135 = arith.constant 16 : i32
    %mul3A_136 = vector.broadcast %mul3A_135 : i32 to vector<2048x128xi32>
    %mul3A_137 = arith.muli %select_n3A_134, %mul3A_136 : vector<2048x128xi32>
    %eq3A_138 = arith.cmpi eq, %iota3A_113, %mul3A_137 : vector<2048x128xi32>
    %convert_element_type3A_139 = arith.extui %eq3A_138 : vector<2048x128xi1> to vector<2048x128xi32>
    %convert_element_type3A_140 = arith.sitofp %convert_element_type3A_139 : vector<2048x128xi32> to vector<2048x128xf32>
    %mul3A_141 = arith.mulf %dot_general3A_111, %convert_element_type3A_140 : vector<2048x128xf32>
    %reduce_sum3A = arith.constant dense<0.000000e+00> : vector<2048xf32>
    %reduce_sum3A_142 = vector.multi_reduction <add>, %mul3A_141, %reduce_sum3A [1] : vector<2048x128xf32> to vector<2048xf32>
    %broadcast_in_dim3A = vector.shape_cast %reduce_sum3A_142 : vector<2048xf32> to vector<2048x1xf32>
    %get3A_143 = arith.constant 0 : index
    %get3A_144 = arith.constant 0 : index
    %get3A_145 = vector.load %arg5[%get3A_143, %get3A_144] : memref<128x128xf32, #tpu.memory_space<vmem>>, vector<128x128xf32>
    %convert_element_type3A_146 = arith.truncf %get3A_145 : vector<128x128xf32> to vector<128x128xbf16>
    %dot_general3A_147 = arith.constant dense<0.000000e+00> : vector<2048x128xf32>
    %dot_general3A_148 = tpu.matmul %convert_element_type3A, %convert_element_type3A_146, %dot_general3A_147 {dimension_numbers = #tpu.dot_dimension_numbers<[1], [0], [0], [1], [0, 0, 1, 1], [], []>, transpose_lhs_hint = false} : vector<2048x128xbf16>, vector<128x128xbf16>, vector<2048x128xf32> -> vector<2048x128xf32>
    %get3A_149 = arith.constant 0 : index
    %get3A_150 = arith.constant 0 : index
    %get3A_151 = vector.load %arg6[%get3A_149, %get3A_150] : memref<128x128xf32, #tpu.memory_space<vmem>>, vector<128x128xf32>
    %convert_element_type3A_152 = arith.truncf %get3A_151 : vector<128x128xf32> to vector<128x128xbf16>
    %dot_general3A_153 = arith.constant dense<0.000000e+00> : vector<2048x128xf32>
    %dot_general3A_154 = tpu.matmul %convert_element_type3A_5, %convert_element_type3A_152, %dot_general3A_153 {dimension_numbers = #tpu.dot_dimension_numbers<[1], [0], [0], [1], [0, 0, 1, 1], [], []>, transpose_lhs_hint = false} : vector<2048x128xbf16>, vector<128x128xbf16>, vector<2048x128xf32> -> vector<2048x128xf32>
    %add3A_155 = arith.addf %dot_general3A_148, %dot_general3A_154 : vector<2048x128xf32>
    %get3A_156 = arith.constant 0 : index
    %get3A_157 = arith.constant 0 : index
    %get3A_158 = vector.load %arg7[%get3A_156, %get3A_157] : memref<1x128xf32, #tpu.memory_space<vmem>>, vector<1x128xf32>
    %mul3A_159 = vector.broadcast %broadcast_in_dim3A : vector<2048x1xf32> to vector<2048x128xf32>
    %mul3A_160 = vector.broadcast %get3A_158 : vector<1x128xf32> to vector<2048x128xf32>
    %mul3A_161 = arith.mulf %mul3A_159, %mul3A_160 : vector<2048x128xf32>
    %add3A_162 = arith.addf %add3A_155, %mul3A_161 : vector<2048x128xf32>
    %get3A_163 = arith.constant 0 : index
    %get3A_164 = arith.constant 0 : index
    %get3A_165 = vector.load %arg8[%get3A_163, %get3A_164] : memref<1x128xf32, #tpu.memory_space<vmem>>, vector<1x128xf32>
    %add3A_166 = vector.broadcast %get3A_165 : vector<1x128xf32> to vector<2048x128xf32>
    %add3A_167 = arith.addf %add3A_162, %add3A_166 : vector<2048x128xf32>
    %neg3A = arith.constant 0.000000e+00 : f32
    %neg3A_168 = vector.broadcast %neg3A : f32 to vector<2048x128xf32>
    %neg3A_169 = arith.subf %neg3A_168, %add3A_167 : vector<2048x128xf32>
    %exp3A = math.exp %neg3A_169 : vector<2048x128xf32>
    %add3A_170 = arith.constant 1.000000e+00 : f32
    %add3A_171 = vector.broadcast %add3A_170 : f32 to vector<2048x128xf32>
    %add3A_172 = arith.addf %add3A_171, %exp3A : vector<2048x128xf32>
    %div3A_173 = arith.divf %add3A_167, %add3A_172 : vector<2048x128xf32>
    %convert_element_type3A_174 = arith.truncf %div3A_173 : vector<2048x128xf32> to vector<2048x128xbf16>
    %get3A_175 = arith.constant 0 : index
    %get3A_176 = arith.constant 0 : index
    %get3A_177 = vector.load %arg9[%get3A_175, %get3A_176] : memref<128x128xf32, #tpu.memory_space<vmem>>, vector<128x128xf32>
    %convert_element_type3A_178 = arith.truncf %get3A_177 : vector<128x128xf32> to vector<128x128xbf16>
    %dot_general3A_179 = arith.constant dense<0.000000e+00> : vector<2048x128xf32>
    %dot_general3A_180 = tpu.matmul %convert_element_type3A_174, %convert_element_type3A_178, %dot_general3A_179 {dimension_numbers = #tpu.dot_dimension_numbers<[1], [0], [0], [1], [0, 0, 1, 1], [], []>, transpose_lhs_hint = false} : vector<2048x128xbf16>, vector<128x128xbf16>, vector<2048x128xf32> -> vector<2048x128xf32>
    %get3A_181 = arith.constant 0 : index
    %get3A_182 = arith.constant 0 : index
    %get3A_183 = vector.load %arg10[%get3A_181, %get3A_182] : memref<1x128xf32, #tpu.memory_space<vmem>>, vector<1x128xf32>
    %add3A_184 = vector.broadcast %get3A_183 : vector<1x128xf32> to vector<2048x128xf32>
    %add3A_185 = arith.addf %dot_general3A_180, %add3A_184 : vector<2048x128xf32>
    %neg3A_186 = arith.constant 0.000000e+00 : f32
    %neg3A_187 = vector.broadcast %neg3A_186 : f32 to vector<2048x128xf32>
    %neg3A_188 = arith.subf %neg3A_187, %add3A_185 : vector<2048x128xf32>
    %exp3A_189 = math.exp %neg3A_188 : vector<2048x128xf32>
    %add3A_190 = arith.constant 1.000000e+00 : f32
    %add3A_191 = vector.broadcast %add3A_190 : f32 to vector<2048x128xf32>
    %add3A_192 = arith.addf %add3A_191, %exp3A_189 : vector<2048x128xf32>
    %div3A_193 = arith.divf %add3A_185, %add3A_192 : vector<2048x128xf32>
    %get3A_194 = arith.constant 0 : index
    %get3A_195 = arith.constant 0 : index
    %get3A_196 = vector.load %arg11[%get3A_194, %get3A_195] : memref<128x128xf32, #tpu.memory_space<vmem>>, vector<128x128xf32>
    %convert_element_type3A_197 = arith.truncf %get3A_196 : vector<128x128xf32> to vector<128x128xbf16>
    %dot_general3A_198 = arith.constant dense<0.000000e+00> : vector<2048x128xf32>
    %dot_general3A_199 = tpu.matmul %convert_element_type3A, %convert_element_type3A_197, %dot_general3A_198 {dimension_numbers = #tpu.dot_dimension_numbers<[1], [0], [0], [1], [0, 0, 1, 1], [], []>, transpose_lhs_hint = false} : vector<2048x128xbf16>, vector<128x128xbf16>, vector<2048x128xf32> -> vector<2048x128xf32>
    %get3A_200 = arith.constant 0 : index
    %get3A_201 = arith.constant 0 : index
    %get3A_202 = vector.load %arg12[%get3A_200, %get3A_201] : memref<128x128xf32, #tpu.memory_space<vmem>>, vector<128x128xf32>
    %convert_element_type3A_203 = arith.truncf %get3A_202 : vector<128x128xf32> to vector<128x128xbf16>
    %dot_general3A_204 = arith.constant dense<0.000000e+00> : vector<2048x128xf32>
    %dot_general3A_205 = tpu.matmul %convert_element_type3A_5, %convert_element_type3A_203, %dot_general3A_204 {dimension_numbers = #tpu.dot_dimension_numbers<[1], [0], [0], [1], [0, 0, 1, 1], [], []>, transpose_lhs_hint = false} : vector<2048x128xbf16>, vector<128x128xbf16>, vector<2048x128xf32> -> vector<2048x128xf32>
    %add3A_206 = arith.addf %dot_general3A_199, %dot_general3A_205 : vector<2048x128xf32>
    %get3A_207 = arith.constant 0 : index
    %get3A_208 = arith.constant 0 : index
    %get3A_209 = vector.load %arg13[%get3A_207, %get3A_208] : memref<1x128xf32, #tpu.memory_space<vmem>>, vector<1x128xf32>
    %mul3A_210 = vector.broadcast %broadcast_in_dim3A : vector<2048x1xf32> to vector<2048x128xf32>
    %mul3A_211 = vector.broadcast %get3A_209 : vector<1x128xf32> to vector<2048x128xf32>
    %mul3A_212 = arith.mulf %mul3A_210, %mul3A_211 : vector<2048x128xf32>
    %add3A_213 = arith.addf %add3A_206, %mul3A_212 : vector<2048x128xf32>
    %get3A_214 = arith.constant 0 : index
    %get3A_215 = arith.constant 0 : index
    %get3A_216 = vector.load %arg14[%get3A_214, %get3A_215] : memref<1x128xf32, #tpu.memory_space<vmem>>, vector<1x128xf32>
    %add3A_217 = vector.broadcast %get3A_216 : vector<1x128xf32> to vector<2048x128xf32>
    %add3A_218 = arith.addf %add3A_213, %add3A_217 : vector<2048x128xf32>
    %neg3A_219 = arith.constant 0.000000e+00 : f32
    %neg3A_220 = vector.broadcast %neg3A_219 : f32 to vector<2048x128xf32>
    %neg3A_221 = arith.subf %neg3A_220, %add3A_218 : vector<2048x128xf32>
    %exp3A_222 = math.exp %neg3A_221 : vector<2048x128xf32>
    %add3A_223 = arith.constant 1.000000e+00 : f32
    %add3A_224 = vector.broadcast %add3A_223 : f32 to vector<2048x128xf32>
    %add3A_225 = arith.addf %add3A_224, %exp3A_222 : vector<2048x128xf32>
    %div3A_226 = arith.divf %add3A_218, %add3A_225 : vector<2048x128xf32>
    %convert_element_type3A_227 = arith.truncf %div3A_226 : vector<2048x128xf32> to vector<2048x128xbf16>
    %get3A_228 = arith.constant 0 : index
    %get3A_229 = arith.constant 0 : index
    %get3A_230 = vector.load %arg15[%get3A_228, %get3A_229] : memref<128x16xf32, #tpu.memory_space<vmem>>, vector<128x16xf32>
    %convert_element_type3A_231 = arith.truncf %get3A_230 : vector<128x16xf32> to vector<128x16xbf16>
    %dot_general3A_232 = arith.constant dense<0.000000e+00> : vector<2048x16xf32>
    %dot_general3A_233 = tpu.matmul %convert_element_type3A_227, %convert_element_type3A_231, %dot_general3A_232 {dimension_numbers = #tpu.dot_dimension_numbers<[1], [0], [0], [1], [0, 0, 1, 1], [], []>, transpose_lhs_hint = false} : vector<2048x128xbf16>, vector<128x16xbf16>, vector<2048x16xf32> -> vector<2048x16xf32>
    %get3A_234 = arith.constant 0 : index
    %get3A_235 = arith.constant 0 : index
    %get3A_236 = vector.load %arg16[%get3A_234, %get3A_235] : memref<1x16xf32, #tpu.memory_space<vmem>>, vector<1x16xf32>
    %add3A_237 = vector.broadcast %get3A_236 : vector<1x16xf32> to vector<2048x16xf32>
    %add3A_238 = arith.addf %dot_general3A_233, %add3A_237 : vector<2048x16xf32>
    %neg3A_239 = arith.constant 0.000000e+00 : f32
    %neg3A_240 = vector.broadcast %neg3A_239 : f32 to vector<2048x16xf32>
    %neg3A_241 = arith.subf %neg3A_240, %add3A_238 : vector<2048x16xf32>
    %exp3A_242 = math.exp %neg3A_241 : vector<2048x16xf32>
    %add3A_243 = arith.constant 1.000000e+00 : f32
    %add3A_244 = vector.broadcast %add3A_243 : f32 to vector<2048x16xf32>
    %add3A_245 = arith.addf %add3A_244, %exp3A_242 : vector<2048x16xf32>
    %div3A_246 = arith.divf %add3A_238, %add3A_245 : vector<2048x16xf32>
    %slice3A = vector.extract_strided_slice %div3A_246 {offsets = [0, 0], sizes = [2048, 1], strides = [1, 1]} : vector<2048x16xf32> to vector<2048x1xf32>
    %jit3A_247 = arith.constant 16 : i32
    %div3A_248 = vector.broadcast %jit3A_247 : i32 to vector<2048x128xi32>
    %div3A_249 = arith.divsi %iota3A_113, %div3A_248 : vector<2048x128xi32>
    %sign3A_250 = arith.constant 0 : i32
    %sign3A_251 = vector.broadcast %sign3A_250 : i32 to vector<2048x128xi32>
    %sign3A_252 = arith.cmpi sgt, %iota3A_113, %sign3A_251 : vector<2048x128xi32>
    %sign3A_253 = arith.extui %sign3A_252 : vector<2048x128xi1> to vector<2048x128xi32>
    %sign3A_254 = arith.constant 0 : i32
    %sign3A_255 = vector.broadcast %sign3A_254 : i32 to vector<2048x128xi32>
    %sign3A_256 = arith.cmpi slt, %iota3A_113, %sign3A_255 : vector<2048x128xi32>
    %sign3A_257 = arith.extui %sign3A_256 : vector<2048x128xi1> to vector<2048x128xi32>
    %sign3A_258 = arith.subi %sign3A_253, %sign3A_257 : vector<2048x128xi32>
    %sign3A_259 = arith.constant 0 : i32
    %sign3A_260 = arith.cmpi sgt, %jit3A_247, %sign3A_259 : i32
    %sign3A_261 = arith.extui %sign3A_260 : i1 to i32
    %sign3A_262 = arith.constant 0 : i32
    %sign3A_263 = arith.cmpi slt, %jit3A_247, %sign3A_262 : i32
    %sign3A_264 = arith.extui %sign3A_263 : i1 to i32
    %sign3A_265 = arith.subi %sign3A_261, %sign3A_264 : i32
    %ne3A_266 = vector.broadcast %sign3A_265 : i32 to vector<2048x128xi32>
    %ne3A_267 = arith.cmpi ne, %sign3A_258, %ne3A_266 : vector<2048x128xi32>
    %rem3A_268 = vector.broadcast %jit3A_247 : i32 to vector<2048x128xi32>
    %rem3A_269 = arith.remsi %iota3A_113, %rem3A_268 : vector<2048x128xi32>
    %ne3A_270 = arith.constant 0 : i32
    %ne3A_271 = vector.broadcast %ne3A_270 : i32 to vector<2048x128xi32>
    %ne3A_272 = arith.cmpi ne, %rem3A_269, %ne3A_271 : vector<2048x128xi32>
    %and3A_273 = arith.andi %ne3A_267, %ne3A_272 : vector<2048x128xi1>
    %sub3A_274 = arith.constant 1 : i32
    %sub3A_275 = vector.broadcast %sub3A_274 : i32 to vector<2048x128xi32>
    %sub3A_276 = arith.subi %div3A_249, %sub3A_275 : vector<2048x128xi32>
    %select_n3A_277 = arith.select %and3A_273, %sub3A_276, %div3A_249 : vector<2048x128xi1>, vector<2048x128xi32>
    %jit3A_278 = arith.constant 8 : i32
    %eq3A_279 = arith.constant 0 : i32
    %eq3A_280 = arith.cmpi eq, %jit3A_278, %eq3A_279 : i32
    %jit3A_281 = arith.constant 1 : i32
    %select_n3A_282 = arith.select %eq3A_280, %jit3A_281, %jit3A_278 : i32
    %rem3A_283 = vector.broadcast %select_n3A_282 : i32 to vector<2048x128xi32>
    %rem3A_284 = arith.remsi %iota3A_112, %rem3A_283 : vector<2048x128xi32>
    %ne3A_285 = arith.constant 0 : i32
    %ne3A_286 = vector.broadcast %ne3A_285 : i32 to vector<2048x128xi32>
    %ne3A_287 = arith.cmpi ne, %rem3A_284, %ne3A_286 : vector<2048x128xi32>
    %lt3A_288 = arith.constant 0 : i32
    %lt3A_289 = vector.broadcast %lt3A_288 : i32 to vector<2048x128xi32>
    %lt3A_290 = arith.cmpi slt, %rem3A_284, %lt3A_289 : vector<2048x128xi32>
    %lt3A_291 = arith.constant 0 : i32
    %lt3A_292 = arith.cmpi slt, %select_n3A_282, %lt3A_291 : i32
    %ne3A_293 = vector.broadcast %lt3A_292 : i1 to vector<2048x128xi1>
    %ne3A_294 = vector.broadcast %ne3A_293 : vector<2048x128xi1> to vector<2048x128xi1>
    %ne3A_295 = arith.xori %lt3A_290, %ne3A_294 : vector<2048x128xi1>
    %and3A_296 = arith.andi %ne3A_295, %ne3A_287 : vector<2048x128xi1>
    %add3A_297 = vector.broadcast %select_n3A_282 : i32 to vector<2048x128xi32>
    %add3A_298 = arith.addi %rem3A_284, %add3A_297 : vector<2048x128xi32>
    %select_n3A_299 = arith.select %and3A_296, %add3A_298, %rem3A_284 : vector<2048x128xi1>, vector<2048x128xi32>
    %eq3A_300 = arith.cmpi eq, %select_n3A_277, %select_n3A_299 : vector<2048x128xi32>
    %convert_element_type3A_301 = arith.extui %eq3A_300 : vector<2048x128xi1> to vector<2048x128xi32>
    %convert_element_type3A_302 = arith.sitofp %convert_element_type3A_301 : vector<2048x128xi32> to vector<2048x128xf32>
    %iota3A_303 = tpu.iota {dimensions = array<i32: 1>} : vector<256x2048xi32>
    %jit3A_304 = arith.constant 8 : i32
    %div3A_305 = vector.broadcast %jit3A_304 : i32 to vector<256x2048xi32>
    %div3A_306 = arith.divsi %iota3A_303, %div3A_305 : vector<256x2048xi32>
    %sign3A_307 = arith.constant 0 : i32
    %sign3A_308 = vector.broadcast %sign3A_307 : i32 to vector<256x2048xi32>
    %sign3A_309 = arith.cmpi sgt, %iota3A_303, %sign3A_308 : vector<256x2048xi32>
    %sign3A_310 = arith.extui %sign3A_309 : vector<256x2048xi1> to vector<256x2048xi32>
    %sign3A_311 = arith.constant 0 : i32
    %sign3A_312 = vector.broadcast %sign3A_311 : i32 to vector<256x2048xi32>
    %sign3A_313 = arith.cmpi slt, %iota3A_303, %sign3A_312 : vector<256x2048xi32>
    %sign3A_314 = arith.extui %sign3A_313 : vector<256x2048xi1> to vector<256x2048xi32>
    %sign3A_315 = arith.subi %sign3A_310, %sign3A_314 : vector<256x2048xi32>
    %sign3A_316 = arith.constant 0 : i32
    %sign3A_317 = arith.cmpi sgt, %jit3A_304, %sign3A_316 : i32
    %sign3A_318 = arith.extui %sign3A_317 : i1 to i32
    %sign3A_319 = arith.constant 0 : i32
    %sign3A_320 = arith.cmpi slt, %jit3A_304, %sign3A_319 : i32
    %sign3A_321 = arith.extui %sign3A_320 : i1 to i32
    %sign3A_322 = arith.subi %sign3A_318, %sign3A_321 : i32
    %ne3A_323 = vector.broadcast %sign3A_322 : i32 to vector<256x2048xi32>
    %ne3A_324 = arith.cmpi ne, %sign3A_315, %ne3A_323 : vector<256x2048xi32>
    %rem3A_325 = vector.broadcast %jit3A_304 : i32 to vector<256x2048xi32>
    %rem3A_326 = arith.remsi %iota3A_303, %rem3A_325 : vector<256x2048xi32>
    %ne3A_327 = arith.constant 0 : i32
    %ne3A_328 = vector.broadcast %ne3A_327 : i32 to vector<256x2048xi32>
    %ne3A_329 = arith.cmpi ne, %rem3A_326, %ne3A_328 : vector<256x2048xi32>
    %and3A_330 = arith.andi %ne3A_324, %ne3A_329 : vector<256x2048xi1>
    %sub3A_331 = arith.constant 1 : i32
    %sub3A_332 = vector.broadcast %sub3A_331 : i32 to vector<256x2048xi32>
    %sub3A_333 = arith.subi %div3A_306, %sub3A_332 : vector<256x2048xi32>
    %select_n3A_334 = arith.select %and3A_330, %sub3A_333, %div3A_306 : vector<256x2048xi1>, vector<256x2048xi32>
    %iota3A_335 = tpu.iota {dimensions = array<i32: 0>} : vector<256x2048xi32>
    %eq3A_336 = arith.cmpi eq, %select_n3A_334, %iota3A_335 : vector<256x2048xi32>
    %convert_element_type3A_337 = arith.extui %eq3A_336 : vector<256x2048xi1> to vector<256x2048xi32>
    %convert_element_type3A_338 = arith.sitofp %convert_element_type3A_337 : vector<256x2048xi32> to vector<256x2048xf32>
    %mul3A_339 = vector.broadcast %slice3A : vector<2048x1xf32> to vector<2048x128xf32>
    %mul3A_340 = arith.mulf %mul3A_339, %convert_element_type3A_302 : vector<2048x128xf32>
    %dot_general3A_341 = arith.constant dense<0.000000e+00> : vector<256x128xf32>
    %dot_general3A_342 = tpu.matmul %convert_element_type3A_338, %mul3A_340, %dot_general3A_341 {dimension_numbers = #tpu.dot_dimension_numbers<[1], [0], [0], [1], [0, 0, 1, 1], [], []>, transpose_lhs_hint = false} : vector<256x2048xf32>, vector<2048x128xf32>, vector<256x128xf32> -> vector<256x128xf32>
    %swap3A = arith.constant 0 : index
    %swap3A_343 = arith.constant 0 : index
    %swap3A_344 = vector.load %arg17[%swap3A, %swap3A_343] : memref<2048x128xf32, #tpu.memory_space<vmem>>, vector<2048x128xf32>
    tpu.vector_store %arg17[%swap3A, %swap3A_343], %div3A_193 {strides = array<i32>} : memref<2048x128xf32, #tpu.memory_space<vmem>>, vector<2048x128xf32>,
    %mul3A_345 = arith.mulf %dot_general3A_342, %div3A_73 : vector<256x128xf32>
    %swap3A_346 = arith.constant 0 : index
    %swap3A_347 = arith.constant 0 : index
    %swap3A_348 = vector.load %arg18[%swap3A_346, %swap3A_347] : memref<256x128xf32, #tpu.memory_space<vmem>>, vector<256x128xf32>
    tpu.vector_store %arg18[%swap3A_346, %swap3A_347], %mul3A_345 {strides = array<i32>} : memref<256x128xf32, #tpu.memory_space<vmem>>, vector<256x128xf32>,
    return
  }
  func.func @transform_0(%arg0: i32) -> (i32, i32) {
    %c0_i32 = arith.constant 0 : i32
    %c0_i32_0 = arith.constant 0 : i32
    return %arg0, %c0_i32 : i32, i32
  }
  func.func @transform_1(%arg0: i32) -> (i32, i32) {
    %c0_i32 = arith.constant 0 : i32
    %c0_i32_0 = arith.constant 0 : i32
    return %arg0, %c0_i32 : i32, i32
  }
  func.func @transform_2(%arg0: i32) -> (i32, i32) {
    %c0_i32 = arith.constant 0 : i32
    %c0_i32_0 = arith.constant 0 : i32
    return %arg0, %c0_i32 : i32, i32
  }
  func.func @transform_3(%arg0: i32) -> (i32, i32) {
    %c0_i32 = arith.constant 0 : i32
    %c0_i32_0 = arith.constant 0 : i32
    return %arg0, %c0_i32 : i32, i32
  }
  func.func @transform_4(%arg0: i32) -> (i32, i32) {
    %c0_i32 = arith.constant 0 : i32
    %c0_i32_0 = arith.constant 0 : i32
    %c0_i32_1 = arith.constant 0 : i32
    return %c0_i32, %c0_i32_0 : i32, i32
  }
  func.func @transform_5(%arg0: i32) -> (i32, i32) {
    %c0_i32 = arith.constant 0 : i32
    %c0_i32_0 = arith.constant 0 : i32
    %c0_i32_1 = arith.constant 0 : i32
    return %c0_i32, %c0_i32_0 : i32, i32
  }
  func.func @transform_6(%arg0: i32) -> (i32, i32) {
    %c0_i32 = arith.constant 0 : i32
    %c0_i32_0 = arith.constant 0 : i32
    %c0_i32_1 = arith.constant 0 : i32
    return %c0_i32, %c0_i32_0 : i32, i32
  }
  func.func @transform_7(%arg0: i32) -> (i32, i32) {
    %c0_i32 = arith.constant 0 : i32
    %c0_i32_0 = arith.constant 0 : i32
    %c0_i32_1 = arith.constant 0 : i32
    return %c0_i32, %c0_i32_0 : i32, i32
  }
  func.func @transform_8(%arg0: i32) -> (i32, i32) {
    %c0_i32 = arith.constant 0 : i32
    %c0_i32_0 = arith.constant 0 : i32
    %c0_i32_1 = arith.constant 0 : i32
    return %c0_i32, %c0_i32_0 : i32, i32
  }
  func.func @transform_9(%arg0: i32) -> (i32, i32) {
    %c0_i32 = arith.constant 0 : i32
    %c0_i32_0 = arith.constant 0 : i32
    %c0_i32_1 = arith.constant 0 : i32
    return %c0_i32, %c0_i32_0 : i32, i32
  }
  func.func @transform_10(%arg0: i32) -> (i32, i32) {
    %c0_i32 = arith.constant 0 : i32
    %c0_i32_0 = arith.constant 0 : i32
    %c0_i32_1 = arith.constant 0 : i32
    return %c0_i32, %c0_i32_0 : i32, i32
  }
  func.func @transform_11(%arg0: i32) -> (i32, i32) {
    %c0_i32 = arith.constant 0 : i32
    %c0_i32_0 = arith.constant 0 : i32
    %c0_i32_1 = arith.constant 0 : i32
    return %c0_i32, %c0_i32_0 : i32, i32
  }
  func.func @transform_12(%arg0: i32) -> (i32, i32) {
    %c0_i32 = arith.constant 0 : i32
    %c0_i32_0 = arith.constant 0 : i32
    %c0_i32_1 = arith.constant 0 : i32
    return %c0_i32, %c0_i32_0 : i32, i32
  }
  func.func @transform_13(%arg0: i32) -> (i32, i32) {
    %c0_i32 = arith.constant 0 : i32
    %c0_i32_0 = arith.constant 0 : i32
    %c0_i32_1 = arith.constant 0 : i32
    return %c0_i32, %c0_i32_0 : i32, i32
  }
  func.func @transform_14(%arg0: i32) -> (i32, i32) {
    %c0_i32 = arith.constant 0 : i32
    %c0_i32_0 = arith.constant 0 : i32
    %c0_i32_1 = arith.constant 0 : i32
    return %c0_i32, %c0_i32_0 : i32, i32
  }
  func.func @transform_15(%arg0: i32) -> (i32, i32) {
    %c0_i32 = arith.constant 0 : i32
    %c0_i32_0 = arith.constant 0 : i32
    %c0_i32_1 = arith.constant 0 : i32
    return %c0_i32, %c0_i32_0 : i32, i32
  }
  func.func @transform_16(%arg0: i32) -> (i32, i32) {
    %c0_i32 = arith.constant 0 : i32
    %c0_i32_0 = arith.constant 0 : i32
    return %arg0, %c0_i32 : i32, i32
  }
  func.func @transform_17(%arg0: i32) -> (i32, i32) {
    %c0_i32 = arith.constant 0 : i32
    %c0_i32_0 = arith.constant 0 : i32
    return %arg0, %c0_i32 : i32, i32
  }
}

module attributes {stable_mosaic.version = 14 : i64} {
  func.func @_edge_mlp_body(%arg0: i32, %arg1: memref<2048x128xf32, #tpu.memory_space<vmem>>, %arg2: memref<2048x128xf32, #tpu.memory_space<vmem>>, %arg3: memref<256x128xf32, #tpu.memory_space<vmem>>, %arg4: memref<256x128xf32, #tpu.memory_space<vmem>>, %arg5: memref<128x128xf32, #tpu.memory_space<vmem>>, %arg6: memref<128x128xf32, #tpu.memory_space<vmem>>, %arg7: memref<1x128xf32, #tpu.memory_space<vmem>>, %arg8: memref<1x128xf32, #tpu.memory_space<vmem>>, %arg9: memref<128x128xf32, #tpu.memory_space<vmem>>, %arg10: memref<1x128xf32, #tpu.memory_space<vmem>>, %arg11: memref<128x128xf32, #tpu.memory_space<vmem>>, %arg12: memref<128x128xf32, #tpu.memory_space<vmem>>, %arg13: memref<1x128xf32, #tpu.memory_space<vmem>>, %arg14: memref<1x128xf32, #tpu.memory_space<vmem>>, %arg15: memref<128x16xf32, #tpu.memory_space<vmem>>, %arg16: memref<1x16xf32, #tpu.memory_space<vmem>>, %arg17: memref<2048x128xf32, #tpu.memory_space<vmem>>, %arg18: memref<256x128xf32, #tpu.memory_space<vmem>>) attributes {dimension_semantics = [#tpu.dimension_semantics<arbitrary>], iteration_bounds = array<i64: 200>, scalar_prefetch = 0 : i64, scratch_operands = 0 : i64, tpu.core_type = #tpu.core_type<tc>, window_params = [{transform_indices = @transform_0, window_bounds = array<i64: 2048, 128>}, {transform_indices = @transform_1, window_bounds = array<i64: 2048, 128>}, {transform_indices = @transform_2, window_bounds = array<i64: 256, 128>}, {transform_indices = @transform_3, window_bounds = array<i64: 256, 128>}, {pipeline_mode = #tpu.pipeline_mode<synchronous>, transform_indices = @transform_4, window_bounds = array<i64: 128, 128>}, {pipeline_mode = #tpu.pipeline_mode<synchronous>, transform_indices = @transform_5, window_bounds = array<i64: 128, 128>}, {pipeline_mode = #tpu.pipeline_mode<synchronous>, transform_indices = @transform_6, window_bounds = array<i64: 1, 128>}, {pipeline_mode = #tpu.pipeline_mode<synchronous>, transform_indices = @transform_7, window_bounds = array<i64: 1, 128>}, {pipeline_mode = #tpu.pipeline_mode<synchronous>, transform_indices = @transform_8, window_bounds = array<i64: 128, 128>}, {pipeline_mode = #tpu.pipeline_mode<synchronous>, transform_indices = @transform_9, window_bounds = array<i64: 1, 128>}, {pipeline_mode = #tpu.pipeline_mode<synchronous>, transform_indices = @transform_10, window_bounds = array<i64: 128, 128>}, {pipeline_mode = #tpu.pipeline_mode<synchronous>, transform_indices = @transform_11, window_bounds = array<i64: 128, 128>}, {pipeline_mode = #tpu.pipeline_mode<synchronous>, transform_indices = @transform_12, window_bounds = array<i64: 1, 128>}, {pipeline_mode = #tpu.pipeline_mode<synchronous>, transform_indices = @transform_13, window_bounds = array<i64: 1, 128>}, {pipeline_mode = #tpu.pipeline_mode<synchronous>, transform_indices = @transform_14, window_bounds = array<i64: 128, 16>}, {pipeline_mode = #tpu.pipeline_mode<synchronous>, transform_indices = @transform_15, window_bounds = array<i64: 1, 16>}, {transform_indices = @transform_16, window_bounds = array<i64: 2048, 128>}, {transform_indices = @transform_17, window_bounds = array<i64: 256, 128>}]} {
    %get3A = arith.constant 0 : index
    %get3A_0 = arith.constant 0 : index
    %get3A_1 = vector.load %arg1[%get3A, %get3A_0] : memref<2048x128xf32, #tpu.memory_space<vmem>>, vector<2048x128xf32>
    %convert_element_type3A = arith.truncf %get3A_1 : vector<2048x128xf32> to vector<2048x128xbf16>
    %get3A_2 = arith.constant 0 : index
    %get3A_3 = arith.constant 0 : index
    %get3A_4 = vector.load %arg2[%get3A_2, %get3A_3] : memref<2048x128xf32, #tpu.memory_space<vmem>>, vector<2048x128xf32>
    %convert_element_type3A_5 = arith.truncf %get3A_4 : vector<2048x128xf32> to vector<2048x128xbf16>
    %get3A_6 = arith.constant 0 : index
    %get3A_7 = arith.constant 0 : index
    %get3A_8 = vector.load %arg3[%get3A_6, %get3A_7] : memref<256x128xf32, #tpu.memory_space<vmem>>, vector<256x128xf32>
    %get3A_9 = arith.constant 0 : index
    %get3A_10 = arith.constant 0 : index
    %get3A_11 = vector.load %arg4[%get3A_9, %get3A_10] : memref<256x128xf32, #tpu.memory_space<vmem>>, vector<256x128xf32>
    %sub3A = arith.subf %get3A_8, %get3A_11 : vector<256x128xf32>
    %iota3A = tpu.iota {dimensions = array<i32: 0>} : vector<128x128xi32>
    %iota3A_12 = tpu.iota {dimensions = array<i32: 1>} : vector<128x128xi32>
    %jit3A = arith.constant 16 : i32
    %div3A = vector.broadcast %jit3A : i32 to vector<128x128xi32>
    %div3A_13 = arith.divsi %iota3A, %div3A : vector<128x128xi32>
    %sign3A = arith.constant 0 : i32
    %sign3A_14 = vector.broadcast %sign3A : i32 to vector<128x128xi32>
    %sign3A_15 = arith.cmpi sgt, %iota3A, %sign3A_14 : vector<128x128xi32>
    %sign3A_16 = arith.extui %sign3A_15 : vector<128x128xi1> to vector<128x128xi32>
    %sign3A_17 = arith.constant 0 : i32
    %sign3A_18 = vector.broadcast %sign3A_17 : i32 to vector<128x128xi32>
    %sign3A_19 = arith.cmpi slt, %iota3A, %sign3A_18 : vector<128x128xi32>
    %sign3A_20 = arith.extui %sign3A_19 : vector<128x128xi1> to vector<128x128xi32>
    %sign3A_21 = arith.subi %sign3A_16, %sign3A_20 : vector<128x128xi32>
    %sign3A_22 = arith.constant 0 : i32
    %sign3A_23 = arith.cmpi sgt, %jit3A, %sign3A_22 : i32
    %sign3A_24 = arith.extui %sign3A_23 : i1 to i32
    %sign3A_25 = arith.constant 0 : i32
    %sign3A_26 = arith.cmpi slt, %jit3A, %sign3A_25 : i32
    %sign3A_27 = arith.extui %sign3A_26 : i1 to i32
    %sign3A_28 = arith.subi %sign3A_24, %sign3A_27 : i32
    %ne3A = vector.broadcast %sign3A_28 : i32 to vector<128x128xi32>
    %ne3A_29 = arith.cmpi ne, %sign3A_21, %ne3A : vector<128x128xi32>
    %rem3A = vector.broadcast %jit3A : i32 to vector<128x128xi32>
    %rem3A_30 = arith.remsi %iota3A, %rem3A : vector<128x128xi32>
    %ne3A_31 = arith.constant 0 : i32
    %ne3A_32 = vector.broadcast %ne3A_31 : i32 to vector<128x128xi32>
    %ne3A_33 = arith.cmpi ne, %rem3A_30, %ne3A_32 : vector<128x128xi32>
    %and3A = arith.andi %ne3A_29, %ne3A_33 : vector<128x128xi1>
    %sub3A_34 = arith.constant 1 : i32
    %sub3A_35 = vector.broadcast %sub3A_34 : i32 to vector<128x128xi32>
    %sub3A_36 = arith.subi %div3A_13, %sub3A_35 : vector<128x128xi32>
    %select_n3A = arith.select %and3A, %sub3A_36, %div3A_13 : vector<128x128xi1>, vector<128x128xi32>
    %jit3A_37 = arith.constant 16 : i32
    %div3A_38 = vector.broadcast %jit3A_37 : i32 to vector<128x128xi32>
    %div3A_39 = arith.divsi %iota3A_12, %div3A_38 : vector<128x128xi32>
    %sign3A_40 = arith.constant 0 : i32
    %sign3A_41 = vector.broadcast %sign3A_40 : i32 to vector<128x128xi32>
    %sign3A_42 = arith.cmpi sgt, %iota3A_12, %sign3A_41 : vector<128x128xi32>
    %sign3A_43 = arith.extui %sign3A_42 : vector<128x128xi1> to vector<128x128xi32>
    %sign3A_44 = arith.constant 0 : i32
    %sign3A_45 = vector.broadcast %sign3A_44 : i32 to vector<128x128xi32>
    %sign3A_46 = arith.cmpi slt, %iota3A_12, %sign3A_45 : vector<128x128xi32>
    %sign3A_47 = arith.extui %sign3A_46 : vector<128x128xi1> to vector<128x128xi32>
    %sign3A_48 = arith.subi %sign3A_43, %sign3A_47 : vector<128x128xi32>
    %sign3A_49 = arith.constant 0 : i32
    %sign3A_50 = arith.cmpi sgt, %jit3A_37, %sign3A_49 : i32
    %sign3A_51 = arith.extui %sign3A_50 : i1 to i32
    %sign3A_52 = arith.constant 0 : i32
    %sign3A_53 = arith.cmpi slt, %jit3A_37, %sign3A_52 : i32
    %sign3A_54 = arith.extui %sign3A_53 : i1 to i32
    %sign3A_55 = arith.subi %sign3A_51, %sign3A_54 : i32
    %ne3A_56 = vector.broadcast %sign3A_55 : i32 to vector<128x128xi32>
    %ne3A_57 = arith.cmpi ne, %sign3A_48, %ne3A_56 : vector<128x128xi32>
    %rem3A_58 = vector.broadcast %jit3A_37 : i32 to vector<128x128xi32>
    %rem3A_59 = arith.remsi %iota3A_12, %rem3A_58 : vector<128x128xi32>
    %ne3A_60 = arith.constant 0 : i32
    %ne3A_61 = vector.broadcast %ne3A_60 : i32 to vector<128x128xi32>
    %ne3A_62 = arith.cmpi ne, %rem3A_59, %ne3A_61 : vector<128x128xi32>
    %and3A_63 = arith.andi %ne3A_57, %ne3A_62 : vector<128x128xi1>
    %sub3A_64 = arith.constant 1 : i32
    %sub3A_65 = vector.broadcast %sub3A_64 : i32 to vector<128x128xi32>
    %sub3A_66 = arith.subi %div3A_39, %sub3A_65 : vector<128x128xi32>
    %select_n3A_67 = arith.select %and3A_63, %sub3A_66, %div3A_39 : vector<128x128xi1>, vector<128x128xi32>
    %eq3A = arith.cmpi eq, %select_n3A, %select_n3A_67 : vector<128x128xi32>
    %convert_element_type3A_68 = arith.extui %eq3A : vector<128x128xi1> to vector<128x128xi32>
    %convert_element_type3A_69 = arith.sitofp %convert_element_type3A_68 : vector<128x128xi32> to vector<128x128xf32>
    %mul3A = arith.mulf %sub3A, %sub3A : vector<256x128xf32>
    %dot_general3A = arith.constant dense<0.000000e+00> : vector<256x128xf32>
    %dot_general3A_70 = tpu.matmul %mul3A, %convert_element_type3A_69, %dot_general3A {dimension_numbers = #tpu.dot_dimension_numbers<[1], [0], [0], [1], [0, 0, 1, 1], [], []>, transpose_lhs_hint = false} : vector<256x128xf32>, vector<128x128xf32>, vector<256x128xf32> -> vector<256x128xf32>
    %sqrt3A = math.sqrt %dot_general3A_70 : vector<256x128xf32>
    %add3A = arith.constant 9.99999971E-10 : f32
    %add3A_71 = vector.broadcast %add3A : f32 to vector<256x128xf32>
    %add3A_72 = arith.addf %sqrt3A, %add3A_71 : vector<256x128xf32>
    %div3A_73 = arith.divf %sub3A, %add3A_72 : vector<256x128xf32>
    %iota3A_74 = tpu.iota {dimensions = array<i32: 0>} : vector<2048x256xi32>
    %iota3A_75 = tpu.iota {dimensions = array<i32: 1>} : vector<2048x256xi32>
    %jit3A_76 = arith.constant 8 : i32
    %div3A_77 = vector.broadcast %jit3A_76 : i32 to vector<2048x256xi32>
    %div3A_78 = arith.divsi %iota3A_74, %div3A_77 : vector<2048x256xi32>
    %sign3A_79 = arith.constant 0 : i32
    %sign3A_80 = vector.broadcast %sign3A_79 : i32 to vector<2048x256xi32>
    %sign3A_81 = arith.cmpi sgt, %iota3A_74, %sign3A_80 : vector<2048x256xi32>
    %sign3A_82 = arith.extui %sign3A_81 : vector<2048x256xi1> to vector<2048x256xi32>
    %sign3A_83 = arith.constant 0 : i32
    %sign3A_84 = vector.broadcast %sign3A_83 : i32 to vector<2048x256xi32>
    %sign3A_85 = arith.cmpi slt, %iota3A_74, %sign3A_84 : vector<2048x256xi32>
    %sign3A_86 = arith.extui %sign3A_85 : vector<2048x256xi1> to vector<2048x256xi32>
    %sign3A_87 = arith.subi %sign3A_82, %sign3A_86 : vector<2048x256xi32>
    %sign3A_88 = arith.constant 0 : i32
    %sign3A_89 = arith.cmpi sgt, %jit3A_76, %sign3A_88 : i32
    %sign3A_90 = arith.extui %sign3A_89 : i1 to i32
    %sign3A_91 = arith.constant 0 : i32
    %sign3A_92 = arith.cmpi slt, %jit3A_76, %sign3A_91 : i32
    %sign3A_93 = arith.extui %sign3A_92 : i1 to i32
    %sign3A_94 = arith.subi %sign3A_90, %sign3A_93 : i32
    %ne3A_95 = vector.broadcast %sign3A_94 : i32 to vector<2048x256xi32>
    %ne3A_96 = arith.cmpi ne, %sign3A_87, %ne3A_95 : vector<2048x256xi32>
    %rem3A_97 = vector.broadcast %jit3A_76 : i32 to vector<2048x256xi32>
    %rem3A_98 = arith.remsi %iota3A_74, %rem3A_97 : vector<2048x256xi32>
    %ne3A_99 = arith.constant 0 : i32
    %ne3A_100 = vector.broadcast %ne3A_99 : i32 to vector<2048x256xi32>
    %ne3A_101 = arith.cmpi ne, %rem3A_98, %ne3A_100 : vector<2048x256xi32>
    %and3A_102 = arith.andi %ne3A_96, %ne3A_101 : vector<2048x256xi1>
    %sub3A_103 = arith.constant 1 : i32
    %sub3A_104 = vector.broadcast %sub3A_103 : i32 to vector<2048x256xi32>
    %sub3A_105 = arith.subi %div3A_78, %sub3A_104 : vector<2048x256xi32>
    %select_n3A_106 = arith.select %and3A_102, %sub3A_105, %div3A_78 : vector<2048x256xi1>, vector<2048x256xi32>
    %eq3A_107 = arith.cmpi eq, %select_n3A_106, %iota3A_75 : vector<2048x256xi32>
    %convert_element_type3A_108 = arith.extui %eq3A_107 : vector<2048x256xi1> to vector<2048x256xi32>
    %convert_element_type3A_109 = arith.sitofp %convert_element_type3A_108 : vector<2048x256xi32> to vector<2048x256xf32>
    %dot_general3A_110 = arith.constant dense<0.000000e+00> : vector<2048x128xf32>
    %dot_general3A_111 = tpu.matmul %convert_element_type3A_109, %sqrt3A, %dot_general3A_110 {dimension_numbers = #tpu.dot_dimension_numbers<[1], [0], [0], [1], [0, 0, 1, 1], [], []>, transpose_lhs_hint = false} : vector<2048x256xf32>, vector<256x128xf32>, vector<2048x128xf32> -> vector<2048x128xf32>
    %iota3A_112 = tpu.iota {dimensions = array<i32: 0>} : vector<2048x128xi32>
    %iota3A_113 = tpu.iota {dimensions = array<i32: 1>} : vector<2048x128xi32>
    %jit3A_114 = arith.constant 8 : i32
    %eq3A_115 = arith.constant 0 : i32
    %eq3A_116 = arith.cmpi eq, %jit3A_114, %eq3A_115 : i32
    %jit3A_117 = arith.constant 1 : i32
    %select_n3A_118 = arith.select %eq3A_116, %jit3A_117, %jit3A_114 : i32
    %rem3A_119 = vector.broadcast %select_n3A_118 : i32 to vector<2048x128xi32>
    %rem3A_120 = arith.remsi %iota3A_112, %rem3A_119 : vector<2048x128xi32>
    %ne3A_121 = arith.constant 0 : i32
    %ne3A_122 = vector.broadcast %ne3A_121 : i32 to vector<2048x128xi32>
    %ne3A_123 = arith.cmpi ne, %rem3A_120, %ne3A_122 : vector<2048x128xi32>
    %lt3A = arith.constant 0 : i32
    %lt3A_124 = vector.broadcast %lt3A : i32 to vector<2048x128xi32>
    %lt3A_125 = arith.cmpi slt, %rem3A_120, %lt3A_124 : vector<2048x128xi32>
    %lt3A_126 = arith.constant 0 : i32
    %lt3A_127 = arith.cmpi slt, %select_n3A_118, %lt3A_126 : i32
    %ne3A_128 = vector.broadcast %lt3A_127 : i1 to vector<2048x128xi1>
    %ne3A_129 = vector.broadcast %ne3A_128 : vector<2048x128xi1> to vector<2048x128xi1>
    %ne3A_130 = arith.xori %lt3A_125, %ne3A_129 : vector<2048x128xi1>
    %and3A_131 = arith.andi %ne3A_130, %ne3A_123 : vector<2048x128xi1>
    %add3A_132 = vector.broadcast %select_n3A_118 : i32 to vector<2048x128xi32>
    %add3A_133 = arith.addi %rem3A_120, %add3A_132 : vector<2048x128xi32>
    %select_n3A_134 = arith.select %and3A_131, %add3A_133, %rem3A_120 : vector<2048x128xi1>, vector<2048x128xi32>
    %mul3A_135 = arith.constant 16 : i32
    %mul3A_136 = vector.broadcast %mul3A_135 : i32 to vector<2048x128xi32>
    %mul3A_137 = arith.muli %select_n3A_134, %mul3A_136 : vector<2048x128xi32>
    %eq3A_138 = arith.cmpi eq, %iota3A_113, %mul3A_137 : vector<2048x128xi32>
    %convert_element_type3A_139 = arith.extui %eq3A_138 : vector<2048x128xi1> to vector<2048x128xi32>
    %convert_element_type3A_140 = arith.sitofp %convert_element_type3A_139 : vector<2048x128xi32> to vector<2048x128xf32>
    %mul3A_141 = arith.mulf %dot_general3A_111, %convert_element_type3A_140 : vector<2048x128xf32>
    %reduce_sum3A = arith.constant dense<0.000000e+00> : vector<2048xf32>
    %reduce_sum3A_142 = vector.multi_reduction <add>, %mul3A_141, %reduce_sum3A [1] : vector<2048x128xf32> to vector<2048xf32>
    %broadcast_in_dim3A = vector.shape_cast %reduce_sum3A_142 : vector<2048xf32> to vector<2048x1xf32>
    %get3A_143 = arith.constant 0 : index
    %get3A_144 = arith.constant 0 : index
    %get3A_145 = vector.load %arg5[%get3A_143, %get3A_144] : memref<128x128xf32, #tpu.memory_space<vmem>>, vector<128x128xf32>
    %convert_element_type3A_146 = arith.truncf %get3A_145 : vector<128x128xf32> to vector<128x128xbf16>
    %dot_general3A_147 = arith.constant dense<0.000000e+00> : vector<2048x128xf32>
    %dot_general3A_148 = tpu.matmul %convert_element_type3A, %convert_element_type3A_146, %dot_general3A_147 {dimension_numbers = #tpu.dot_dimension_numbers<[1], [0], [0], [1], [0, 0, 1, 1], [], []>, transpose_lhs_hint = false} : vector<2048x128xbf16>, vector<128x128xbf16>, vector<2048x128xf32> -> vector<2048x128xf32>
    %get3A_149 = arith.constant 0 : index
    %get3A_150 = arith.constant 0 : index
    %get3A_151 = vector.load %arg6[%get3A_149, %get3A_150] : memref<128x128xf32, #tpu.memory_space<vmem>>, vector<128x128xf32>
    %convert_element_type3A_152 = arith.truncf %get3A_151 : vector<128x128xf32> to vector<128x128xbf16>
    %dot_general3A_153 = arith.constant dense<0.000000e+00> : vector<2048x128xf32>
    %dot_general3A_154 = tpu.matmul %convert_element_type3A_5, %convert_element_type3A_152, %dot_general3A_153 {dimension_numbers = #tpu.dot_dimension_numbers<[1], [0], [0], [1], [0, 0, 1, 1], [], []>, transpose_lhs_hint = false} : vector<2048x128xbf16>, vector<128x128xbf16>, vector<2048x128xf32> -> vector<2048x128xf32>
    %add3A_155 = arith.addf %dot_general3A_148, %dot_general3A_154 : vector<2048x128xf32>
    %get3A_156 = arith.constant 0 : index
    %get3A_157 = arith.constant 0 : index
    %get3A_158 = vector.load %arg7[%get3A_156, %get3A_157] : memref<1x128xf32, #tpu.memory_space<vmem>>, vector<1x128xf32>
    %mul3A_159 = vector.broadcast %broadcast_in_dim3A : vector<2048x1xf32> to vector<2048x128xf32>
    %mul3A_160 = vector.broadcast %get3A_158 : vector<1x128xf32> to vector<2048x128xf32>
    %mul3A_161 = arith.mulf %mul3A_159, %mul3A_160 : vector<2048x128xf32>
    %add3A_162 = arith.addf %add3A_155, %mul3A_161 : vector<2048x128xf32>
    %get3A_163 = arith.constant 0 : index
    %get3A_164 = arith.constant 0 : index
    %get3A_165 = vector.load %arg8[%get3A_163, %get3A_164] : memref<1x128xf32, #tpu.memory_space<vmem>>, vector<1x128xf32>
    %add3A_166 = vector.broadcast %get3A_165 : vector<1x128xf32> to vector<2048x128xf32>
    %add3A_167 = arith.addf %add3A_162, %add3A_166 : vector<2048x128xf32>
    %neg3A = arith.constant 0.000000e+00 : f32
    %neg3A_168 = vector.broadcast %neg3A : f32 to vector<2048x128xf32>
    %neg3A_169 = arith.subf %neg3A_168, %add3A_167 : vector<2048x128xf32>
    %exp3A = math.exp %neg3A_169 : vector<2048x128xf32>
    %add3A_170 = arith.constant 1.000000e+00 : f32
    %add3A_171 = vector.broadcast %add3A_170 : f32 to vector<2048x128xf32>
    %add3A_172 = arith.addf %add3A_171, %exp3A : vector<2048x128xf32>
    %div3A_173 = arith.divf %add3A_167, %add3A_172 : vector<2048x128xf32>
    %convert_element_type3A_174 = arith.truncf %div3A_173 : vector<2048x128xf32> to vector<2048x128xbf16>
    %get3A_175 = arith.constant 0 : index
    %get3A_176 = arith.constant 0 : index
    %get3A_177 = vector.load %arg9[%get3A_175, %get3A_176] : memref<128x128xf32, #tpu.memory_space<vmem>>, vector<128x128xf32>
    %convert_element_type3A_178 = arith.truncf %get3A_177 : vector<128x128xf32> to vector<128x128xbf16>
    %dot_general3A_179 = arith.constant dense<0.000000e+00> : vector<2048x128xf32>
    %dot_general3A_180 = tpu.matmul %convert_element_type3A_174, %convert_element_type3A_178, %dot_general3A_179 {dimension_numbers = #tpu.dot_dimension_numbers<[1], [0], [0], [1], [0, 0, 1, 1], [], []>, transpose_lhs_hint = false} : vector<2048x128xbf16>, vector<128x128xbf16>, vector<2048x128xf32> -> vector<2048x128xf32>
    %get3A_181 = arith.constant 0 : index
    %get3A_182 = arith.constant 0 : index
    %get3A_183 = vector.load %arg10[%get3A_181, %get3A_182] : memref<1x128xf32, #tpu.memory_space<vmem>>, vector<1x128xf32>
    %add3A_184 = vector.broadcast %get3A_183 : vector<1x128xf32> to vector<2048x128xf32>
    %add3A_185 = arith.addf %dot_general3A_180, %add3A_184 : vector<2048x128xf32>
    %neg3A_186 = arith.constant 0.000000e+00 : f32
    %neg3A_187 = vector.broadcast %neg3A_186 : f32 to vector<2048x128xf32>
    %neg3A_188 = arith.subf %neg3A_187, %add3A_185 : vector<2048x128xf32>
    %exp3A_189 = math.exp %neg3A_188 : vector<2048x128xf32>
    %add3A_190 = arith.constant 1.000000e+00 : f32
    %add3A_191 = vector.broadcast %add3A_190 : f32 to vector<2048x128xf32>
    %add3A_192 = arith.addf %add3A_191, %exp3A_189 : vector<2048x128xf32>
    %div3A_193 = arith.divf %add3A_185, %add3A_192 : vector<2048x128xf32>
    %get3A_194 = arith.constant 0 : index
    %get3A_195 = arith.constant 0 : index
    %get3A_196 = vector.load %arg11[%get3A_194, %get3A_195] : memref<128x128xf32, #tpu.memory_space<vmem>>, vector<128x128xf32>
    %convert_element_type3A_197 = arith.truncf %get3A_196 : vector<128x128xf32> to vector<128x128xbf16>
    %dot_general3A_198 = arith.constant dense<0.000000e+00> : vector<2048x128xf32>
    %dot_general3A_199 = tpu.matmul %convert_element_type3A, %convert_element_type3A_197, %dot_general3A_198 {dimension_numbers = #tpu.dot_dimension_numbers<[1], [0], [0], [1], [0, 0, 1, 1], [], []>, transpose_lhs_hint = false} : vector<2048x128xbf16>, vector<128x128xbf16>, vector<2048x128xf32> -> vector<2048x128xf32>
    %get3A_200 = arith.constant 0 : index
    %get3A_201 = arith.constant 0 : index
    %get3A_202 = vector.load %arg12[%get3A_200, %get3A_201] : memref<128x128xf32, #tpu.memory_space<vmem>>, vector<128x128xf32>
    %convert_element_type3A_203 = arith.truncf %get3A_202 : vector<128x128xf32> to vector<128x128xbf16>
    %dot_general3A_204 = arith.constant dense<0.000000e+00> : vector<2048x128xf32>
    %dot_general3A_205 = tpu.matmul %convert_element_type3A_5, %convert_element_type3A_203, %dot_general3A_204 {dimension_numbers = #tpu.dot_dimension_numbers<[1], [0], [0], [1], [0, 0, 1, 1], [], []>, transpose_lhs_hint = false} : vector<2048x128xbf16>, vector<128x128xbf16>, vector<2048x128xf32> -> vector<2048x128xf32>
    %add3A_206 = arith.addf %dot_general3A_199, %dot_general3A_205 : vector<2048x128xf32>
    %get3A_207 = arith.constant 0 : index
    %get3A_208 = arith.constant 0 : index
    %get3A_209 = vector.load %arg13[%get3A_207, %get3A_208] : memref<1x128xf32, #tpu.memory_space<vmem>>, vector<1x128xf32>
    %mul3A_210 = vector.broadcast %broadcast_in_dim3A : vector<2048x1xf32> to vector<2048x128xf32>
    %mul3A_211 = vector.broadcast %get3A_209 : vector<1x128xf32> to vector<2048x128xf32>
    %mul3A_212 = arith.mulf %mul3A_210, %mul3A_211 : vector<2048x128xf32>
    %add3A_213 = arith.addf %add3A_206, %mul3A_212 : vector<2048x128xf32>
    %get3A_214 = arith.constant 0 : index
    %get3A_215 = arith.constant 0 : index
    %get3A_216 = vector.load %arg14[%get3A_214, %get3A_215] : memref<1x128xf32, #tpu.memory_space<vmem>>, vector<1x128xf32>
    %add3A_217 = vector.broadcast %get3A_216 : vector<1x128xf32> to vector<2048x128xf32>
    %add3A_218 = arith.addf %add3A_213, %add3A_217 : vector<2048x128xf32>
    %neg3A_219 = arith.constant 0.000000e+00 : f32
    %neg3A_220 = vector.broadcast %neg3A_219 : f32 to vector<2048x128xf32>
    %neg3A_221 = arith.subf %neg3A_220, %add3A_218 : vector<2048x128xf32>
    %exp3A_222 = math.exp %neg3A_221 : vector<2048x128xf32>
    %add3A_223 = arith.constant 1.000000e+00 : f32
    %add3A_224 = vector.broadcast %add3A_223 : f32 to vector<2048x128xf32>
    %add3A_225 = arith.addf %add3A_224, %exp3A_222 : vector<2048x128xf32>
    %div3A_226 = arith.divf %add3A_218, %add3A_225 : vector<2048x128xf32>
    %convert_element_type3A_227 = arith.truncf %div3A_226 : vector<2048x128xf32> to vector<2048x128xbf16>
    %get3A_228 = arith.constant 0 : index
    %get3A_229 = arith.constant 0 : index
    %get3A_230 = vector.load %arg15[%get3A_228, %get3A_229] : memref<128x16xf32, #tpu.memory_space<vmem>>, vector<128x16xf32>
    %convert_element_type3A_231 = arith.truncf %get3A_230 : vector<128x16xf32> to vector<128x16xbf16>
    %dot_general3A_232 = arith.constant dense<0.000000e+00> : vector<2048x16xf32>
    %dot_general3A_233 = tpu.matmul %convert_element_type3A_227, %convert_element_type3A_231, %dot_general3A_232 {dimension_numbers = #tpu.dot_dimension_numbers<[1], [0], [0], [1], [0, 0, 1, 1], [], []>, transpose_lhs_hint = false} : vector<2048x128xbf16>, vector<128x16xbf16>, vector<2048x16xf32> -> vector<2048x16xf32>
    %get3A_234 = arith.constant 0 : index
    %get3A_235 = arith.constant 0 : index
    %get3A_236 = vector.load %arg16[%get3A_234, %get3A_235] : memref<1x16xf32, #tpu.memory_space<vmem>>, vector<1x16xf32>
    %add3A_237 = vector.broadcast %get3A_236 : vector<1x16xf32> to vector<2048x16xf32>
    %add3A_238 = arith.addf %dot_general3A_233, %add3A_237 : vector<2048x16xf32>
    %neg3A_239 = arith.constant 0.000000e+00 : f32
    %neg3A_240 = vector.broadcast %neg3A_239 : f32 to vector<2048x16xf32>
    %neg3A_241 = arith.subf %neg3A_240, %add3A_238 : vector<2048x16xf32>
    %exp3A_242 = math.exp %neg3A_241 : vector<2048x16xf32>
    %add3A_243 = arith.constant 1.000000e+00 : f32
    %add3A_244 = vector.broadcast %add3A_243 : f32 to vector<2048x16xf32>
    %add3A_245 = arith.addf %add3A_244, %exp3A_242 : vector<2048x16xf32>
    %div3A_246 = arith.divf %add3A_238, %add3A_245 : vector<2048x16xf32>
    %slice3A = vector.extract_strided_slice %div3A_246 {offsets = [0, 0], sizes = [2048, 1], strides = [1, 1]} : vector<2048x16xf32> to vector<2048x1xf32>
    %jit3A_247 = arith.constant 16 : i32
    %div3A_248 = vector.broadcast %jit3A_247 : i32 to vector<2048x128xi32>
    %div3A_249 = arith.divsi %iota3A_113, %div3A_248 : vector<2048x128xi32>
    %sign3A_250 = arith.constant 0 : i32
    %sign3A_251 = vector.broadcast %sign3A_250 : i32 to vector<2048x128xi32>
    %sign3A_252 = arith.cmpi sgt, %iota3A_113, %sign3A_251 : vector<2048x128xi32>
    %sign3A_253 = arith.extui %sign3A_252 : vector<2048x128xi1> to vector<2048x128xi32>
    %sign3A_254 = arith.constant 0 : i32
    %sign3A_255 = vector.broadcast %sign3A_254 : i32 to vector<2048x128xi32>
    %sign3A_256 = arith.cmpi slt, %iota3A_113, %sign3A_255 : vector<2048x128xi32>
    %sign3A_257 = arith.extui %sign3A_256 : vector<2048x128xi1> to vector<2048x128xi32>
    %sign3A_258 = arith.subi %sign3A_253, %sign3A_257 : vector<2048x128xi32>
    %sign3A_259 = arith.constant 0 : i32
    %sign3A_260 = arith.cmpi sgt, %jit3A_247, %sign3A_259 : i32
    %sign3A_261 = arith.extui %sign3A_260 : i1 to i32
    %sign3A_262 = arith.constant 0 : i32
    %sign3A_263 = arith.cmpi slt, %jit3A_247, %sign3A_262 : i32
    %sign3A_264 = arith.extui %sign3A_263 : i1 to i32
    %sign3A_265 = arith.subi %sign3A_261, %sign3A_264 : i32
    %ne3A_266 = vector.broadcast %sign3A_265 : i32 to vector<2048x128xi32>
    %ne3A_267 = arith.cmpi ne, %sign3A_258, %ne3A_266 : vector<2048x128xi32>
    %rem3A_268 = vector.broadcast %jit3A_247 : i32 to vector<2048x128xi32>
    %rem3A_269 = arith.remsi %iota3A_113, %rem3A_268 : vector<2048x128xi32>
    %ne3A_270 = arith.constant 0 : i32
    %ne3A_271 = vector.broadcast %ne3A_270 : i32 to vector<2048x128xi32>
    %ne3A_272 = arith.cmpi ne, %rem3A_269, %ne3A_271 : vector<2048x128xi32>
    %and3A_273 = arith.andi %ne3A_267, %ne3A_272 : vector<2048x128xi1>
    %sub3A_274 = arith.constant 1 : i32
    %sub3A_275 = vector.broadcast %sub3A_274 : i32 to vector<2048x128xi32>
    %sub3A_276 = arith.subi %div3A_249, %sub3A_275 : vector<2048x128xi32>
    %select_n3A_277 = arith.select %and3A_273, %sub3A_276, %div3A_249 : vector<2048x128xi1>, vector<2048x128xi32>
    %jit3A_278 = arith.constant 8 : i32
    %eq3A_279 = arith.constant 0 : i32
    %eq3A_280 = arith.cmpi eq, %jit3A_278, %eq3A_279 : i32
    %jit3A_281 = arith.constant 1 : i32
    %select_n3A_282 = arith.select %eq3A_280, %jit3A_281, %jit3A_278 : i32
    %rem3A_283 = vector.broadcast %select_n3A_282 : i32 to vector<2048x128xi32>
    %rem3A_284 = arith.remsi %iota3A_112, %rem3A_283 : vector<2048x128xi32>
    %ne3A_285 = arith.constant 0 : i32
    %ne3A_286 = vector.broadcast %ne3A_285 : i32 to vector<2048x128xi32>
    %ne3A_287 = arith.cmpi ne, %rem3A_284, %ne3A_286 : vector<2048x128xi32>
    %lt3A_288 = arith.constant 0 : i32
    %lt3A_289 = vector.broadcast %lt3A_288 : i32 to vector<2048x128xi32>
    %lt3A_290 = arith.cmpi slt, %rem3A_284, %lt3A_289 : vector<2048x128xi32>
    %lt3A_291 = arith.constant 0 : i32
    %lt3A_292 = arith.cmpi slt, %select_n3A_282, %lt3A_291 : i32
    %ne3A_293 = vector.broadcast %lt3A_292 : i1 to vector<2048x128xi1>
    %ne3A_294 = vector.broadcast %ne3A_293 : vector<2048x128xi1> to vector<2048x128xi1>
    %ne3A_295 = arith.xori %lt3A_290, %ne3A_294 : vector<2048x128xi1>
    %and3A_296 = arith.andi %ne3A_295, %ne3A_287 : vector<2048x128xi1>
    %add3A_297 = vector.broadcast %select_n3A_282 : i32 to vector<2048x128xi32>
    %add3A_298 = arith.addi %rem3A_284, %add3A_297 : vector<2048x128xi32>
    %select_n3A_299 = arith.select %and3A_296, %add3A_298, %rem3A_284 : vector<2048x128xi1>, vector<2048x128xi32>
    %eq3A_300 = arith.cmpi eq, %select_n3A_277, %select_n3A_299 : vector<2048x128xi32>
    %convert_element_type3A_301 = arith.extui %eq3A_300 : vector<2048x128xi1> to vector<2048x128xi32>
    %convert_element_type3A_302 = arith.sitofp %convert_element_type3A_301 : vector<2048x128xi32> to vector<2048x128xf32>
    %iota3A_303 = tpu.iota {dimensions = array<i32: 1>} : vector<256x2048xi32>
    %jit3A_304 = arith.constant 8 : i32
    %div3A_305 = vector.broadcast %jit3A_304 : i32 to vector<256x2048xi32>
    %div3A_306 = arith.divsi %iota3A_303, %div3A_305 : vector<256x2048xi32>
    %sign3A_307 = arith.constant 0 : i32
    %sign3A_308 = vector.broadcast %sign3A_307 : i32 to vector<256x2048xi32>
    %sign3A_309 = arith.cmpi sgt, %iota3A_303, %sign3A_308 : vector<256x2048xi32>
    %sign3A_310 = arith.extui %sign3A_309 : vector<256x2048xi1> to vector<256x2048xi32>
    %sign3A_311 = arith.constant 0 : i32
    %sign3A_312 = vector.broadcast %sign3A_311 : i32 to vector<256x2048xi32>
    %sign3A_313 = arith.cmpi slt, %iota3A_303, %sign3A_312 : vector<256x2048xi32>
    %sign3A_314 = arith.extui %sign3A_313 : vector<256x2048xi1> to vector<256x2048xi32>
    %sign3A_315 = arith.subi %sign3A_310, %sign3A_314 : vector<256x2048xi32>
    %sign3A_316 = arith.constant 0 : i32
    %sign3A_317 = arith.cmpi sgt, %jit3A_304, %sign3A_316 : i32
    %sign3A_318 = arith.extui %sign3A_317 : i1 to i32
    %sign3A_319 = arith.constant 0 : i32
    %sign3A_320 = arith.cmpi slt, %jit3A_304, %sign3A_319 : i32
    %sign3A_321 = arith.extui %sign3A_320 : i1 to i32
    %sign3A_322 = arith.subi %sign3A_318, %sign3A_321 : i32
    %ne3A_323 = vector.broadcast %sign3A_322 : i32 to vector<256x2048xi32>
    %ne3A_324 = arith.cmpi ne, %sign3A_315, %ne3A_323 : vector<256x2048xi32>
    %rem3A_325 = vector.broadcast %jit3A_304 : i32 to vector<256x2048xi32>
    %rem3A_326 = arith.remsi %iota3A_303, %rem3A_325 : vector<256x2048xi32>
    %ne3A_327 = arith.constant 0 : i32
    %ne3A_328 = vector.broadcast %ne3A_327 : i32 to vector<256x2048xi32>
    %ne3A_329 = arith.cmpi ne, %rem3A_326, %ne3A_328 : vector<256x2048xi32>
    %and3A_330 = arith.andi %ne3A_324, %ne3A_329 : vector<256x2048xi1>
    %sub3A_331 = arith.constant 1 : i32
    %sub3A_332 = vector.broadcast %sub3A_331 : i32 to vector<256x2048xi32>
    %sub3A_333 = arith.subi %div3A_306, %sub3A_332 : vector<256x2048xi32>
    %select_n3A_334 = arith.select %and3A_330, %sub3A_333, %div3A_306 : vector<256x2048xi1>, vector<256x2048xi32>
    %iota3A_335 = tpu.iota {dimensions = array<i32: 0>} : vector<256x2048xi32>
    %eq3A_336 = arith.cmpi eq, %select_n3A_334, %iota3A_335 : vector<256x2048xi32>
    %convert_element_type3A_337 = arith.extui %eq3A_336 : vector<256x2048xi1> to vector<256x2048xi32>
    %convert_element_type3A_338 = arith.sitofp %convert_element_type3A_337 : vector<256x2048xi32> to vector<256x2048xf32>
    %mul3A_339 = vector.broadcast %slice3A : vector<2048x1xf32> to vector<2048x128xf32>
    %mul3A_340 = arith.mulf %mul3A_339, %convert_element_type3A_302 : vector<2048x128xf32>
    %dot_general3A_341 = arith.constant dense<0.000000e+00> : vector<256x128xf32>
    %dot_general3A_342 = tpu.matmul %convert_element_type3A_338, %mul3A_340, %dot_general3A_341 {dimension_numbers = #tpu.dot_dimension_numbers<[1], [0], [0], [1], [0, 0, 1, 1], [], []>, transpose_lhs_hint = false} : vector<256x2048xf32>, vector<2048x128xf32>, vector<256x128xf32> -> vector<256x128xf32>
    %swap3A = arith.constant 0 : index
    %swap3A_343 = arith.constant 0 : index
    %swap3A_344 = vector.load %arg17[%swap3A, %swap3A_343] : memref<2048x128xf32, #tpu.memory_space<vmem>>, vector<2048x128xf32>
    tpu.vector_store %arg17[%swap3A, %swap3A_343], %div3A_193 {strides = array<i32>} : memref<2048x128xf32, #tpu.memory_space<vmem>>, vector<2048x128xf32>,
    %mul3A_345 = arith.mulf %dot_general3A_342, %div3A_73 : vector<256x128xf32>
    %swap3A_346 = arith.constant 0 : index
    %swap3A_347 = arith.constant 0 : index
    %swap3A_348 = vector.load %arg18[%swap3A_346, %swap3A_347] : memref<256x128xf32, #tpu.memory_space<vmem>>, vector<256x128xf32>
    tpu.vector_store %arg18[%swap3A_346, %swap3A_347], %mul3A_345 {strides = array<i32>} : memref<256x128xf32, #tpu.memory_space<vmem>>, vector<256x128xf32>,
    return
  }
  func.func @transform_0(%arg0: i32) -> (i32, i32) {
    %c0_i32 = arith.constant 0 : i32
    %c0_i32_0 = arith.constant 0 : i32
    return %arg0, %c0_i32 : i32, i32
  }
  func.func @transform_1(%arg0: i32) -> (i32, i32) {
    %c0_i32 = arith.constant 0 : i32
    %c0_i32_0 = arith.constant 0 : i32
    return %arg0, %c0_i32 : i32, i32
  }
  func.func @transform_2(%arg0: i32) -> (i32, i32) {
    %c0_i32 = arith.constant 0 : i32
    %c0_i32_0 = arith.constant 0 : i32
    return %arg0, %c0_i32 : i32, i32
  }
  func.func @transform_3(%arg0: i32) -> (i32, i32) {
    %c0_i32 = arith.constant 0 : i32
    %c0_i32_0 = arith.constant 0 : i32
    return %arg0, %c0_i32 : i32, i32
  }
  func.func @transform_4(%arg0: i32) -> (i32, i32) {
    %c0_i32 = arith.constant 0 : i32
    %c0_i32_0 = arith.constant 0 : i32
    %c0_i32_1 = arith.constant 0 : i32
    return %c0_i32, %c0_i32_0 : i32, i32
  }
  func.func @transform_5(%arg0: i32) -> (i32, i32) {
    %c0_i32 = arith.constant 0 : i32
    %c0_i32_0 = arith.constant 0 : i32
    %c0_i32_1 = arith.constant 0 : i32
    return %c0_i32, %c0_i32_0 : i32, i32
  }
  func.func @transform_6(%arg0: i32) -> (i32, i32) {
    %c0_i32 = arith.constant 0 : i32
    %c0_i32_0 = arith.constant 0 : i32
    %c0_i32_1 = arith.constant 0 : i32
    return %c0_i32, %c0_i32_0 : i32, i32
  }
  func.func @transform_7(%arg0: i32) -> (i32, i32) {
    %c0_i32 = arith.constant 0 : i32
    %c0_i32_0 = arith.constant 0 : i32
    %c0_i32_1 = arith.constant 0 : i32
    return %c0_i32, %c0_i32_0 : i32, i32
  }
  func.func @transform_8(%arg0: i32) -> (i32, i32) {
    %c0_i32 = arith.constant 0 : i32
    %c0_i32_0 = arith.constant 0 : i32
    %c0_i32_1 = arith.constant 0 : i32
    return %c0_i32, %c0_i32_0 : i32, i32
  }
  func.func @transform_9(%arg0: i32) -> (i32, i32) {
    %c0_i32 = arith.constant 0 : i32
    %c0_i32_0 = arith.constant 0 : i32
    %c0_i32_1 = arith.constant 0 : i32
    return %c0_i32, %c0_i32_0 : i32, i32
  }
  func.func @transform_10(%arg0: i32) -> (i32, i32) {
    %c0_i32 = arith.constant 0 : i32
    %c0_i32_0 = arith.constant 0 : i32
    %c0_i32_1 = arith.constant 0 : i32
    return %c0_i32, %c0_i32_0 : i32, i32
  }
  func.func @transform_11(%arg0: i32) -> (i32, i32) {
    %c0_i32 = arith.constant 0 : i32
    %c0_i32_0 = arith.constant 0 : i32
    %c0_i32_1 = arith.constant 0 : i32
    return %c0_i32, %c0_i32_0 : i32, i32
  }
  func.func @transform_12(%arg0: i32) -> (i32, i32) {
    %c0_i32 = arith.constant 0 : i32
    %c0_i32_0 = arith.constant 0 : i32
    %c0_i32_1 = arith.constant 0 : i32
    return %c0_i32, %c0_i32_0 : i32, i32
  }
  func.func @transform_13(%arg0: i32) -> (i32, i32) {
    %c0_i32 = arith.constant 0 : i32
    %c0_i32_0 = arith.constant 0 : i32
    %c0_i32_1 = arith.constant 0 : i32
    return %c0_i32, %c0_i32_0 : i32, i32
  }
  func.func @transform_14(%arg0: i32) -> (i32, i32) {
    %c0_i32 = arith.constant 0 : i32
    %c0_i32_0 = arith.constant 0 : i32
    %c0_i32_1 = arith.constant 0 : i32
    return %c0_i32, %c0_i32_0 : i32, i32
  }
  func.func @transform_15(%arg0: i32) -> (i32, i32) {
    %c0_i32 = arith.constant 0 : i32
    %c0_i32_0 = arith.constant 0 : i32
    %c0_i32_1 = arith.constant 0 : i32
    return %c0_i32, %c0_i32_0 : i32, i32
  }
  func.func @transform_16(%arg0: i32) -> (i32, i32) {
    %c0_i32 = arith.constant 0 : i32
    %c0_i32_0 = arith.constant 0 : i32
    return %arg0, %c0_i32 : i32, i32
  }
  func.func @transform_17(%arg0: i32) -> (i32, i32) {
    %c0_i32 = arith.constant 0 : i32
    %c0_i32_0 = arith.constant 0 : i32
    return %arg0, %c0_i32 : i32, i32
  }
}

module attributes {stable_mosaic.version = 14 : i64} {
  func.func @_node_body(%arg0: i32, %arg1: memref<1000x128xf32, #tpu.memory_space<vmem>>, %arg2: memref<1000x128xf32, #tpu.memory_space<vmem>>, %arg3: memref<1000x128xf32, #tpu.memory_space<vmem>>, %arg4: memref<1000x16xf32, #tpu.memory_space<vmem>>, %arg5: memref<1000x16xf32, #tpu.memory_space<vmem>>, %arg6: memref<1000x16xf32, #tpu.memory_space<vmem>>, %arg7: memref<128x128xf32, #tpu.memory_space<vmem>>, %arg8: memref<128x128xf32, #tpu.memory_space<vmem>>, %arg9: memref<1x128xf32, #tpu.memory_space<vmem>>, %arg10: memref<128x128xf32, #tpu.memory_space<vmem>>, %arg11: memref<1x128xf32, #tpu.memory_space<vmem>>, %arg12: memref<1000x128xf32, #tpu.memory_space<vmem>>, %arg13: memref<1000x16xf32, #tpu.memory_space<vmem>>) attributes {dimension_semantics = [#tpu.dimension_semantics<arbitrary>], iteration_bounds = array<i64: 10>, scalar_prefetch = 0 : i64, scratch_operands = 0 : i64, tpu.core_type = #tpu.core_type<tc>, window_params = [{transform_indices = @transform_0, window_bounds = array<i64: 1000, 128>}, {transform_indices = @transform_1, window_bounds = array<i64: 1000, 128>}, {transform_indices = @transform_2, window_bounds = array<i64: 1000, 128>}, {transform_indices = @transform_3, window_bounds = array<i64: 1000, 16>}, {transform_indices = @transform_4, window_bounds = array<i64: 1000, 16>}, {transform_indices = @transform_5, window_bounds = array<i64: 1000, 16>}, {pipeline_mode = #tpu.pipeline_mode<synchronous>, transform_indices = @transform_6, window_bounds = array<i64: 128, 128>}, {pipeline_mode = #tpu.pipeline_mode<synchronous>, transform_indices = @transform_7, window_bounds = array<i64: 128, 128>}, {pipeline_mode = #tpu.pipeline_mode<synchronous>, transform_indices = @transform_8, window_bounds = array<i64: 1, 128>}, {pipeline_mode = #tpu.pipeline_mode<synchronous>, transform_indices = @transform_9, window_bounds = array<i64: 128, 128>}, {pipeline_mode = #tpu.pipeline_mode<synchronous>, transform_indices = @transform_10, window_bounds = array<i64: 1, 128>}, {transform_indices = @transform_11, window_bounds = array<i64: 1000, 128>}, {transform_indices = @transform_12, window_bounds = array<i64: 1000, 16>}]} {
    %get3A = arith.constant 0 : index
    %get3A_0 = arith.constant 0 : index
    %get3A_1 = vector.load %arg1[%get3A, %get3A_0] : memref<1000x128xf32, #tpu.memory_space<vmem>>, vector<1000x128xf32>
    %get3A_2 = arith.constant 0 : index
    %get3A_3 = arith.constant 0 : index
    %get3A_4 = vector.load %arg2[%get3A_2, %get3A_3] : memref<1000x128xf32, #tpu.memory_space<vmem>>, vector<1000x128xf32>
    %get3A_5 = arith.constant 0 : index
    %get3A_6 = arith.constant 0 : index
    %get3A_7 = vector.load %arg3[%get3A_5, %get3A_6] : memref<1000x128xf32, #tpu.memory_space<vmem>>, vector<1000x128xf32>
    %add3A = arith.addf %get3A_4, %get3A_7 : vector<1000x128xf32>
    %get3A_8 = arith.constant 0 : index
    %get3A_9 = arith.constant 0 : index
    %get3A_10 = vector.load %arg7[%get3A_8, %get3A_9] : memref<128x128xf32, #tpu.memory_space<vmem>>, vector<128x128xf32>
    %dot_general3A = arith.constant dense<0.000000e+00> : vector<1000x128xf32>
    %dot_general3A_11 = tpu.matmul %get3A_1, %get3A_10, %dot_general3A {dimension_numbers = #tpu.dot_dimension_numbers<[1], [0], [0], [1], [0, 0, 1, 1], [], []>, transpose_lhs_hint = false} : vector<1000x128xf32>, vector<128x128xf32>, vector<1000x128xf32> -> vector<1000x128xf32>
    %get3A_12 = arith.constant 0 : index
    %get3A_13 = arith.constant 0 : index
    %get3A_14 = vector.load %arg8[%get3A_12, %get3A_13] : memref<128x128xf32, #tpu.memory_space<vmem>>, vector<128x128xf32>
    %dot_general3A_15 = arith.constant dense<0.000000e+00> : vector<1000x128xf32>
    %dot_general3A_16 = tpu.matmul %add3A, %get3A_14, %dot_general3A_15 {dimension_numbers = #tpu.dot_dimension_numbers<[1], [0], [0], [1], [0, 0, 1, 1], [], []>, transpose_lhs_hint = false} : vector<1000x128xf32>, vector<128x128xf32>, vector<1000x128xf32> -> vector<1000x128xf32>
    %add3A_17 = arith.addf %dot_general3A_11, %dot_general3A_16 : vector<1000x128xf32>
    %get3A_18 = arith.constant 0 : index
    %get3A_19 = arith.constant 0 : index
    %get3A_20 = vector.load %arg9[%get3A_18, %get3A_19] : memref<1x128xf32, #tpu.memory_space<vmem>>, vector<1x128xf32>
    %add3A_21 = vector.broadcast %get3A_20 : vector<1x128xf32> to vector<1000x128xf32>
    %add3A_22 = arith.addf %add3A_17, %add3A_21 : vector<1000x128xf32>
    %neg3A = arith.constant 0.000000e+00 : f32
    %neg3A_23 = vector.broadcast %neg3A : f32 to vector<1000x128xf32>
    %neg3A_24 = arith.subf %neg3A_23, %add3A_22 : vector<1000x128xf32>
    %exp3A = math.exp %neg3A_24 : vector<1000x128xf32>
    %add3A_25 = arith.constant 1.000000e+00 : f32
    %add3A_26 = vector.broadcast %add3A_25 : f32 to vector<1000x128xf32>
    %add3A_27 = arith.addf %add3A_26, %exp3A : vector<1000x128xf32>
    %div3A = arith.divf %add3A_22, %add3A_27 : vector<1000x128xf32>
    %get3A_28 = arith.constant 0 : index
    %get3A_29 = arith.constant 0 : index
    %get3A_30 = vector.load %arg10[%get3A_28, %get3A_29] : memref<128x128xf32, #tpu.memory_space<vmem>>, vector<128x128xf32>
    %dot_general3A_31 = arith.constant dense<0.000000e+00> : vector<1000x128xf32>
    %dot_general3A_32 = tpu.matmul %div3A, %get3A_30, %dot_general3A_31 {dimension_numbers = #tpu.dot_dimension_numbers<[1], [0], [0], [1], [0, 0, 1, 1], [], []>, transpose_lhs_hint = false} : vector<1000x128xf32>, vector<128x128xf32>, vector<1000x128xf32> -> vector<1000x128xf32>
    %get3A_33 = arith.constant 0 : index
    %get3A_34 = arith.constant 0 : index
    %get3A_35 = vector.load %arg11[%get3A_33, %get3A_34] : memref<1x128xf32, #tpu.memory_space<vmem>>, vector<1x128xf32>
    %add3A_36 = vector.broadcast %get3A_35 : vector<1x128xf32> to vector<1000x128xf32>
    %add3A_37 = arith.addf %dot_general3A_32, %add3A_36 : vector<1000x128xf32>
    %add3A_38 = arith.addf %get3A_1, %add3A_37 : vector<1000x128xf32>
    %swap3A = arith.constant 0 : index
    %swap3A_39 = arith.constant 0 : index
    %swap3A_40 = vector.load %arg12[%swap3A, %swap3A_39] : memref<1000x128xf32, #tpu.memory_space<vmem>>, vector<1000x128xf32>
    tpu.vector_store %arg12[%swap3A, %swap3A_39], %add3A_38 {strides = array<i32>} : memref<1000x128xf32, #tpu.memory_space<vmem>>, vector<1000x128xf32>,
    %get3A_41 = arith.constant 0 : index
    %get3A_42 = arith.constant 0 : index
    %get3A_43 = vector.load %arg4[%get3A_41, %get3A_42] : memref<1000x16xf32, #tpu.memory_space<vmem>>, vector<1000x16xf32>
    %get3A_44 = arith.constant 0 : index
    %get3A_45 = arith.constant 0 : index
    %get3A_46 = vector.load %arg5[%get3A_44, %get3A_45] : memref<1000x16xf32, #tpu.memory_space<vmem>>, vector<1000x16xf32>
    %add3A_47 = arith.addf %get3A_43, %get3A_46 : vector<1000x16xf32>
    %get3A_48 = arith.constant 0 : index
    %get3A_49 = arith.constant 0 : index
    %get3A_50 = vector.load %arg6[%get3A_48, %get3A_49] : memref<1000x16xf32, #tpu.memory_space<vmem>>, vector<1000x16xf32>
    %add3A_51 = arith.addf %add3A_47, %get3A_50 : vector<1000x16xf32>
    %swap3A_52 = arith.constant 0 : index
    %swap3A_53 = arith.constant 0 : index
    %swap3A_54 = vector.load %arg13[%swap3A_52, %swap3A_53] : memref<1000x16xf32, #tpu.memory_space<vmem>>, vector<1000x16xf32>
    tpu.vector_store %arg13[%swap3A_52, %swap3A_53], %add3A_51 {strides = array<i32>} : memref<1000x16xf32, #tpu.memory_space<vmem>>, vector<1000x16xf32>,
    return
  }
  func.func @transform_0(%arg0: i32) -> (i32, i32) {
    %c0_i32 = arith.constant 0 : i32
    %c0_i32_0 = arith.constant 0 : i32
    return %arg0, %c0_i32 : i32, i32
  }
  func.func @transform_1(%arg0: i32) -> (i32, i32) {
    %c0_i32 = arith.constant 0 : i32
    %c0_i32_0 = arith.constant 0 : i32
    return %arg0, %c0_i32 : i32, i32
  }
  func.func @transform_2(%arg0: i32) -> (i32, i32) {
    %c0_i32 = arith.constant 0 : i32
    %c0_i32_0 = arith.constant 0 : i32
    return %arg0, %c0_i32 : i32, i32
  }
  func.func @transform_3(%arg0: i32) -> (i32, i32) {
    %c0_i32 = arith.constant 0 : i32
    %c0_i32_0 = arith.constant 0 : i32
    return %arg0, %c0_i32 : i32, i32
  }
  func.func @transform_4(%arg0: i32) -> (i32, i32) {
    %c0_i32 = arith.constant 0 : i32
    %c0_i32_0 = arith.constant 0 : i32
    return %arg0, %c0_i32 : i32, i32
  }
  func.func @transform_5(%arg0: i32) -> (i32, i32) {
    %c0_i32 = arith.constant 0 : i32
    %c0_i32_0 = arith.constant 0 : i32
    return %arg0, %c0_i32 : i32, i32
  }
  func.func @transform_6(%arg0: i32) -> (i32, i32) {
    %c0_i32 = arith.constant 0 : i32
    %c0_i32_0 = arith.constant 0 : i32
    %c0_i32_1 = arith.constant 0 : i32
    return %c0_i32, %c0_i32_0 : i32, i32
  }
  func.func @transform_7(%arg0: i32) -> (i32, i32) {
    %c0_i32 = arith.constant 0 : i32
    %c0_i32_0 = arith.constant 0 : i32
    %c0_i32_1 = arith.constant 0 : i32
    return %c0_i32, %c0_i32_0 : i32, i32
  }
  func.func @transform_8(%arg0: i32) -> (i32, i32) {
    %c0_i32 = arith.constant 0 : i32
    %c0_i32_0 = arith.constant 0 : i32
    %c0_i32_1 = arith.constant 0 : i32
    return %c0_i32, %c0_i32_0 : i32, i32
  }
  func.func @transform_9(%arg0: i32) -> (i32, i32) {
    %c0_i32 = arith.constant 0 : i32
    %c0_i32_0 = arith.constant 0 : i32
    %c0_i32_1 = arith.constant 0 : i32
    return %c0_i32, %c0_i32_0 : i32, i32
  }
  func.func @transform_10(%arg0: i32) -> (i32, i32) {
    %c0_i32 = arith.constant 0 : i32
    %c0_i32_0 = arith.constant 0 : i32
    %c0_i32_1 = arith.constant 0 : i32
    return %c0_i32, %c0_i32_0 : i32, i32
  }
  func.func @transform_11(%arg0: i32) -> (i32, i32) {
    %c0_i32 = arith.constant 0 : i32
    %c0_i32_0 = arith.constant 0 : i32
    return %arg0, %c0_i32 : i32, i32
  }
  func.func @transform_12(%arg0: i32) -> (i32, i32) {
    %c0_i32 = arith.constant 0 : i32
    %c0_i32_0 = arith.constant 0 : i32
    return %arg0, %c0_i32 : i32, i32
  }
}

</mosaic_0001>

<sc_bundles>
// kernel: kernel.10.cloned.1.call-start
scs
__scs_entry_jumppad:
0x0: {  	(pc) =	sbr.rel $0x88, $3  }
0x1: {  	(tag) =	ssettag $0x0;
	lr =	simm.s32 $0x1  }
0x2: {  	[smem:$0x3F87] =	sst lr;
	_ =	strace $0xD0000000  }
0x3: {  	_ = 	snop  }
0x4: {  	_ = 	snop  }
0x5: {  	_ = 	snop  }
0x6: {  	_ = 	snop  }
0x7: {  	_ = 	snop  }
__scs_overlays_trampoline_lowered:
0x8: {  	[smem:$0x3F96] =	sst s0  }
0x9: {  	[smem:$0x3F97] =	sst s1  }
0xa: {  	[smem:$0x3F98] =	sst s2  }
0xb: {  	[smem:$0x3F99] =	sst s3  }
0xc: {  	[smem:$0x3F9A] =	sst s4  }
0xd: {  	[smem:$0x3F9B] =	sst s5  }
0xe: {  	[smem:$0x3F9C] =	sst s6  }
0xf: {  	[smem:$0x3F9D] =	sst s7  }
0x10: {  	[smem:$0x3F9E] =	sst s8  }
0x11: {  	[smem:$0x3F9F] =	sst s9;
	s0 =	simm.s32 @!p0 $0x0  }
0x12: {  	s1 =	sld [smem:$0x3F85];
	s0 =	simm.s32 @p0 $0x1  }
0x13: {  	[smem:$0x3FA0] =	sst s0;
	s0 =	simm.s32 @!p1 $0x0  }
0x14: {  	s2 =	sld [smem:$0x3F84];
	s0 =	simm.s32 @p1 $0x1  }
0x15: {  	[smem:$0x3FA1] =	sst s0;
	s0 =	simm.s32 @!p2 $0x0  }
0x16: {  	s3 =	sld [smem:$0x3FDB];
	s0 =	simm.s32 @p2 $0x1  }
0x17: {  	s4 =	simm.s32 $0x1BF5;
	[smem:$0x3FA3] =	sst s0  }
0x18: {  	s0 =	sld [smem:$0x3F86];
	_ =	swait.ge [sflag:s4], $0x0  }
0x19: {  	s7 =	sld [smem:$0x3F87]  }
0x1a: {  	s8 =	sadd.s32 $0xFFFFE003, lr  }
0x1b: {  	s9 =	sadd.s32 $0xFFFFFEF7, lr;
	s5 =	simm.s32 $0xFFFFFFFF;
	p2 =	slt.u32 s8, $0xFFFFF086  }
0x1c: {  	p1 =	slt.u32 s9, $0xF7A;
	s5 =	simm.s32 @!p2 $0x0  }
0x1d: {  	s5 =	simm.s32 @p1 $0x1;
	p0 =	seq.s32 s7, s2  }
0x1e: {  	s7 =	smul.u32 @!p0 $0xF7A, s2;
	p2 =	seq.s32 @!p0 s5, $0x0  }
0x1f: {  	s9 =	smul.u32 $0xF7A, s1;
	s8 =	simm.s32 @!p0 $0x1BF5;
	p2 =	por !p2, p0  }
0x20: {  	[sflag:s8] =	ssyncset.s32 @!p0 $0xFFFFF086;
	s6 =	sadd.s32 @!p0 s3, s7;
	s7 =	simm.s32 @!p0 $0x108  }
0x21: {  	s3 =	sadd.s32 s3, s9;
	s6 =	sadd.s32 @!p0 $0x88, s6;
	s7 =	simm.s32 @p2 $0x1082  }
0x22: {  	[simem:s7], [sflag:s8] =	dma.local @!p0 [hbm:s6], $0xF7A  }
0x23: {  	s9 =	sor.u32 $0xD0000000, s2;
	s6 =	simm.s32 $0x108;
	_ =	swait.ge @!p0 [sflag:s8], $0x0  }
0x24: {  	s3 =	sadd.s32 $0x88, s3;
	s6 =	simm.s32 @!p1 $0x1082;
	[sflag:s4] =	ssyncset.s32 $0xFFFFF086  }
0x25: {  	[simem:s6], [sflag:s4] =	dma.local [hbm:s3], $0xF7A  }
0x26: {  	[smem:$0x3F87] =	sst s1;
	(tag) =	ssettag s2;
	_ =	strace s9  }
0x27: {  	s1 =	sld [smem:$0x3F97]  }
0x28: {  	s2 =	sld [smem:$0x3F98]  }
0x29: {  	s4 =	sld [smem:$0x3F9A]  }
0x2a: {  	p0 =	seq.s32 s5, $0x0;
	s5 =	sld [smem:$0x3F9B]  }
0x2b: {  	s6 =	sld [smem:$0x3F9C]  }
0x2c: {  	s7 =	sld [smem:$0x3F9D]  }
0x2d: {  	s3 =	simm.s32 $0x108;
	s8 =	sld [smem:$0x3F9E]  }
0x2e: {  	s3 =	simm.s32 @!p0 $0x1082;
	s9 =	sld [smem:$0x3F9F]  }
0x2f: {  	lr =	sadd.s32 s0, s3;
	s0 =	sld [smem:$0x3F96]  }
0x30: {  	s3 =	sld [smem:$0x3F99]  }
0x31: {  	[smem:$0x3FA2] =	sst s10  }
0x32: {  	s10 =	sld [smem:$0x3FA0];
	_ =	sdelay $0x3  }
0x33: {  	p0 =	seq.s32 s10, $0x1;
	s10 =	sld [smem:$0x3FA2];
	_ =	sdelay $0x3  }
0x34: {  	[smem:$0x3FA2] =	sst s10  }
0x35: {  	s10 =	sld [smem:$0x3FA1];
	_ =	sdelay $0x3  }
0x36: {  	p1 =	seq.s32 s10, $0x1;
	s10 =	sld [smem:$0x3FA2];
	_ =	sdelay $0x3  }
0x37: {  	[smem:$0x3FA2] =	sst s10  }
0x38: {  	s10 =	sld [smem:$0x3FA3]  }
0x39: {  	_ = 	snop;
	(pc) =	sbr.ind lr, $3  }
0x3a: {  	_ = 	snop  }
0x3b: {  	_ = 	snop  }
0x3c: {  	p2 =	seq.s32 s10, $0x1;
	s10 =	sld [smem:$0x3FA2]  }
0x3d: {  	_ =	shalt  }
0x3e: {  	_ =	shalt  }
0x3f: {  	_ =	shalt  }
0x40: {  	_ =	shalt  }
0x41: {  	_ =	shalt  }
0x42: {  	_ =	shalt  }
0x43: {  	_ =	shalt  }
0x44: {  	_ =	shalt  }
0x45: {  	_ =	shalt  }
0x46: {  	_ =	shalt  }
0x47: {  	_ =	shalt  }
0x48: {  	_ =	shalt  }
0x49: {  	_ =	shalt  }
0x4a: {  	_ =	shalt  }
0x4b: {  	_ =	shalt  }
0x4c: {  	_ =	shalt  }
0x4d: {  	_ =	shalt  }
0x4e: {  	_ =	shalt  }
0x4f: {  	_ =	shalt  }
0x50: {  	_ =	shalt  }
0x51: {  	_ =	shalt  }
0x52: {  	_ =	shalt  }
0x53: {  	_ =	shalt  }
0x54: {  	_ =	shalt  }
0x55: {  	_ =	shalt  }
0x56: {  	_ =	shalt  }
0x57: {  	_ =	shalt  }
0x58: {  	_ =	shalt  }
0x59: {  	_ =	shalt  }
0x5a: {  	_ =	shalt  }
0x5b: {  	_ =	shalt  }
0x5c: {  	_ =	shalt  }
0x5d: {  	_ =	shalt  }
0x5e: {  	_ =	shalt  }
0x5f: {  	_ =	shalt  }
0x60: {  	_ =	shalt  }
0x61: {  	_ =	shalt  }
0x62: {  	_ =	shalt  }
0x63: {  	_ =	shalt  }
0x64: {  	_ =	shalt  }
0x65: {  	_ =	shalt  }
0x66: {  	_ =	shalt  }
0x67: {  	_ =	shalt  }
0x68: {  	_ =	shalt  }
0x69: {  	_ =	shalt  }
0x6a: {  	_ =	shalt  }
0x6b: {  	_ =	shalt  }
0x6c: {  	_ =	shalt  }
0x6d: {  	_ =	shalt  }
0x6e: {  	_ =	shalt  }
0x6f: {  	_ =	shalt  }
0x70: {  	_ =	shalt  }
0x71: {  	_ =	shalt  }
0x72: {  	_ =	shalt  }
0x73: {  	_ =	shalt  }
0x74: {  	_ =	shalt  }
0x75: {  	_ =	shalt  }
0x76: {  	_ =	shalt  }
0x77: {  	_ =	shalt  }
0x78: {  	_ =	shalt  }
0x79: {  	_ =	shalt  }
0x7a: {  	_ =	shalt  }
0x7b: {  	_ =	shalt  }
0x7c: {  	_ =	shalt  }
0x7d: {  	_ =	shalt  }
0x7e: {  	_ =	shalt  }
0x7f: {  	_ =	shalt  }
0x80: {  	_ =	shalt  }
0x81: {  	_ =	shalt  }
0x82: {  	_ =	shalt  }
0x83: {  	_ =	shalt  }
0x84: {  	_ =	shalt  }
0x85: {  	_ =	shalt  }
0x86: {  	_ =	shalt  }
0x87: {  	_ =	shalt  }
.Lfunc_end0:
.L_simem_size_0:
called_computation.1_lowered:
.L_overlay_start_0:
0x88: {  	s2 =	sld [smem:$0x3FD9]  }
0x89: {  	s3 =	sld [smem:$0x3FFE];
	_ =	sdelay $0x1  }
0x8a: {  	s1 =	srdreg.scid  }
0x8b: {  	s0 =	sand.u32 $0x1, s1  }
0x8c: {  	s14 =	sshll.u32 s0, $0xA;
	s2 =	sadd.s32 s3, s2  }
0x8d: {  	s2 =	sadd.s32 s2, s14  }
0x8e: {  	[smem:$0x3FAE] =	sst s2  }
0x8f: {  	_ = 	snop  }
0x90: {  	s2 =	sld [smem:$0x3FD0];
	_ =	sdelay $0x2  }
0x91: {  	s15 =	simm.s32 $0xA;
	s4 =	simm.s32 $0x10  }
0x92: {  	[smem:s4], [sflag:s15] =	dma.local [hbm:s2], $0x1  }
0x93: {  	_ =	swait.eq [sflag:s15], $0x1  }
0x94: {  	[sflag:s15] =	ssyncset.done $0x0  }
0x95: {  	[sflag:s15] =	ssyncadd.s32 $0xFFFFFFFF  }
0x96: {  	s16 =	sld [smem:$0x11];
	(tm) =	ssettm $0x1  }
0x97: {  	s17 =	sld [smem:$0x3FFB];
	_ =	sdelay $0x3  }
0x98: {  	_ =	strace s17  }
0x99: {  	s3 =	sld [smem:$0x3FFC];
	_ =	sdelay $0x3  }
0x9a: {  	_ =	strace s3  }
0x9b: {  	s3 =	sld [smem:$0x3FFD];
	_ =	sdelay $0x3  }
0x9c: {  	_ =	strace s3  }
0x9d: {  	_ =	strace $0x8FFFFFFF  }
0x9e: {  	s18 =	sld [smem:$0x3FDB];
	_ =	sdelay $0x1  }
0x9f: {  	s19 =	simm.s32 $_scs_section_size  }
0xa0: {  	s5 =	simm.s32 $_size__tile_overlayer_lowered;
	s6 =	simm.s32 $_tile_overlayer_lowered  }
0xa1: {  	s22 =	simm.s32 $0x1BFF;
	s21 =	sshll.u32 s6, $0x1;
	s3 =	sadd.s32 s19, s18  }
0xa2: {  	s7 =	simm.s32 $0x0;
	s20 =	sshll.u32 s5, $0x1;
	s5 =	sadd.s32 s21, s3  }
0xa3: {  	[timem:s7], [sflag:s22] =	dma.local [hbm:s5], s20  }
0xa4: {  	_ =	swait.ge [sflag:s22], s20  }
0xa5: {  	s4 =	ssub.s32 $0x0, s20;
	[sflag:s22] =	ssyncset.done $0x0  }
0xa6: {  	[sflag:s22] =	ssyncadd.s32 s4;
	_ =	sdelay $0x1  }
0xa7: {  	s23 =	simm.s32 $0x1B8B  }
0xa8: {  	_ =	swait.ge [sflag:s23], $0x1  }
0xa9: {  	[sflag:s23] =	ssyncset.done $0x0  }
0xaa: {  	s25 =	simm.s32 $0x1B8E;
	s24 =	sld [smem:$0x3FFE];
	[sflag:s23] =	ssyncadd.s32 $0xFFFFFFFF  }
0xab: {  	s26 =	simm.s32 $execute0_lowered;
	[smem:$0x3FD2] =	sst s25  }
0xac: {  	s5 =	sshll.u32 s26, $0x1;
	_ =	strace $0x80000049;
	[dreg:$0x1] =	wrdreg $0xFFFFFFFF  }
0xad: {  	s28 =	simm.s32 $_size_execute0_lowered;
	s3 =	sadd.s32 s3, s5;
	[dreg:$0x0] =	wrdreg $0x0  }
0xae: {  	s5 =	sshll.u32 s28, $0x1;
	[dreg:$0x2] =	wrdreg s3  }
0xaf: {  	[dreg:$0x3] =	wrdreg s5  }
0xb0: {  	[dreg:$0x4] =	wrdreg $0xC0  }
0xb1: {  	_ =	task [dreg:s7], $0x5FFFF  }
0xb2: {  	[dreg:$0x1] =	wrdreg $0xFFFFFFFF  }
0xb3: {  	[dreg:$0x0] =	wrdreg $0x60  }
0xb4: {  	[dreg:$0x2] =	wrdreg s24  }
0xb5: {  	[dreg:$0x3] =	wrdreg s16  }
0xb6: {  	[dreg:$0x4] =	wrdreg $0x91000  }
0xb7: {  	[dreg:$0x5] =	wrdreg $0x1CD000  }
0xb8: {  	[dreg:$0x6] =	wrdreg $0x9  }
0xb9: {  	_ =	task.clear_ibuf [dreg:s7], $0x7FFFF;
	_ =	strace $0x90000049  }
0xba: {  	s29 =	simm.s32 $0x9;
	_ =	strace $0x8000004B  }
0xbb: {  	_ =	swait.ge [sflag:s29], $0x1  }
0xbc: {  	[sflag:s29] =	ssyncadd.s32 $0xFFFFFFFF  }
0xbd: {  	_ =	strace $0x9000004B  }
0xbe: {  	_ =	sfence  }
0xbf: {  	s30 =	sld [smem:$0x0];
	_ =	sdelay $0x2  }
0xc0: {  	s31 =	sshll.u32 s1, $0xD;
	s1 =	sshrl.u32 s1, $0x2  }
0xc1: {  	s3 =	sand.u32 $0x4000, s31;
	s1 =	sadd.s32 s1, s30  }
0xc2: {  	s0 =	sor.u32 s3, s0;
	s1 =	sshll.u32 s1, $0x11  }
0xc3: {  	s0 =	sor.u32 s1, s0  }
0xc4: {  	s0 =	sadd.s32 $0x8F2B, s0  }
0xc5: {  	[sflag:s0] =	ssyncadd.remote.s32 $0x1  }
0xc6: {  	_ =	sfence.sel $0xFFFF  }
0xc7: {  	[dreg:$0x0] =	wrdreg $0xFFFFFFFF;
	(pc) =	sbr.abs _section_cstart, $3  }
0xc8: {  	[dreg:$0x1] =	wrdreg $0xFFFFFFFF  }
0xc9: {  	_ =	task.clear_ibuf [dreg:s7], $0x2FFFF;
	_ =	strace $0x9FFFFFFF  }
0xca: {  	(tm) =	ssettm $0x7FFFFFFF  }
0xcb: {  	_ =	shalt  }
tec
execute0_lowered:
.L_overlay_start_1:
0x0: {  	(tag) =	ssettag $0x1  }
0x1: {  	s22 =	stileid.u32;
	s0 =	srdreg.scid  }
0x2: {  	s4 =	sand.u32 $0x1, s0;
	s0 =	smul.u32 $0x13C00, s22  }
0x3: {  	s16 =	smul.u32 $0x2800, s22  }
0x4: {  	s26 =	smul.u32 $0xC8, s22  }
0x5: {  	s1 =	sshll.u32 s22, $0x1;
	s19 =	smul.u32 $0x28, s4  }
0x6: {  	s3 =	sor.u32 s4, s1;
	s28 =	smul.u32 $0x64, s4  }
0x7: {  	s2 =	rddreg [dreg:$0x0];
	s5 =	smul.u32 $0x14000, s3  }
0x8: {  	s9 =	rddreg [dreg:$0x1];
	s11 =	smul.u32 $0x2800, s3  }
0x9: {  	s10 =	sadd.s32 $0x13B2800, s2;
	s12 =	ssub.s32 $0x2, s4;
	s14 =	smul.u32 $0x1400, s3  }
0xa: {  	s6 =	sadd.s32 $0x52800, s2;
	s7 =	sshrl.u32 s12, $0x1;
	s20 =	smul.u32 $0x6400, s3  }
0xb: {  	s8 =	sadd.s32 $0x23000, s2;
	s1 =	ssub.s32 s12, s7;
	s12 =	smul.u32 $0x1400, s4  }
0xc: {  	s5 =	sadd.s32 s10, s5;
	s15 =	sadd.s32 s9, s11;
	s17 =	sshrl.u32 s14, $0x3  }
0xd: {  	s7 =	sor.u32 $0x80, s14;
	s14 =	smul.u32 $0x50, s22;
	[dreg:$0x5] =	wrdreg s5  }
0xe: {  	s13 =	sadd.s32 $0x46000, s2;
	[dreg:$0x6] =	wrdreg s15;
	s15 =	smul.u32 $0x3200, s3  }
0xf: {  	s23 =	sadd.s32 s8, s17;
	s18 =	sshll.u32 s7, $0x4;
	s17 =	smul.u32 $0x6400, s22  }
0x10: {  	s7 =	sshll.u32 s7, $0x1;
	s12 =	sadd.s32 s12, s16;
	s3 =	smul.u32 $0x32000, s3  }
0x11: {  	s11 =	sadd.s32 s10, s18;
	s7 =	sadd.s32 s9, s7;
	s5 =	sor.u32 $0x180, s12  }
0x12: {  	s12 =	sor.u32 $0x100, s12;
	s18 =	smul.u32 $0x3200, s4;
	[dreg:$0x7] =	wrdreg s11  }
0x13: {  	[dreg:$0x8] =	wrdreg s7;
	s11 =	sadd.s32 s19, s14;
	s7 =	sadd.s32 s6, s20  }
0x14: {  	s5 =	sshrl.u32 s5, $0x3;
	s16 =	sshrl.u32 s15, $0x3;
	s12 =	sshrl.u32 s12, $0x3  }
0x15: {  	s29 =	sor.u32 $0x80, s15;
	[dreg:$0x9] =	wrdreg s7;
	s14 =	sshll.u32 s11, $0x8  }
0x16: {  	s7 =	sadd.s32 s5, s8;
	s21 =	sshll.u32 s11, $0xB;
	s11 =	sor.u32 $0x2, s11  }
0x17: {  	s8 =	sadd.s32 s12, s8;
	s30 =	sadd.s32 s18, s17;
	s17 =	sshll.u32 s29, $0x1  }
0x18: {  	s5 =	sadd.s32 s14, s9;
	s11 =	sshrl.u32 s11, $0x1;
	s14 =	sadd.s32 s21, s10  }
0x19: {  	s31 =	sor.u32 $0x180, s30;
	s20 =	sadd.s32 s6, s17;
	s17 =	smul.u32 $0x2780, s22  }
0x1a: {  	s24 =	sshll.u32 s11, $0x9;
	s25 =	sshll.u32 s11, $0xC;
	[dreg:$0xc] =	wrdreg s20  }
0x1b: {  	s18 =	sshrl.u32 s31, $0x3;
	s20 =	rddreg [dreg:$0x2];
	s9 =	sadd.s32 s24, s9  }
0x1c: {  	s24 =	sadd.s32 s13, s16;
	s16 =	sor.u32 $0x100, s30;
	s12 =	sadd.s32 s18, s13  }
0x1d: {  	[dreg:$0xa] =	wrdreg s9;
	s9 =	sadd.s32 s25, s10;
	s11 =	sshrl.u32 s16, $0x3  }
0x1e: {  	s16 =	simm.s32 $0x0;
	s10 =	sshll.u32 s29, $0x4;
	[dreg:$0xb] =	wrdreg s9  }
0x1f: {  	s9 =	sadd.s32 s28, s26;
	s13 =	sadd.s32 s11, s13;
	s26 =	smul.u32 $0x13C000, s4  }
0x20: {  	[smem:$0x7FF] =	sst s16;
	s4 =	smul.u32 $0x27800, s4;
	s19 =	sor.u32 $0x2, s9  }
0x21: {  	s28 =	sshrl.u32 s0, $0x3;
	s21 =	sshll.u32 s9, $0x8;
	s11 =	sshrl.u32 s19, $0x1  }
0x22: {  	s18 =	sadd.s32 s28, s2;
	s30 =	sshll.u32 s9, $0xB;
	s25 =	sshll.u32 s11, $0x9  }
0x23: {  	s15 =	sadd.s32 s21, s6;
	s19 =	sshrl.u32 s17, $0x3;
	s6 =	sadd.s32 s25, s6  }
0x24: {  	s4 =	sadd.s32 s17, s4;
	[dreg:$0xd] =	wrdreg s6;
	s6 =	sadd.s32 s0, s26  }
0x25: {  	s19 =	sadd.s32 s19, s2;
	s4 =	sshrl.u32 s4, $0x3;
	s6 =	sshrl.u32 s6, $0x3  }
0x26: {  	s4 =	sadd.s32 s4, s2;
	s6 =	sadd.s32 s6, s2;
	s2 =	sadd.s32 $0x1632800, s2  }
0x27: {  	s9 =	sshll.u32 s22, $0x6;
	s21 =	rddreg [dreg:$0x3];
	s3 =	sadd.s32 s2, s3  }
0x28: {  	s31 =	sshll.u32 s11, $0xC;
	s29 =	sadd.s32 s2, s10;
	[dreg:$0xe] =	wrdreg s3  }
0x29: {  	[dreg:$0xf] =	wrdreg s29;
	s3 =	sadd.s32 s30, s2;
	s2 =	sadd.s32 s31, s2  }
0x2a: {  	s22 =	smax.u32 s1, $0x1;
	s0 =	sadd.s32 s0, s20;
	[dreg:$0x10] =	wrdreg s2  }
0x2b: {  	s10 =	sadd.s32 $0x11A800, s18;
	_ =	strace $0x8000004A;
	[dreg:$0x11] =	wrdreg s0  }
0x2c: {  	s28 =	sadd.s32 $0x1800, s14;
	s11 =	sadd.s32 s17, s21;
	[dreg:$0x12] =	wrdreg s10  }
0x2d: {  	s14 =	simm.s32 $0x80;
	s17 =	sadd.s32 $0x5600, s19;
	[dreg:$0x13] =	wrdreg s11  }
0x2e: {  	s25 =	sor.u32 $0x1C05, s9;
	s18 =	sadd.s32 $0x142000, s6;
	[dreg:$0x14] =	wrdreg s17  }
0x2f: {  	s9 =	simm.s32 $0x8100;
	s19 =	sadd.s32 $0xA600, s4;
	[dreg:$0x15] =	wrdreg s18  }
0x30: {  	s26 =	sadd.s32 $0x300, s5;
	s4 =	smov.u32 s23;
	[dreg:$0x16] =	wrdreg s19  }
0x31: {  	s5 =	sadd.s32 $0x10, s24;
	s6 =	simm.s32 $0x100;
	[dreg:$0x17] =	wrdreg s22  }
0x32: {  	s29 =	sadd.s32 $0x300, s15;
	s31 =	sadd.s32 $0x10, s23;
	[dreg:$0x18] =	wrdreg s26  }
.Ltmp0:
0x33: {  	s15 =	simm.s32 $0x1;
	[dreg:$0x19] =	wrdreg s28;
	(pc) =	sbr.rel .LBB2_1-.Ltmp0, $4  }
0x34: {  	s23 =	simm.s32 $0x0;
	s30 =	sadd.s32 $0x1800, s3;
	[dreg:$0x1a] =	wrdreg s29  }
0x35: {  	s2 =	smov.u32 s24;
	s3 =	simm.s32 $0x5;
	[dreg:$0x1b] =	wrdreg s30  }
0x36: {  	[dreg:$0x1c] =	wrdreg s31;
	s10 =	simm.s32 $0x4100;
	s11 =	simm.s32 $0x8900  }
0x37: {  	s17 =	simm.s32 $0x3;
	s18 =	simm.s32 $0x2;
	s22 =	simm.s32 $0x4  }
.LBB2_7:
0x38: {  	[bflag:$0x0] =	sbarrier.arrive $0xFFFF  }
0x39: {  	s0 =	rddreg [dreg:$0x15]  }
0x3a: {  	[hbm:s0], [sflag:s25] =	dma.local [spmem:s24], $0x2780  }
0x3b: {  	_ =	swait.ge [sflag:s3], $0x2780  }
0x3c: {  	[sflag:s3] =	ssyncset.done $0x0  }
0x3d: {  	s30 =	rddreg [dreg:$0x16];
	[sflag:s3] =	ssyncadd.s32 $0xFFFFD880  }
0x3e: {  	[hbm:s30], [sflag:s25] =	dma.local [spmem:s26], $0x4F0  }
0x3f: {  	_ =	swait.ge [sflag:s3], $0x4F0  }
0x40: {  	s23 =	sadd.s32 $0x1, s23;
	s31 =	rddreg [dreg:$0x17]  }
0x41: {  	p0 =	sne.s32 s23, s31  }
.Ltmp1:
0x42: {  	_ = 	snop;
	(pc) =	sbr.rel @!p0 .LBB2_8-.Ltmp1, $3  }
0x43: {  	_ =	sdelay $0x1  }
0x44: {  	[sflag:s3] =	ssyncset.done $0x0  }
0x45: {  	[sflag:s3] =	ssyncadd.s32 $0xFFFFFB10  }
.LBB2_1:
0x46: {  	s0 =	rddreg [dreg:$0x11]  }
0x47: {  	s26 =	rddreg [dreg:$0x12];
	s24 =	sshrl.u32 s0, $0x3  }
0x48: {  	[spmem:s24], [sflag:s25] =	dma.local [hbm:s26], $0x2780  }
0x49: {  	_ =	swait.ge [sflag:s3], $0x2780  }
0x4a: {  	[sflag:s3] =	ssyncset.done $0x0;
	s30 =	rddreg [dreg:$0x13]  }
0x4b: {  	s1 =	rddreg [dreg:$0x14];
	[sflag:s3] =	ssyncadd.s32 $0xFFFFD880;
	s26 =	sshrl.u32 s30, $0x3  }
0x4c: {  	[spmem:s26], [sflag:s25] =	dma.local [hbm:s1], $0x4F0  }
0x4d: {  	_ =	swait.ge [sflag:s3], $0x4F0  }
0x4e: {  	[sflag:s3] =	ssyncset.done $0x0  }
0x4f: {  	[sflag:s3] =	ssyncadd.s32 $0xFFFFFB10  }
0x50: {  	[bflag:$0x0] =	sbarrier.arrive $0xFFFF  }
0x51: {  	s19 =	rddreg [dreg:$0x5]  }
0x52: {  	s30 =	rddreg [dreg:$0x6]  }
0x53: {  	s1 =	rddreg [dreg:$0x7]  }
0x54: {  	s28 =	rddreg [dreg:$0xb]  }
0x55: {  	[tilespmem:s6], [sflag:$0x1] =	stream.linear.gather [hbm4b:s19+s16], $0x4000, $0x38;
	[tilespmem:$0x1F480] =	vst v63  }
0x56: {  	s29 =	rddreg [dreg:$0xa]  }
0x57: {  	[tilespmem:s9], [sflag:$0x1] =	stream.linear.gather [hbm4b:s30+s16], $0x800, $0x38;
	[tilespmem:$0x1F480] =	vst v63  }
0x58: {  	s0 =	rddreg [dreg:$0x19]  }
0x59: {  	[tilespmem:s16], [sflag:$0x1] =	stream.linear.gather [hbm4b:s4+s16], $0x80, $0x38;
	[tilespmem:$0x1F480] =	vst v63  }
0x5a: {  	s19 =	rddreg [dreg:$0x8]  }
0x5b: {  	[tilespmem:s10], [sflag:$0x2] =	stream.linear.gather [hbm4b:s1+s16], $0x4000, $0x38;
	[tilespmem:$0x1F480] =	vst v63  }
0x5c: {  	s30 =	rddreg [dreg:$0x1c]  }
0x5d: {  	[tilespmem:s11], [sflag:$0x2] =	stream.linear.gather [hbm4b:s19+s16], $0x800, $0x38;
	[tilespmem:$0x1F480] =	vst v63  }
0x5e: {  	s31 =	simm.s32 $0x0;
	s19 =	rddreg [dreg:$0x18]  }
0x5f: {  	[tilespmem:s14], [sflag:$0x2] =	stream.linear.gather [hbm4b:s30+s16], $0x80, $0x38;
	[tilespmem:$0x1F480] =	vst v63  }
.LBB2_2:
0x60: {  	_ =	swait.ge [sflag:s15], $0x4000  }
0x61: {  	[sflag:s15] =	ssyncset.done $0x0  }
0x62: {  	[sflag:s15] =	ssyncadd.s32 $0xFFFFC000  }
0x63: {  	_ =	swait.ge [sflag:s15], $0x800  }
0x64: {  	[sflag:s15] =	ssyncset.done $0x0  }
0x65: {  	[sflag:s15] =	ssyncadd.s32 $0xFFFFF800  }
0x66: {  	_ =	swait.ge [sflag:s15], $0x80  }
0x67: {  	[sflag:s15] =	ssyncset.done $0x0  }
0x68: {  	[sflag:s15] =	ssyncadd.s32 $0xFFFFFF80  }
0x69: {  	[spmem:s20] =	stream.indirect.scatter.add.f32 [tilespmem:s6], [sflag:$0x3], $0x80, s16, s14, $0xb8;
	[tilespmem:$0x1F480] =	vst v63  }
0x6a: {  	_ = 	snop  }
0x6b: {  	[spmem:s21] =	stream.indirect.scatter.add.f32 [tilespmem:s9], [sflag:$0x3], $0x10, s16, s14, $0xb8;
	[tilespmem:$0x1F480] =	vst v63  }
0x6c: {  	_ =	swait.ge [sflag:s17], $0x4000  }
0x6d: {  	[sflag:s17] =	ssyncset.done $0x0  }
0x6e: {  	[sflag:s17] =	ssyncadd.s32 $0xFFFFC000  }
0x6f: {  	_ =	swait.ge [sflag:s17], $0x800  }
0x70: {  	p0 =	seq.s32 s31, $0x260;
	[sflag:s17] =	ssyncset.done $0x0  }
0x71: {  	s30 =	simm.s32 @!p0 $0x0;
	s1 =	simm.s32 @!p0 $0x100;
	[sflag:s17] =	ssyncadd.s32 $0xFFFFF800  }
0x72: {  	[tilespmem:s1], [sflag:$0x1] =	stream.linear.gather @!p0 [hbm4b:s28+s30], $0x4000, $0x38;
	[tilespmem:$0x1F480] =	vst v63  }
0x73: {  	s1 =	simm.s32 @!p0 $0x8100  }
0x74: {  	[tilespmem:s1], [sflag:$0x1] =	stream.linear.gather @!p0 [hbm4b:s29+s30], $0x800, $0x38;
	[tilespmem:$0x1F480] =	vst v63  }
0x75: {  	s1 =	sadd.s32 @!p0 s31, s8  }
0x76: {  	[tilespmem:s30], [sflag:$0x1] =	stream.linear.gather @!p0 [hbm4b:s1+s30], $0x80, $0x38;
	[tilespmem:$0x1F480] =	vst v63  }
0x77: {  	_ =	swait.ge [sflag:s18], $0x4000  }
0x78: {  	[sflag:s18] =	ssyncset.done $0x0  }
0x79: {  	[sflag:s18] =	ssyncadd.s32 $0xFFFFC000  }
0x7a: {  	_ =	swait.ge [sflag:s18], $0x800  }
0x7b: {  	[sflag:s18] =	ssyncset.done $0x0  }
0x7c: {  	[sflag:s18] =	ssyncadd.s32 $0xFFFFF800  }
0x7d: {  	_ =	swait.ge [sflag:s18], $0x80  }
0x7e: {  	[sflag:s18] =	ssyncset.done $0x0  }
0x7f: {  	[sflag:s18] =	ssyncadd.s32 $0xFFFFFF80  }
0x80: {  	[spmem:s20] =	stream.indirect.scatter.add.f32 [tilespmem:s10], [sflag:$0x4], $0x80, s14, s14, $0xb8;
	[tilespmem:$0x1F480] =	vst v63  }
0x81: {  	_ = 	snop  }
0x82: {  	[spmem:s21] =	stream.indirect.scatter.add.f32 [tilespmem:s11], [sflag:$0x4], $0x10, s14, s14, $0xb8;
	[tilespmem:$0x1F480] =	vst v63  }
0x83: {  	_ =	swait.ge [sflag:s22], $0x4000  }
.Ltmp2:
0x84: {  	[sflag:s22] =	ssyncset.done $0x0;
	(pc) =	sbr.rel @p0 .LBB2_4-.Ltmp2, $4  }
0x85: {  	[sflag:s22] =	ssyncadd.s32 $0xFFFFC000  }
0x86: {  	_ =	swait.ge [sflag:s22], $0x800  }
0x87: {  	[sflag:s22] =	ssyncset.done $0x0  }
0x88: {  	[sflag:s22] =	ssyncadd.s32 $0xFFFFF800  }
0x89: {  	[tilespmem:s10], [sflag:$0x2] =	stream.linear.gather [hbm4b:s0+s16], $0x4000, $0x38;
	[tilespmem:$0x1F480] =	vst v63  }
.Ltmp3:
0x8a: {  	_ = 	snop;
	(pc) =	sbr.rel .LBB2_2-.Ltmp3, $4  }
0x8b: {  	s1 =	sadd.s32 s31, s7;
	s31 =	sadd.s32 $0x20, s31;
	s0 =	sadd.s32 $0x1000, s0  }
0x8c: {  	[tilespmem:s11], [sflag:$0x2] =	stream.linear.gather [hbm4b:s19+s16], $0x800, $0x38;
	[tilespmem:$0x1F480] =	vst v63  }
0x8d: {  	s29 =	sadd.s32 $0x200, s29;
	s28 =	sadd.s32 $0x1000, s28;
	s19 =	sadd.s32 $0x200, s19  }
0x8e: {  	[tilespmem:s14], [sflag:$0x2] =	stream.linear.gather [hbm4b:s1+s16], $0x80, $0x38;
	[tilespmem:$0x1F480] =	vst v63  }
.LBB2_4:
0x8f: {  	s0 =	rddreg [dreg:$0xe]  }
0x90: {  	s1 =	rddreg [dreg:$0x9]  }
0x91: {  	s28 =	simm.s32 $0x0;
	s19 =	rddreg [dreg:$0xf]  }
0x92: {  	[tilespmem:s6], [sflag:$0x1] =	stream.linear.gather [hbm4b:s0+s28], $0x4000, $0x38;
	[tilespmem:$0x1F480] =	vst v63  }
0x93: {  	s30 =	rddreg [dreg:$0xc]  }
0x94: {  	[tilespmem:s9], [sflag:$0x1] =	stream.linear.gather [hbm4b:s1+s28], $0x800, $0x38;
	[tilespmem:$0x1F480] =	vst v63  }
0x95: {  	s29 =	rddreg [dreg:$0x10]  }
0x96: {  	[tilespmem:s28], [sflag:$0x1] =	stream.linear.gather [hbm4b:s2+s28], $0x80, $0x38;
	[tilespmem:$0x1F480] =	vst v63  }
0x97: {  	s31 =	rddreg [dreg:$0x1a]  }
0x98: {  	[tilespmem:s10], [sflag:$0x2] =	stream.linear.gather [hbm4b:s19+s28], $0x4000, $0x38;
	[tilespmem:$0x1F480] =	vst v63  }
0x99: {  	s0 =	rddreg [dreg:$0xd]  }
0x9a: {  	[tilespmem:s11], [sflag:$0x2] =	stream.linear.gather [hbm4b:s30+s28], $0x800, $0x38;
	[tilespmem:$0x1F480] =	vst v63  }
0x9b: {  	s19 =	rddreg [dreg:$0x1b]  }
0x9c: {  	[tilespmem:s14], [sflag:$0x2] =	stream.linear.gather [hbm4b:s5+s28], $0x80, $0x38;
	[tilespmem:$0x1F480] =	vst v63  }
.LBB2_5:
0x9d: {  	_ =	swait.ge [sflag:s15], $0x4000  }
0x9e: {  	[sflag:s15] =	ssyncset.done $0x0  }
0x9f: {  	[sflag:s15] =	ssyncadd.s32 $0xFFFFC000  }
0xa0: {  	_ =	swait.ge [sflag:s15], $0x800  }
0xa1: {  	[sflag:s15] =	ssyncset.done $0x0  }
0xa2: {  	[sflag:s15] =	ssyncadd.s32 $0xFFFFF800  }
0xa3: {  	_ =	swait.ge [sflag:s15], $0x80  }
0xa4: {  	[sflag:s15] =	ssyncset.done $0x0  }
0xa5: {  	[sflag:s15] =	ssyncadd.s32 $0xFFFFFF80  }
0xa6: {  	[spmem:s20] =	stream.indirect.scatter.add.f32 [tilespmem:s6], [sflag:$0x3], $0x80, s16, s14, $0xb8;
	[tilespmem:$0x1F480] =	vst v63  }
0xa7: {  	_ = 	snop  }
0xa8: {  	[spmem:s21] =	stream.indirect.scatter.add.f32 [tilespmem:s9], [sflag:$0x3], $0x10, s16, s14, $0xb8;
	[tilespmem:$0x1F480] =	vst v63  }
0xa9: {  	_ =	swait.ge [sflag:s17], $0x4000  }
0xaa: {  	[sflag:s17] =	ssyncset.done $0x0  }
0xab: {  	[sflag:s17] =	ssyncadd.s32 $0xFFFFC000  }
0xac: {  	_ =	swait.ge [sflag:s17], $0x800  }
0xad: {  	p0 =	seq.s32 s28, $0x620;
	[sflag:s17] =	ssyncset.done $0x0  }
0xae: {  	s1 =	simm.s32 @!p0 $0x0;
	s30 =	simm.s32 @!p0 $0x100;
	[sflag:s17] =	ssyncadd.s32 $0xFFFFF800  }
0xaf: {  	[tilespmem:s30], [sflag:$0x1] =	stream.linear.gather @!p0 [hbm4b:s29+s1], $0x4000, $0x38;
	[tilespmem:$0x1F480] =	vst v63  }
0xb0: {  	s30 =	simm.s32 @!p0 $0x8100  }
0xb1: {  	[tilespmem:s30], [sflag:$0x1] =	stream.linear.gather @!p0 [hbm4b:s0+s1], $0x800, $0x38;
	[tilespmem:$0x1F480] =	vst v63  }
0xb2: {  	s30 =	sadd.s32 @!p0 s28, s13  }
0xb3: {  	[tilespmem:s1], [sflag:$0x1] =	stream.linear.gather @!p0 [hbm4b:s30+s1], $0x80, $0x38;
	[tilespmem:$0x1F480] =	vst v63  }
0xb4: {  	_ =	swait.ge [sflag:s18], $0x4000  }
0xb5: {  	[sflag:s18] =	ssyncset.done $0x0  }
0xb6: {  	[sflag:s18] =	ssyncadd.s32 $0xFFFFC000  }
0xb7: {  	_ =	swait.ge [sflag:s18], $0x800  }
0xb8: {  	[sflag:s18] =	ssyncset.done $0x0  }
0xb9: {  	[sflag:s18] =	ssyncadd.s32 $0xFFFFF800  }
0xba: {  	_ =	swait.ge [sflag:s18], $0x80  }
0xbb: {  	[sflag:s18] =	ssyncset.done $0x0  }
0xbc: {  	[sflag:s18] =	ssyncadd.s32 $0xFFFFFF80  }
0xbd: {  	[spmem:s20] =	stream.indirect.scatter.add.f32 [tilespmem:s10], [sflag:$0x4], $0x80, s14, s14, $0xb8;
	[tilespmem:$0x1F480] =	vst v63  }
0xbe: {  	_ = 	snop  }
0xbf: {  	[spmem:s21] =	stream.indirect.scatter.add.f32 [tilespmem:s11], [sflag:$0x4], $0x10, s14, s14, $0xb8;
	[tilespmem:$0x1F480] =	vst v63  }
0xc0: {  	_ =	swait.ge [sflag:s22], $0x4000  }
.Ltmp4:
0xc1: {  	[sflag:s22] =	ssyncset.done $0x0;
	(pc) =	sbr.rel @p0 .LBB2_7-.Ltmp4, $4  }
0xc2: {  	[sflag:s22] =	ssyncadd.s32 $0xFFFFC000  }
0xc3: {  	_ =	swait.ge [sflag:s22], $0x800  }
0xc4: {  	[sflag:s22] =	ssyncset.done $0x0  }
0xc5: {  	[sflag:s22] =	ssyncadd.s32 $0xFFFFF800  }
0xc6: {  	[tilespmem:s10], [sflag:$0x2] =	stream.linear.gather [hbm4b:s19+s16], $0x4000, $0x38;
	[tilespmem:$0x1F480] =	vst v63  }
.Ltmp5:
0xc7: {  	_ = 	snop;
	(pc) =	sbr.rel .LBB2_5-.Ltmp5, $4  }
0xc8: {  	s1 =	sadd.s32 s28, s12;
	s28 =	sadd.s32 $0x20, s28;
	s19 =	sadd.s32 $0x1000, s19  }
0xc9: {  	[tilespmem:s11], [sflag:$0x2] =	stream.linear.gather [hbm4b:s31+s16], $0x800, $0x38;
	[tilespmem:$0x1F480] =	vst v63  }
0xca: {  	s0 =	sadd.s32 $0x200, s0;
	s29 =	sadd.s32 $0x1000, s29;
	s31 =	sadd.s32 $0x200, s31  }
0xcb: {  	[tilespmem:s14], [sflag:$0x2] =	stream.linear.gather [hbm4b:s1+s16], $0x80, $0x38;
	[tilespmem:$0x1F480] =	vst v63  }
.LBB2_8:
0xcc: {  	_ =	sfence.sel $0x180000  }
0xcd: {  	[bflag:$0x0] =	sbarrier.arrive $0xFFFF  }
0xce: {  	_ =	strace $0x9000004A  }
0xcf: {  	s0 =	stileid.u32;
	[bflag:$0x2] =	sbarrier.arrive $0xFFFF  }
0xd0: {  	p0 =	sne.s32 s0, $0x0;
	s0 =	rddreg [dreg:$0x4]  }
0xd1: {  	s0 =	sadd.s32 @!p0 $0x100000, s0  }
0xd2: {  	[sflag:s0] =	ssyncadd.tile.s32 @!p0 $0x1;
	_ =	shalt  }
.Lfunc_end2:
_tile_overlayer_lowered:
.L_overlay_start_2:
0xd3: {  	(tag) =	ssettag $0x2  }
0xd4: {  	s0 =	rddreg [dreg:$0x0];
	s2 =	stileid.u32  }
0xd5: {  	s1 =	rddreg [dreg:$0x1];
	p0 =	sne.s32 s2, $0x0  }
0xd6: {  	s3 =	rddreg [dreg:$0x2];
	[bflag:$0x3] =	sbarrier.arrive $0xFFFF;
	s2 =	simm.s32 @!p0 $0x1C05  }
0xd7: {  	[timem:s3], [sflag:s2] =	dma.local @!p0 [hbm:s0], s1  }
0xd8: {  	s0 =	simm.s32 @!p0 $0x5  }
0xd9: {  	_ =	swait.ge @!p0 [sflag:s0], s1  }
0xda: {  	s1 =	ssub.s32 @!p0 $0x0, s1;
	[sflag:s0] =	ssyncset.done @!p0 $0x0  }
0xdb: {  	[sflag:s0] =	ssyncadd.s32 @!p0 s1  }
0xdc: {  	[bflag:$0x3] =	sbarrier.arrive $0xFFFF  }
0xdd: {  	_ =	shalt  }

// kernel: kernel.7.cloned.1.call-start
scs
__scs_entry_jumppad:
0x0: {  	(pc) =	sbr.rel $0x88, $3  }
0x1: {  	(tag) =	ssettag $0x0;
	lr =	simm.s32 $0x1  }
0x2: {  	[smem:$0x3F87] =	sst lr;
	_ =	strace $0xD0000000  }
0x3: {  	_ = 	snop  }
0x4: {  	_ = 	snop  }
0x5: {  	_ = 	snop  }
0x6: {  	_ = 	snop  }
0x7: {  	_ = 	snop  }
__scs_overlays_trampoline_lowered:
0x8: {  	[smem:$0x3F96] =	sst s0  }
0x9: {  	[smem:$0x3F97] =	sst s1  }
0xa: {  	[smem:$0x3F98] =	sst s2  }
0xb: {  	[smem:$0x3F99] =	sst s3  }
0xc: {  	[smem:$0x3F9A] =	sst s4  }
0xd: {  	[smem:$0x3F9B] =	sst s5  }
0xe: {  	[smem:$0x3F9C] =	sst s6  }
0xf: {  	[smem:$0x3F9D] =	sst s7  }
0x10: {  	[smem:$0x3F9E] =	sst s8  }
0x11: {  	[smem:$0x3F9F] =	sst s9;
	s0 =	simm.s32 @!p0 $0x0  }
0x12: {  	s1 =	sld [smem:$0x3F85];
	s0 =	simm.s32 @p0 $0x1  }
0x13: {  	[smem:$0x3FA0] =	sst s0;
	s0 =	simm.s32 @!p1 $0x0  }
0x14: {  	s2 =	sld [smem:$0x3F84];
	s0 =	simm.s32 @p1 $0x1  }
0x15: {  	[smem:$0x3FA1] =	sst s0;
	s0 =	simm.s32 @!p2 $0x0  }
0x16: {  	s3 =	sld [smem:$0x3FDB];
	s0 =	simm.s32 @p2 $0x1  }
0x17: {  	s4 =	simm.s32 $0x1BF5;
	[smem:$0x3FA3] =	sst s0  }
0x18: {  	s0 =	sld [smem:$0x3F86];
	_ =	swait.ge [sflag:s4], $0x0  }
0x19: {  	s7 =	sld [smem:$0x3F87]  }
0x1a: {  	s8 =	sadd.s32 $0xFFFFE003, lr  }
0x1b: {  	s9 =	sadd.s32 $0xFFFFFEF7, lr;
	s5 =	simm.s32 $0xFFFFFFFF;
	p2 =	slt.u32 s8, $0xFFFFF086  }
0x1c: {  	p1 =	slt.u32 s9, $0xF7A;
	s5 =	simm.s32 @!p2 $0x0  }
0x1d: {  	s5 =	simm.s32 @p1 $0x1;
	p0 =	seq.s32 s7, s2  }
0x1e: {  	s7 =	smul.u32 @!p0 $0xF7A, s2;
	p2 =	seq.s32 @!p0 s5, $0x0  }
0x1f: {  	s9 =	smul.u32 $0xF7A, s1;
	s8 =	simm.s32 @!p0 $0x1BF5;
	p2 =	por !p2, p0  }
0x20: {  	[sflag:s8] =	ssyncset.s32 @!p0 $0xFFFFF086;
	s6 =	sadd.s32 @!p0 s3, s7;
	s7 =	simm.s32 @!p0 $0x108  }
0x21: {  	s3 =	sadd.s32 s3, s9;
	s6 =	sadd.s32 @!p0 $0x88, s6;
	s7 =	simm.s32 @p2 $0x1082  }
0x22: {  	[simem:s7], [sflag:s8] =	dma.local @!p0 [hbm:s6], $0xF7A  }
0x23: {  	s9 =	sor.u32 $0xD0000000, s2;
	s6 =	simm.s32 $0x108;
	_ =	swait.ge @!p0 [sflag:s8], $0x0  }
0x24: {  	s3 =	sadd.s32 $0x88, s3;
	s6 =	simm.s32 @!p1 $0x1082;
	[sflag:s4] =	ssyncset.s32 $0xFFFFF086  }
0x25: {  	[simem:s6], [sflag:s4] =	dma.local [hbm:s3], $0xF7A  }
0x26: {  	[smem:$0x3F87] =	sst s1;
	(tag) =	ssettag s2;
	_ =	strace s9  }
0x27: {  	s1 =	sld [smem:$0x3F97]  }
0x28: {  	s2 =	sld [smem:$0x3F98]  }
0x29: {  	s4 =	sld [smem:$0x3F9A]  }
0x2a: {  	p0 =	seq.s32 s5, $0x0;
	s5 =	sld [smem:$0x3F9B]  }
0x2b: {  	s6 =	sld [smem:$0x3F9C]  }
0x2c: {  	s7 =	sld [smem:$0x3F9D]  }
0x2d: {  	s3 =	simm.s32 $0x108;
	s8 =	sld [smem:$0x3F9E]  }
0x2e: {  	s3 =	simm.s32 @!p0 $0x1082;
	s9 =	sld [smem:$0x3F9F]  }
0x2f: {  	lr =	sadd.s32 s0, s3;
	s0 =	sld [smem:$0x3F96]  }
0x30: {  	s3 =	sld [smem:$0x3F99]  }
0x31: {  	[smem:$0x3FA2] =	sst s10  }
0x32: {  	s10 =	sld [smem:$0x3FA0];
	_ =	sdelay $0x3  }
0x33: {  	p0 =	seq.s32 s10, $0x1;
	s10 =	sld [smem:$0x3FA2];
	_ =	sdelay $0x3  }
0x34: {  	[smem:$0x3FA2] =	sst s10  }
0x35: {  	s10 =	sld [smem:$0x3FA1];
	_ =	sdelay $0x3  }
0x36: {  	p1 =	seq.s32 s10, $0x1;
	s10 =	sld [smem:$0x3FA2];
	_ =	sdelay $0x3  }
0x37: {  	[smem:$0x3FA2] =	sst s10  }
0x38: {  	s10 =	sld [smem:$0x3FA3]  }
0x39: {  	_ = 	snop;
	(pc) =	sbr.ind lr, $3  }
0x3a: {  	_ = 	snop  }
0x3b: {  	_ = 	snop  }
0x3c: {  	p2 =	seq.s32 s10, $0x1;
	s10 =	sld [smem:$0x3FA2]  }
0x3d: {  	_ =	shalt  }
0x3e: {  	_ =	shalt  }
0x3f: {  	_ =	shalt  }
0x40: {  	_ =	shalt  }
0x41: {  	_ =	shalt  }
0x42: {  	_ =	shalt  }
0x43: {  	_ =	shalt  }
0x44: {  	_ =	shalt  }
0x45: {  	_ =	shalt  }
0x46: {  	_ =	shalt  }
0x47: {  	_ =	shalt  }
0x48: {  	_ =	shalt  }
0x49: {  	_ =	shalt  }
0x4a: {  	_ =	shalt  }
0x4b: {  	_ =	shalt  }
0x4c: {  	_ =	shalt  }
0x4d: {  	_ =	shalt  }
0x4e: {  	_ =	shalt  }
0x4f: {  	_ =	shalt  }
0x50: {  	_ =	shalt  }
0x51: {  	_ =	shalt  }
0x52: {  	_ =	shalt  }
0x53: {  	_ =	shalt  }
0x54: {  	_ =	shalt  }
0x55: {  	_ =	shalt  }
0x56: {  	_ =	shalt  }
0x57: {  	_ =	shalt  }
0x58: {  	_ =	shalt  }
0x59: {  	_ =	shalt  }
0x5a: {  	_ =	shalt  }
0x5b: {  	_ =	shalt  }
0x5c: {  	_ =	shalt  }
0x5d: {  	_ =	shalt  }
0x5e: {  	_ =	shalt  }
0x5f: {  	_ =	shalt  }
0x60: {  	_ =	shalt  }
0x61: {  	_ =	shalt  }
0x62: {  	_ =	shalt  }
0x63: {  	_ =	shalt  }
0x64: {  	_ =	shalt  }
0x65: {  	_ =	shalt  }
0x66: {  	_ =	shalt  }
0x67: {  	_ =	shalt  }
0x68: {  	_ =	shalt  }
0x69: {  	_ =	shalt  }
0x6a: {  	_ =	shalt  }
0x6b: {  	_ =	shalt  }
0x6c: {  	_ =	shalt  }
0x6d: {  	_ =	shalt  }
0x6e: {  	_ =	shalt  }
0x6f: {  	_ =	shalt  }
0x70: {  	_ =	shalt  }
0x71: {  	_ =	shalt  }
0x72: {  	_ =	shalt  }
0x73: {  	_ =	shalt  }
0x74: {  	_ =	shalt  }
0x75: {  	_ =	shalt  }
0x76: {  	_ =	shalt  }
0x77: {  	_ =	shalt  }
0x78: {  	_ =	shalt  }
0x79: {  	_ =	shalt  }
0x7a: {  	_ =	shalt  }
0x7b: {  	_ =	shalt  }
0x7c: {  	_ =	shalt  }
0x7d: {  	_ =	shalt  }
0x7e: {  	_ =	shalt  }
0x7f: {  	_ =	shalt  }
0x80: {  	_ =	shalt  }
0x81: {  	_ =	shalt  }
0x82: {  	_ =	shalt  }
0x83: {  	_ =	shalt  }
0x84: {  	_ =	shalt  }
0x85: {  	_ =	shalt  }
0x86: {  	_ =	shalt  }
0x87: {  	_ =	shalt  }
.Lfunc_end0:
.L_simem_size_0:
called_computation_lowered:
.L_overlay_start_0:
0x88: {  	s2 =	sld [smem:$0x3FD9]  }
0x89: {  	s3 =	sld [smem:$0x3FFE];
	_ =	sdelay $0x1  }
0x8a: {  	s1 =	srdreg.scid  }
0x8b: {  	s0 =	sand.u32 $0x1, s1  }
0x8c: {  	s14 =	sshll.u32 s0, $0xA;
	s2 =	sadd.s32 s3, s2  }
0x8d: {  	s2 =	sadd.s32 s2, s14  }
0x8e: {  	[smem:$0x3FAE] =	sst s2  }
0x8f: {  	_ = 	snop  }
0x90: {  	s2 =	sld [smem:$0x3FD0];
	_ =	sdelay $0x1  }
0x91: {  	s15 =	sld [smem:$0x3FC9]  }
0x92: {  	s5 =	simm.s32 $0xA;
	s6 =	simm.s32 $0x10;
	s4 =	sld [smem:$0x3FC8]  }
0x93: {  	[smem:s6], [sflag:s5] =	dma.local [hbm:s2], $0x1  }
0x94: {  	_ =	swait.eq [sflag:s5], $0x1  }
0x95: {  	[sflag:s5] =	ssyncset.done $0x0  }
0x96: {  	[sflag:s5] =	ssyncadd.s32 $0xFFFFFFFF  }
0x97: {  	s16 =	sld [smem:$0x11];
	(tm) =	ssettm $0x1  }
0x98: {  	s17 =	sld [smem:$0x3FFB];
	_ =	sdelay $0x3  }
0x99: {  	_ =	strace s17  }
0x9a: {  	s5 =	sld [smem:$0x3FFC];
	_ =	sdelay $0x3  }
0x9b: {  	_ =	strace s5  }
0x9c: {  	s5 =	sld [smem:$0x3FFD];
	_ =	sdelay $0x3  }
0x9d: {  	_ =	strace s5  }
0x9e: {  	_ =	strace $0x8FFFFFFF  }
0x9f: {  	s18 =	sld [smem:$0x3FDB];
	_ =	sdelay $0x1  }
0xa0: {  	s19 =	simm.s32 $_scs_section_size  }
0xa1: {  	s7 =	simm.s32 $_size__tile_overlayer_lowered;
	s8 =	simm.s32 $_tile_overlayer_lowered  }
0xa2: {  	s22 =	simm.s32 $0x1BFF;
	s21 =	sshll.u32 s8, $0x1;
	s5 =	sadd.s32 s19, s18  }
0xa3: {  	s9 =	simm.s32 $0x0;
	s20 =	sshll.u32 s7, $0x1;
	s7 =	sadd.s32 s21, s5  }
0xa4: {  	[timem:s9], [sflag:s22] =	dma.local [hbm:s7], s20  }
0xa5: {  	_ =	swait.ge [sflag:s22], s20  }
0xa6: {  	s6 =	ssub.s32 $0x0, s20;
	[sflag:s22] =	ssyncset.done $0x0  }
0xa7: {  	[sflag:s22] =	ssyncadd.s32 s6;
	_ =	sdelay $0x1  }
0xa8: {  	s23 =	simm.s32 $0x1B8B  }
0xa9: {  	_ =	swait.ge [sflag:s23], $0x1  }
0xaa: {  	[sflag:s23] =	ssyncset.done $0x0  }
0xab: {  	s25 =	simm.s32 $0x1B8E;
	s24 =	sld [smem:$0x3FFE];
	[sflag:s23] =	ssyncadd.s32 $0xFFFFFFFF  }
0xac: {  	s26 =	simm.s32 $execute0_lowered;
	[smem:$0x3FD2] =	sst s25  }
0xad: {  	s7 =	sshll.u32 s26, $0x1;
	_ =	strace $0x80000046;
	[dreg:$0x1] =	wrdreg $0xFFFFFFFF  }
0xae: {  	s28 =	simm.s32 $_size_execute0_lowered;
	s5 =	sadd.s32 s5, s7;
	[dreg:$0x0] =	wrdreg $0x0  }
0xaf: {  	s7 =	sshll.u32 s28, $0x1;
	[dreg:$0x2] =	wrdreg s5  }
0xb0: {  	[dreg:$0x3] =	wrdreg s7  }
0xb1: {  	[dreg:$0x4] =	wrdreg $0xC0  }
0xb2: {  	_ =	task [dreg:s9], $0x5FFFF  }
0xb3: {  	[dreg:$0x1] =	wrdreg $0xFFFFFFFF  }
0xb4: {  	[dreg:$0x0] =	wrdreg $0x60  }
0xb5: {  	[dreg:$0x2] =	wrdreg s15  }
0xb6: {  	[dreg:$0x3] =	wrdreg s4  }
0xb7: {  	[dreg:$0x4] =	wrdreg s24  }
0xb8: {  	[dreg:$0x5] =	wrdreg s16  }
0xb9: {  	[dreg:$0x6] =	wrdreg $0x91000  }
0xba: {  	[dreg:$0x7] =	wrdreg $0x1C9800  }
0xbb: {  	[dreg:$0x8] =	wrdreg $0x9  }
0xbc: {  	_ =	task.clear_ibuf [dreg:s9], $0x9FFFF;
	_ =	strace $0x90000046  }
0xbd: {  	s29 =	simm.s32 $0x9;
	_ =	strace $0x80000048  }
0xbe: {  	_ =	swait.ge [sflag:s29], $0x1  }
0xbf: {  	[sflag:s29] =	ssyncadd.s32 $0xFFFFFFFF  }
0xc0: {  	_ =	strace $0x90000048  }
0xc1: {  	_ =	sfence  }
0xc2: {  	s30 =	sld [smem:$0x0];
	_ =	sdelay $0x2  }
0xc3: {  	s31 =	sshll.u32 s1, $0xD;
	s1 =	sshrl.u32 s1, $0x2  }
0xc4: {  	s3 =	sand.u32 $0x4000, s31;
	s1 =	sadd.s32 s1, s30  }
0xc5: {  	s0 =	sor.u32 s3, s0;
	s1 =	sshll.u32 s1, $0x11  }
0xc6: {  	s0 =	sor.u32 s1, s0  }
0xc7: {  	s0 =	sadd.s32 $0x8F2B, s0  }
0xc8: {  	[sflag:s0] =	ssyncadd.remote.s32 $0x1  }
0xc9: {  	_ =	sfence.sel $0xFFFF  }
0xca: {  	[dreg:$0x0] =	wrdreg $0xFFFFFFFF;
	(pc) =	sbr.abs _section_cstart, $3  }
0xcb: {  	[dreg:$0x1] =	wrdreg $0xFFFFFFFF  }
0xcc: {  	_ =	task.clear_ibuf [dreg:s9], $0x2FFFF;
	_ =	strace $0x9FFFFFFF  }
0xcd: {  	(tm) =	ssettm $0x7FFFFFFF  }
tec
execute0_lowered:
.L_overlay_start_1:
0x0: {  	(tag) =	ssettag $0x1  }
0x1: {  	s31 =	stileid.u32  }
0x2: {  	s5 =	smul.u32 $0x960, s31  }
0x3: {  	s1 =	srdreg.scid;
	s8 =	smul.u32 $0x320, s31  }
0x4: {  	s0 =	rddreg [dreg:$0x2];
	s21 =	smul.u32 $0x50, s31  }
0x5: {  	s9 =	rddreg [dreg:$0x3];
	s23 =	smul.u32 $0x1900, s31  }
0x6: {  	s4 =	sand.u32 $0x1, s1;
	s19 =	sshll.u32 s31, $0x1;
	s25 =	smul.u32 $0x5000, s31  }
0x7: {  	s7 =	sadd.s32 $0x28000, s0;
	s11 =	sadd.s32 $0x1E000, s0;
	s26 =	smul.u32 $0x28000, s31  }
0x8: {  	s2 =	sadd.s32 $0x2D000, s0;
	s13 =	sadd.s32 $0x52800, s0;
	s28 =	smul.u32 $0x13C00, s31  }
0x9: {  	s15 =	sadd.s32 $0x2D2800, s0;
	s14 =	sor.u32 s4, s19;
	s16 =	smul.u32 $0x28, s4  }
0xa: {  	s12 =	sadd.s32 $0x552800, s0;
	s20 =	ssub.s32 $0x2, s4;
	s3 =	smul.u32 $0x280, s14  }
0xb: {  	p0 =	seq.s32 s4, $0x1;
	s6 =	sshrl.u32 s20, $0x1;
	s14 =	smul.u32 $0x640, s14  }
0xc: {  	s5 =	sadd.s32 s2, s5;
	s1 =	ssub.s32 s20, s6;
	s20 =	smul.u32 $0x2800, s4  }
0xd: {  	s24 =	sadd.s32 s16, s21;
	s6 =	sadd.s32 s2, s8;
	s8 =	smul.u32 $0x14000, s4  }
0xe: {  	[smem:$0x7F4] =	sst s1;
	s10 =	sadd.s32 s7, s3;
	s22 =	sor.u32 $0x10, s3  }
0xf: {  	s3 =	sadd.s32 s11, s3;
	s16 =	sshll.u32 s24, $0x4;
	s19 =	sshll.u32 s24, $0x8  }
0x10: {  	s21 =	sshll.u32 s24, $0xB;
	s24 =	smul.u32 $0xC800, s31;
	[dreg:$0x7] =	wrdreg s10  }
0x11: {  	s17 =	sadd.s32 s7, s22;
	[dreg:$0x9] =	wrdreg s3;
	s10 =	sadd.s32 s11, s22  }
0x12: {  	s3 =	sshrl.u32 s23, $0x3;
	s18 =	sor.u32 $0x20, s16;
	s1 =	sadd.s32 s19, s9  }
0x13: {  	s9 =	sadd.s32 s25, s9;
	s23 =	sadd.s32 $0x39800, s0;
	[dreg:$0x8] =	wrdreg s17  }
0x14: {  	[dreg:$0xa] =	wrdreg s10;
	s3 =	sadd.s32 s2, s3;
	s2 =	sadd.s32 s16, s7  }
0x15: {  	s7 =	sadd.s32 s18, s7;
	s9 =	sadd.s32 s20, s9;
	s10 =	sadd.s32 s16, s11  }
0x16: {  	s17 =	sadd.s32 s25, s12;
	s25 =	sadd.s32 $0x12EA800, s0;
	[dreg:$0xb] =	wrdreg s9  }
0x17: {  	s9 =	sadd.s32 s18, s11;
	s11 =	sadd.s32 s19, s12;
	s17 =	sadd.s32 s20, s17  }
0x18: {  	s12 =	sadd.s32 s21, s13;
	s19 =	sadd.s32 s26, s13;
	s20 =	smul.u32 $0xC8, s31  }
0x19: {  	s13 =	sadd.s32 s21, s15;
	s15 =	sadd.s32 s26, s15;
	s18 =	rddreg [dreg:$0x4]  }
0x1a: {  	s21 =	smul.u32 $0x64, s4;
	[dreg:$0xc] =	wrdreg s17;
	s17 =	sadd.s32 s8, s19  }
0x1b: {  	s26 =	smul.u32 $0x6400, s4;
	s15 =	sadd.s32 s8, s15;
	[dreg:$0xd] =	wrdreg s17  }
0x1c: {  	s4 =	smul.u32 $0x32000, s4;
	s8 =	sadd.s32 s23, s14;
	[dreg:$0xe] =	wrdreg s15  }
0x1d: {  	s22 =	sadd.s32 s21, s20;
	s17 =	sadd.s32 s24, s25;
	s24 =	smul.u32 $0x9600, s31  }
0x1e: {  	s20 =	rddreg [dreg:$0x5];
	s19 =	sshll.u32 s22, $0x4;
	s21 =	sshll.u32 s22, $0x8  }
0x1f: {  	s17 =	sadd.s32 s26, s17;
	s15 =	sshll.u32 s22, $0xB;
	s22 =	sadd.s32 $0xBE2800, s0  }
0x20: {  	s16 =	sadd.s32 s19, s23;
	s14 =	sadd.s32 s21, s25;
	[dreg:$0x10] =	wrdreg s17  }
0x21: {  	s23 =	smul.u32 $0x64000, s31;
	s21 =	sadd.s32 s15, s22;
	s15 =	simm.s32 $0x0  }
0x22: {  	s29 =	sshrl.u32 s28, $0x3;
	s26 =	smul.u32 $0x3200, s31;
	[smem:$0x7FF] =	sst s15  }
0x23: {  	s19 =	smul.u32 $0x2780, s31;
	s17 =	sadd.s32 s23, s22;
	s22 =	rddreg [dreg:$0x0]  }
0x24: {  	s25 =	sadd.s32 $0x1222800, s0;
	s4 =	sadd.s32 s4, s17;
	s17 =	rddreg [dreg:$0x1]  }
0x25: {  	s23 =	smul.u32 $0x4B000, s31;
	s30 =	sadd.s32 s19, s20;
	[dreg:$0x11] =	wrdreg s4  }
0x26: {  	s4 =	sadd.s32 s24, s25;
	s25 =	sadd.s32 s26, s25;
	s26 =	sadd.s32 $0x5A2800, s0  }
0x27: {  	s29 =	sadd.s32 s22, s29;
	s24 =	smul.u32 $0x19000, s31;
	s23 =	sadd.s32 s23, s26  }
0x28: {  	_ =	strace $0x80000047;
	[dreg:$0x12] =	wrdreg s29;
	s29 =	sadd.s32 $0x30, s2  }
0x29: {  	s2 =	sadd.s32 $0x100, s1;
	[dreg:$0xf] =	wrdreg s8;
	s26 =	sadd.s32 s24, s26  }
0x2a: {  	s24 =	sshrl.u32 s19, $0x3;
	s19 =	sadd.s32 $0x9610, s3;
	[dreg:$0x18] =	wrdreg s2  }
0x2b: {  	s3 =	sadd.s32 $0x800, s12;
	[dreg:$0x16] =	wrdreg s19  }
0x2c: {  	s12 =	sadd.s32 $0x100, s14;
	[dreg:$0x19] =	wrdreg s3  }
0x2d: {  	s1 =	sadd.s32 $0x30, s16;
	s14 =	sadd.s32 $0x100, s4;
	[dreg:$0x1c] =	wrdreg s12  }
0x2e: {  	s2 =	sadd.s32 $0x20, s16;
	s16 =	sadd.s32 $0x800, s23;
	[dreg:$0x1e] =	wrdreg s14  }
0x2f: {  	s23 =	sadd.s32 $0x10, s8;
	[dreg:$0x1f] =	wrdreg s16  }
0x30: {  	s19 =	sadd.s32 $0x30, s10;
	s10 =	sadd.s32 $0x100, s11;
	[smem:$0x7FB] =	sst s23  }
0x31: {  	p1 =	seq.s32 s31, $0xF;
	s11 =	sadd.s32 $0x800, s13;
	[dreg:$0x1a] =	wrdreg s10  }
0x32: {  	s28 =	sadd.s32 s28, s18;
	s13 =	sadd.s32 $0x800, s21;
	[dreg:$0x1b] =	wrdreg s11  }
0x33: {  	s24 =	sadd.s32 s24, s0;
	s21 =	sadd.s32 $0x96100, s25;
	[dreg:$0x1d] =	wrdreg s13  }
0x34: {  	s31 =	simm.s32 $0x5;
	s24 =	sadd.s32 $0x5600, s24;
	[smem:$0x7F5] =	sst s21  }
0x35: {  	s3 =	sadd.s32 $0x25080, s20;
	s25 =	sadd.s32 $0x10, s5;
	[dreg:$0x13] =	wrdreg s24  }
0x36: {  	s16 =	simm.s32 $0x1;
	s24 =	sadd.s32 $0x25080, s22;
	s22 =	sld [smem:$0x7F4]  }
0x37: {  	s23 =	simm.s32 $0x3;
	[smem:$0x7FC] =	sst s25;
	s13 =	simm.s32 $0x80  }
0x38: {  	[dreg:$0x14] =	wrdreg s24;
	s24 =	sadd.s32 $0xA600, s0;
	s0 =	sadd.s32 $0xA010, s0  }
0x39: {  	s21 =	simm.s32 $0x4100;
	[dreg:$0x15] =	wrdreg s0;
	s0 =	smax.u32 s22, $0x1  }
0x3a: {  	s25 =	simm.s32 $0x100;
	s22 =	sadd.s32 $0x4B0800, s26;
	[dreg:$0x17] =	wrdreg s0  }
0x3b: {  	s26 =	sadd.s32 $0x9600, s6;
	[smem:$0x7F6] =	sst s22;
	s0 =	sadd.s32 $0x128400, s18  }
.Ltmp0:
0x3c: {  	[smem:$0x7FD] =	sst s26;
	s0 =	sshrl.u32 @p1 s0, $0x3;
	(pc) =	sbr.rel .LBB2_1-.Ltmp0, $4  }
0x3d: {  	s22 =	simm.s32 $0x8900;
	[smem:$0x7F7] =	sst s0;
	s0 =	sshrl.u32 @p1 s3, $0x3  }
0x3e: {  	s26 =	simm.s32 $0x6;
	[smem:$0x7F8] =	sst s0;
	s0 =	sshrl.u32 @!p1 s28, $0x3  }
0x3f: {  	s3 =	simm.s32 $0x0;
	[smem:$0x7F9] =	sst s0;
	s0 =	sshrl.u32 @!p1 s30, $0x3  }
0x40: {  	s28 =	simm.s32 $0x8100;
	s30 =	simm.s32 $0x4;
	[smem:$0x7FA] =	sst s0  }
.LBB2_17:
0x41: {  	_ =	swait.ge [sflag:s31], $0x4000  }
0x42: {  	[sflag:s31] =	ssyncset.done $0x0  }
0x43: {  	[sflag:s31] =	ssyncadd.s32 $0xFFFFC000  }
0x44: {  	_ =	swait.ge [sflag:s31], $0x800  }
0x45: {  	[sflag:s31] =	ssyncset.done $0x0  }
0x46: {  	[sflag:s31] =	ssyncadd.s32 $0xFFFFF800  }
0x47: {  	_ =	swait.ge [sflag:s26], $0x4000  }
0x48: {  	[sflag:s26] =	ssyncset.done $0x0  }
0x49: {  	[sflag:s26] =	ssyncadd.s32 $0xFFFFC000  }
0x4a: {  	_ =	swait.ge [sflag:s26], $0x800  }
0x4b: {  	s3 =	sld [smem:$0x7F3];
	_ =	sdelay $0x2  }
0x4c: {  	s0 =	rddreg [dreg:$0x17];
	s3 =	sadd.s32 $0x1, s3  }
0x4d: {  	p2 =	sne.s32 s3, s0  }
.Ltmp1:
0x4e: {  	_ = 	snop;
	(pc) =	sbr.rel @!p2 .LBB2_18-.Ltmp1, $3  }
0x4f: {  	_ =	sdelay $0x1  }
0x50: {  	[sflag:s26] =	ssyncset.done $0x0  }
0x51: {  	[sflag:s26] =	ssyncadd.s32 $0xFFFFF800  }
.LBB2_1:
0x52: {  	s4 =	sld [smem:$0x7F7]  }
0x53: {  	[smem:$0x7F3] =	sst s3  }
0x54: {  	s3 =	simm.s32 @p1 $0x1FC7;
	s0 =	rddreg [dreg:$0x14]  }
0x55: {  	[spmem:s4], [sflag:s3] =	dma.local @p1 [hbm:s0], $0x2080  }
0x56: {  	s4 =	simm.s32 @p1 $0x7  }
0x57: {  	_ =	swait.ge @p1 [sflag:s4], $0x2080  }
0x58: {  	s8 =	sld [smem:$0x7F8]  }
0x59: {  	[sflag:s4] =	ssyncset.done @p1 $0x0  }
0x5a: {  	s0 =	rddreg [dreg:$0x15];
	[sflag:s4] =	ssyncadd.s32 @p1 $0xFFFFDF80  }
0x5b: {  	[spmem:s8], [sflag:s3] =	dma.local @p1 [hbm:s0], $0x410  }
0x5c: {  	_ =	swait.ge @p1 [sflag:s4], $0x410  }
0x5d: {  	[sflag:s4] =	ssyncset.done @p1 $0x0  }
0x5e: {  	s0 =	stileid.u32;
	[sflag:s4] =	ssyncadd.s32 @p1 $0xFFFFFBF0;
	s4 =	sld [smem:$0x7F9]  }
0x5f: {  	s3 =	sshll.u32 @!p1 s0, $0x6  }
0x60: {  	s3 =	sor.u32 @!p1 $0x1C07, s3;
	s0 =	rddreg [dreg:$0x12]  }
0x61: {  	[spmem:s4], [sflag:s3] =	dma.local @!p1 [hbm:s0], $0x2780  }
0x62: {  	s4 =	simm.s32 @!p1 $0x7  }
0x63: {  	_ =	swait.ge @!p1 [sflag:s4], $0x2780  }
0x64: {  	s8 =	sld [smem:$0x7FA]  }
0x65: {  	[sflag:s4] =	ssyncset.done @!p1 $0x0  }
0x66: {  	s0 =	rddreg [dreg:$0x13];
	[sflag:s4] =	ssyncadd.s32 @!p1 $0xFFFFD880  }
0x67: {  	[spmem:s8], [sflag:s3] =	dma.local @!p1 [hbm:s0], $0x4F0  }
0x68: {  	_ =	swait.ge @!p1 [sflag:s4], $0x4F0  }
0x69: {  	[sflag:s4] =	ssyncset.done @!p1 $0x0  }
0x6a: {  	[sflag:s4] =	ssyncadd.s32 @!p1 $0xFFFFFB10  }
0x6b: {  	[bflag:$0x0] =	sbarrier.arrive $0xFFFF  }
0x6c: {  	s12 =	rddreg [dreg:$0x7]  }
0x6d: {  	s14 =	rddreg [dreg:$0x8]  }
0x6e: {  	s3 =	rddreg [dreg:$0xd]  }
0x6f: {  	s4 =	rddreg [dreg:$0xb]  }
0x70: {  	s8 =	rddreg [dreg:$0x19]  }
0x71: {  	[tilespmem:s15], [sflag:$0x1] =	stream.linear.gather [hbm4b:s12+s15], $0x80, $0x38;
	[tilespmem:$0x1F090] =	vst v63  }
0x72: {  	s11 =	simm.s32 $0x0;
	s10 =	rddreg [dreg:$0x18]  }
0x73: {  	[tilespmem:s13], [sflag:$0x2] =	stream.linear.gather [hbm4b:s14+s15], $0x80, $0x38;
	[tilespmem:$0x1F090] =	vst v63  }
.LBB2_2:
0x74: {  	_ =	swait.ge [sflag:s16], $0x80;
	p2 =	seq.s32 s11, $0x0  }
0x75: {  	[sflag:s16] =	ssyncset.done $0x0;
	s12 =	simm.s32 @p2 $0x80  }
0x76: {  	s14 =	simm.s32 @p2 $0x0;
	s0 =	simm.s32 @p2 $0x100;
	[sflag:s16] =	ssyncadd.s32 $0xFFFFFF80  }
0x77: {  	[tilespmem:s0], [sflag:$0x3] =	stream.indirect.gather @p2 [spmem:s18], $0x80, s14, s12, $0xb8;
	[tilespmem:$0x1F090] =	vst v63  }
0x78: {  	s0 =	simm.s32 @p2 $0x8100  }
0x79: {  	[tilespmem:s0], [sflag:$0x3] =	stream.indirect.gather @p2 [spmem:s20], $0x10, s14, s12, $0xb8;
	[tilespmem:$0x1F090] =	vst v63  }
0x7a: {  	s0 =	simm.s32 @p2 $0x2  }
0x7b: {  	_ =	swait.ge @p2 [sflag:s0], $0x80  }
0x7c: {  	[sflag:s0] =	ssyncset.done @p2 $0x0  }
0x7d: {  	[sflag:s0] =	ssyncadd.s32 @p2 $0xFFFFFF80;
	s0 =	simm.s32 @!p2 $0x5  }
0x7e: {  	_ =	swait.ge @!p2 [sflag:s0], $0x4000  }
0x7f: {  	[sflag:s0] =	ssyncset.done @!p2 $0x0  }
0x80: {  	[sflag:s0] =	ssyncadd.s32 @!p2 $0xFFFFC000  }
0x81: {  	_ =	swait.ge @!p2 [sflag:s0], $0x800  }
0x82: {  	s12 =	simm.s32 @!p2 $0x0;
	[sflag:s0] =	ssyncset.done @!p2 $0x0  }
0x83: {  	s14 =	simm.s32 @!p2 $0x100;
	[sflag:s0] =	ssyncadd.s32 @!p2 $0xFFFFF800;
	s0 =	simm.s32 @!p2 $0x80  }
0x84: {  	[tilespmem:s14], [sflag:$0x3] =	stream.indirect.gather @!p2 [spmem:s18], $0x80, s12, s0, $0xb8;
	[tilespmem:$0x1F090] =	vst v63  }
0x85: {  	s14 =	simm.s32 @!p2 $0x8100  }
0x86: {  	[tilespmem:s14], [sflag:$0x3] =	stream.indirect.gather @!p2 [spmem:s20], $0x10, s12, s0, $0xb8;
	[tilespmem:$0x1F090] =	vst v63  }
0x87: {  	s0 =	simm.s32 @!p2 $0x2  }
0x88: {  	_ =	swait.ge @!p2 [sflag:s0], $0x80  }
0x89: {  	[sflag:s0] =	ssyncset.done @!p2 $0x0  }
0x8a: {  	[sflag:s0] =	ssyncadd.s32 @!p2 $0xFFFFFF80;
	s0 =	simm.s32 @!p2 $0x6  }
0x8b: {  	_ =	swait.ge @!p2 [sflag:s0], $0x4000  }
0x8c: {  	[sflag:s0] =	ssyncset.done @!p2 $0x0  }
0x8d: {  	[sflag:s0] =	ssyncadd.s32 @!p2 $0xFFFFC000  }
0x8e: {  	_ =	swait.ge @!p2 [sflag:s0], $0x800  }
0x8f: {  	[sflag:s0] =	ssyncset.done @!p2 $0x0  }
0x90: {  	[sflag:s0] =	ssyncadd.s32 @!p2 $0xFFFFF800  }
0x91: {  	[tilespmem:s21], [sflag:$0x4] =	stream.indirect.gather [spmem:s18], $0x80, s13, s13, $0xb8;
	[tilespmem:$0x1F090] =	vst v63  }
0x92: {  	_ = 	snop  }
0x93: {  	[tilespmem:s22], [sflag:$0x4] =	stream.indirect.gather [spmem:s20], $0x10, s13, s13, $0xb8;
	[tilespmem:$0x1F090] =	vst v63  }
0x94: {  	_ =	swait.ge [sflag:s23], $0x4000  }
0x95: {  	[sflag:s23] =	ssyncset.done $0x0  }
0x96: {  	[sflag:s23] =	ssyncadd.s32 $0xFFFFC000  }
0x97: {  	_ =	swait.ge [sflag:s23], $0x800  }
0x98: {  	[sflag:s23] =	ssyncset.done $0x0  }
0x99: {  	[sflag:s23] =	ssyncadd.s32 $0xFFFFF800  }
0x9a: {  	[hbm4b:s3+s15] =	stream.linear.scatter [tilespmem:s25], [sflag:$0x5], $0x4000, $0x38;
	[tilespmem:$0x1F090] =	vst v63  }
0x9b: {  	p2 =	seq.s32 s11, $0x260  }
0x9c: {  	[hbm4b:s4+s15] =	stream.linear.scatter [tilespmem:s28], [sflag:$0x5], $0x800, $0x38;
	[tilespmem:$0x1F090] =	vst v63  }
0x9d: {  	s0 =	sadd.s32 @!p2 s11, s7;
	s12 =	simm.s32 @!p2 $0x0  }
0x9e: {  	[tilespmem:s12], [sflag:$0x1] =	stream.linear.gather @!p2 [hbm4b:s0+s12], $0x80, $0x38;
	[tilespmem:$0x1F090] =	vst v63  }
0x9f: {  	_ =	swait.ge [sflag:s30], $0x4000  }
0xa0: {  	[sflag:s30] =	ssyncset.done $0x0  }
0xa1: {  	[sflag:s30] =	ssyncadd.s32 $0xFFFFC000  }
0xa2: {  	_ =	swait.ge [sflag:s30], $0x800  }
.Ltmp2:
0xa3: {  	[sflag:s30] =	ssyncset.done $0x0;
	(pc) =	sbr.rel @p2 .LBB2_4-.Ltmp2, $4  }
0xa4: {  	[sflag:s30] =	ssyncadd.s32 $0xFFFFF800  }
0xa5: {  	[hbm4b:s8+s15] =	stream.linear.scatter [tilespmem:s21], [sflag:$0x6], $0x4000, $0x38;
	[tilespmem:$0x1F090] =	vst v63  }
0xa6: {  	_ = 	snop  }
0xa7: {  	[hbm4b:s10+s15] =	stream.linear.scatter [tilespmem:s22], [sflag:$0x6], $0x800, $0x38;
	[tilespmem:$0x1F090] =	vst v63  }
.Ltmp3:
0xa8: {  	(pc) =	sbr.rel .LBB2_2-.Ltmp3, $4  }
0xa9: {  	_ = 	snop  }
0xaa: {  	s0 =	sadd.s32 s11, s29;
	s11 =	sadd.s32 $0x20, s11;
	s10 =	sadd.s32 $0x200, s10  }
0xab: {  	s8 =	sadd.s32 $0x1000, s8;
	s4 =	sadd.s32 $0x200, s4;
	s3 =	sadd.s32 $0x1000, s3  }
0xac: {  	[tilespmem:s13], [sflag:$0x2] =	stream.linear.gather [hbm4b:s0+s15], $0x80, $0x38;
	[tilespmem:$0x1F090] =	vst v63  }
.LBB2_4:
0xad: {  	_ =	swait.ge [sflag:s31], $0x4000  }
0xae: {  	[sflag:s31] =	ssyncset.done $0x0  }
0xaf: {  	[sflag:s31] =	ssyncadd.s32 $0xFFFFC000  }
0xb0: {  	_ =	swait.ge [sflag:s31], $0x800  }
0xb1: {  	[sflag:s31] =	ssyncset.done $0x0  }
0xb2: {  	[sflag:s31] =	ssyncadd.s32 $0xFFFFF800  }
0xb3: {  	_ =	swait.ge [sflag:s26], $0x4000  }
0xb4: {  	[sflag:s26] =	ssyncset.done $0x0  }
0xb5: {  	[sflag:s26] =	ssyncadd.s32 $0xFFFFC000  }
0xb6: {  	_ =	swait.ge [sflag:s26], $0x800  }
0xb7: {  	s0 =	rddreg [dreg:$0x9]  }
0xb8: {  	s14 =	rddreg [dreg:$0xa]  }
0xb9: {  	s4 =	rddreg [dreg:$0xe]  }
0xba: {  	[sflag:s26] =	ssyncset.done $0x0;
	s8 =	rddreg [dreg:$0xc]  }
0xbb: {  	s3 =	simm.s32 $0x0;
	s10 =	rddreg [dreg:$0x1b];
	[sflag:s26] =	ssyncadd.s32 $0xFFFFF800  }
0xbc: {  	[tilespmem:s3], [sflag:$0x1] =	stream.linear.gather [hbm4b:s0+s3], $0x80, $0x38;
	[tilespmem:$0x1F090] =	vst v63  }
0xbd: {  	s11 =	rddreg [dreg:$0x1a]  }
0xbe: {  	[tilespmem:s13], [sflag:$0x2] =	stream.linear.gather [hbm4b:s14+s3], $0x80, $0x38;
	[tilespmem:$0x1F090] =	vst v63  }
.LBB2_5:
0xbf: {  	_ =	swait.ge [sflag:s16], $0x80;
	p2 =	seq.s32 s3, $0x0  }
0xc0: {  	[sflag:s16] =	ssyncset.done $0x0;
	s0 =	simm.s32 @p2 $0x80  }
0xc1: {  	s12 =	simm.s32 @p2 $0x0;
	s14 =	simm.s32 @p2 $0x100;
	[sflag:s16] =	ssyncadd.s32 $0xFFFFFF80  }
0xc2: {  	[tilespmem:s14], [sflag:$0x3] =	stream.indirect.gather @p2 [spmem:s18], $0x80, s12, s0, $0xb8;
	[tilespmem:$0x1F090] =	vst v63  }
0xc3: {  	s14 =	simm.s32 @p2 $0x8100  }
0xc4: {  	[tilespmem:s14], [sflag:$0x3] =	stream.indirect.gather @p2 [spmem:s20], $0x10, s12, s0, $0xb8;
	[tilespmem:$0x1F090] =	vst v63  }
0xc5: {  	s0 =	simm.s32 @p2 $0x2  }
0xc6: {  	_ =	swait.ge @p2 [sflag:s0], $0x80  }
0xc7: {  	[sflag:s0] =	ssyncset.done @p2 $0x0  }
0xc8: {  	[sflag:s0] =	ssyncadd.s32 @p2 $0xFFFFFF80;
	s0 =	simm.s32 @!p2 $0x5  }
0xc9: {  	_ =	swait.ge @!p2 [sflag:s0], $0x4000  }
0xca: {  	[sflag:s0] =	ssyncset.done @!p2 $0x0  }
0xcb: {  	[sflag:s0] =	ssyncadd.s32 @!p2 $0xFFFFC000  }
0xcc: {  	_ =	swait.ge @!p2 [sflag:s0], $0x800  }
0xcd: {  	s12 =	simm.s32 @!p2 $0x0;
	[sflag:s0] =	ssyncset.done @!p2 $0x0  }
0xce: {  	s14 =	simm.s32 @!p2 $0x100;
	[sflag:s0] =	ssyncadd.s32 @!p2 $0xFFFFF800;
	s0 =	simm.s32 @!p2 $0x80  }
0xcf: {  	[tilespmem:s14], [sflag:$0x3] =	stream.indirect.gather @!p2 [spmem:s18], $0x80, s12, s0, $0xb8;
	[tilespmem:$0x1F090] =	vst v63  }
0xd0: {  	s14 =	simm.s32 @!p2 $0x8100  }
0xd1: {  	[tilespmem:s14], [sflag:$0x3] =	stream.indirect.gather @!p2 [spmem:s20], $0x10, s12, s0, $0xb8;
	[tilespmem:$0x1F090] =	vst v63  }
0xd2: {  	s0 =	simm.s32 @!p2 $0x2  }
0xd3: {  	_ =	swait.ge @!p2 [sflag:s0], $0x80  }
0xd4: {  	[sflag:s0] =	ssyncset.done @!p2 $0x0  }
0xd5: {  	[sflag:s0] =	ssyncadd.s32 @!p2 $0xFFFFFF80;
	s0 =	simm.s32 @!p2 $0x6  }
0xd6: {  	_ =	swait.ge @!p2 [sflag:s0], $0x4000  }
0xd7: {  	[sflag:s0] =	ssyncset.done @!p2 $0x0  }
0xd8: {  	[sflag:s0] =	ssyncadd.s32 @!p2 $0xFFFFC000  }
0xd9: {  	_ =	swait.ge @!p2 [sflag:s0], $0x800  }
0xda: {  	[sflag:s0] =	ssyncset.done @!p2 $0x0  }
0xdb: {  	[sflag:s0] =	ssyncadd.s32 @!p2 $0xFFFFF800  }
0xdc: {  	[tilespmem:s21], [sflag:$0x4] =	stream.indirect.gather [spmem:s18], $0x80, s13, s13, $0xb8;
	[tilespmem:$0x1F090] =	vst v63  }
0xdd: {  	_ = 	snop  }
0xde: {  	[tilespmem:s22], [sflag:$0x4] =	stream.indirect.gather [spmem:s20], $0x10, s13, s13, $0xb8;
	[tilespmem:$0x1F090] =	vst v63  }
0xdf: {  	_ =	swait.ge [sflag:s23], $0x4000  }
0xe0: {  	[sflag:s23] =	ssyncset.done $0x0  }
0xe1: {  	[sflag:s23] =	ssyncadd.s32 $0xFFFFC000  }
0xe2: {  	_ =	swait.ge [sflag:s23], $0x800  }
0xe3: {  	[sflag:s23] =	ssyncset.done $0x0  }
0xe4: {  	[sflag:s23] =	ssyncadd.s32 $0xFFFFF800  }
0xe5: {  	[hbm4b:s4+s15] =	stream.linear.scatter [tilespmem:s25], [sflag:$0x5], $0x4000, $0x38;
	[tilespmem:$0x1F090] =	vst v63  }
0xe6: {  	p2 =	seq.s32 s3, $0x260  }
0xe7: {  	[hbm4b:s8+s15] =	stream.linear.scatter [tilespmem:s28], [sflag:$0x5], $0x800, $0x38;
	[tilespmem:$0x1F090] =	vst v63  }
0xe8: {  	s0 =	sadd.s32 @!p2 s3, s9;
	s12 =	simm.s32 @!p2 $0x0  }
0xe9: {  	[tilespmem:s12], [sflag:$0x1] =	stream.linear.gather @!p2 [hbm4b:s0+s12], $0x80, $0x38;
	[tilespmem:$0x1F090] =	vst v63  }
0xea: {  	_ =	swait.ge [sflag:s30], $0x4000  }
0xeb: {  	[sflag:s30] =	ssyncset.done $0x0  }
0xec: {  	[sflag:s30] =	ssyncadd.s32 $0xFFFFC000  }
0xed: {  	_ =	swait.ge [sflag:s30], $0x800  }
.Ltmp4:
0xee: {  	[sflag:s30] =	ssyncset.done $0x0;
	(pc) =	sbr.rel @p2 .LBB2_7-.Ltmp4, $4  }
0xef: {  	[sflag:s30] =	ssyncadd.s32 $0xFFFFF800  }
0xf0: {  	[hbm4b:s10+s15] =	stream.linear.scatter [tilespmem:s21], [sflag:$0x6], $0x4000, $0x38;
	[tilespmem:$0x1F090] =	vst v63  }
0xf1: {  	_ = 	snop  }
0xf2: {  	[hbm4b:s11+s15] =	stream.linear.scatter [tilespmem:s22], [sflag:$0x6], $0x800, $0x38;
	[tilespmem:$0x1F090] =	vst v63  }
.Ltmp5:
0xf3: {  	(pc) =	sbr.rel .LBB2_5-.Ltmp5, $4  }
0xf4: {  	_ = 	snop  }
0xf5: {  	s0 =	sadd.s32 s3, s19;
	s3 =	sadd.s32 $0x20, s3;
	s11 =	sadd.s32 $0x200, s11  }
0xf6: {  	s10 =	sadd.s32 $0x1000, s10;
	s8 =	sadd.s32 $0x200, s8;
	s4 =	sadd.s32 $0x1000, s4  }
0xf7: {  	[tilespmem:s13], [sflag:$0x2] =	stream.linear.gather [hbm4b:s0+s15], $0x80, $0x38;
	[tilespmem:$0x1F090] =	vst v63  }
.LBB2_7:
0xf8: {  	_ =	swait.ge [sflag:s31], $0x4000  }
0xf9: {  	[sflag:s31] =	ssyncset.done $0x0  }
0xfa: {  	[sflag:s31] =	ssyncadd.s32 $0xFFFFC000  }
0xfb: {  	_ =	swait.ge [sflag:s31], $0x800  }
0xfc: {  	[sflag:s31] =	ssyncset.done $0x0  }
0xfd: {  	[sflag:s31] =	ssyncadd.s32 $0xFFFFF800  }
0xfe: {  	_ =	swait.ge [sflag:s26], $0x4000  }
0xff: {  	[sflag:s26] =	ssyncset.done $0x0  }
0x100: {  	[sflag:s26] =	ssyncadd.s32 $0xFFFFC000  }
0x101: {  	_ =	swait.ge [sflag:s26], $0x800  }
0x102: {  	s0 =	rddreg [dreg:$0xf]  }
0x103: {  	s14 =	sld [smem:$0x7FB]  }
0x104: {  	s4 =	rddreg [dreg:$0x11]  }
0x105: {  	[sflag:s26] =	ssyncset.done $0x0;
	s8 =	rddreg [dreg:$0x10]  }
0x106: {  	s3 =	simm.s32 $0x0;
	s10 =	rddreg [dreg:$0x1d];
	[sflag:s26] =	ssyncadd.s32 $0xFFFFF800  }
0x107: {  	[tilespmem:s3], [sflag:$0x1] =	stream.linear.gather [hbm4b:s0+s3], $0x80, $0x38;
	[tilespmem:$0x1F090] =	vst v63  }
0x108: {  	s11 =	rddreg [dreg:$0x1c]  }
0x109: {  	[tilespmem:s13], [sflag:$0x2] =	stream.linear.gather [hbm4b:s14+s3], $0x80, $0x38;
	[tilespmem:$0x1F090] =	vst v63  }
.LBB2_8:
0x10a: {  	_ =	swait.ge [sflag:s16], $0x80;
	p2 =	seq.s32 s3, $0x0  }
0x10b: {  	[sflag:s16] =	ssyncset.done $0x0;
	s0 =	simm.s32 @p2 $0x80  }
0x10c: {  	s12 =	simm.s32 @p2 $0x0;
	s14 =	simm.s32 @p2 $0x100;
	[sflag:s16] =	ssyncadd.s32 $0xFFFFFF80  }
0x10d: {  	[tilespmem:s14], [sflag:$0x3] =	stream.indirect.gather @p2 [spmem:s18], $0x80, s12, s0, $0xb8;
	[tilespmem:$0x1F090] =	vst v63  }
0x10e: {  	s14 =	simm.s32 @p2 $0x8100  }
0x10f: {  	[tilespmem:s14], [sflag:$0x3] =	stream.indirect.gather @p2 [spmem:s20], $0x10, s12, s0, $0xb8;
	[tilespmem:$0x1F090] =	vst v63  }
0x110: {  	s0 =	simm.s32 @p2 $0x2  }
0x111: {  	_ =	swait.ge @p2 [sflag:s0], $0x80  }
0x112: {  	[sflag:s0] =	ssyncset.done @p2 $0x0  }
0x113: {  	[sflag:s0] =	ssyncadd.s32 @p2 $0xFFFFFF80;
	s0 =	simm.s32 @!p2 $0x5  }
0x114: {  	_ =	swait.ge @!p2 [sflag:s0], $0x4000  }
0x115: {  	[sflag:s0] =	ssyncset.done @!p2 $0x0  }
0x116: {  	[sflag:s0] =	ssyncadd.s32 @!p2 $0xFFFFC000  }
0x117: {  	_ =	swait.ge @!p2 [sflag:s0], $0x800  }
0x118: {  	s12 =	simm.s32 @!p2 $0x0;
	[sflag:s0] =	ssyncset.done @!p2 $0x0  }
0x119: {  	s14 =	simm.s32 @!p2 $0x100;
	[sflag:s0] =	ssyncadd.s32 @!p2 $0xFFFFF800;
	s0 =	simm.s32 @!p2 $0x80  }
0x11a: {  	[tilespmem:s14], [sflag:$0x3] =	stream.indirect.gather @!p2 [spmem:s18], $0x80, s12, s0, $0xb8;
	[tilespmem:$0x1F090] =	vst v63  }
0x11b: {  	s14 =	simm.s32 @!p2 $0x8100  }
0x11c: {  	[tilespmem:s14], [sflag:$0x3] =	stream.indirect.gather @!p2 [spmem:s20], $0x10, s12, s0, $0xb8;
	[tilespmem:$0x1F090] =	vst v63  }
0x11d: {  	s0 =	simm.s32 @!p2 $0x2  }
0x11e: {  	_ =	swait.ge @!p2 [sflag:s0], $0x80  }
0x11f: {  	[sflag:s0] =	ssyncset.done @!p2 $0x0  }
0x120: {  	[sflag:s0] =	ssyncadd.s32 @!p2 $0xFFFFFF80;
	s0 =	simm.s32 @!p2 $0x6  }
0x121: {  	_ =	swait.ge @!p2 [sflag:s0], $0x4000  }
0x122: {  	[sflag:s0] =	ssyncset.done @!p2 $0x0  }
0x123: {  	[sflag:s0] =	ssyncadd.s32 @!p2 $0xFFFFC000  }
0x124: {  	_ =	swait.ge @!p2 [sflag:s0], $0x800  }
0x125: {  	[sflag:s0] =	ssyncset.done @!p2 $0x0  }
0x126: {  	[sflag:s0] =	ssyncadd.s32 @!p2 $0xFFFFF800  }
0x127: {  	[tilespmem:s21], [sflag:$0x4] =	stream.indirect.gather [spmem:s18], $0x80, s13, s13, $0xb8;
	[tilespmem:$0x1F090] =	vst v63  }
0x128: {  	_ = 	snop  }
0x129: {  	[tilespmem:s22], [sflag:$0x4] =	stream.indirect.gather [spmem:s20], $0x10, s13, s13, $0xb8;
	[tilespmem:$0x1F090] =	vst v63  }
0x12a: {  	_ =	swait.ge [sflag:s23], $0x4000  }
0x12b: {  	[sflag:s23] =	ssyncset.done $0x0  }
0x12c: {  	[sflag:s23] =	ssyncadd.s32 $0xFFFFC000  }
0x12d: {  	_ =	swait.ge [sflag:s23], $0x800  }
0x12e: {  	[sflag:s23] =	ssyncset.done $0x0  }
0x12f: {  	[sflag:s23] =	ssyncadd.s32 $0xFFFFF800  }
0x130: {  	[hbm4b:s4+s15] =	stream.linear.scatter [tilespmem:s25], [sflag:$0x5], $0x4000, $0x38;
	[tilespmem:$0x1F090] =	vst v63  }
0x131: {  	p2 =	seq.s32 s3, $0x620  }
0x132: {  	[hbm4b:s8+s15] =	stream.linear.scatter [tilespmem:s28], [sflag:$0x5], $0x800, $0x38;
	[tilespmem:$0x1F090] =	vst v63  }
0x133: {  	s0 =	sadd.s32 @!p2 s3, s2;
	s12 =	simm.s32 @!p2 $0x0  }
0x134: {  	[tilespmem:s12], [sflag:$0x1] =	stream.linear.gather @!p2 [hbm4b:s0+s12], $0x80, $0x38;
	[tilespmem:$0x1F090] =	vst v63  }
0x135: {  	_ =	swait.ge [sflag:s30], $0x4000  }
0x136: {  	[sflag:s30] =	ssyncset.done $0x0  }
0x137: {  	[sflag:s30] =	ssyncadd.s32 $0xFFFFC000  }
0x138: {  	_ =	swait.ge [sflag:s30], $0x800  }
.Ltmp6:
0x139: {  	[sflag:s30] =	ssyncset.done $0x0;
	(pc) =	sbr.rel @p2 .LBB2_10-.Ltmp6, $4  }
0x13a: {  	[sflag:s30] =	ssyncadd.s32 $0xFFFFF800  }
0x13b: {  	[hbm4b:s10+s15] =	stream.linear.scatter [tilespmem:s21], [sflag:$0x6], $0x4000, $0x38;
	[tilespmem:$0x1F090] =	vst v63  }
0x13c: {  	_ = 	snop  }
0x13d: {  	[hbm4b:s11+s15] =	stream.linear.scatter [tilespmem:s22], [sflag:$0x6], $0x800, $0x38;
	[tilespmem:$0x1F090] =	vst v63  }
.Ltmp7:
0x13e: {  	(pc) =	sbr.rel .LBB2_8-.Ltmp7, $4  }
0x13f: {  	_ = 	snop  }
0x140: {  	s0 =	sadd.s32 s3, s1;
	s3 =	sadd.s32 $0x20, s3;
	s11 =	sadd.s32 $0x200, s11  }
0x141: {  	s10 =	sadd.s32 $0x1000, s10;
	s8 =	sadd.s32 $0x200, s8;
	s4 =	sadd.s32 $0x1000, s4  }
0x142: {  	[tilespmem:s13], [sflag:$0x2] =	stream.linear.gather [hbm4b:s0+s15], $0x80, $0x38;
	[tilespmem:$0x1F090] =	vst v63  }
.LBB2_10:
0x143: {  	_ =	swait.ge [sflag:s31], $0x4000  }
0x144: {  	[sflag:s31] =	ssyncset.done $0x0  }
0x145: {  	[sflag:s31] =	ssyncadd.s32 $0xFFFFC000  }
0x146: {  	_ =	swait.ge [sflag:s31], $0x800  }
0x147: {  	[sflag:s31] =	ssyncset.done $0x0  }
0x148: {  	[sflag:s31] =	ssyncadd.s32 $0xFFFFF800  }
0x149: {  	_ =	swait.ge [sflag:s26], $0x4000  }
.Ltmp8:
0x14a: {  	[sflag:s26] =	ssyncset.done $0x0;
	(pc) =	sbr.rel @!p0 .LBB2_11-.Ltmp8, $4  }
0x14b: {  	[sflag:s26] =	ssyncadd.s32 $0xFFFFC000  }
0x14c: {  	_ =	swait.ge [sflag:s26], $0x800  }
0x14d: {  	[sflag:s26] =	ssyncset.done $0x0  }
0x14e: {  	s3 =	simm.s32 $0x0;
	[sflag:s26] =	ssyncadd.s32 $0xFFFFF800  }
0x14f: {  	s0 =	sld [smem:$0x7FD]  }
0x150: {  	s14 =	rddreg [dreg:$0x16]  }
0x151: {  	s4 =	sld [smem:$0x7F6]  }
0x152: {  	[tilespmem:s3], [sflag:$0x1] =	stream.linear.gather [hbm4b:s0+s3], $0x80, $0x38;
	[tilespmem:$0x1F090] =	vst v63  }
0x153: {  	s8 =	sld [smem:$0x7F5]  }
0x154: {  	[tilespmem:s13], [sflag:$0x2] =	stream.linear.gather [hbm4b:s14+s3], $0x80, $0x38;
	[tilespmem:$0x1F090] =	vst v63  }
.LBB2_15:
0x155: {  	_ =	swait.ge [sflag:s16], $0x80;
	p2 =	seq.s32 s3, $0x0  }
0x156: {  	[sflag:s16] =	ssyncset.done $0x0;
	s0 =	simm.s32 @p2 $0x80  }
0x157: {  	s10 =	simm.s32 @p2 $0x0;
	s11 =	simm.s32 @p2 $0x100;
	[sflag:s16] =	ssyncadd.s32 $0xFFFFFF80  }
0x158: {  	[tilespmem:s11], [sflag:$0x3] =	stream.indirect.gather @p2 [hbm4b:s17+s0], $0x80, s10, s0, $0xb8;
	[tilespmem:$0x1F090] =	vst v63  }
0x159: {  	s11 =	simm.s32 @p2 $0x8100  }
0x15a: {  	[tilespmem:s11], [sflag:$0x3] =	stream.indirect.gather @p2 [hbm4b:s24+s0], $0x10, s10, s0, $0xb8;
	[tilespmem:$0x1F090] =	vst v63  }
0x15b: {  	s0 =	simm.s32 @p2 $0x2  }
0x15c: {  	_ =	swait.ge @p2 [sflag:s0], $0x80  }
0x15d: {  	[sflag:s0] =	ssyncset.done @p2 $0x0  }
0x15e: {  	[sflag:s0] =	ssyncadd.s32 @p2 $0xFFFFFF80;
	s0 =	simm.s32 @!p2 $0x5  }
0x15f: {  	_ =	swait.ge @!p2 [sflag:s0], $0x4000  }
0x160: {  	[sflag:s0] =	ssyncset.done @!p2 $0x0  }
0x161: {  	[sflag:s0] =	ssyncadd.s32 @!p2 $0xFFFFC000  }
0x162: {  	_ =	swait.ge @!p2 [sflag:s0], $0x800  }
0x163: {  	s10 =	simm.s32 @!p2 $0x0;
	[sflag:s0] =	ssyncset.done @!p2 $0x0  }
0x164: {  	s11 =	simm.s32 @!p2 $0x100;
	[sflag:s0] =	ssyncadd.s32 @!p2 $0xFFFFF800;
	s0 =	simm.s32 @!p2 $0x80  }
0x165: {  	[tilespmem:s11], [sflag:$0x3] =	stream.indirect.gather @!p2 [hbm4b:s17+s0], $0x80, s10, s0, $0xb8;
	[tilespmem:$0x1F090] =	vst v63  }
0x166: {  	s11 =	simm.s32 @!p2 $0x8100  }
0x167: {  	[tilespmem:s11], [sflag:$0x3] =	stream.indirect.gather @!p2 [hbm4b:s24+s0], $0x10, s10, s0, $0xb8;
	[tilespmem:$0x1F090] =	vst v63  }
0x168: {  	s0 =	simm.s32 @!p2 $0x2  }
0x169: {  	_ =	swait.ge @!p2 [sflag:s0], $0x80  }
0x16a: {  	[sflag:s0] =	ssyncset.done @!p2 $0x0  }
0x16b: {  	[sflag:s0] =	ssyncadd.s32 @!p2 $0xFFFFFF80;
	s0 =	simm.s32 @!p2 $0x6  }
0x16c: {  	_ =	swait.ge @!p2 [sflag:s0], $0x4000  }
0x16d: {  	[sflag:s0] =	ssyncset.done @!p2 $0x0  }
0x16e: {  	[sflag:s0] =	ssyncadd.s32 @!p2 $0xFFFFC000  }
0x16f: {  	_ =	swait.ge @!p2 [sflag:s0], $0x800  }
0x170: {  	[sflag:s0] =	ssyncset.done @!p2 $0x0  }
0x171: {  	[sflag:s0] =	ssyncadd.s32 @!p2 $0xFFFFF800  }
0x172: {  	[tilespmem:s21], [sflag:$0x4] =	stream.indirect.gather [hbm4b:s17+s13], $0x80, s13, s13, $0xb8;
	[tilespmem:$0x1F090] =	vst v63  }
0x173: {  	_ = 	snop  }
0x174: {  	[tilespmem:s22], [sflag:$0x4] =	stream.indirect.gather [hbm4b:s24+s13], $0x10, s13, s13, $0xb8;
	[tilespmem:$0x1F090] =	vst v63  }
0x175: {  	_ =	swait.ge [sflag:s23], $0x4000  }
0x176: {  	[sflag:s23] =	ssyncset.done $0x0  }
0x177: {  	[sflag:s23] =	ssyncadd.s32 $0xFFFFC000  }
0x178: {  	_ =	swait.ge [sflag:s23], $0x800  }
0x179: {  	[sflag:s23] =	ssyncset.done $0x0  }
0x17a: {  	s12 =	sadd.s32 $0xFFFFF800, s4;
	p2 =	seq.s32 s3, $0x300;
	[sflag:s23] =	ssyncadd.s32 $0xFFFFF800  }
0x17b: {  	[hbm4b:s12+s15] =	stream.linear.scatter [tilespmem:s25], [sflag:$0x5], $0x4000, $0x38;
	[tilespmem:$0x1F090] =	vst v63  }
0x17c: {  	s14 =	sadd.s32 $0xFFFFFF00, s8;
	s0 =	sadd.s32 @!p2 s3, s6  }
0x17d: {  	[hbm4b:s14+s15] =	stream.linear.scatter [tilespmem:s28], [sflag:$0x5], $0x800, $0x38;
	[tilespmem:$0x1F090] =	vst v63  }
0x17e: {  	s10 =	simm.s32 @!p2 $0x0;
	s0 =	sadd.s32 @!p2 $0x9620, s0  }
0x17f: {  	[tilespmem:s10], [sflag:$0x1] =	stream.linear.gather @!p2 [hbm4b:s0+s10], $0x80, $0x38;
	[tilespmem:$0x1F090] =	vst v63  }
0x180: {  	_ =	swait.ge [sflag:s30], $0x4000  }
0x181: {  	[sflag:s30] =	ssyncset.done $0x0  }
0x182: {  	[sflag:s30] =	ssyncadd.s32 $0xFFFFC000  }
0x183: {  	_ =	swait.ge [sflag:s30], $0x800  }
.Ltmp9:
0x184: {  	[sflag:s30] =	ssyncset.done $0x0;
	(pc) =	sbr.rel @p2 .LBB2_17-.Ltmp9, $4  }
0x185: {  	[sflag:s30] =	ssyncadd.s32 $0xFFFFF800  }
0x186: {  	[hbm4b:s4+s15] =	stream.linear.scatter [tilespmem:s21], [sflag:$0x6], $0x4000, $0x38;
	[tilespmem:$0x1F090] =	vst v63  }
0x187: {  	_ = 	snop  }
0x188: {  	[hbm4b:s8+s15] =	stream.linear.scatter [tilespmem:s22], [sflag:$0x6], $0x800, $0x38;
	[tilespmem:$0x1F090] =	vst v63  }
.Ltmp10:
0x189: {  	(pc) =	sbr.rel .LBB2_15-.Ltmp10, $4  }
0x18a: {  	_ = 	snop  }
0x18b: {  	s0 =	sadd.s32 s3, s6;
	s3 =	sadd.s32 $0x20, s3  }
0x18c: {  	s8 =	sadd.s32 $0x200, s8;
	s4 =	sadd.s32 $0x1000, s4;
	s0 =	sadd.s32 $0x9630, s0  }
0x18d: {  	[tilespmem:s13], [sflag:$0x2] =	stream.linear.gather [hbm4b:s0+s15], $0x80, $0x38;
	[tilespmem:$0x1F090] =	vst v63  }
.LBB2_11:
0x18e: {  	[tilespmem:s3], [sflag:$0x1] =	stream.linear.gather [hbm4b:s5+s3], $0x80, $0x38;
	[tilespmem:$0x1F090] =	vst v63  }
0x18f: {  	s0 =	sld [smem:$0x7FC]  }
0x190: {  	s4 =	rddreg [dreg:$0x1f]  }
0x191: {  	s8 =	rddreg [dreg:$0x1e]  }
0x192: {  	[tilespmem:s13], [sflag:$0x2] =	stream.linear.gather [hbm4b:s0+s3], $0x80, $0x38;
	[tilespmem:$0x1F090] =	vst v63  }
.LBB2_12:
0x193: {  	_ =	swait.ge [sflag:s16], $0x80;
	p2 =	seq.s32 s3, $0x0  }
0x194: {  	[sflag:s16] =	ssyncset.done $0x0;
	s0 =	simm.s32 @p2 $0x80  }
0x195: {  	s10 =	simm.s32 @p2 $0x0;
	s11 =	simm.s32 @p2 $0x100;
	[sflag:s16] =	ssyncadd.s32 $0xFFFFFF80  }
0x196: {  	[tilespmem:s11], [sflag:$0x3] =	stream.indirect.gather @p2 [hbm4b:s17+s0], $0x80, s10, s0, $0xb8;
	[tilespmem:$0x1F090] =	vst v63  }
0x197: {  	s11 =	simm.s32 @p2 $0x8100  }
0x198: {  	[tilespmem:s11], [sflag:$0x3] =	stream.indirect.gather @p2 [hbm4b:s24+s0], $0x10, s10, s0, $0xb8;
	[tilespmem:$0x1F090] =	vst v63  }
0x199: {  	s0 =	simm.s32 @p2 $0x2  }
0x19a: {  	_ =	swait.ge @p2 [sflag:s0], $0x80  }
0x19b: {  	[sflag:s0] =	ssyncset.done @p2 $0x0  }
0x19c: {  	[sflag:s0] =	ssyncadd.s32 @p2 $0xFFFFFF80;
	s0 =	simm.s32 @!p2 $0x5  }
0x19d: {  	_ =	swait.ge @!p2 [sflag:s0], $0x4000  }
0x19e: {  	[sflag:s0] =	ssyncset.done @!p2 $0x0  }
0x19f: {  	[sflag:s0] =	ssyncadd.s32 @!p2 $0xFFFFC000  }
0x1a0: {  	_ =	swait.ge @!p2 [sflag:s0], $0x800  }
0x1a1: {  	s10 =	simm.s32 @!p2 $0x0;
	[sflag:s0] =	ssyncset.done @!p2 $0x0  }
0x1a2: {  	s11 =	simm.s32 @!p2 $0x100;
	[sflag:s0] =	ssyncadd.s32 @!p2 $0xFFFFF800;
	s0 =	simm.s32 @!p2 $0x80  }
0x1a3: {  	[tilespmem:s11], [sflag:$0x3] =	stream.indirect.gather @!p2 [hbm4b:s17+s0], $0x80, s10, s0, $0xb8;
	[tilespmem:$0x1F090] =	vst v63  }
0x1a4: {  	s11 =	simm.s32 @!p2 $0x8100  }
0x1a5: {  	[tilespmem:s11], [sflag:$0x3] =	stream.indirect.gather @!p2 [hbm4b:s24+s0], $0x10, s10, s0, $0xb8;
	[tilespmem:$0x1F090] =	vst v63  }
0x1a6: {  	s0 =	simm.s32 @!p2 $0x2  }
0x1a7: {  	_ =	swait.ge @!p2 [sflag:s0], $0x80  }
0x1a8: {  	[sflag:s0] =	ssyncset.done @!p2 $0x0  }
0x1a9: {  	[sflag:s0] =	ssyncadd.s32 @!p2 $0xFFFFFF80;
	s0 =	simm.s32 @!p2 $0x6  }
0x1aa: {  	_ =	swait.ge @!p2 [sflag:s0], $0x4000  }
0x1ab: {  	[sflag:s0] =	ssyncset.done @!p2 $0x0  }
0x1ac: {  	[sflag:s0] =	ssyncadd.s32 @!p2 $0xFFFFC000  }
0x1ad: {  	_ =	swait.ge @!p2 [sflag:s0], $0x800  }
0x1ae: {  	[sflag:s0] =	ssyncset.done @!p2 $0x0  }
0x1af: {  	[sflag:s0] =	ssyncadd.s32 @!p2 $0xFFFFF800  }
0x1b0: {  	[tilespmem:s21], [sflag:$0x4] =	stream.indirect.gather [hbm4b:s17+s13], $0x80, s13, s13, $0xb8;
	[tilespmem:$0x1F090] =	vst v63  }
0x1b1: {  	_ = 	snop  }
0x1b2: {  	[tilespmem:s22], [sflag:$0x4] =	stream.indirect.gather [hbm4b:s24+s13], $0x10, s13, s13, $0xb8;
	[tilespmem:$0x1F090] =	vst v63  }
0x1b3: {  	_ =	swait.ge [sflag:s23], $0x4000  }
0x1b4: {  	[sflag:s23] =	ssyncset.done $0x0  }
0x1b5: {  	[sflag:s23] =	ssyncadd.s32 $0xFFFFC000  }
0x1b6: {  	_ =	swait.ge [sflag:s23], $0x800  }
0x1b7: {  	[sflag:s23] =	ssyncset.done $0x0  }
0x1b8: {  	s12 =	sadd.s32 $0xFFFFF800, s4;
	p2 =	seq.s32 s3, $0x940;
	[sflag:s23] =	ssyncadd.s32 $0xFFFFF800  }
0x1b9: {  	[hbm4b:s12+s15] =	stream.linear.scatter [tilespmem:s25], [sflag:$0x5], $0x4000, $0x38;
	[tilespmem:$0x1F090] =	vst v63  }
0x1ba: {  	s14 =	sadd.s32 $0xFFFFFF00, s8;
	s0 =	sadd.s32 @!p2 s3, s5  }
0x1bb: {  	[hbm4b:s14+s15] =	stream.linear.scatter [tilespmem:s28], [sflag:$0x5], $0x800, $0x38;
	[tilespmem:$0x1F090] =	vst v63  }
0x1bc: {  	s10 =	simm.s32 @!p2 $0x0;
	s0 =	sadd.s32 @!p2 $0x20, s0  }
0x1bd: {  	[tilespmem:s10], [sflag:$0x1] =	stream.linear.gather @!p2 [hbm4b:s0+s10], $0x80, $0x38;
	[tilespmem:$0x1F090] =	vst v63  }
0x1be: {  	_ =	swait.ge [sflag:s30], $0x4000  }
0x1bf: {  	[sflag:s30] =	ssyncset.done $0x0  }
0x1c0: {  	[sflag:s30] =	ssyncadd.s32 $0xFFFFC000  }
0x1c1: {  	_ =	swait.ge [sflag:s30], $0x800  }
.Ltmp11:
0x1c2: {  	[sflag:s30] =	ssyncset.done $0x0;
	(pc) =	sbr.rel @p2 .LBB2_17-.Ltmp11, $4  }
0x1c3: {  	[sflag:s30] =	ssyncadd.s32 $0xFFFFF800  }
0x1c4: {  	[hbm4b:s4+s15] =	stream.linear.scatter [tilespmem:s21], [sflag:$0x6], $0x4000, $0x38;
	[tilespmem:$0x1F090] =	vst v63  }
0x1c5: {  	_ = 	snop  }
0x1c6: {  	[hbm4b:s8+s15] =	stream.linear.scatter [tilespmem:s22], [sflag:$0x6], $0x800, $0x38;
	[tilespmem:$0x1F090] =	vst v63  }
.Ltmp12:
0x1c7: {  	(pc) =	sbr.rel .LBB2_12-.Ltmp12, $4  }
0x1c8: {  	_ = 	snop  }
0x1c9: {  	s0 =	sadd.s32 s3, s5;
	s3 =	sadd.s32 $0x20, s3  }
0x1ca: {  	s8 =	sadd.s32 $0x200, s8;
	s4 =	sadd.s32 $0x1000, s4;
	s0 =	sadd.s32 $0x30, s0  }
0x1cb: {  	[tilespmem:s13], [sflag:$0x2] =	stream.linear.gather [hbm4b:s0+s15], $0x80, $0x38;
	[tilespmem:$0x1F090] =	vst v63  }
.LBB2_18:
0x1cc: {  	_ =	sfence.sel $0x180000  }
0x1cd: {  	[bflag:$0x0] =	sbarrier.arrive $0xFFFF  }
0x1ce: {  	_ =	strace $0x90000047  }
0x1cf: {  	s0 =	stileid.u32;
	[bflag:$0x2] =	sbarrier.arrive $0xFFFF  }
0x1d0: {  	p0 =	sne.s32 s0, $0x0;
	s0 =	rddreg [dreg:$0x6]  }
0x1d1: {  	s0 =	sadd.s32 @!p0 $0x100000, s0  }
0x1d2: {  	[sflag:s0] =	ssyncadd.tile.s32 @!p0 $0x1;
	_ =	shalt  }
.Lfunc_end2:
_tile_overlayer_lowered:
.L_overlay_start_2:
0x1d3: {  	(tag) =	ssettag $0x2  }
0x1d4: {  	s0 =	rddreg [dreg:$0x0];
	s2 =	stileid.u32  }
0x1d5: {  	s1 =	rddreg [dreg:$0x1];
	p0 =	sne.s32 s2, $0x0  }
0x1d6: {  	s3 =	rddreg [dreg:$0x2];
	[bflag:$0x3] =	sbarrier.arrive $0xFFFF;
	s2 =	simm.s32 @!p0 $0x1C07  }
0x1d7: {  	[timem:s3], [sflag:s2] =	dma.local @!p0 [hbm:s0], s1  }
0x1d8: {  	s0 =	simm.s32 @!p0 $0x7  }
0x1d9: {  	_ =	swait.ge @!p0 [sflag:s0], s1  }
0x1da: {  	s1 =	ssub.s32 @!p0 $0x0, s1;
	[sflag:s0] =	ssyncset.done @!p0 $0x0  }
0x1db: {  	[sflag:s0] =	ssyncadd.s32 @!p0 s1  }
0x1dc: {  	[bflag:$0x3] =	sbarrier.arrive $0xFFFF  }
0x1dd: {  	_ =	shalt  }

</sc_bundles>
